<compile_context>
chip_gen: v7x
topology: tpu7x:2x2x1
jax: 0.10.2.dev20260603
libtpu: 0.0.44.dev20260713+nightly
codegen_flags: <defaults>
</compile_context>

<pallas_src>
import functools

import jax
import jax.numpy as jnp
from jax import lax
from jax.experimental import pallas as pl
from jax.experimental.pallas import tpu as pltpu
from jax.experimental.pallas import tpu_sc as plsc

N = 10000
E = 320000
D = 128
D_OUT = 64

NC = 2
NS = 16

CH = 100
N_CHUNKS = E // CH
CPT = N_CHUNKS // NS
NB = 2
GROUPS = CPT // NB
RB = 3
SS = (CPT - 2) // 6


N_PAD = 10240
ROWS_PER_TILE = N_PAD // NS

BN = 1000
GRID = N // BN


def _seg_body(compute_cnt, x_hbm, src_hbm, dst_hbm, *rest):
  if compute_cnt:
    (out_agg, out_cnt, acc, cnt, zbuf, cbuf, ones, idx_sv, idx_dv) = rest[:9]
    rest = rest[9:]
  else:
    (out_agg, acc, zbuf, idx_sv, idx_dv) = rest[:5]
    rest = rest[5:]
  rows, rest = rest[:RB], rest[RB:]
  gsems, rest = rest[:RB], rest[RB:]
  ssems, rest = rest[:RB], rest[RB:]
  if compute_cnt:
    csems, rest = rest[:RB], rest[RB:]
  isems = rest[:2]

  cid = lax.axis_index("c")
  sid = lax.axis_index("s")

  def zloop(i, _):
    zbuf[i // 8, pl.ds((i % 8) * 16, 16)] = jnp.zeros((16,), jnp.float32)
    return 0
  lax.fori_loop(0, 32 * (D // 16), zloop, 0)
  base = sid * CPT
  pltpu.sync_copy(src_hbm.at[cid, pl.ds(base, NB)], idx_sv.at[0])
  pltpu.sync_copy(dst_hbm.at[cid, pl.ds(base, NB)], idx_dv.at[0])
  pltpu.async_copy(x_hbm.at[idx_sv.at[0, 0]], rows[0], gsems[0])
  pltpu.async_copy(x_hbm.at[idx_sv.at[0, 1]], rows[1], gsems[1])
  pltpu.sync_copy(src_hbm.at[cid, pl.ds(base + NB, NB)], idx_sv.at[1])
  pltpu.sync_copy(dst_hbm.at[cid, pl.ds(base + NB, NB)], idx_dv.at[1])

  row0 = sid * ROWS_PER_TILE
  NZ = ROWS_PER_TILE // 32
  for t in range(NZ):
    pltpu.async_copy(zbuf, acc.at[pl.ds(row0 + t * 32, 32)], ssems[0])
  if compute_cnt:
    def czloop(i, _):
      cbuf[pl.ds(i * 16, 16)] = jnp.zeros((16,), jnp.float32)
      return 0
    lax.fori_loop(0, ROWS_PER_TILE // 16, czloop, 0)
    pltpu.async_copy(cbuf, cnt.at[pl.ds(row0, ROWS_PER_TILE)], ssems[1])
    def oloop(i, _):
      ones[pl.ds(i * 16, 16)] = jnp.ones((16,), jnp.float32)
      return 0
    lax.fori_loop(0, 8, oloop, 0)
    pltpu.make_async_copy(cbuf, cnt.at[pl.ds(row0, ROWS_PER_TILE)],
                          ssems[1]).wait()
  for t in range(NZ):
    pltpu.make_async_copy(zbuf, acc.at[pl.ds(row0, 32)], ssems[0]).wait()

  plsc.subcore_barrier()

  def _wait_scatter(r):
    pltpu.make_async_copy(rows[r], acc.at[idx_dv.at[0, 0]], ssems[r]).wait()
    if compute_cnt:
      pltpu.make_async_copy(ones.at[pl.ds(0, CH)], cnt.at[idx_dv.at[0, 0]],
                            csems[r]).wait()

  def _chunk(p, b, r):
    pltpu.make_async_copy(x_hbm.at[idx_sv.at[p, b]], rows[r],
                          gsems[r]).wait()
    pltpu.async_copy(rows[r], acc.at[idx_dv.at[p, b]], ssems[r], add=True)
    if compute_cnt:
      pltpu.async_copy(ones.at[pl.ds(0, CH)], cnt.at[idx_dv.at[p, b]],
                       csems[r], add=True)

  def six(s, _):
    k0 = s * 6
    for kk in range(6):
      b = kk % 2
      p = kk // 2
      r = kk % 3
      rprev = (kk + 2) % 3
      _chunk(p, b, r)
      if kk == 0:
        @pl.when(s >= 1)
        def _():
          _wait_scatter(rprev)
      else:
        _wait_scatter(rprev)
      if b == 0:
        if kk == 0:
          @pl.when(s >= 1)
          def _():
            pltpu.make_async_copy(src_hbm.at[cid, pl.ds(base, NB)],
                                  idx_sv.at[(p + 1) % 3], isems[0]).wait()
            pltpu.make_async_copy(dst_hbm.at[cid, pl.ds(base, NB)],
                                  idx_dv.at[(p + 1) % 3], isems[1]).wait()
        else:
          pltpu.make_async_copy(src_hbm.at[cid, pl.ds(base, NB)],
                                idx_sv.at[(p + 1) % 3], isems[0]).wait()
          pltpu.make_async_copy(dst_hbm.at[cid, pl.ds(base, NB)],
                                idx_dv.at[(p + 1) % 3], isems[1]).wait()
        g = s * 3 + p
        def _prefetch(g=g, p=p):
          nxt = base + (g + 2) * NB
          pltpu.async_copy(src_hbm.at[cid, pl.ds(nxt, NB)],
                           idx_sv.at[(p + 2) % 3], isems[0])
          pltpu.async_copy(dst_hbm.at[cid, pl.ds(nxt, NB)],
                           idx_dv.at[(p + 2) % 3], isems[1])
        if kk == 4:
          @pl.when(s <= SS - 2)
          def _():
            _prefetch()
        else:
          _prefetch()
      pltpu.async_copy(x_hbm.at[idx_sv.at[(p + 1) % 3, b]], rows[rprev],
                       gsems[rprev])
    return 0
  lax.fori_loop(0, SS, six, 0)

  for k, r in ((CPT - 2, (CPT - 2) % 3), (CPT - 1, (CPT - 1) % 3)):
    b = k % 2
    pltpu.make_async_copy(x_hbm.at[idx_sv.at[0, b]], rows[r],
                          gsems[r]).wait()
    pltpu.async_copy(rows[r], acc.at[idx_dv.at[0, b]], ssems[r], add=True)
    if compute_cnt:
      pltpu.async_copy(ones.at[pl.ds(0, CH)], cnt.at[idx_dv.at[0, b]],
                       csems[r], add=True)
    _wait_scatter((k + 2) % 3)
  _wait_scatter((CPT - 1) % 3)

  plsc.subcore_barrier()

  pltpu.sync_copy(acc.at[pl.ds(row0, ROWS_PER_TILE)],
                  out_agg.at[cid, pl.ds(row0, ROWS_PER_TILE)])
  if compute_cnt:
    pltpu.sync_copy(cnt.at[pl.ds(row0, ROWS_PER_TILE)],
                    out_cnt.at[cid, pl.ds(row0, ROWS_PER_TILE)])


def _make_segsum(compute_cnt):
  mesh = plsc.VectorSubcoreMesh(core_axis_name="c", subcore_axis_name="s",
                                num_cores=NC, num_subcores=NS)
  out_type = [jax.ShapeDtypeStruct((NC, N_PAD, D), jnp.float32)]
  scratch = [pltpu.VMEM_SHARED((N_PAD, D), jnp.float32)]
  if compute_cnt:
    out_type.append(jax.ShapeDtypeStruct((NC, N_PAD), jnp.float32))
    scratch.append(pltpu.VMEM_SHARED((N_PAD,), jnp.float32))
  scratch.append(pltpu.VMEM((32, D), jnp.float32))
  if compute_cnt:
    scratch.append(pltpu.VMEM((ROWS_PER_TILE,), jnp.float32))
    scratch.append(pltpu.VMEM((128,), jnp.float32))
  scratch += [
      pltpu.VMEM((3, NB, CH), jnp.int32),
      pltpu.VMEM((3, NB, CH), jnp.int32),
  ]
  scratch += [pltpu.VMEM((CH, D), jnp.float32)] * RB
  scratch += [pltpu.SemaphoreType.DMA] * (RB * (3 if compute_cnt else 2) + 2)
  return pl.kernel(
      functools.partial(_seg_body, compute_cnt),
      out_type=tuple(out_type),
      mesh=mesh,
      scratch_types=tuple(scratch),
  )


_segsum_cnt = _make_segsum(True)
_segsum = _make_segsum(False)


def _tc_body(last, agg_ref, cnts_ref, cntc_ref, x_ref,
             wls_ref, wlc_ref, wrs_ref, wrc_ref, bs_ref, bc_ref,
             *rest):
  if last:
    wout_ref, bout_ref, out_ref = rest
  else:
    (out_ref,) = rest
  cs = cnts_ref[0, 0]
  cc = cntc_ref[0, 0]
  means = agg_ref[0] * (1.0 / jnp.maximum(cs, 1.0))[:, None]
  meanc = agg_ref[1] * (1.0 / jnp.maximum(cc, 1.0))[:, None]
  x = x_ref[...]
  h = (jnp.dot(means, wls_ref[...], preferred_element_type=jnp.float32)
       + jnp.dot(meanc, wlc_ref[...], preferred_element_type=jnp.float32)
       + jnp.dot(x, wrs_ref[...] + wrc_ref[...],
                 preferred_element_type=jnp.float32)
       + bs_ref[...] + bc_ref[...])
  h = jnp.maximum(h, 0.0)
  if last:
    out_ref[...] = (jnp.dot(h, wout_ref[...], preferred_element_type=jnp.float32)
                    + bout_ref[...])
  else:
    out_ref[...] = h


def _make_tc(last):
  agg_spec = pl.BlockSpec((NC, BN, D), lambda i: (0, i, 0))
  cnt_spec = pl.BlockSpec((1, 1, BN), lambda i: (i, 0, 0))
  x_spec = pl.BlockSpec((BN, D), lambda i: (i, 0))
  w_spec = pl.BlockSpec((D, D), lambda i: (0, 0))
  b_spec = pl.BlockSpec((1, D), lambda i: (0, 0))
  in_specs = [agg_spec, cnt_spec, cnt_spec, x_spec,
              w_spec, w_spec, w_spec, w_spec, b_spec, b_spec]
  if last:
    in_specs += [pl.BlockSpec((D, D_OUT), lambda i: (0, 0)),
                 pl.BlockSpec((1, D_OUT), lambda i: (0, 0))]
    out_spec = pl.BlockSpec((BN, D_OUT), lambda i: (i, 0))
    out_shape = jax.ShapeDtypeStruct((N, D_OUT), jnp.float32)
  else:
    out_spec = pl.BlockSpec((BN, D), lambda i: (i, 0))
    out_shape = jax.ShapeDtypeStruct((N, D), jnp.float32)
  return pl.pallas_call(
      functools.partial(_tc_body, last),
      grid=(GRID,),
      in_specs=in_specs,
      out_specs=out_spec,
      out_shape=out_shape,
  )


_tc_layer = _make_tc(False)
_tc_last = _make_tc(True)


def kernel(x, edge_index_supplies, edge_index_competes,
           Wl0_s, bl0_s, Wr0_s, Wl0_c, bl0_c, Wr0_c,
           Wl1_s, bl1_s, Wr1_s, Wl1_c, bl1_c, Wr1_c,
           W_out, b_out):
  src_all = jnp.stack([edge_index_supplies[0].reshape(N_CHUNKS, CH),
                       edge_index_competes[0].reshape(N_CHUNKS, CH)])
  dst_all = jnp.stack([edge_index_supplies[1].reshape(N_CHUNKS, CH),
                       edge_index_competes[1].reshape(N_CHUNKS, CH)])

  agg0, cnt_all = _segsum_cnt(x, src_all, dst_all)
  cnt_s_r = cnt_all[0, :N].reshape(GRID, 1, BN)
  cnt_c_r = cnt_all[1, :N].reshape(GRID, 1, BN)

  bl0_s2 = bl0_s.reshape(1, D)
  bl0_c2 = bl0_c.reshape(1, D)
  bl1_s2 = bl1_s.reshape(1, D)
  bl1_c2 = bl1_c.reshape(1, D)
  b_out2 = b_out.reshape(1, D_OUT)

  h = _tc_layer(agg0, cnt_s_r, cnt_c_r, x,
                Wl0_s, Wl0_c, Wr0_s, Wr0_c, bl0_s2, bl0_c2)

  (agg1,) = _segsum(h, src_all, dst_all)

  out = _tc_last(agg1, cnt_s_r, cnt_c_r, h,
                 Wl1_s, Wl1_c, Wr1_s, Wr1_c, bl1_s2, bl1_c2,
                 W_out, b_out2)
  return out

# --- scband reference (transcript-rebuilt; emitter-appended) ---
"""Pipeline reference for scband-supply-graph-model-41549513621816 (READ-ONLY COPY).

The authoritative reference and input builder live on the scoring server;
editing this copy changes nothing except your own understanding.
"""

import jax, jax.numpy as jnp
import numpy as np

N = 10000
E = 320000
D_IN = 128
D_H = 128
D_OUT = 64


def _sage(x, ei, Wl, bl, Wr):
    # PyG SAGEConv: lin_l(mean_j x_j) + lin_r(x_i); lin_l has bias, lin_r does not
    src = ei[0]
    dst = ei[1]
    agg = jnp.zeros((x.shape[0], x.shape[1]), x.dtype).at[dst].add(x[src])
    cnt = jnp.zeros((x.shape[0],), x.dtype).at[dst].add(jnp.ones((ei.shape[1],), x.dtype))
    mean = agg / jnp.maximum(cnt, 1.0)[:, None]
    return mean @ Wl + bl + x @ Wr


def setup_inputs(seed: int = 0):
    key = jax.random.key(seed)
    ks = jax.random.split(key, 20)
    inp = {}
    inp['x'] = jax.random.normal(ks[0], (N, D_IN), dtype=jnp.float32)
    inp['edge_index_supplies'] = jax.random.randint(ks[1], (2, E), 0, N, dtype=jnp.int32)
    inp['edge_index_competes'] = jax.random.randint(ks[2], (2, E), 0, N, dtype=jnp.int32)
    # layer 0 weights (per relation)
    inp['Wl0_s'] = jax.random.normal(ks[3], (D_IN, D_H), dtype=jnp.float32) * 0.05
    inp['bl0_s'] = jnp.zeros((D_H,), dtype=jnp.float32)
    inp['Wr0_s'] = jax.random.normal(ks[4], (D_IN, D_H), dtype=jnp.float32) * 0.05
    inp['Wl0_c'] = jax.random.normal(ks[5], (D_IN, D_H), dtype=jnp.float32) * 0.05
    inp['bl0_c'] = jnp.zeros((D_H,), dtype=jnp.float32)
    inp['Wr0_c'] = jax.random.normal(ks[6], (D_IN, D_H), dtype=jnp.float32) * 0.05
    # layer 1 weights (per relation)
    inp['Wl1_s'] = jax.random.normal(ks[7], (D_H, D_H), dtype=jnp.float32) * 0.05
    inp['bl1_s'] = jnp.zeros((D_H,), dtype=jnp.float32)
    inp['Wr1_s'] = jax.random.normal(ks[8], (D_H, D_H), dtype=jnp.float32) * 0.05
    inp['Wl1_c'] = jax.random.normal(ks[9], (D_H, D_H), dtype=jnp.float32) * 0.05
    inp['bl1_c'] = jnp.zeros((D_H,), dtype=jnp.float32)
    inp['Wr1_c'] = jax.random.normal(ks[10], (D_H, D_H), dtype=jnp.float32) * 0.05
    # output projection
    inp['W_out'] = jax.random.normal(ks[11], (D_H, D_OUT), dtype=jnp.float32) * 0.05
    inp['b_out'] = jnp.zeros((D_OUT,), dtype=jnp.float32)
    return inp


def reference(x, edge_index_supplies, edge_index_competes,
              Wl0_s, bl0_s, Wr0_s, Wl0_c, bl0_c, Wr0_c,
              Wl1_s, bl1_s, Wr1_s, Wl1_c, bl1_c, Wr1_c,
              W_out, b_out):
    # HeteroConv with aggr='sum': sum per-relation conv outputs, then ReLU
    h = _sage(x, edge_index_supplies, Wl0_s, bl0_s, Wr0_s) + _sage(x, edge_index_competes, Wl0_c, bl0_c, Wr0_c)
    h = jax.nn.relu(h)
    h = _sage(h, edge_index_supplies, Wl1_s, bl1_s, Wr1_s) + _sage(h, edge_index_competes, Wl1_c, bl1_c, Wr1_c)
    h = jax.nn.relu(h)
    return h @ W_out + b_out

if __name__ == "__main__":
    import jax
    _d = setup_inputs()
    print(jax.jit(kernel)(*tuple(_d.values())))

</pallas_src>

<mosaic_0001>
#map = affine_map<(d0, d1) -> (0, 0)>
#map1 = affine_map<(d0, d1) -> (0, 0, 0)>
module attributes {stable_mosaic.version = 14 : i64} {
  func.func @_seg_body(%arg0: i32, %arg1: i32, %arg2: memref<10000x128xf32, #tpu.memory_space<hbm>>, %arg3: memref<2x3200x100xi32, #tpu.memory_space<hbm>>, %arg4: memref<2x3200x100xi32, #tpu.memory_space<hbm>>, %arg5: memref<2x10240x128xf32, #tpu.memory_space<hbm>>, %arg6: memref<10240x128xf32, #tpu.memory_space<vmem_shared>>, %arg7: memref<32x128xf32, #tpu.memory_space<vmem>>, %arg8: memref<3x2x100xi32, #tpu.memory_space<vmem>>, %arg9: memref<3x2x100xi32, #tpu.memory_space<vmem>>, %arg10: memref<100x128xf32, #tpu.memory_space<vmem>>, %arg11: memref<100x128xf32, #tpu.memory_space<vmem>>, %arg12: memref<100x128xf32, #tpu.memory_space<vmem>>, %arg13: memref<!tpu.dma_semaphore, #tpu.memory_space<semaphore_mem>>, %arg14: memref<!tpu.dma_semaphore, #tpu.memory_space<semaphore_mem>>, %arg15: memref<!tpu.dma_semaphore, #tpu.memory_space<semaphore_mem>>, %arg16: memref<!tpu.dma_semaphore, #tpu.memory_space<semaphore_mem>>, %arg17: memref<!tpu.dma_semaphore, #tpu.memory_space<semaphore_mem>>, %arg18: memref<!tpu.dma_semaphore, #tpu.memory_space<semaphore_mem>>, %arg19: memref<!tpu.dma_semaphore, #tpu.memory_space<semaphore_mem>>, %arg20: memref<!tpu.dma_semaphore, #tpu.memory_space<semaphore_mem>>) attributes {dimension_semantics = [#tpu.dimension_semantics<core_parallel>, #tpu.dimension_semantics<subcore_parallel>], iteration_bounds = array<i64: 2, 16>, scalar_prefetch = 0 : i64, scratch_operands = 15 : i64, tpu.core_type = #tpu.core_type<sc_vector_subcore>, window_params = [{transform_indices = #map}, {transform_indices = #map1}, {transform_indices = #map1}, {transform_indices = #map1}]} {
    %scan3A = arith.constant 0 : i32
    %scan3A_0 = arith.constant 0 : i32
    %scan3A_1 = arith.constant 256 : i32
    %scan3A_2 = arith.addi %scan3A_0, %scan3A_1 : i32
    %scan3A_3 = arith.constant 1 : i32
    %scan3A_4 = scf.for %scan3A_293 = %scan3A_0 to %scan3A_2 step %scan3A_3 iter_args(%scan3A_294 = %scan3A) -> (i32)  : i32 {
      %broadcast_in_dim3A = arith.constant 0.000000e+00 : f32
      %broadcast_in_dim3A_295 = vector.broadcast %broadcast_in_dim3A : f32 to vector<16xf32>
      %jit3A = arith.constant 8 : i32
      %div3A = arith.divsi %scan3A_293, %jit3A : i32
      %sign3A = arith.constant 0 : i32
      %sign3A_296 = arith.cmpi sgt, %scan3A_293, %sign3A : i32
      %sign3A_297 = arith.extui %sign3A_296 : i1 to i32
      %sign3A_298 = arith.constant 0 : i32
      %sign3A_299 = arith.cmpi slt, %scan3A_293, %sign3A_298 : i32
      %sign3A_300 = arith.extui %sign3A_299 : i1 to i32
      %sign3A_301 = arith.subi %sign3A_297, %sign3A_300 : i32
      %sign3A_302 = arith.constant 0 : i32
      %sign3A_303 = arith.cmpi sgt, %jit3A, %sign3A_302 : i32
      %sign3A_304 = arith.extui %sign3A_303 : i1 to i32
      %sign3A_305 = arith.constant 0 : i32
      %sign3A_306 = arith.cmpi slt, %jit3A, %sign3A_305 : i32
      %sign3A_307 = arith.extui %sign3A_306 : i1 to i32
      %sign3A_308 = arith.subi %sign3A_304, %sign3A_307 : i32
      %ne3A = arith.cmpi ne, %sign3A_301, %sign3A_308 : i32
      %rem3A = arith.remsi %scan3A_293, %jit3A : i32
      %ne3A_309 = arith.constant 0 : i32
      %ne3A_310 = arith.cmpi ne, %rem3A, %ne3A_309 : i32
      %and3A = arith.andi %ne3A, %ne3A_310 : i1
      %sub3A = arith.constant 1 : i32
      %sub3A_311 = arith.subi %div3A, %sub3A : i32
      %select_n3A = arith.select %and3A, %sub3A_311, %div3A : i32
      %jit3A_312 = arith.constant 8 : i32
      %eq3A = arith.constant 0 : i32
      %eq3A_313 = arith.cmpi eq, %jit3A_312, %eq3A : i32
      %jit3A_314 = arith.constant 1 : i32
      %select_n3A_315 = arith.select %eq3A_313, %jit3A_314, %jit3A_312 : i32
      %rem3A_316 = arith.remsi %scan3A_293, %select_n3A_315 : i32
      %ne3A_317 = arith.constant 0 : i32
      %ne3A_318 = arith.cmpi ne, %rem3A_316, %ne3A_317 : i32
      %lt3A = arith.constant 0 : i32
      %lt3A_319 = arith.cmpi slt, %rem3A_316, %lt3A : i32
      %lt3A_320 = arith.constant 0 : i32
      %lt3A_321 = arith.cmpi slt, %select_n3A_315, %lt3A_320 : i32
      %ne3A_322 = arith.xori %lt3A_319, %lt3A_321 : i1
      %and3A_323 = arith.andi %ne3A_322, %ne3A_318 : i1
      %add3A_324 = arith.addi %rem3A_316, %select_n3A_315 : i32
      %select_n3A_325 = arith.select %and3A_323, %add3A_324, %rem3A_316 : i32
      %mul3A_326 = arith.constant 16 : i32
      %mul3A_327 = arith.muli %select_n3A_325, %mul3A_326 : i32
      %swap3A = arith.index_cast %select_n3A : i32 to index
      %swap3A_328 = arith.index_cast %mul3A_327 : i32 to index
      %swap3A_329 = tpu.vector_load %arg7[%swap3A, %swap3A_328] {strides = array<i32>} : memref<32x128xf32, #tpu.memory_space<vmem>>, vector<1x16xf32>,
      %swap3A_330 = vector.shape_cast %swap3A_329 : vector<1x16xf32> to vector<16xf32>
      %swap3A_331 = vector.shape_cast %broadcast_in_dim3A_295 : vector<16xf32> to vector<1x16xf32>
      tpu.vector_store %arg7[%swap3A, %swap3A_328], %swap3A_331 {strides = array<i32>} : memref<32x128xf32, #tpu.memory_space<vmem>>, vector<1x16xf32>,
      %scan3A_332 = arith.constant 0 : i32
      scf.yield %scan3A_332 : i32
    }
    %scan3A_5 = arith.constant 256 : i32
    %mul3A = arith.constant 200 : i32
    %mul3A_6 = arith.muli %arg1, %mul3A : i32
    %run_scoped3A = arith.constant 0 : i32
    "tpu.region"() ({
      %run_scoped3A_293 = tpu.sem_alloc : memref<!tpu.dma_semaphore, #tpu.memory_space<semaphore_mem>>
      %dma_start3A_294 = arith.constant 0 : i32
      %dma_start3A_295 = arith.constant 0 : i32
      %dma_start3A_296 = tpu.memref_slice %arg8[%run_scoped3A, %dma_start3A_294, %dma_start3A_295] : memref<3x2x100xi32, #tpu.memory_space<vmem>> -> memref<1x2x100xi32, #tpu.memory_space<vmem>>
      %dma_start3A_297 = tpu.memref_squeeze %dma_start3A_296 : memref<1x2x100xi32, #tpu.memory_space<vmem>> -> memref<2x100xi32, #tpu.memory_space<vmem>>
      %dma_start3A_298 = arith.constant 0 : i32
      %dma_start3A_299 = tpu.memref_slice %arg3[%arg0, %mul3A_6, %dma_start3A_298] : memref<2x3200x100xi32, #tpu.memory_space<hbm>> -> memref<1x2x100xi32, #tpu.memory_space<hbm>>
      %dma_start3A_300 = tpu.memref_squeeze %dma_start3A_299 : memref<1x2x100xi32, #tpu.memory_space<hbm>> -> memref<2x100xi32, #tpu.memory_space<hbm>>
      %dma_start3A_301 = arith.constant 0 : i32
      %dma_start3A_302 = arith.constant 0 : i32
      %dma_start3A_303 = tpu.memref_slice %arg8[%run_scoped3A, %dma_start3A_301, %dma_start3A_302] : memref<3x2x100xi32, #tpu.memory_space<vmem>> -> memref<1x2x100xi32, #tpu.memory_space<vmem>>
      %dma_start3A_304 = tpu.memref_squeeze %dma_start3A_303 : memref<1x2x100xi32, #tpu.memory_space<vmem>> -> memref<2x100xi32, #tpu.memory_space<vmem>>
      %dma_start3A_305 = arith.constant 0 : i32
      %dma_start3A_306 = tpu.memref_slice %arg3[%arg0, %mul3A_6, %dma_start3A_305] : memref<2x3200x100xi32, #tpu.memory_space<hbm>> -> memref<1x2x100xi32, #tpu.memory_space<hbm>>
      %dma_start3A_307 = tpu.memref_squeeze %dma_start3A_306 : memref<1x2x100xi32, #tpu.memory_space<hbm>> -> memref<2x100xi32, #tpu.memory_space<hbm>>
      tpu.enqueue_dma source(%dma_start3A_307 : memref<2x100xi32, #tpu.memory_space<hbm>>) target(%dma_start3A_304 : memref<2x100xi32, #tpu.memory_space<vmem>>) target_semaphore(%run_scoped3A_293 : memref<!tpu.dma_semaphore, #tpu.memory_space<semaphore_mem>>)
      %dma_wait3A_308 = arith.constant 0 : i32
      %dma_wait3A_309 = arith.constant 0 : i32
      %dma_wait3A_310 = tpu.memref_slice %arg8[%run_scoped3A, %dma_wait3A_308, %dma_wait3A_309] : memref<3x2x100xi32, #tpu.memory_space<vmem>> -> memref<1x2x100xi32, #tpu.memory_space<vmem>>
      %dma_wait3A_311 = tpu.memref_squeeze %dma_wait3A_310 : memref<1x2x100xi32, #tpu.memory_space<vmem>> -> memref<2x100xi32, #tpu.memory_space<vmem>>
      %dma_wait3A_312 = arith.constant 0 : i32
      %dma_wait3A_313 = tpu.memref_slice %arg3[%arg0, %mul3A_6, %dma_wait3A_312] : memref<2x3200x100xi32, #tpu.memory_space<hbm>> -> memref<1x2x100xi32, #tpu.memory_space<hbm>>
      %dma_wait3A_314 = tpu.memref_squeeze %dma_wait3A_313 : memref<1x2x100xi32, #tpu.memory_space<hbm>> -> memref<2x100xi32, #tpu.memory_space<hbm>>
      %dma_wait3A_315 = arith.constant 0 : i32
      %dma_wait3A_316 = arith.constant 0 : i32
      %dma_wait3A_317 = tpu.memref_slice %arg8[%run_scoped3A, %dma_wait3A_315, %dma_wait3A_316] : memref<3x2x100xi32, #tpu.memory_space<vmem>> -> memref<1x2x100xi32, #tpu.memory_space<vmem>>
      %dma_wait3A_318 = tpu.memref_squeeze %dma_wait3A_317 : memref<1x2x100xi32, #tpu.memory_space<vmem>> -> memref<2x100xi32, #tpu.memory_space<vmem>>
      %dma_wait3A_319 = arith.constant 0 : i32
      %dma_wait3A_320 = tpu.memref_slice %arg3[%arg0, %mul3A_6, %dma_wait3A_319] : memref<2x3200x100xi32, #tpu.memory_space<hbm>> -> memref<1x2x100xi32, #tpu.memory_space<hbm>>
      %dma_wait3A_321 = tpu.memref_squeeze %dma_wait3A_320 : memref<1x2x100xi32, #tpu.memory_space<hbm>> -> memref<2x100xi32, #tpu.memory_space<hbm>>
      tpu.wait_dma2 semaphore(%run_scoped3A_293 : memref<!tpu.dma_semaphore, #tpu.memory_space<semaphore_mem>>) src(%dma_wait3A_321 : memref<2x100xi32, #tpu.memory_space<hbm>>) dst(%dma_wait3A_318 : memref<2x100xi32, #tpu.memory_space<vmem>>)
      tpu.yield
    }) : () -> ()
    %run_scoped3A_7 = arith.constant 0 : i32
    "tpu.region"() ({
      %run_scoped3A_293 = tpu.sem_alloc : memref<!tpu.dma_semaphore, #tpu.memory_space<semaphore_mem>>
      %dma_start3A_294 = arith.constant 0 : i32
      %dma_start3A_295 = arith.constant 0 : i32
      %dma_start3A_296 = tpu.memref_slice %arg9[%run_scoped3A_7, %dma_start3A_294, %dma_start3A_295] : memref<3x2x100xi32, #tpu.memory_space<vmem>> -> memref<1x2x100xi32, #tpu.memory_space<vmem>>
      %dma_start3A_297 = tpu.memref_squeeze %dma_start3A_296 : memref<1x2x100xi32, #tpu.memory_space<vmem>> -> memref<2x100xi32, #tpu.memory_space<vmem>>
      %dma_start3A_298 = arith.constant 0 : i32
      %dma_start3A_299 = tpu.memref_slice %arg4[%arg0, %mul3A_6, %dma_start3A_298] : memref<2x3200x100xi32, #tpu.memory_space<hbm>> -> memref<1x2x100xi32, #tpu.memory_space<hbm>>
      %dma_start3A_300 = tpu.memref_squeeze %dma_start3A_299 : memref<1x2x100xi32, #tpu.memory_space<hbm>> -> memref<2x100xi32, #tpu.memory_space<hbm>>
      %dma_start3A_301 = arith.constant 0 : i32
      %dma_start3A_302 = arith.constant 0 : i32
      %dma_start3A_303 = tpu.memref_slice %arg9[%run_scoped3A_7, %dma_start3A_301, %dma_start3A_302] : memref<3x2x100xi32, #tpu.memory_space<vmem>> -> memref<1x2x100xi32, #tpu.memory_space<vmem>>
      %dma_start3A_304 = tpu.memref_squeeze %dma_start3A_303 : memref<1x2x100xi32, #tpu.memory_space<vmem>> -> memref<2x100xi32, #tpu.memory_space<vmem>>
      %dma_start3A_305 = arith.constant 0 : i32
      %dma_start3A_306 = tpu.memref_slice %arg4[%arg0, %mul3A_6, %dma_start3A_305] : memref<2x3200x100xi32, #tpu.memory_space<hbm>> -> memref<1x2x100xi32, #tpu.memory_space<hbm>>
      %dma_start3A_307 = tpu.memref_squeeze %dma_start3A_306 : memref<1x2x100xi32, #tpu.memory_space<hbm>> -> memref<2x100xi32, #tpu.memory_space<hbm>>
      tpu.enqueue_dma source(%dma_start3A_307 : memref<2x100xi32, #tpu.memory_space<hbm>>) target(%dma_start3A_304 : memref<2x100xi32, #tpu.memory_space<vmem>>) target_semaphore(%run_scoped3A_293 : memref<!tpu.dma_semaphore, #tpu.memory_space<semaphore_mem>>)
      %dma_wait3A_308 = arith.constant 0 : i32
      %dma_wait3A_309 = arith.constant 0 : i32
      %dma_wait3A_310 = tpu.memref_slice %arg9[%run_scoped3A_7, %dma_wait3A_308, %dma_wait3A_309] : memref<3x2x100xi32, #tpu.memory_space<vmem>> -> memref<1x2x100xi32, #tpu.memory_space<vmem>>
      %dma_wait3A_311 = tpu.memref_squeeze %dma_wait3A_310 : memref<1x2x100xi32, #tpu.memory_space<vmem>> -> memref<2x100xi32, #tpu.memory_space<vmem>>
      %dma_wait3A_312 = arith.constant 0 : i32
      %dma_wait3A_313 = tpu.memref_slice %arg4[%arg0, %mul3A_6, %dma_wait3A_312] : memref<2x3200x100xi32, #tpu.memory_space<hbm>> -> memref<1x2x100xi32, #tpu.memory_space<hbm>>
      %dma_wait3A_314 = tpu.memref_squeeze %dma_wait3A_313 : memref<1x2x100xi32, #tpu.memory_space<hbm>> -> memref<2x100xi32, #tpu.memory_space<hbm>>
      %dma_wait3A_315 = arith.constant 0 : i32
      %dma_wait3A_316 = arith.constant 0 : i32
      %dma_wait3A_317 = tpu.memref_slice %arg9[%run_scoped3A_7, %dma_wait3A_315, %dma_wait3A_316] : memref<3x2x100xi32, #tpu.memory_space<vmem>> -> memref<1x2x100xi32, #tpu.memory_space<vmem>>
      %dma_wait3A_318 = tpu.memref_squeeze %dma_wait3A_317 : memref<1x2x100xi32, #tpu.memory_space<vmem>> -> memref<2x100xi32, #tpu.memory_space<vmem>>
      %dma_wait3A_319 = arith.constant 0 : i32
      %dma_wait3A_320 = tpu.memref_slice %arg4[%arg0, %mul3A_6, %dma_wait3A_319] : memref<2x3200x100xi32, #tpu.memory_space<hbm>> -> memref<1x2x100xi32, #tpu.memory_space<hbm>>
      %dma_wait3A_321 = tpu.memref_squeeze %dma_wait3A_320 : memref<1x2x100xi32, #tpu.memory_space<hbm>> -> memref<2x100xi32, #tpu.memory_space<hbm>>
      tpu.wait_dma2 semaphore(%run_scoped3A_293 : memref<!tpu.dma_semaphore, #tpu.memory_space<semaphore_mem>>) src(%dma_wait3A_321 : memref<2x100xi32, #tpu.memory_space<hbm>>) dst(%dma_wait3A_318 : memref<2x100xi32, #tpu.memory_space<vmem>>)
      tpu.yield
    }) : () -> ()
    %dma_start3A = arith.constant 0 : i32
    %dma_start3A_8 = arith.constant 0 : i32
    %dma_start3A_9 = arith.constant 0 : i32
    %dma_start3A_10 = tpu.memref_slice %arg8[%dma_start3A, %dma_start3A_8, %dma_start3A_9] : memref<3x2x100xi32, #tpu.memory_space<vmem>> -> memref<1x1x100xi32, #tpu.memory_space<vmem>>
    %dma_start3A_11 = tpu.memref_squeeze %dma_start3A_10 : memref<1x1x100xi32, #tpu.memory_space<vmem>> -> memref<100xi32, #tpu.memory_space<vmem>>
    %dma_start3A_12 = arith.constant 0 : i32
    %dma_start3A_13 = arith.constant 0 : i32
    %dma_start3A_14 = tpu.memref_slice %arg2[%dma_start3A_12, %dma_start3A_13] : memref<10000x128xf32, #tpu.memory_space<hbm>> -> memref<10000x128xf32, #tpu.memory_space<hbm>>
    tpu.enqueue_indirect_dma source(%dma_start3A_14 : memref<10000x128xf32, #tpu.memory_space<hbm>>) target(%arg10 : memref<100x128xf32, #tpu.memory_space<vmem>>) offsets(%dma_start3A_11 : memref<100xi32, #tpu.memory_space<vmem>>) semaphore(%arg13 : memref<!tpu.dma_semaphore, #tpu.memory_space<semaphore_mem>>)
    %dma_start3A_15 = arith.constant 0 : i32
    %dma_start3A_16 = arith.constant 1 : i32
    %dma_start3A_17 = arith.constant 0 : i32
    %dma_start3A_18 = tpu.memref_slice %arg8[%dma_start3A_15, %dma_start3A_16, %dma_start3A_17] : memref<3x2x100xi32, #tpu.memory_space<vmem>> -> memref<1x1x100xi32, #tpu.memory_space<vmem>>
    %dma_start3A_19 = tpu.memref_squeeze %dma_start3A_18 : memref<1x1x100xi32, #tpu.memory_space<vmem>> -> memref<100xi32, #tpu.memory_space<vmem>>
    %dma_start3A_20 = arith.constant 0 : i32
    %dma_start3A_21 = arith.constant 0 : i32
    %dma_start3A_22 = tpu.memref_slice %arg2[%dma_start3A_20, %dma_start3A_21] : memref<10000x128xf32, #tpu.memory_space<hbm>> -> memref<10000x128xf32, #tpu.memory_space<hbm>>
    tpu.enqueue_indirect_dma source(%dma_start3A_22 : memref<10000x128xf32, #tpu.memory_space<hbm>>) target(%arg11 : memref<100x128xf32, #tpu.memory_space<vmem>>) offsets(%dma_start3A_19 : memref<100xi32, #tpu.memory_space<vmem>>) semaphore(%arg14 : memref<!tpu.dma_semaphore, #tpu.memory_space<semaphore_mem>>)
    %add3A = arith.constant 2 : i32
    %add3A_23 = arith.addi %mul3A_6, %add3A : i32
    %run_scoped3A_24 = arith.constant 1 : i32
    "tpu.region"() ({
      %run_scoped3A_293 = tpu.sem_alloc : memref<!tpu.dma_semaphore, #tpu.memory_space<semaphore_mem>>
      %dma_start3A_294 = arith.constant 0 : i32
      %dma_start3A_295 = arith.constant 0 : i32
      %dma_start3A_296 = tpu.memref_slice %arg8[%run_scoped3A_24, %dma_start3A_294, %dma_start3A_295] : memref<3x2x100xi32, #tpu.memory_space<vmem>> -> memref<1x2x100xi32, #tpu.memory_space<vmem>>
      %dma_start3A_297 = tpu.memref_squeeze %dma_start3A_296 : memref<1x2x100xi32, #tpu.memory_space<vmem>> -> memref<2x100xi32, #tpu.memory_space<vmem>>
      %dma_start3A_298 = arith.constant 0 : i32
      %dma_start3A_299 = tpu.memref_slice %arg3[%arg0, %add3A_23, %dma_start3A_298] : memref<2x3200x100xi32, #tpu.memory_space<hbm>> -> memref<1x2x100xi32, #tpu.memory_space<hbm>>
      %dma_start3A_300 = tpu.memref_squeeze %dma_start3A_299 : memref<1x2x100xi32, #tpu.memory_space<hbm>> -> memref<2x100xi32, #tpu.memory_space<hbm>>
      %dma_start3A_301 = arith.constant 0 : i32
      %dma_start3A_302 = arith.constant 0 : i32
      %dma_start3A_303 = tpu.memref_slice %arg8[%run_scoped3A_24, %dma_start3A_301, %dma_start3A_302] : memref<3x2x100xi32, #tpu.memory_space<vmem>> -> memref<1x2x100xi32, #tpu.memory_space<vmem>>
      %dma_start3A_304 = tpu.memref_squeeze %dma_start3A_303 : memref<1x2x100xi32, #tpu.memory_space<vmem>> -> memref<2x100xi32, #tpu.memory_space<vmem>>
      %dma_start3A_305 = arith.constant 0 : i32
      %dma_start3A_306 = tpu.memref_slice %arg3[%arg0, %add3A_23, %dma_start3A_305] : memref<2x3200x100xi32, #tpu.memory_space<hbm>> -> memref<1x2x100xi32, #tpu.memory_space<hbm>>
      %dma_start3A_307 = tpu.memref_squeeze %dma_start3A_306 : memref<1x2x100xi32, #tpu.memory_space<hbm>> -> memref<2x100xi32, #tpu.memory_space<hbm>>
      tpu.enqueue_dma source(%dma_start3A_307 : memref<2x100xi32, #tpu.memory_space<hbm>>) target(%dma_start3A_304 : memref<2x100xi32, #tpu.memory_space<vmem>>) target_semaphore(%run_scoped3A_293 : memref<!tpu.dma_semaphore, #tpu.memory_space<semaphore_mem>>)
      %dma_wait3A_308 = arith.constant 0 : i32
      %dma_wait3A_309 = arith.constant 0 : i32
      %dma_wait3A_310 = tpu.memref_slice %arg8[%run_scoped3A_24, %dma_wait3A_308, %dma_wait3A_309] : memref<3x2x100xi32, #tpu.memory_space<vmem>> -> memref<1x2x100xi32, #tpu.memory_space<vmem>>
      %dma_wait3A_311 = tpu.memref_squeeze %dma_wait3A_310 : memref<1x2x100xi32, #tpu.memory_space<vmem>> -> memref<2x100xi32, #tpu.memory_space<vmem>>
      %dma_wait3A_312 = arith.constant 0 : i32
      %dma_wait3A_313 = tpu.memref_slice %arg3[%arg0, %add3A_23, %dma_wait3A_312] : memref<2x3200x100xi32, #tpu.memory_space<hbm>> -> memref<1x2x100xi32, #tpu.memory_space<hbm>>
      %dma_wait3A_314 = tpu.memref_squeeze %dma_wait3A_313 : memref<1x2x100xi32, #tpu.memory_space<hbm>> -> memref<2x100xi32, #tpu.memory_space<hbm>>
      %dma_wait3A_315 = arith.constant 0 : i32
      %dma_wait3A_316 = arith.constant 0 : i32
      %dma_wait3A_317 = tpu.memref_slice %arg8[%run_scoped3A_24, %dma_wait3A_315, %dma_wait3A_316] : memref<3x2x100xi32, #tpu.memory_space<vmem>> -> memref<1x2x100xi32, #tpu.memory_space<vmem>>
      %dma_wait3A_318 = tpu.memref_squeeze %dma_wait3A_317 : memref<1x2x100xi32, #tpu.memory_space<vmem>> -> memref<2x100xi32, #tpu.memory_space<vmem>>
      %dma_wait3A_319 = arith.constant 0 : i32
      %dma_wait3A_320 = tpu.memref_slice %arg3[%arg0, %add3A_23, %dma_wait3A_319] : memref<2x3200x100xi32, #tpu.memory_space<hbm>> -> memref<1x2x100xi32, #tpu.memory_space<hbm>>
      %dma_wait3A_321 = tpu.memref_squeeze %dma_wait3A_320 : memref<1x2x100xi32, #tpu.memory_space<hbm>> -> memref<2x100xi32, #tpu.memory_space<hbm>>
      tpu.wait_dma2 semaphore(%run_scoped3A_293 : memref<!tpu.dma_semaphore, #tpu.memory_space<semaphore_mem>>) src(%dma_wait3A_321 : memref<2x100xi32, #tpu.memory_space<hbm>>) dst(%dma_wait3A_318 : memref<2x100xi32, #tpu.memory_space<vmem>>)
      tpu.yield
    }) : () -> ()
    %add3A_25 = arith.constant 2 : i32
    %add3A_26 = arith.addi %mul3A_6, %add3A_25 : i32
    %run_scoped3A_27 = arith.constant 1 : i32
    "tpu.region"() ({
      %run_scoped3A_293 = tpu.sem_alloc : memref<!tpu.dma_semaphore, #tpu.memory_space<semaphore_mem>>
      %dma_start3A_294 = arith.constant 0 : i32
      %dma_start3A_295 = arith.constant 0 : i32
      %dma_start3A_296 = tpu.memref_slice %arg9[%run_scoped3A_27, %dma_start3A_294, %dma_start3A_295] : memref<3x2x100xi32, #tpu.memory_space<vmem>> -> memref<1x2x100xi32, #tpu.memory_space<vmem>>
      %dma_start3A_297 = tpu.memref_squeeze %dma_start3A_296 : memref<1x2x100xi32, #tpu.memory_space<vmem>> -> memref<2x100xi32, #tpu.memory_space<vmem>>
      %dma_start3A_298 = arith.constant 0 : i32
      %dma_start3A_299 = tpu.memref_slice %arg4[%arg0, %add3A_26, %dma_start3A_298] : memref<2x3200x100xi32, #tpu.memory_space<hbm>> -> memref<1x2x100xi32, #tpu.memory_space<hbm>>
      %dma_start3A_300 = tpu.memref_squeeze %dma_start3A_299 : memref<1x2x100xi32, #tpu.memory_space<hbm>> -> memref<2x100xi32, #tpu.memory_space<hbm>>
      %dma_start3A_301 = arith.constant 0 : i32
      %dma_start3A_302 = arith.constant 0 : i32
      %dma_start3A_303 = tpu.memref_slice %arg9[%run_scoped3A_27, %dma_start3A_301, %dma_start3A_302] : memref<3x2x100xi32, #tpu.memory_space<vmem>> -> memref<1x2x100xi32, #tpu.memory_space<vmem>>
      %dma_start3A_304 = tpu.memref_squeeze %dma_start3A_303 : memref<1x2x100xi32, #tpu.memory_space<vmem>> -> memref<2x100xi32, #tpu.memory_space<vmem>>
      %dma_start3A_305 = arith.constant 0 : i32
      %dma_start3A_306 = tpu.memref_slice %arg4[%arg0, %add3A_26, %dma_start3A_305] : memref<2x3200x100xi32, #tpu.memory_space<hbm>> -> memref<1x2x100xi32, #tpu.memory_space<hbm>>
      %dma_start3A_307 = tpu.memref_squeeze %dma_start3A_306 : memref<1x2x100xi32, #tpu.memory_space<hbm>> -> memref<2x100xi32, #tpu.memory_space<hbm>>
      tpu.enqueue_dma source(%dma_start3A_307 : memref<2x100xi32, #tpu.memory_space<hbm>>) target(%dma_start3A_304 : memref<2x100xi32, #tpu.memory_space<vmem>>) target_semaphore(%run_scoped3A_293 : memref<!tpu.dma_semaphore, #tpu.memory_space<semaphore_mem>>)
      %dma_wait3A_308 = arith.constant 0 : i32
      %dma_wait3A_309 = arith.constant 0 : i32
      %dma_wait3A_310 = tpu.memref_slice %arg9[%run_scoped3A_27, %dma_wait3A_308, %dma_wait3A_309] : memref<3x2x100xi32, #tpu.memory_space<vmem>> -> memref<1x2x100xi32, #tpu.memory_space<vmem>>
      %dma_wait3A_311 = tpu.memref_squeeze %dma_wait3A_310 : memref<1x2x100xi32, #tpu.memory_space<vmem>> -> memref<2x100xi32, #tpu.memory_space<vmem>>
      %dma_wait3A_312 = arith.constant 0 : i32
      %dma_wait3A_313 = tpu.memref_slice %arg4[%arg0, %add3A_26, %dma_wait3A_312] : memref<2x3200x100xi32, #tpu.memory_space<hbm>> -> memref<1x2x100xi32, #tpu.memory_space<hbm>>
      %dma_wait3A_314 = tpu.memref_squeeze %dma_wait3A_313 : memref<1x2x100xi32, #tpu.memory_space<hbm>> -> memref<2x100xi32, #tpu.memory_space<hbm>>
      %dma_wait3A_315 = arith.constant 0 : i32
      %dma_wait3A_316 = arith.constant 0 : i32
      %dma_wait3A_317 = tpu.memref_slice %arg9[%run_scoped3A_27, %dma_wait3A_315, %dma_wait3A_316] : memref<3x2x100xi32, #tpu.memory_space<vmem>> -> memref<1x2x100xi32, #tpu.memory_space<vmem>>
      %dma_wait3A_318 = tpu.memref_squeeze %dma_wait3A_317 : memref<1x2x100xi32, #tpu.memory_space<vmem>> -> memref<2x100xi32, #tpu.memory_space<vmem>>
      %dma_wait3A_319 = arith.constant 0 : i32
      %dma_wait3A_320 = tpu.memref_slice %arg4[%arg0, %add3A_26, %dma_wait3A_319] : memref<2x3200x100xi32, #tpu.memory_space<hbm>> -> memref<1x2x100xi32, #tpu.memory_space<hbm>>
      %dma_wait3A_321 = tpu.memref_squeeze %dma_wait3A_320 : memref<1x2x100xi32, #tpu.memory_space<hbm>> -> memref<2x100xi32, #tpu.memory_space<hbm>>
      tpu.wait_dma2 semaphore(%run_scoped3A_293 : memref<!tpu.dma_semaphore, #tpu.memory_space<semaphore_mem>>) src(%dma_wait3A_321 : memref<2x100xi32, #tpu.memory_space<hbm>>) dst(%dma_wait3A_318 : memref<2x100xi32, #tpu.memory_space<vmem>>)
      tpu.yield
    }) : () -> ()
    %mul3A_28 = arith.constant 640 : i32
    %mul3A_29 = arith.muli %arg1, %mul3A_28 : i32
    %add3A_30 = arith.constant 0 : i32
    %add3A_31 = arith.addi %mul3A_29, %add3A_30 : i32
    %dma_start3A_32 = arith.constant 0 : i32
    %dma_start3A_33 = tpu.memref_slice %arg6[%add3A_31, %dma_start3A_32] : memref<10240x128xf32, #tpu.memory_space<vmem_shared>> -> memref<32x128xf32, #tpu.memory_space<vmem_shared>>
    %dma_start3A_34 = arith.constant 0 : i32
    %dma_start3A_35 = tpu.memref_slice %arg6[%add3A_31, %dma_start3A_34] : memref<10240x128xf32, #tpu.memory_space<vmem_shared>> -> memref<32x128xf32, #tpu.memory_space<vmem_shared>>
    tpu.enqueue_dma source(%arg7 : memref<32x128xf32, #tpu.memory_space<vmem>>) target(%dma_start3A_35 : memref<32x128xf32, #tpu.memory_space<vmem_shared>>) target_semaphore(%arg16 : memref<!tpu.dma_semaphore, #tpu.memory_space<semaphore_mem>>)
    %add3A_36 = arith.constant 32 : i32
    %add3A_37 = arith.addi %mul3A_29, %add3A_36 : i32
    %dma_start3A_38 = arith.constant 0 : i32
    %dma_start3A_39 = tpu.memref_slice %arg6[%add3A_37, %dma_start3A_38] : memref<10240x128xf32, #tpu.memory_space<vmem_shared>> -> memref<32x128xf32, #tpu.memory_space<vmem_shared>>
    %dma_start3A_40 = arith.constant 0 : i32
    %dma_start3A_41 = tpu.memref_slice %arg6[%add3A_37, %dma_start3A_40] : memref<10240x128xf32, #tpu.memory_space<vmem_shared>> -> memref<32x128xf32, #tpu.memory_space<vmem_shared>>
    tpu.enqueue_dma source(%arg7 : memref<32x128xf32, #tpu.memory_space<vmem>>) target(%dma_start3A_41 : memref<32x128xf32, #tpu.memory_space<vmem_shared>>) target_semaphore(%arg16 : memref<!tpu.dma_semaphore, #tpu.memory_space<semaphore_mem>>)
    %add3A_42 = arith.constant 64 : i32
    %add3A_43 = arith.addi %mul3A_29, %add3A_42 : i32
    %dma_start3A_44 = arith.constant 0 : i32
    %dma_start3A_45 = tpu.memref_slice %arg6[%add3A_43, %dma_start3A_44] : memref<10240x128xf32, #tpu.memory_space<vmem_shared>> -> memref<32x128xf32, #tpu.memory_space<vmem_shared>>
    %dma_start3A_46 = arith.constant 0 : i32
    %dma_start3A_47 = tpu.memref_slice %arg6[%add3A_43, %dma_start3A_46] : memref<10240x128xf32, #tpu.memory_space<vmem_shared>> -> memref<32x128xf32, #tpu.memory_space<vmem_shared>>
    tpu.enqueue_dma source(%arg7 : memref<32x128xf32, #tpu.memory_space<vmem>>) target(%dma_start3A_47 : memref<32x128xf32, #tpu.memory_space<vmem_shared>>) target_semaphore(%arg16 : memref<!tpu.dma_semaphore, #tpu.memory_space<semaphore_mem>>)
    %add3A_48 = arith.constant 96 : i32
    %add3A_49 = arith.addi %mul3A_29, %add3A_48 : i32
    %dma_start3A_50 = arith.constant 0 : i32
    %dma_start3A_51 = tpu.memref_slice %arg6[%add3A_49, %dma_start3A_50] : memref<10240x128xf32, #tpu.memory_space<vmem_shared>> -> memref<32x128xf32, #tpu.memory_space<vmem_shared>>
    %dma_start3A_52 = arith.constant 0 : i32
    %dma_start3A_53 = tpu.memref_slice %arg6[%add3A_49, %dma_start3A_52] : memref<10240x128xf32, #tpu.memory_space<vmem_shared>> -> memref<32x128xf32, #tpu.memory_space<vmem_shared>>
    tpu.enqueue_dma source(%arg7 : memref<32x128xf32, #tpu.memory_space<vmem>>) target(%dma_start3A_53 : memref<32x128xf32, #tpu.memory_space<vmem_shared>>) target_semaphore(%arg16 : memref<!tpu.dma_semaphore, #tpu.memory_space<semaphore_mem>>)
    %add3A_54 = arith.constant 128 : i32
    %add3A_55 = arith.addi %mul3A_29, %add3A_54 : i32
    %dma_start3A_56 = arith.constant 0 : i32
    %dma_start3A_57 = tpu.memref_slice %arg6[%add3A_55, %dma_start3A_56] : memref<10240x128xf32, #tpu.memory_space<vmem_shared>> -> memref<32x128xf32, #tpu.memory_space<vmem_shared>>
    %dma_start3A_58 = arith.constant 0 : i32
    %dma_start3A_59 = tpu.memref_slice %arg6[%add3A_55, %dma_start3A_58] : memref<10240x128xf32, #tpu.memory_space<vmem_shared>> -> memref<32x128xf32, #tpu.memory_space<vmem_shared>>
    tpu.enqueue_dma source(%arg7 : memref<32x128xf32, #tpu.memory_space<vmem>>) target(%dma_start3A_59 : memref<32x128xf32, #tpu.memory_space<vmem_shared>>) target_semaphore(%arg16 : memref<!tpu.dma_semaphore, #tpu.memory_space<semaphore_mem>>)
    %add3A_60 = arith.constant 160 : i32
    %add3A_61 = arith.addi %mul3A_29, %add3A_60 : i32
    %dma_start3A_62 = arith.constant 0 : i32
    %dma_start3A_63 = tpu.memref_slice %arg6[%add3A_61, %dma_start3A_62] : memref<10240x128xf32, #tpu.memory_space<vmem_shared>> -> memref<32x128xf32, #tpu.memory_space<vmem_shared>>
    %dma_start3A_64 = arith.constant 0 : i32
    %dma_start3A_65 = tpu.memref_slice %arg6[%add3A_61, %dma_start3A_64] : memref<10240x128xf32, #tpu.memory_space<vmem_shared>> -> memref<32x128xf32, #tpu.memory_space<vmem_shared>>
    tpu.enqueue_dma source(%arg7 : memref<32x128xf32, #tpu.memory_space<vmem>>) target(%dma_start3A_65 : memref<32x128xf32, #tpu.memory_space<vmem_shared>>) target_semaphore(%arg16 : memref<!tpu.dma_semaphore, #tpu.memory_space<semaphore_mem>>)
    %add3A_66 = arith.constant 192 : i32
    %add3A_67 = arith.addi %mul3A_29, %add3A_66 : i32
    %dma_start3A_68 = arith.constant 0 : i32
    %dma_start3A_69 = tpu.memref_slice %arg6[%add3A_67, %dma_start3A_68] : memref<10240x128xf32, #tpu.memory_space<vmem_shared>> -> memref<32x128xf32, #tpu.memory_space<vmem_shared>>
    %dma_start3A_70 = arith.constant 0 : i32
    %dma_start3A_71 = tpu.memref_slice %arg6[%add3A_67, %dma_start3A_70] : memref<10240x128xf32, #tpu.memory_space<vmem_shared>> -> memref<32x128xf32, #tpu.memory_space<vmem_shared>>
    tpu.enqueue_dma source(%arg7 : memref<32x128xf32, #tpu.memory_space<vmem>>) target(%dma_start3A_71 : memref<32x128xf32, #tpu.memory_space<vmem_shared>>) target_semaphore(%arg16 : memref<!tpu.dma_semaphore, #tpu.memory_space<semaphore_mem>>)
    %add3A_72 = arith.constant 224 : i32
    %add3A_73 = arith.addi %mul3A_29, %add3A_72 : i32
    %dma_start3A_74 = arith.constant 0 : i32
    %dma_start3A_75 = tpu.memref_slice %arg6[%add3A_73, %dma_start3A_74] : memref<10240x128xf32, #tpu.memory_space<vmem_shared>> -> memref<32x128xf32, #tpu.memory_space<vmem_shared>>
    %dma_start3A_76 = arith.constant 0 : i32
    %dma_start3A_77 = tpu.memref_slice %arg6[%add3A_73, %dma_start3A_76] : memref<10240x128xf32, #tpu.memory_space<vmem_shared>> -> memref<32x128xf32, #tpu.memory_space<vmem_shared>>
    tpu.enqueue_dma source(%arg7 : memref<32x128xf32, #tpu.memory_space<vmem>>) target(%dma_start3A_77 : memref<32x128xf32, #tpu.memory_space<vmem_shared>>) target_semaphore(%arg16 : memref<!tpu.dma_semaphore, #tpu.memory_space<semaphore_mem>>)
    %add3A_78 = arith.constant 256 : i32
    %add3A_79 = arith.addi %mul3A_29, %add3A_78 : i32
    %dma_start3A_80 = arith.constant 0 : i32
    %dma_start3A_81 = tpu.memref_slice %arg6[%add3A_79, %dma_start3A_80] : memref<10240x128xf32, #tpu.memory_space<vmem_shared>> -> memref<32x128xf32, #tpu.memory_space<vmem_shared>>
    %dma_start3A_82 = arith.constant 0 : i32
    %dma_start3A_83 = tpu.memref_slice %arg6[%add3A_79, %dma_start3A_82] : memref<10240x128xf32, #tpu.memory_space<vmem_shared>> -> memref<32x128xf32, #tpu.memory_space<vmem_shared>>
    tpu.enqueue_dma source(%arg7 : memref<32x128xf32, #tpu.memory_space<vmem>>) target(%dma_start3A_83 : memref<32x128xf32, #tpu.memory_space<vmem_shared>>) target_semaphore(%arg16 : memref<!tpu.dma_semaphore, #tpu.memory_space<semaphore_mem>>)
    %add3A_84 = arith.constant 288 : i32
    %add3A_85 = arith.addi %mul3A_29, %add3A_84 : i32
    %dma_start3A_86 = arith.constant 0 : i32
    %dma_start3A_87 = tpu.memref_slice %arg6[%add3A_85, %dma_start3A_86] : memref<10240x128xf32, #tpu.memory_space<vmem_shared>> -> memref<32x128xf32, #tpu.memory_space<vmem_shared>>
    %dma_start3A_88 = arith.constant 0 : i32
    %dma_start3A_89 = tpu.memref_slice %arg6[%add3A_85, %dma_start3A_88] : memref<10240x128xf32, #tpu.memory_space<vmem_shared>> -> memref<32x128xf32, #tpu.memory_space<vmem_shared>>
    tpu.enqueue_dma source(%arg7 : memref<32x128xf32, #tpu.memory_space<vmem>>) target(%dma_start3A_89 : memref<32x128xf32, #tpu.memory_space<vmem_shared>>) target_semaphore(%arg16 : memref<!tpu.dma_semaphore, #tpu.memory_space<semaphore_mem>>)
    %add3A_90 = arith.constant 320 : i32
    %add3A_91 = arith.addi %mul3A_29, %add3A_90 : i32
    %dma_start3A_92 = arith.constant 0 : i32
    %dma_start3A_93 = tpu.memref_slice %arg6[%add3A_91, %dma_start3A_92] : memref<10240x128xf32, #tpu.memory_space<vmem_shared>> -> memref<32x128xf32, #tpu.memory_space<vmem_shared>>
    %dma_start3A_94 = arith.constant 0 : i32
    %dma_start3A_95 = tpu.memref_slice %arg6[%add3A_91, %dma_start3A_94] : memref<10240x128xf32, #tpu.memory_space<vmem_shared>> -> memref<32x128xf32, #tpu.memory_space<vmem_shared>>
    tpu.enqueue_dma source(%arg7 : memref<32x128xf32, #tpu.memory_space<vmem>>) target(%dma_start3A_95 : memref<32x128xf32, #tpu.memory_space<vmem_shared>>) target_semaphore(%arg16 : memref<!tpu.dma_semaphore, #tpu.memory_space<semaphore_mem>>)
    %add3A_96 = arith.constant 352 : i32
    %add3A_97 = arith.addi %mul3A_29, %add3A_96 : i32
    %dma_start3A_98 = arith.constant 0 : i32
    %dma_start3A_99 = tpu.memref_slice %arg6[%add3A_97, %dma_start3A_98] : memref<10240x128xf32, #tpu.memory_space<vmem_shared>> -> memref<32x128xf32, #tpu.memory_space<vmem_shared>>
    %dma_start3A_100 = arith.constant 0 : i32
    %dma_start3A_101 = tpu.memref_slice %arg6[%add3A_97, %dma_start3A_100] : memref<10240x128xf32, #tpu.memory_space<vmem_shared>> -> memref<32x128xf32, #tpu.memory_space<vmem_shared>>
    tpu.enqueue_dma source(%arg7 : memref<32x128xf32, #tpu.memory_space<vmem>>) target(%dma_start3A_101 : memref<32x128xf32, #tpu.memory_space<vmem_shared>>) target_semaphore(%arg16 : memref<!tpu.dma_semaphore, #tpu.memory_space<semaphore_mem>>)
    %add3A_102 = arith.constant 384 : i32
    %add3A_103 = arith.addi %mul3A_29, %add3A_102 : i32
    %dma_start3A_104 = arith.constant 0 : i32
    %dma_start3A_105 = tpu.memref_slice %arg6[%add3A_103, %dma_start3A_104] : memref<10240x128xf32, #tpu.memory_space<vmem_shared>> -> memref<32x128xf32, #tpu.memory_space<vmem_shared>>
    %dma_start3A_106 = arith.constant 0 : i32
    %dma_start3A_107 = tpu.memref_slice %arg6[%add3A_103, %dma_start3A_106] : memref<10240x128xf32, #tpu.memory_space<vmem_shared>> -> memref<32x128xf32, #tpu.memory_space<vmem_shared>>
    tpu.enqueue_dma source(%arg7 : memref<32x128xf32, #tpu.memory_space<vmem>>) target(%dma_start3A_107 : memref<32x128xf32, #tpu.memory_space<vmem_shared>>) target_semaphore(%arg16 : memref<!tpu.dma_semaphore, #tpu.memory_space<semaphore_mem>>)
    %add3A_108 = arith.constant 416 : i32
    %add3A_109 = arith.addi %mul3A_29, %add3A_108 : i32
    %dma_start3A_110 = arith.constant 0 : i32
    %dma_start3A_111 = tpu.memref_slice %arg6[%add3A_109, %dma_start3A_110] : memref<10240x128xf32, #tpu.memory_space<vmem_shared>> -> memref<32x128xf32, #tpu.memory_space<vmem_shared>>
    %dma_start3A_112 = arith.constant 0 : i32
    %dma_start3A_113 = tpu.memref_slice %arg6[%add3A_109, %dma_start3A_112] : memref<10240x128xf32, #tpu.memory_space<vmem_shared>> -> memref<32x128xf32, #tpu.memory_space<vmem_shared>>
    tpu.enqueue_dma source(%arg7 : memref<32x128xf32, #tpu.memory_space<vmem>>) target(%dma_start3A_113 : memref<32x128xf32, #tpu.memory_space<vmem_shared>>) target_semaphore(%arg16 : memref<!tpu.dma_semaphore, #tpu.memory_space<semaphore_mem>>)
    %add3A_114 = arith.constant 448 : i32
    %add3A_115 = arith.addi %mul3A_29, %add3A_114 : i32
    %dma_start3A_116 = arith.constant 0 : i32
    %dma_start3A_117 = tpu.memref_slice %arg6[%add3A_115, %dma_start3A_116] : memref<10240x128xf32, #tpu.memory_space<vmem_shared>> -> memref<32x128xf32, #tpu.memory_space<vmem_shared>>
    %dma_start3A_118 = arith.constant 0 : i32
    %dma_start3A_119 = tpu.memref_slice %arg6[%add3A_115, %dma_start3A_118] : memref<10240x128xf32, #tpu.memory_space<vmem_shared>> -> memref<32x128xf32, #tpu.memory_space<vmem_shared>>
    tpu.enqueue_dma source(%arg7 : memref<32x128xf32, #tpu.memory_space<vmem>>) target(%dma_start3A_119 : memref<32x128xf32, #tpu.memory_space<vmem_shared>>) target_semaphore(%arg16 : memref<!tpu.dma_semaphore, #tpu.memory_space<semaphore_mem>>)
    %add3A_120 = arith.constant 480 : i32
    %add3A_121 = arith.addi %mul3A_29, %add3A_120 : i32
    %dma_start3A_122 = arith.constant 0 : i32
    %dma_start3A_123 = tpu.memref_slice %arg6[%add3A_121, %dma_start3A_122] : memref<10240x128xf32, #tpu.memory_space<vmem_shared>> -> memref<32x128xf32, #tpu.memory_space<vmem_shared>>
    %dma_start3A_124 = arith.constant 0 : i32
    %dma_start3A_125 = tpu.memref_slice %arg6[%add3A_121, %dma_start3A_124] : memref<10240x128xf32, #tpu.memory_space<vmem_shared>> -> memref<32x128xf32, #tpu.memory_space<vmem_shared>>
    tpu.enqueue_dma source(%arg7 : memref<32x128xf32, #tpu.memory_space<vmem>>) target(%dma_start3A_125 : memref<32x128xf32, #tpu.memory_space<vmem_shared>>) target_semaphore(%arg16 : memref<!tpu.dma_semaphore, #tpu.memory_space<semaphore_mem>>)
    %add3A_126 = arith.constant 512 : i32
    %add3A_127 = arith.addi %mul3A_29, %add3A_126 : i32
    %dma_start3A_128 = arith.constant 0 : i32
    %dma_start3A_129 = tpu.memref_slice %arg6[%add3A_127, %dma_start3A_128] : memref<10240x128xf32, #tpu.memory_space<vmem_shared>> -> memref<32x128xf32, #tpu.memory_space<vmem_shared>>
    %dma_start3A_130 = arith.constant 0 : i32
    %dma_start3A_131 = tpu.memref_slice %arg6[%add3A_127, %dma_start3A_130] : memref<10240x128xf32, #tpu.memory_space<vmem_shared>> -> memref<32x128xf32, #tpu.memory_space<vmem_shared>>
    tpu.enqueue_dma source(%arg7 : memref<32x128xf32, #tpu.memory_space<vmem>>) target(%dma_start3A_131 : memref<32x128xf32, #tpu.memory_space<vmem_shared>>) target_semaphore(%arg16 : memref<!tpu.dma_semaphore, #tpu.memory_space<semaphore_mem>>)
    %add3A_132 = arith.constant 544 : i32
    %add3A_133 = arith.addi %mul3A_29, %add3A_132 : i32
    %dma_start3A_134 = arith.constant 0 : i32
    %dma_start3A_135 = tpu.memref_slice %arg6[%add3A_133, %dma_start3A_134] : memref<10240x128xf32, #tpu.memory_space<vmem_shared>> -> memref<32x128xf32, #tpu.memory_space<vmem_shared>>
    %dma_start3A_136 = arith.constant 0 : i32
    %dma_start3A_137 = tpu.memref_slice %arg6[%add3A_133, %dma_start3A_136] : memref<10240x128xf32, #tpu.memory_space<vmem_shared>> -> memref<32x128xf32, #tpu.memory_space<vmem_shared>>
    tpu.enqueue_dma source(%arg7 : memref<32x128xf32, #tpu.memory_space<vmem>>) target(%dma_start3A_137 : memref<32x128xf32, #tpu.memory_space<vmem_shared>>) target_semaphore(%arg16 : memref<!tpu.dma_semaphore, #tpu.memory_space<semaphore_mem>>)
    %add3A_138 = arith.constant 576 : i32
    %add3A_139 = arith.addi %mul3A_29, %add3A_138 : i32
    %dma_start3A_140 = arith.constant 0 : i32
    %dma_start3A_141 = tpu.memref_slice %arg6[%add3A_139, %dma_start3A_140] : memref<10240x128xf32, #tpu.memory_space<vmem_shared>> -> memref<32x128xf32, #tpu.memory_space<vmem_shared>>
    %dma_start3A_142 = arith.constant 0 : i32
    %dma_start3A_143 = tpu.memref_slice %arg6[%add3A_139, %dma_start3A_142] : memref<10240x128xf32, #tpu.memory_space<vmem_shared>> -> memref<32x128xf32, #tpu.memory_space<vmem_shared>>
    tpu.enqueue_dma source(%arg7 : memref<32x128xf32, #tpu.memory_space<vmem>>) target(%dma_start3A_143 : memref<32x128xf32, #tpu.memory_space<vmem_shared>>) target_semaphore(%arg16 : memref<!tpu.dma_semaphore, #tpu.memory_space<semaphore_mem>>)
    %add3A_144 = arith.constant 608 : i32
    %add3A_145 = arith.addi %mul3A_29, %add3A_144 : i32
    %dma_start3A_146 = arith.constant 0 : i32
    %dma_start3A_147 = tpu.memref_slice %arg6[%add3A_145, %dma_start3A_146] : memref<10240x128xf32, #tpu.memory_space<vmem_shared>> -> memref<32x128xf32, #tpu.memory_space<vmem_shared>>
    %dma_start3A_148 = arith.constant 0 : i32
    %dma_start3A_149 = tpu.memref_slice %arg6[%add3A_145, %dma_start3A_148] : memref<10240x128xf32, #tpu.memory_space<vmem_shared>> -> memref<32x128xf32, #tpu.memory_space<vmem_shared>>
    tpu.enqueue_dma source(%arg7 : memref<32x128xf32, #tpu.memory_space<vmem>>) target(%dma_start3A_149 : memref<32x128xf32, #tpu.memory_space<vmem_shared>>) target_semaphore(%arg16 : memref<!tpu.dma_semaphore, #tpu.memory_space<semaphore_mem>>)
    %dma_wait3A = arith.constant 0 : i32
    %dma_wait3A_150 = tpu.memref_slice %arg6[%mul3A_29, %dma_wait3A] : memref<10240x128xf32, #tpu.memory_space<vmem_shared>> -> memref<32x128xf32, #tpu.memory_space<vmem_shared>>
    %dma_wait3A_151 = arith.constant 0 : i32
    %dma_wait3A_152 = tpu.memref_slice %arg6[%mul3A_29, %dma_wait3A_151] : memref<10240x128xf32, #tpu.memory_space<vmem_shared>> -> memref<32x128xf32, #tpu.memory_space<vmem_shared>>
    tpu.wait_dma2 semaphore(%arg16 : memref<!tpu.dma_semaphore, #tpu.memory_space<semaphore_mem>>) src(%arg7 : memref<32x128xf32, #tpu.memory_space<vmem>>) dst(%dma_wait3A_152 : memref<32x128xf32, #tpu.memory_space<vmem_shared>>)
    %dma_wait3A_153 = arith.constant 0 : i32
    %dma_wait3A_154 = tpu.memref_slice %arg6[%mul3A_29, %dma_wait3A_153] : memref<10240x128xf32, #tpu.memory_space<vmem_shared>> -> memref<32x128xf32, #tpu.memory_space<vmem_shared>>
    %dma_wait3A_155 = arith.constant 0 : i32
    %dma_wait3A_156 = tpu.memref_slice %arg6[%mul3A_29, %dma_wait3A_155] : memref<10240x128xf32, #tpu.memory_space<vmem_shared>> -> memref<32x128xf32, #tpu.memory_space<vmem_shared>>
    tpu.wait_dma2 semaphore(%arg16 : memref<!tpu.dma_semaphore, #tpu.memory_space<semaphore_mem>>) src(%arg7 : memref<32x128xf32, #tpu.memory_space<vmem>>) dst(%dma_wait3A_156 : memref<32x128xf32, #tpu.memory_space<vmem_shared>>)
    %dma_wait3A_157 = arith.constant 0 : i32
    %dma_wait3A_158 = tpu.memref_slice %arg6[%mul3A_29, %dma_wait3A_157] : memref<10240x128xf32, #tpu.memory_space<vmem_shared>> -> memref<32x128xf32, #tpu.memory_space<vmem_shared>>
    %dma_wait3A_159 = arith.constant 0 : i32
    %dma_wait3A_160 = tpu.memref_slice %arg6[%mul3A_29, %dma_wait3A_159] : memref<10240x128xf32, #tpu.memory_space<vmem_shared>> -> memref<32x128xf32, #tpu.memory_space<vmem_shared>>
    tpu.wait_dma2 semaphore(%arg16 : memref<!tpu.dma_semaphore, #tpu.memory_space<semaphore_mem>>) src(%arg7 : memref<32x128xf32, #tpu.memory_space<vmem>>) dst(%dma_wait3A_160 : memref<32x128xf32, #tpu.memory_space<vmem_shared>>)
    %dma_wait3A_161 = arith.constant 0 : i32
    %dma_wait3A_162 = tpu.memref_slice %arg6[%mul3A_29, %dma_wait3A_161] : memref<10240x128xf32, #tpu.memory_space<vmem_shared>> -> memref<32x128xf32, #tpu.memory_space<vmem_shared>>
    %dma_wait3A_163 = arith.constant 0 : i32
    %dma_wait3A_164 = tpu.memref_slice %arg6[%mul3A_29, %dma_wait3A_163] : memref<10240x128xf32, #tpu.memory_space<vmem_shared>> -> memref<32x128xf32, #tpu.memory_space<vmem_shared>>
    tpu.wait_dma2 semaphore(%arg16 : memref<!tpu.dma_semaphore, #tpu.memory_space<semaphore_mem>>) src(%arg7 : memref<32x128xf32, #tpu.memory_space<vmem>>) dst(%dma_wait3A_164 : memref<32x128xf32, #tpu.memory_space<vmem_shared>>)
    %dma_wait3A_165 = arith.constant 0 : i32
    %dma_wait3A_166 = tpu.memref_slice %arg6[%mul3A_29, %dma_wait3A_165] : memref<10240x128xf32, #tpu.memory_space<vmem_shared>> -> memref<32x128xf32, #tpu.memory_space<vmem_shared>>
    %dma_wait3A_167 = arith.constant 0 : i32
    %dma_wait3A_168 = tpu.memref_slice %arg6[%mul3A_29, %dma_wait3A_167] : memref<10240x128xf32, #tpu.memory_space<vmem_shared>> -> memref<32x128xf32, #tpu.memory_space<vmem_shared>>
    tpu.wait_dma2 semaphore(%arg16 : memref<!tpu.dma_semaphore, #tpu.memory_space<semaphore_mem>>) src(%arg7 : memref<32x128xf32, #tpu.memory_space<vmem>>) dst(%dma_wait3A_168 : memref<32x128xf32, #tpu.memory_space<vmem_shared>>)
    %dma_wait3A_169 = arith.constant 0 : i32
    %dma_wait3A_170 = tpu.memref_slice %arg6[%mul3A_29, %dma_wait3A_169] : memref<10240x128xf32, #tpu.memory_space<vmem_shared>> -> memref<32x128xf32, #tpu.memory_space<vmem_shared>>
    %dma_wait3A_171 = arith.constant 0 : i32
    %dma_wait3A_172 = tpu.memref_slice %arg6[%mul3A_29, %dma_wait3A_171] : memref<10240x128xf32, #tpu.memory_space<vmem_shared>> -> memref<32x128xf32, #tpu.memory_space<vmem_shared>>
    tpu.wait_dma2 semaphore(%arg16 : memref<!tpu.dma_semaphore, #tpu.memory_space<semaphore_mem>>) src(%arg7 : memref<32x128xf32, #tpu.memory_space<vmem>>) dst(%dma_wait3A_172 : memref<32x128xf32, #tpu.memory_space<vmem_shared>>)
    %dma_wait3A_173 = arith.constant 0 : i32
    %dma_wait3A_174 = tpu.memref_slice %arg6[%mul3A_29, %dma_wait3A_173] : memref<10240x128xf32, #tpu.memory_space<vmem_shared>> -> memref<32x128xf32, #tpu.memory_space<vmem_shared>>
    %dma_wait3A_175 = arith.constant 0 : i32
    %dma_wait3A_176 = tpu.memref_slice %arg6[%mul3A_29, %dma_wait3A_175] : memref<10240x128xf32, #tpu.memory_space<vmem_shared>> -> memref<32x128xf32, #tpu.memory_space<vmem_shared>>
    tpu.wait_dma2 semaphore(%arg16 : memref<!tpu.dma_semaphore, #tpu.memory_space<semaphore_mem>>) src(%arg7 : memref<32x128xf32, #tpu.memory_space<vmem>>) dst(%dma_wait3A_176 : memref<32x128xf32, #tpu.memory_space<vmem_shared>>)
    %dma_wait3A_177 = arith.constant 0 : i32
    %dma_wait3A_178 = tpu.memref_slice %arg6[%mul3A_29, %dma_wait3A_177] : memref<10240x128xf32, #tpu.memory_space<vmem_shared>> -> memref<32x128xf32, #tpu.memory_space<vmem_shared>>
    %dma_wait3A_179 = arith.constant 0 : i32
    %dma_wait3A_180 = tpu.memref_slice %arg6[%mul3A_29, %dma_wait3A_179] : memref<10240x128xf32, #tpu.memory_space<vmem_shared>> -> memref<32x128xf32, #tpu.memory_space<vmem_shared>>
    tpu.wait_dma2 semaphore(%arg16 : memref<!tpu.dma_semaphore, #tpu.memory_space<semaphore_mem>>) src(%arg7 : memref<32x128xf32, #tpu.memory_space<vmem>>) dst(%dma_wait3A_180 : memref<32x128xf32, #tpu.memory_space<vmem_shared>>)
    %dma_wait3A_181 = arith.constant 0 : i32
    %dma_wait3A_182 = tpu.memref_slice %arg6[%mul3A_29, %dma_wait3A_181] : memref<10240x128xf32, #tpu.memory_space<vmem_shared>> -> memref<32x128xf32, #tpu.memory_space<vmem_shared>>
    %dma_wait3A_183 = arith.constant 0 : i32
    %dma_wait3A_184 = tpu.memref_slice %arg6[%mul3A_29, %dma_wait3A_183] : memref<10240x128xf32, #tpu.memory_space<vmem_shared>> -> memref<32x128xf32, #tpu.memory_space<vmem_shared>>
    tpu.wait_dma2 semaphore(%arg16 : memref<!tpu.dma_semaphore, #tpu.memory_space<semaphore_mem>>) src(%arg7 : memref<32x128xf32, #tpu.memory_space<vmem>>) dst(%dma_wait3A_184 : memref<32x128xf32, #tpu.memory_space<vmem_shared>>)
    %dma_wait3A_185 = arith.constant 0 : i32
    %dma_wait3A_186 = tpu.memref_slice %arg6[%mul3A_29, %dma_wait3A_185] : memref<10240x128xf32, #tpu.memory_space<vmem_shared>> -> memref<32x128xf32, #tpu.memory_space<vmem_shared>>
    %dma_wait3A_187 = arith.constant 0 : i32
    %dma_wait3A_188 = tpu.memref_slice %arg6[%mul3A_29, %dma_wait3A_187] : memref<10240x128xf32, #tpu.memory_space<vmem_shared>> -> memref<32x128xf32, #tpu.memory_space<vmem_shared>>
    tpu.wait_dma2 semaphore(%arg16 : memref<!tpu.dma_semaphore, #tpu.memory_space<semaphore_mem>>) src(%arg7 : memref<32x128xf32, #tpu.memory_space<vmem>>) dst(%dma_wait3A_188 : memref<32x128xf32, #tpu.memory_space<vmem_shared>>)
    %dma_wait3A_189 = arith.constant 0 : i32
    %dma_wait3A_190 = tpu.memref_slice %arg6[%mul3A_29, %dma_wait3A_189] : memref<10240x128xf32, #tpu.memory_space<vmem_shared>> -> memref<32x128xf32, #tpu.memory_space<vmem_shared>>
    %dma_wait3A_191 = arith.constant 0 : i32
    %dma_wait3A_192 = tpu.memref_slice %arg6[%mul3A_29, %dma_wait3A_191] : memref<10240x128xf32, #tpu.memory_space<vmem_shared>> -> memref<32x128xf32, #tpu.memory_space<vmem_shared>>
    tpu.wait_dma2 semaphore(%arg16 : memref<!tpu.dma_semaphore, #tpu.memory_space<semaphore_mem>>) src(%arg7 : memref<32x128xf32, #tpu.memory_space<vmem>>) dst(%dma_wait3A_192 : memref<32x128xf32, #tpu.memory_space<vmem_shared>>)
    %dma_wait3A_193 = arith.constant 0 : i32
    %dma_wait3A_194 = tpu.memref_slice %arg6[%mul3A_29, %dma_wait3A_193] : memref<10240x128xf32, #tpu.memory_space<vmem_shared>> -> memref<32x128xf32, #tpu.memory_space<vmem_shared>>
    %dma_wait3A_195 = arith.constant 0 : i32
    %dma_wait3A_196 = tpu.memref_slice %arg6[%mul3A_29, %dma_wait3A_195] : memref<10240x128xf32, #tpu.memory_space<vmem_shared>> -> memref<32x128xf32, #tpu.memory_space<vmem_shared>>
    tpu.wait_dma2 semaphore(%arg16 : memref<!tpu.dma_semaphore, #tpu.memory_space<semaphore_mem>>) src(%arg7 : memref<32x128xf32, #tpu.memory_space<vmem>>) dst(%dma_wait3A_196 : memref<32x128xf32, #tpu.memory_space<vmem_shared>>)
    %dma_wait3A_197 = arith.constant 0 : i32
    %dma_wait3A_198 = tpu.memref_slice %arg6[%mul3A_29, %dma_wait3A_197] : memref<10240x128xf32, #tpu.memory_space<vmem_shared>> -> memref<32x128xf32, #tpu.memory_space<vmem_shared>>
    %dma_wait3A_199 = arith.constant 0 : i32
    %dma_wait3A_200 = tpu.memref_slice %arg6[%mul3A_29, %dma_wait3A_199] : memref<10240x128xf32, #tpu.memory_space<vmem_shared>> -> memref<32x128xf32, #tpu.memory_space<vmem_shared>>
    tpu.wait_dma2 semaphore(%arg16 : memref<!tpu.dma_semaphore, #tpu.memory_space<semaphore_mem>>) src(%arg7 : memref<32x128xf32, #tpu.memory_space<vmem>>) dst(%dma_wait3A_200 : memref<32x128xf32, #tpu.memory_space<vmem_shared>>)
    %dma_wait3A_201 = arith.constant 0 : i32
    %dma_wait3A_202 = tpu.memref_slice %arg6[%mul3A_29, %dma_wait3A_201] : memref<10240x128xf32, #tpu.memory_space<vmem_shared>> -> memref<32x128xf32, #tpu.memory_space<vmem_shared>>
    %dma_wait3A_203 = arith.constant 0 : i32
    %dma_wait3A_204 = tpu.memref_slice %arg6[%mul3A_29, %dma_wait3A_203] : memref<10240x128xf32, #tpu.memory_space<vmem_shared>> -> memref<32x128xf32, #tpu.memory_space<vmem_shared>>
    tpu.wait_dma2 semaphore(%arg16 : memref<!tpu.dma_semaphore, #tpu.memory_space<semaphore_mem>>) src(%arg7 : memref<32x128xf32, #tpu.memory_space<vmem>>) dst(%dma_wait3A_204 : memref<32x128xf32, #tpu.memory_space<vmem_shared>>)
    %dma_wait3A_205 = arith.constant 0 : i32
    %dma_wait3A_206 = tpu.memref_slice %arg6[%mul3A_29, %dma_wait3A_205] : memref<10240x128xf32, #tpu.memory_space<vmem_shared>> -> memref<32x128xf32, #tpu.memory_space<vmem_shared>>
    %dma_wait3A_207 = arith.constant 0 : i32
    %dma_wait3A_208 = tpu.memref_slice %arg6[%mul3A_29, %dma_wait3A_207] : memref<10240x128xf32, #tpu.memory_space<vmem_shared>> -> memref<32x128xf32, #tpu.memory_space<vmem_shared>>
    tpu.wait_dma2 semaphore(%arg16 : memref<!tpu.dma_semaphore, #tpu.memory_space<semaphore_mem>>) src(%arg7 : memref<32x128xf32, #tpu.memory_space<vmem>>) dst(%dma_wait3A_208 : memref<32x128xf32, #tpu.memory_space<vmem_shared>>)
    %dma_wait3A_209 = arith.constant 0 : i32
    %dma_wait3A_210 = tpu.memref_slice %arg6[%mul3A_29, %dma_wait3A_209] : memref<10240x128xf32, #tpu.memory_space<vmem_shared>> -> memref<32x128xf32, #tpu.memory_space<vmem_shared>>
    %dma_wait3A_211 = arith.constant 0 : i32
    %dma_wait3A_212 = tpu.memref_slice %arg6[%mul3A_29, %dma_wait3A_211] : memref<10240x128xf32, #tpu.memory_space<vmem_shared>> -> memref<32x128xf32, #tpu.memory_space<vmem_shared>>
    tpu.wait_dma2 semaphore(%arg16 : memref<!tpu.dma_semaphore, #tpu.memory_space<semaphore_mem>>) src(%arg7 : memref<32x128xf32, #tpu.memory_space<vmem>>) dst(%dma_wait3A_212 : memref<32x128xf32, #tpu.memory_space<vmem_shared>>)
    %dma_wait3A_213 = arith.constant 0 : i32
    %dma_wait3A_214 = tpu.memref_slice %arg6[%mul3A_29, %dma_wait3A_213] : memref<10240x128xf32, #tpu.memory_space<vmem_shared>> -> memref<32x128xf32, #tpu.memory_space<vmem_shared>>
    %dma_wait3A_215 = arith.constant 0 : i32
    %dma_wait3A_216 = tpu.memref_slice %arg6[%mul3A_29, %dma_wait3A_215] : memref<10240x128xf32, #tpu.memory_space<vmem_shared>> -> memref<32x128xf32, #tpu.memory_space<vmem_shared>>
    tpu.wait_dma2 semaphore(%arg16 : memref<!tpu.dma_semaphore, #tpu.memory_space<semaphore_mem>>) src(%arg7 : memref<32x128xf32, #tpu.memory_space<vmem>>) dst(%dma_wait3A_216 : memref<32x128xf32, #tpu.memory_space<vmem_shared>>)
    %dma_wait3A_217 = arith.constant 0 : i32
    %dma_wait3A_218 = tpu.memref_slice %arg6[%mul3A_29, %dma_wait3A_217] : memref<10240x128xf32, #tpu.memory_space<vmem_shared>> -> memref<32x128xf32, #tpu.memory_space<vmem_shared>>
    %dma_wait3A_219 = arith.constant 0 : i32
    %dma_wait3A_220 = tpu.memref_slice %arg6[%mul3A_29, %dma_wait3A_219] : memref<10240x128xf32, #tpu.memory_space<vmem_shared>> -> memref<32x128xf32, #tpu.memory_space<vmem_shared>>
    tpu.wait_dma2 semaphore(%arg16 : memref<!tpu.dma_semaphore, #tpu.memory_space<semaphore_mem>>) src(%arg7 : memref<32x128xf32, #tpu.memory_space<vmem>>) dst(%dma_wait3A_220 : memref<32x128xf32, #tpu.memory_space<vmem_shared>>)
    %dma_wait3A_221 = arith.constant 0 : i32
    %dma_wait3A_222 = tpu.memref_slice %arg6[%mul3A_29, %dma_wait3A_221] : memref<10240x128xf32, #tpu.memory_space<vmem_shared>> -> memref<32x128xf32, #tpu.memory_space<vmem_shared>>
    %dma_wait3A_223 = arith.constant 0 : i32
    %dma_wait3A_224 = tpu.memref_slice %arg6[%mul3A_29, %dma_wait3A_223] : memref<10240x128xf32, #tpu.memory_space<vmem_shared>> -> memref<32x128xf32, #tpu.memory_space<vmem_shared>>
    tpu.wait_dma2 semaphore(%arg16 : memref<!tpu.dma_semaphore, #tpu.memory_space<semaphore_mem>>) src(%arg7 : memref<32x128xf32, #tpu.memory_space<vmem>>) dst(%dma_wait3A_224 : memref<32x128xf32, #tpu.memory_space<vmem_shared>>)
    %dma_wait3A_225 = arith.constant 0 : i32
    %dma_wait3A_226 = tpu.memref_slice %arg6[%mul3A_29, %dma_wait3A_225] : memref<10240x128xf32, #tpu.memory_space<vmem_shared>> -> memref<32x128xf32, #tpu.memory_space<vmem_shared>>
    %dma_wait3A_227 = arith.constant 0 : i32
    %dma_wait3A_228 = tpu.memref_slice %arg6[%mul3A_29, %dma_wait3A_227] : memref<10240x128xf32, #tpu.memory_space<vmem_shared>> -> memref<32x128xf32, #tpu.memory_space<vmem_shared>>
    tpu.wait_dma2 semaphore(%arg16 : memref<!tpu.dma_semaphore, #tpu.memory_space<semaphore_mem>>) src(%arg7 : memref<32x128xf32, #tpu.memory_space<vmem>>) dst(%dma_wait3A_228 : memref<32x128xf32, #tpu.memory_space<vmem_shared>>)
    %barrier3A = arith.constant 0 : index
    tpu.barrier barrier_id(%barrier3A)
    %scan3A_229 = arith.constant 0 : i32
    %scan3A_230 = arith.constant 0 : i32
    %scan3A_231 = arith.constant 33 : i32
    %scan3A_232 = arith.addi %scan3A_230, %scan3A_231 : i32
    %scan3A_233 = arith.constant 1 : i32
    %scan3A_234 = scf.for %scan3A_293 = %scan3A_230 to %scan3A_232 step %scan3A_233 iter_args(%scan3A_294 = %scan3A_229) -> (i32)  : i32 {
      %mul3A_295 = arith.constant 6 : i32
      %mul3A_296 = arith.muli %scan3A_293, %mul3A_295 : i32
      %dma_wait3A_297 = arith.constant 0 : i32
      %dma_wait3A_298 = arith.constant 0 : i32
      %dma_wait3A_299 = arith.constant 0 : i32
      %dma_wait3A_300 = tpu.memref_slice %arg8[%dma_wait3A_297, %dma_wait3A_298, %dma_wait3A_299] : memref<3x2x100xi32, #tpu.memory_space<vmem>> -> memref<1x1x100xi32, #tpu.memory_space<vmem>>
      %dma_wait3A_301 = tpu.memref_squeeze %dma_wait3A_300 : memref<1x1x100xi32, #tpu.memory_space<vmem>> -> memref<100xi32, #tpu.memory_space<vmem>>
      %dma_wait3A_302 = arith.constant 0 : i32
      %dma_wait3A_303 = arith.constant 0 : i32
      %dma_wait3A_304 = tpu.memref_slice %arg2[%dma_wait3A_302, %dma_wait3A_303] : memref<10000x128xf32, #tpu.memory_space<hbm>> -> memref<10000x128xf32, #tpu.memory_space<hbm>>
      tpu.wait_indirect_dma semaphore(%arg13 : memref<!tpu.dma_semaphore, #tpu.memory_space<semaphore_mem>>) src(%dma_wait3A_304 : memref<10000x128xf32, #tpu.memory_space<hbm>>) dst(%arg10 : memref<100x128xf32, #tpu.memory_space<vmem>>)
      %dma_start3A_305 = arith.constant 0 : i32
      %dma_start3A_306 = arith.constant 0 : i32
      %dma_start3A_307 = arith.constant 0 : i32
      %dma_start3A_308 = tpu.memref_slice %arg9[%dma_start3A_305, %dma_start3A_306, %dma_start3A_307] : memref<3x2x100xi32, #tpu.memory_space<vmem>> -> memref<1x1x100xi32, #tpu.memory_space<vmem>>
      %dma_start3A_309 = tpu.memref_squeeze %dma_start3A_308 : memref<1x1x100xi32, #tpu.memory_space<vmem>> -> memref<100xi32, #tpu.memory_space<vmem>>
      %dma_start3A_310 = arith.constant 0 : i32
      %dma_start3A_311 = arith.constant 0 : i32
      %dma_start3A_312 = tpu.memref_slice %arg6[%dma_start3A_310, %dma_start3A_311] : memref<10240x128xf32, #tpu.memory_space<vmem_shared>> -> memref<10240x128xf32, #tpu.memory_space<vmem_shared>>
      tpu.enqueue_indirect_dma source(%arg10 : memref<100x128xf32, #tpu.memory_space<vmem>>) target(%dma_start3A_312 : memref<10240x128xf32, #tpu.memory_space<vmem_shared>>) offsets(%dma_start3A_309 : memref<100xi32, #tpu.memory_space<vmem>>) semaphore(%arg16 : memref<!tpu.dma_semaphore, #tpu.memory_space<semaphore_mem>>) {add = true}
      %ge3A = arith.constant 1 : i32
      %ge3A_313 = arith.cmpi sge, %scan3A_293, %ge3A : i32
      %convert_element_type3A = arith.extui %ge3A_313 : i1 to i32
      %cond3A = arith.constant 0 : i32
      %cond3A_314 = arith.cmpi ne, %convert_element_type3A, %cond3A : i32
      scf.if %cond3A_314 {
        %dma_wait3A_635 = arith.constant 0 : i32
        %dma_wait3A_636 = arith.constant 0 : i32
        %dma_wait3A_637 = arith.constant 0 : i32
        %dma_wait3A_638 = tpu.memref_slice %arg9[%dma_wait3A_635, %dma_wait3A_636, %dma_wait3A_637] : memref<3x2x100xi32, #tpu.memory_space<vmem>> -> memref<1x1x100xi32, #tpu.memory_space<vmem>>
        %dma_wait3A_639 = tpu.memref_squeeze %dma_wait3A_638 : memref<1x1x100xi32, #tpu.memory_space<vmem>> -> memref<100xi32, #tpu.memory_space<vmem>>
        %dma_wait3A_640 = arith.constant 0 : i32
        %dma_wait3A_641 = arith.constant 0 : i32
        %dma_wait3A_642 = tpu.memref_slice %arg6[%dma_wait3A_640, %dma_wait3A_641] : memref<10240x128xf32, #tpu.memory_space<vmem_shared>> -> memref<10240x128xf32, #tpu.memory_space<vmem_shared>>
        tpu.wait_indirect_dma semaphore(%arg18 : memref<!tpu.dma_semaphore, #tpu.memory_space<semaphore_mem>>) src(%arg12 : memref<100x128xf32, #tpu.memory_space<vmem>>) dst(%dma_wait3A_642 : memref<10240x128xf32, #tpu.memory_space<vmem_shared>>)
      } else {
      }
      %ge3A_315 = arith.constant 1 : i32
      %ge3A_316 = arith.cmpi sge, %scan3A_293, %ge3A_315 : i32
      %convert_element_type3A_317 = arith.extui %ge3A_316 : i1 to i32
      %cond3A_318 = arith.constant 0 : i32
      %cond3A_319 = arith.cmpi ne, %convert_element_type3A_317, %cond3A_318 : i32
      scf.if %cond3A_319 {
        %dma_wait3A_635 = arith.constant 1 : i32
        %dma_wait3A_636 = arith.constant 0 : i32
        %dma_wait3A_637 = arith.constant 0 : i32
        %dma_wait3A_638 = tpu.memref_slice %arg8[%dma_wait3A_635, %dma_wait3A_636, %dma_wait3A_637] : memref<3x2x100xi32, #tpu.memory_space<vmem>> -> memref<1x2x100xi32, #tpu.memory_space<vmem>>
        %dma_wait3A_639 = tpu.memref_squeeze %dma_wait3A_638 : memref<1x2x100xi32, #tpu.memory_space<vmem>> -> memref<2x100xi32, #tpu.memory_space<vmem>>
        %dma_wait3A_640 = arith.constant 0 : i32
        %dma_wait3A_641 = tpu.memref_slice %arg3[%arg0, %mul3A_6, %dma_wait3A_640] : memref<2x3200x100xi32, #tpu.memory_space<hbm>> -> memref<1x2x100xi32, #tpu.memory_space<hbm>>
        %dma_wait3A_642 = tpu.memref_squeeze %dma_wait3A_641 : memref<1x2x100xi32, #tpu.memory_space<hbm>> -> memref<2x100xi32, #tpu.memory_space<hbm>>
        %dma_wait3A_643 = arith.constant 0 : i32
        %dma_wait3A_644 = arith.constant 0 : i32
        %dma_wait3A_645 = tpu.memref_slice %arg8[%dma_wait3A_635, %dma_wait3A_643, %dma_wait3A_644] : memref<3x2x100xi32, #tpu.memory_space<vmem>> -> memref<1x2x100xi32, #tpu.memory_space<vmem>>
        %dma_wait3A_646 = tpu.memref_squeeze %dma_wait3A_645 : memref<1x2x100xi32, #tpu.memory_space<vmem>> -> memref<2x100xi32, #tpu.memory_space<vmem>>
        %dma_wait3A_647 = arith.constant 0 : i32
        %dma_wait3A_648 = tpu.memref_slice %arg3[%arg0, %mul3A_6, %dma_wait3A_647] : memref<2x3200x100xi32, #tpu.memory_space<hbm>> -> memref<1x2x100xi32, #tpu.memory_space<hbm>>
        %dma_wait3A_649 = tpu.memref_squeeze %dma_wait3A_648 : memref<1x2x100xi32, #tpu.memory_space<hbm>> -> memref<2x100xi32, #tpu.memory_space<hbm>>
        tpu.wait_dma2 semaphore(%arg19 : memref<!tpu.dma_semaphore, #tpu.memory_space<semaphore_mem>>) src(%dma_wait3A_649 : memref<2x100xi32, #tpu.memory_space<hbm>>) dst(%dma_wait3A_646 : memref<2x100xi32, #tpu.memory_space<vmem>>)
        %dma_wait3A_650 = arith.constant 1 : i32
        %dma_wait3A_651 = arith.constant 0 : i32
        %dma_wait3A_652 = arith.constant 0 : i32
        %dma_wait3A_653 = tpu.memref_slice %arg9[%dma_wait3A_650, %dma_wait3A_651, %dma_wait3A_652] : memref<3x2x100xi32, #tpu.memory_space<vmem>> -> memref<1x2x100xi32, #tpu.memory_space<vmem>>
        %dma_wait3A_654 = tpu.memref_squeeze %dma_wait3A_653 : memref<1x2x100xi32, #tpu.memory_space<vmem>> -> memref<2x100xi32, #tpu.memory_space<vmem>>
        %dma_wait3A_655 = arith.constant 0 : i32
        %dma_wait3A_656 = tpu.memref_slice %arg4[%arg0, %mul3A_6, %dma_wait3A_655] : memref<2x3200x100xi32, #tpu.memory_space<hbm>> -> memref<1x2x100xi32, #tpu.memory_space<hbm>>
        %dma_wait3A_657 = tpu.memref_squeeze %dma_wait3A_656 : memref<1x2x100xi32, #tpu.memory_space<hbm>> -> memref<2x100xi32, #tpu.memory_space<hbm>>
        %dma_wait3A_658 = arith.constant 0 : i32
        %dma_wait3A_659 = arith.constant 0 : i32
        %dma_wait3A_660 = tpu.memref_slice %arg9[%dma_wait3A_650, %dma_wait3A_658, %dma_wait3A_659] : memref<3x2x100xi32, #tpu.memory_space<vmem>> -> memref<1x2x100xi32, #tpu.memory_space<vmem>>
        %dma_wait3A_661 = tpu.memref_squeeze %dma_wait3A_660 : memref<1x2x100xi32, #tpu.memory_space<vmem>> -> memref<2x100xi32, #tpu.memory_space<vmem>>
        %dma_wait3A_662 = arith.constant 0 : i32
        %dma_wait3A_663 = tpu.memref_slice %arg4[%arg0, %mul3A_6, %dma_wait3A_662] : memref<2x3200x100xi32, #tpu.memory_space<hbm>> -> memref<1x2x100xi32, #tpu.memory_space<hbm>>
        %dma_wait3A_664 = tpu.memref_squeeze %dma_wait3A_663 : memref<1x2x100xi32, #tpu.memory_space<hbm>> -> memref<2x100xi32, #tpu.memory_space<hbm>>
        tpu.wait_dma2 semaphore(%arg20 : memref<!tpu.dma_semaphore, #tpu.memory_space<semaphore_mem>>) src(%dma_wait3A_664 : memref<2x100xi32, #tpu.memory_space<hbm>>) dst(%dma_wait3A_661 : memref<2x100xi32, #tpu.memory_space<vmem>>)
      } else {
      }
      %mul3A_320 = arith.constant 3 : i32
      %mul3A_321 = arith.muli %scan3A_293, %mul3A_320 : i32
      %add3A_322 = arith.constant 0 : i32
      %add3A_323 = arith.addi %mul3A_321, %add3A_322 : i32
      %add3A_324 = arith.constant 2 : i32
      %add3A_325 = arith.addi %add3A_323, %add3A_324 : i32
      %mul3A_326 = arith.constant 2 : i32
      %mul3A_327 = arith.muli %add3A_325, %mul3A_326 : i32
      %add3A_328 = arith.addi %mul3A_6, %mul3A_327 : i32
      %dma_start3A_329 = arith.constant 2 : i32
      %dma_start3A_330 = arith.constant 0 : i32
      %dma_start3A_331 = arith.constant 0 : i32
      %dma_start3A_332 = tpu.memref_slice %arg8[%dma_start3A_329, %dma_start3A_330, %dma_start3A_331] : memref<3x2x100xi32, #tpu.memory_space<vmem>> -> memref<1x2x100xi32, #tpu.memory_space<vmem>>
      %dma_start3A_333 = tpu.memref_squeeze %dma_start3A_332 : memref<1x2x100xi32, #tpu.memory_space<vmem>> -> memref<2x100xi32, #tpu.memory_space<vmem>>
      %dma_start3A_334 = arith.constant 0 : i32
      %dma_start3A_335 = tpu.memref_slice %arg3[%arg0, %add3A_328, %dma_start3A_334] : memref<2x3200x100xi32, #tpu.memory_space<hbm>> -> memref<1x2x100xi32, #tpu.memory_space<hbm>>
      %dma_start3A_336 = tpu.memref_squeeze %dma_start3A_335 : memref<1x2x100xi32, #tpu.memory_space<hbm>> -> memref<2x100xi32, #tpu.memory_space<hbm>>
      %dma_start3A_337 = arith.constant 0 : i32
      %dma_start3A_338 = arith.constant 0 : i32
      %dma_start3A_339 = tpu.memref_slice %arg8[%dma_start3A_329, %dma_start3A_337, %dma_start3A_338] : memref<3x2x100xi32, #tpu.memory_space<vmem>> -> memref<1x2x100xi32, #tpu.memory_space<vmem>>
      %dma_start3A_340 = tpu.memref_squeeze %dma_start3A_339 : memref<1x2x100xi32, #tpu.memory_space<vmem>> -> memref<2x100xi32, #tpu.memory_space<vmem>>
      %dma_start3A_341 = arith.constant 0 : i32
      %dma_start3A_342 = tpu.memref_slice %arg3[%arg0, %add3A_328, %dma_start3A_341] : memref<2x3200x100xi32, #tpu.memory_space<hbm>> -> memref<1x2x100xi32, #tpu.memory_space<hbm>>
      %dma_start3A_343 = tpu.memref_squeeze %dma_start3A_342 : memref<1x2x100xi32, #tpu.memory_space<hbm>> -> memref<2x100xi32, #tpu.memory_space<hbm>>
      tpu.enqueue_dma source(%dma_start3A_343 : memref<2x100xi32, #tpu.memory_space<hbm>>) target(%dma_start3A_340 : memref<2x100xi32, #tpu.memory_space<vmem>>) target_semaphore(%arg19 : memref<!tpu.dma_semaphore, #tpu.memory_space<semaphore_mem>>)
      %dma_start3A_344 = arith.constant 2 : i32
      %dma_start3A_345 = arith.constant 0 : i32
      %dma_start3A_346 = arith.constant 0 : i32
      %dma_start3A_347 = tpu.memref_slice %arg9[%dma_start3A_344, %dma_start3A_345, %dma_start3A_346] : memref<3x2x100xi32, #tpu.memory_space<vmem>> -> memref<1x2x100xi32, #tpu.memory_space<vmem>>
      %dma_start3A_348 = tpu.memref_squeeze %dma_start3A_347 : memref<1x2x100xi32, #tpu.memory_space<vmem>> -> memref<2x100xi32, #tpu.memory_space<vmem>>
      %dma_start3A_349 = arith.constant 0 : i32
      %dma_start3A_350 = tpu.memref_slice %arg4[%arg0, %add3A_328, %dma_start3A_349] : memref<2x3200x100xi32, #tpu.memory_space<hbm>> -> memref<1x2x100xi32, #tpu.memory_space<hbm>>
      %dma_start3A_351 = tpu.memref_squeeze %dma_start3A_350 : memref<1x2x100xi32, #tpu.memory_space<hbm>> -> memref<2x100xi32, #tpu.memory_space<hbm>>
      %dma_start3A_352 = arith.constant 0 : i32
      %dma_start3A_353 = arith.constant 0 : i32
      %dma_start3A_354 = tpu.memref_slice %arg9[%dma_start3A_344, %dma_start3A_352, %dma_start3A_353] : memref<3x2x100xi32, #tpu.memory_space<vmem>> -> memref<1x2x100xi32, #tpu.memory_space<vmem>>
      %dma_start3A_355 = tpu.memref_squeeze %dma_start3A_354 : memref<1x2x100xi32, #tpu.memory_space<vmem>> -> memref<2x100xi32, #tpu.memory_space<vmem>>
      %dma_start3A_356 = arith.constant 0 : i32
      %dma_start3A_357 = tpu.memref_slice %arg4[%arg0, %add3A_328, %dma_start3A_356] : memref<2x3200x100xi32, #tpu.memory_space<hbm>> -> memref<1x2x100xi32, #tpu.memory_space<hbm>>
      %dma_start3A_358 = tpu.memref_squeeze %dma_start3A_357 : memref<1x2x100xi32, #tpu.memory_space<hbm>> -> memref<2x100xi32, #tpu.memory_space<hbm>>
      tpu.enqueue_dma source(%dma_start3A_358 : memref<2x100xi32, #tpu.memory_space<hbm>>) target(%dma_start3A_355 : memref<2x100xi32, #tpu.memory_space<vmem>>) target_semaphore(%arg20 : memref<!tpu.dma_semaphore, #tpu.memory_space<semaphore_mem>>)
      %dma_start3A_359 = arith.constant 1 : i32
      %dma_start3A_360 = arith.constant 0 : i32
      %dma_start3A_361 = arith.constant 0 : i32
      %dma_start3A_362 = tpu.memref_slice %arg8[%dma_start3A_359, %dma_start3A_360, %dma_start3A_361] : memref<3x2x100xi32, #tpu.memory_space<vmem>> -> memref<1x1x100xi32, #tpu.memory_space<vmem>>
      %dma_start3A_363 = tpu.memref_squeeze %dma_start3A_362 : memref<1x1x100xi32, #tpu.memory_space<vmem>> -> memref<100xi32, #tpu.memory_space<vmem>>
      %dma_start3A_364 = arith.constant 0 : i32
      %dma_start3A_365 = arith.constant 0 : i32
      %dma_start3A_366 = tpu.memref_slice %arg2[%dma_start3A_364, %dma_start3A_365] : memref<10000x128xf32, #tpu.memory_space<hbm>> -> memref<10000x128xf32, #tpu.memory_space<hbm>>
      tpu.enqueue_indirect_dma source(%dma_start3A_366 : memref<10000x128xf32, #tpu.memory_space<hbm>>) target(%arg12 : memref<100x128xf32, #tpu.memory_space<vmem>>) offsets(%dma_start3A_363 : memref<100xi32, #tpu.memory_space<vmem>>) semaphore(%arg15 : memref<!tpu.dma_semaphore, #tpu.memory_space<semaphore_mem>>)
      %dma_wait3A_367 = arith.constant 0 : i32
      %dma_wait3A_368 = arith.constant 1 : i32
      %dma_wait3A_369 = arith.constant 0 : i32
      %dma_wait3A_370 = tpu.memref_slice %arg8[%dma_wait3A_367, %dma_wait3A_368, %dma_wait3A_369] : memref<3x2x100xi32, #tpu.memory_space<vmem>> -> memref<1x1x100xi32, #tpu.memory_space<vmem>>
      %dma_wait3A_371 = tpu.memref_squeeze %dma_wait3A_370 : memref<1x1x100xi32, #tpu.memory_space<vmem>> -> memref<100xi32, #tpu.memory_space<vmem>>
      %dma_wait3A_372 = arith.constant 0 : i32
      %dma_wait3A_373 = arith.constant 0 : i32
      %dma_wait3A_374 = tpu.memref_slice %arg2[%dma_wait3A_372, %dma_wait3A_373] : memref<10000x128xf32, #tpu.memory_space<hbm>> -> memref<10000x128xf32, #tpu.memory_space<hbm>>
      tpu.wait_indirect_dma semaphore(%arg14 : memref<!tpu.dma_semaphore, #tpu.memory_space<semaphore_mem>>) src(%dma_wait3A_374 : memref<10000x128xf32, #tpu.memory_space<hbm>>) dst(%arg11 : memref<100x128xf32, #tpu.memory_space<vmem>>)
      %dma_start3A_375 = arith.constant 0 : i32
      %dma_start3A_376 = arith.constant 1 : i32
      %dma_start3A_377 = arith.constant 0 : i32
      %dma_start3A_378 = tpu.memref_slice %arg9[%dma_start3A_375, %dma_start3A_376, %dma_start3A_377] : memref<3x2x100xi32, #tpu.memory_space<vmem>> -> memref<1x1x100xi32, #tpu.memory_space<vmem>>
      %dma_start3A_379 = tpu.memref_squeeze %dma_start3A_378 : memref<1x1x100xi32, #tpu.memory_space<vmem>> -> memref<100xi32, #tpu.memory_space<vmem>>
      %dma_start3A_380 = arith.constant 0 : i32
      %dma_start3A_381 = arith.constant 0 : i32
      %dma_start3A_382 = tpu.memref_slice %arg6[%dma_start3A_380, %dma_start3A_381] : memref<10240x128xf32, #tpu.memory_space<vmem_shared>> -> memref<10240x128xf32, #tpu.memory_space<vmem_shared>>
      tpu.enqueue_indirect_dma source(%arg11 : memref<100x128xf32, #tpu.memory_space<vmem>>) target(%dma_start3A_382 : memref<10240x128xf32, #tpu.memory_space<vmem_shared>>) offsets(%dma_start3A_379 : memref<100xi32, #tpu.memory_space<vmem>>) semaphore(%arg17 : memref<!tpu.dma_semaphore, #tpu.memory_space<semaphore_mem>>) {add = true}
      %dma_wait3A_383 = arith.constant 0 : i32
      %dma_wait3A_384 = arith.constant 0 : i32
      %dma_wait3A_385 = arith.constant 0 : i32
      %dma_wait3A_386 = tpu.memref_slice %arg9[%dma_wait3A_383, %dma_wait3A_384, %dma_wait3A_385] : memref<3x2x100xi32, #tpu.memory_space<vmem>> -> memref<1x1x100xi32, #tpu.memory_space<vmem>>
      %dma_wait3A_387 = tpu.memref_squeeze %dma_wait3A_386 : memref<1x1x100xi32, #tpu.memory_space<vmem>> -> memref<100xi32, #tpu.memory_space<vmem>>
      %dma_wait3A_388 = arith.constant 0 : i32
      %dma_wait3A_389 = arith.constant 0 : i32
      %dma_wait3A_390 = tpu.memref_slice %arg6[%dma_wait3A_388, %dma_wait3A_389] : memref<10240x128xf32, #tpu.memory_space<vmem_shared>> -> memref<10240x128xf32, #tpu.memory_space<vmem_shared>>
      tpu.wait_indirect_dma semaphore(%arg16 : memref<!tpu.dma_semaphore, #tpu.memory_space<semaphore_mem>>) src(%arg10 : memref<100x128xf32, #tpu.memory_space<vmem>>) dst(%dma_wait3A_390 : memref<10240x128xf32, #tpu.memory_space<vmem_shared>>)
      %dma_start3A_391 = arith.constant 1 : i32
      %dma_start3A_392 = arith.constant 1 : i32
      %dma_start3A_393 = arith.constant 0 : i32
      %dma_start3A_394 = tpu.memref_slice %arg8[%dma_start3A_391, %dma_start3A_392, %dma_start3A_393] : memref<3x2x100xi32, #tpu.memory_space<vmem>> -> memref<1x1x100xi32, #tpu.memory_space<vmem>>
      %dma_start3A_395 = tpu.memref_squeeze %dma_start3A_394 : memref<1x1x100xi32, #tpu.memory_space<vmem>> -> memref<100xi32, #tpu.memory_space<vmem>>
      %dma_start3A_396 = arith.constant 0 : i32
      %dma_start3A_397 = arith.constant 0 : i32
      %dma_start3A_398 = tpu.memref_slice %arg2[%dma_start3A_396, %dma_start3A_397] : memref<10000x128xf32, #tpu.memory_space<hbm>> -> memref<10000x128xf32, #tpu.memory_space<hbm>>
      tpu.enqueue_indirect_dma source(%dma_start3A_398 : memref<10000x128xf32, #tpu.memory_space<hbm>>) target(%arg10 : memref<100x128xf32, #tpu.memory_space<vmem>>) offsets(%dma_start3A_395 : memref<100xi32, #tpu.memory_space<vmem>>) semaphore(%arg13 : memref<!tpu.dma_semaphore, #tpu.memory_space<semaphore_mem>>)
      %dma_wait3A_399 = arith.constant 1 : i32
      %dma_wait3A_400 = arith.constant 0 : i32
      %dma_wait3A_401 = arith.constant 0 : i32
      %dma_wait3A_402 = tpu.memref_slice %arg8[%dma_wait3A_399, %dma_wait3A_400, %dma_wait3A_401] : memref<3x2x100xi32, #tpu.memory_space<vmem>> -> memref<1x1x100xi32, #tpu.memory_space<vmem>>
      %dma_wait3A_403 = tpu.memref_squeeze %dma_wait3A_402 : memref<1x1x100xi32, #tpu.memory_space<vmem>> -> memref<100xi32, #tpu.memory_space<vmem>>
      %dma_wait3A_404 = arith.constant 0 : i32
      %dma_wait3A_405 = arith.constant 0 : i32
      %dma_wait3A_406 = tpu.memref_slice %arg2[%dma_wait3A_404, %dma_wait3A_405] : memref<10000x128xf32, #tpu.memory_space<hbm>> -> memref<10000x128xf32, #tpu.memory_space<hbm>>
      tpu.wait_indirect_dma semaphore(%arg15 : memref<!tpu.dma_semaphore, #tpu.memory_space<semaphore_mem>>) src(%dma_wait3A_406 : memref<10000x128xf32, #tpu.memory_space<hbm>>) dst(%arg12 : memref<100x128xf32, #tpu.memory_space<vmem>>)
      %dma_start3A_407 = arith.constant 1 : i32
      %dma_start3A_408 = arith.constant 0 : i32
      %dma_start3A_409 = arith.constant 0 : i32
      %dma_start3A_410 = tpu.memref_slice %arg9[%dma_start3A_407, %dma_start3A_408, %dma_start3A_409] : memref<3x2x100xi32, #tpu.memory_space<vmem>> -> memref<1x1x100xi32, #tpu.memory_space<vmem>>
      %dma_start3A_411 = tpu.memref_squeeze %dma_start3A_410 : memref<1x1x100xi32, #tpu.memory_space<vmem>> -> memref<100xi32, #tpu.memory_space<vmem>>
      %dma_start3A_412 = arith.constant 0 : i32
      %dma_start3A_413 = arith.constant 0 : i32
      %dma_start3A_414 = tpu.memref_slice %arg6[%dma_start3A_412, %dma_start3A_413] : memref<10240x128xf32, #tpu.memory_space<vmem_shared>> -> memref<10240x128xf32, #tpu.memory_space<vmem_shared>>
      tpu.enqueue_indirect_dma source(%arg12 : memref<100x128xf32, #tpu.memory_space<vmem>>) target(%dma_start3A_414 : memref<10240x128xf32, #tpu.memory_space<vmem_shared>>) offsets(%dma_start3A_411 : memref<100xi32, #tpu.memory_space<vmem>>) semaphore(%arg18 : memref<!tpu.dma_semaphore, #tpu.memory_space<semaphore_mem>>) {add = true}
      %dma_wait3A_415 = arith.constant 0 : i32
      %dma_wait3A_416 = arith.constant 0 : i32
      %dma_wait3A_417 = arith.constant 0 : i32
      %dma_wait3A_418 = tpu.memref_slice %arg9[%dma_wait3A_415, %dma_wait3A_416, %dma_wait3A_417] : memref<3x2x100xi32, #tpu.memory_space<vmem>> -> memref<1x1x100xi32, #tpu.memory_space<vmem>>
      %dma_wait3A_419 = tpu.memref_squeeze %dma_wait3A_418 : memref<1x1x100xi32, #tpu.memory_space<vmem>> -> memref<100xi32, #tpu.memory_space<vmem>>
      %dma_wait3A_420 = arith.constant 0 : i32
      %dma_wait3A_421 = arith.constant 0 : i32
      %dma_wait3A_422 = tpu.memref_slice %arg6[%dma_wait3A_420, %dma_wait3A_421] : memref<10240x128xf32, #tpu.memory_space<vmem_shared>> -> memref<10240x128xf32, #tpu.memory_space<vmem_shared>>
      tpu.wait_indirect_dma semaphore(%arg17 : memref<!tpu.dma_semaphore, #tpu.memory_space<semaphore_mem>>) src(%arg11 : memref<100x128xf32, #tpu.memory_space<vmem>>) dst(%dma_wait3A_422 : memref<10240x128xf32, #tpu.memory_space<vmem_shared>>)
      %dma_wait3A_423 = arith.constant 2 : i32
      %dma_wait3A_424 = arith.constant 0 : i32
      %dma_wait3A_425 = arith.constant 0 : i32
      %dma_wait3A_426 = tpu.memref_slice %arg8[%dma_wait3A_423, %dma_wait3A_424, %dma_wait3A_425] : memref<3x2x100xi32, #tpu.memory_space<vmem>> -> memref<1x2x100xi32, #tpu.memory_space<vmem>>
      %dma_wait3A_427 = tpu.memref_squeeze %dma_wait3A_426 : memref<1x2x100xi32, #tpu.memory_space<vmem>> -> memref<2x100xi32, #tpu.memory_space<vmem>>
      %dma_wait3A_428 = arith.constant 0 : i32
      %dma_wait3A_429 = tpu.memref_slice %arg3[%arg0, %mul3A_6, %dma_wait3A_428] : memref<2x3200x100xi32, #tpu.memory_space<hbm>> -> memref<1x2x100xi32, #tpu.memory_space<hbm>>
      %dma_wait3A_430 = tpu.memref_squeeze %dma_wait3A_429 : memref<1x2x100xi32, #tpu.memory_space<hbm>> -> memref<2x100xi32, #tpu.memory_space<hbm>>
      %dma_wait3A_431 = arith.constant 0 : i32
      %dma_wait3A_432 = arith.constant 0 : i32
      %dma_wait3A_433 = tpu.memref_slice %arg8[%dma_wait3A_423, %dma_wait3A_431, %dma_wait3A_432] : memref<3x2x100xi32, #tpu.memory_space<vmem>> -> memref<1x2x100xi32, #tpu.memory_space<vmem>>
      %dma_wait3A_434 = tpu.memref_squeeze %dma_wait3A_433 : memref<1x2x100xi32, #tpu.memory_space<vmem>> -> memref<2x100xi32, #tpu.memory_space<vmem>>
      %dma_wait3A_435 = arith.constant 0 : i32
      %dma_wait3A_436 = tpu.memref_slice %arg3[%arg0, %mul3A_6, %dma_wait3A_435] : memref<2x3200x100xi32, #tpu.memory_space<hbm>> -> memref<1x2x100xi32, #tpu.memory_space<hbm>>
      %dma_wait3A_437 = tpu.memref_squeeze %dma_wait3A_436 : memref<1x2x100xi32, #tpu.memory_space<hbm>> -> memref<2x100xi32, #tpu.memory_space<hbm>>
      tpu.wait_dma2 semaphore(%arg19 : memref<!tpu.dma_semaphore, #tpu.memory_space<semaphore_mem>>) src(%dma_wait3A_437 : memref<2x100xi32, #tpu.memory_space<hbm>>) dst(%dma_wait3A_434 : memref<2x100xi32, #tpu.memory_space<vmem>>)
      %dma_wait3A_438 = arith.constant 2 : i32
      %dma_wait3A_439 = arith.constant 0 : i32
      %dma_wait3A_440 = arith.constant 0 : i32
      %dma_wait3A_441 = tpu.memref_slice %arg9[%dma_wait3A_438, %dma_wait3A_439, %dma_wait3A_440] : memref<3x2x100xi32, #tpu.memory_space<vmem>> -> memref<1x2x100xi32, #tpu.memory_space<vmem>>
      %dma_wait3A_442 = tpu.memref_squeeze %dma_wait3A_441 : memref<1x2x100xi32, #tpu.memory_space<vmem>> -> memref<2x100xi32, #tpu.memory_space<vmem>>
      %dma_wait3A_443 = arith.constant 0 : i32
      %dma_wait3A_444 = tpu.memref_slice %arg4[%arg0, %mul3A_6, %dma_wait3A_443] : memref<2x3200x100xi32, #tpu.memory_space<hbm>> -> memref<1x2x100xi32, #tpu.memory_space<hbm>>
      %dma_wait3A_445 = tpu.memref_squeeze %dma_wait3A_444 : memref<1x2x100xi32, #tpu.memory_space<hbm>> -> memref<2x100xi32, #tpu.memory_space<hbm>>
      %dma_wait3A_446 = arith.constant 0 : i32
      %dma_wait3A_447 = arith.constant 0 : i32
      %dma_wait3A_448 = tpu.memref_slice %arg9[%dma_wait3A_438, %dma_wait3A_446, %dma_wait3A_447] : memref<3x2x100xi32, #tpu.memory_space<vmem>> -> memref<1x2x100xi32, #tpu.memory_space<vmem>>
      %dma_wait3A_449 = tpu.memref_squeeze %dma_wait3A_448 : memref<1x2x100xi32, #tpu.memory_space<vmem>> -> memref<2x100xi32, #tpu.memory_space<vmem>>
      %dma_wait3A_450 = arith.constant 0 : i32
      %dma_wait3A_451 = tpu.memref_slice %arg4[%arg0, %mul3A_6, %dma_wait3A_450] : memref<2x3200x100xi32, #tpu.memory_space<hbm>> -> memref<1x2x100xi32, #tpu.memory_space<hbm>>
      %dma_wait3A_452 = tpu.memref_squeeze %dma_wait3A_451 : memref<1x2x100xi32, #tpu.memory_space<hbm>> -> memref<2x100xi32, #tpu.memory_space<hbm>>
      tpu.wait_dma2 semaphore(%arg20 : memref<!tpu.dma_semaphore, #tpu.memory_space<semaphore_mem>>) src(%dma_wait3A_452 : memref<2x100xi32, #tpu.memory_space<hbm>>) dst(%dma_wait3A_449 : memref<2x100xi32, #tpu.memory_space<vmem>>)
      %mul3A_453 = arith.constant 3 : i32
      %mul3A_454 = arith.muli %scan3A_293, %mul3A_453 : i32
      %add3A_455 = arith.constant 1 : i32
      %add3A_456 = arith.addi %mul3A_454, %add3A_455 : i32
      %add3A_457 = arith.constant 2 : i32
      %add3A_458 = arith.addi %add3A_456, %add3A_457 : i32
      %mul3A_459 = arith.constant 2 : i32
      %mul3A_460 = arith.muli %add3A_458, %mul3A_459 : i32
      %add3A_461 = arith.addi %mul3A_6, %mul3A_460 : i32
      %dma_start3A_462 = arith.constant 0 : i32
      %dma_start3A_463 = arith.constant 0 : i32
      %dma_start3A_464 = arith.constant 0 : i32
      %dma_start3A_465 = tpu.memref_slice %arg8[%dma_start3A_462, %dma_start3A_463, %dma_start3A_464] : memref<3x2x100xi32, #tpu.memory_space<vmem>> -> memref<1x2x100xi32, #tpu.memory_space<vmem>>
      %dma_start3A_466 = tpu.memref_squeeze %dma_start3A_465 : memref<1x2x100xi32, #tpu.memory_space<vmem>> -> memref<2x100xi32, #tpu.memory_space<vmem>>
      %dma_start3A_467 = arith.constant 0 : i32
      %dma_start3A_468 = tpu.memref_slice %arg3[%arg0, %add3A_461, %dma_start3A_467] : memref<2x3200x100xi32, #tpu.memory_space<hbm>> -> memref<1x2x100xi32, #tpu.memory_space<hbm>>
      %dma_start3A_469 = tpu.memref_squeeze %dma_start3A_468 : memref<1x2x100xi32, #tpu.memory_space<hbm>> -> memref<2x100xi32, #tpu.memory_space<hbm>>
      %dma_start3A_470 = arith.constant 0 : i32
      %dma_start3A_471 = arith.constant 0 : i32
      %dma_start3A_472 = tpu.memref_slice %arg8[%dma_start3A_462, %dma_start3A_470, %dma_start3A_471] : memref<3x2x100xi32, #tpu.memory_space<vmem>> -> memref<1x2x100xi32, #tpu.memory_space<vmem>>
      %dma_start3A_473 = tpu.memref_squeeze %dma_start3A_472 : memref<1x2x100xi32, #tpu.memory_space<vmem>> -> memref<2x100xi32, #tpu.memory_space<vmem>>
      %dma_start3A_474 = arith.constant 0 : i32
      %dma_start3A_475 = tpu.memref_slice %arg3[%arg0, %add3A_461, %dma_start3A_474] : memref<2x3200x100xi32, #tpu.memory_space<hbm>> -> memref<1x2x100xi32, #tpu.memory_space<hbm>>
      %dma_start3A_476 = tpu.memref_squeeze %dma_start3A_475 : memref<1x2x100xi32, #tpu.memory_space<hbm>> -> memref<2x100xi32, #tpu.memory_space<hbm>>
      tpu.enqueue_dma source(%dma_start3A_476 : memref<2x100xi32, #tpu.memory_space<hbm>>) target(%dma_start3A_473 : memref<2x100xi32, #tpu.memory_space<vmem>>) target_semaphore(%arg19 : memref<!tpu.dma_semaphore, #tpu.memory_space<semaphore_mem>>)
      %dma_start3A_477 = arith.constant 0 : i32
      %dma_start3A_478 = arith.constant 0 : i32
      %dma_start3A_479 = arith.constant 0 : i32
      %dma_start3A_480 = tpu.memref_slice %arg9[%dma_start3A_477, %dma_start3A_478, %dma_start3A_479] : memref<3x2x100xi32, #tpu.memory_space<vmem>> -> memref<1x2x100xi32, #tpu.memory_space<vmem>>
      %dma_start3A_481 = tpu.memref_squeeze %dma_start3A_480 : memref<1x2x100xi32, #tpu.memory_space<vmem>> -> memref<2x100xi32, #tpu.memory_space<vmem>>
      %dma_start3A_482 = arith.constant 0 : i32
      %dma_start3A_483 = tpu.memref_slice %arg4[%arg0, %add3A_461, %dma_start3A_482] : memref<2x3200x100xi32, #tpu.memory_space<hbm>> -> memref<1x2x100xi32, #tpu.memory_space<hbm>>
      %dma_start3A_484 = tpu.memref_squeeze %dma_start3A_483 : memref<1x2x100xi32, #tpu.memory_space<hbm>> -> memref<2x100xi32, #tpu.memory_space<hbm>>
      %dma_start3A_485 = arith.constant 0 : i32
      %dma_start3A_486 = arith.constant 0 : i32
      %dma_start3A_487 = tpu.memref_slice %arg9[%dma_start3A_477, %dma_start3A_485, %dma_start3A_486] : memref<3x2x100xi32, #tpu.memory_space<vmem>> -> memref<1x2x100xi32, #tpu.memory_space<vmem>>
      %dma_start3A_488 = tpu.memref_squeeze %dma_start3A_487 : memref<1x2x100xi32, #tpu.memory_space<vmem>> -> memref<2x100xi32, #tpu.memory_space<vmem>>
      %dma_start3A_489 = arith.constant 0 : i32
      %dma_start3A_490 = tpu.memref_slice %arg4[%arg0, %add3A_461, %dma_start3A_489] : memref<2x3200x100xi32, #tpu.memory_space<hbm>> -> memref<1x2x100xi32, #tpu.memory_space<hbm>>
      %dma_start3A_491 = tpu.memref_squeeze %dma_start3A_490 : memref<1x2x100xi32, #tpu.memory_space<hbm>> -> memref<2x100xi32, #tpu.memory_space<hbm>>
      tpu.enqueue_dma source(%dma_start3A_491 : memref<2x100xi32, #tpu.memory_space<hbm>>) target(%dma_start3A_488 : memref<2x100xi32, #tpu.memory_space<vmem>>) target_semaphore(%arg20 : memref<!tpu.dma_semaphore, #tpu.memory_space<semaphore_mem>>)
      %dma_start3A_492 = arith.constant 2 : i32
      %dma_start3A_493 = arith.constant 0 : i32
      %dma_start3A_494 = arith.constant 0 : i32
      %dma_start3A_495 = tpu.memref_slice %arg8[%dma_start3A_492, %dma_start3A_493, %dma_start3A_494] : memref<3x2x100xi32, #tpu.memory_space<vmem>> -> memref<1x1x100xi32, #tpu.memory_space<vmem>>
      %dma_start3A_496 = tpu.memref_squeeze %dma_start3A_495 : memref<1x1x100xi32, #tpu.memory_space<vmem>> -> memref<100xi32, #tpu.memory_space<vmem>>
      %dma_start3A_497 = arith.constant 0 : i32
      %dma_start3A_498 = arith.constant 0 : i32
      %dma_start3A_499 = tpu.memref_slice %arg2[%dma_start3A_497, %dma_start3A_498] : memref<10000x128xf32, #tpu.memory_space<hbm>> -> memref<10000x128xf32, #tpu.memory_space<hbm>>
      tpu.enqueue_indirect_dma source(%dma_start3A_499 : memref<10000x128xf32, #tpu.memory_space<hbm>>) target(%arg11 : memref<100x128xf32, #tpu.memory_space<vmem>>) offsets(%dma_start3A_496 : memref<100xi32, #tpu.memory_space<vmem>>) semaphore(%arg14 : memref<!tpu.dma_semaphore, #tpu.memory_space<semaphore_mem>>)
      %dma_wait3A_500 = arith.constant 1 : i32
      %dma_wait3A_501 = arith.constant 1 : i32
      %dma_wait3A_502 = arith.constant 0 : i32
      %dma_wait3A_503 = tpu.memref_slice %arg8[%dma_wait3A_500, %dma_wait3A_501, %dma_wait3A_502] : memref<3x2x100xi32, #tpu.memory_space<vmem>> -> memref<1x1x100xi32, #tpu.memory_space<vmem>>
      %dma_wait3A_504 = tpu.memref_squeeze %dma_wait3A_503 : memref<1x1x100xi32, #tpu.memory_space<vmem>> -> memref<100xi32, #tpu.memory_space<vmem>>
      %dma_wait3A_505 = arith.constant 0 : i32
      %dma_wait3A_506 = arith.constant 0 : i32
      %dma_wait3A_507 = tpu.memref_slice %arg2[%dma_wait3A_505, %dma_wait3A_506] : memref<10000x128xf32, #tpu.memory_space<hbm>> -> memref<10000x128xf32, #tpu.memory_space<hbm>>
      tpu.wait_indirect_dma semaphore(%arg13 : memref<!tpu.dma_semaphore, #tpu.memory_space<semaphore_mem>>) src(%dma_wait3A_507 : memref<10000x128xf32, #tpu.memory_space<hbm>>) dst(%arg10 : memref<100x128xf32, #tpu.memory_space<vmem>>)
      %dma_start3A_508 = arith.constant 1 : i32
      %dma_start3A_509 = arith.constant 1 : i32
      %dma_start3A_510 = arith.constant 0 : i32
      %dma_start3A_511 = tpu.memref_slice %arg9[%dma_start3A_508, %dma_start3A_509, %dma_start3A_510] : memref<3x2x100xi32, #tpu.memory_space<vmem>> -> memref<1x1x100xi32, #tpu.memory_space<vmem>>
      %dma_start3A_512 = tpu.memref_squeeze %dma_start3A_511 : memref<1x1x100xi32, #tpu.memory_space<vmem>> -> memref<100xi32, #tpu.memory_space<vmem>>
      %dma_start3A_513 = arith.constant 0 : i32
      %dma_start3A_514 = arith.constant 0 : i32
      %dma_start3A_515 = tpu.memref_slice %arg6[%dma_start3A_513, %dma_start3A_514] : memref<10240x128xf32, #tpu.memory_space<vmem_shared>> -> memref<10240x128xf32, #tpu.memory_space<vmem_shared>>
      tpu.enqueue_indirect_dma source(%arg10 : memref<100x128xf32, #tpu.memory_space<vmem>>) target(%dma_start3A_515 : memref<10240x128xf32, #tpu.memory_space<vmem_shared>>) offsets(%dma_start3A_512 : memref<100xi32, #tpu.memory_space<vmem>>) semaphore(%arg16 : memref<!tpu.dma_semaphore, #tpu.memory_space<semaphore_mem>>) {add = true}
      %dma_wait3A_516 = arith.constant 0 : i32
      %dma_wait3A_517 = arith.constant 0 : i32
      %dma_wait3A_518 = arith.constant 0 : i32
      %dma_wait3A_519 = tpu.memref_slice %arg9[%dma_wait3A_516, %dma_wait3A_517, %dma_wait3A_518] : memref<3x2x100xi32, #tpu.memory_space<vmem>> -> memref<1x1x100xi32, #tpu.memory_space<vmem>>
      %dma_wait3A_520 = tpu.memref_squeeze %dma_wait3A_519 : memref<1x1x100xi32, #tpu.memory_space<vmem>> -> memref<100xi32, #tpu.memory_space<vmem>>
      %dma_wait3A_521 = arith.constant 0 : i32
      %dma_wait3A_522 = arith.constant 0 : i32
      %dma_wait3A_523 = tpu.memref_slice %arg6[%dma_wait3A_521, %dma_wait3A_522] : memref<10240x128xf32, #tpu.memory_space<vmem_shared>> -> memref<10240x128xf32, #tpu.memory_space<vmem_shared>>
      tpu.wait_indirect_dma semaphore(%arg18 : memref<!tpu.dma_semaphore, #tpu.memory_space<semaphore_mem>>) src(%arg12 : memref<100x128xf32, #tpu.memory_space<vmem>>) dst(%dma_wait3A_523 : memref<10240x128xf32, #tpu.memory_space<vmem_shared>>)
      %dma_start3A_524 = arith.constant 2 : i32
      %dma_start3A_525 = arith.constant 1 : i32
      %dma_start3A_526 = arith.constant 0 : i32
      %dma_start3A_527 = tpu.memref_slice %arg8[%dma_start3A_524, %dma_start3A_525, %dma_start3A_526] : memref<3x2x100xi32, #tpu.memory_space<vmem>> -> memref<1x1x100xi32, #tpu.memory_space<vmem>>
      %dma_start3A_528 = tpu.memref_squeeze %dma_start3A_527 : memref<1x1x100xi32, #tpu.memory_space<vmem>> -> memref<100xi32, #tpu.memory_space<vmem>>
      %dma_start3A_529 = arith.constant 0 : i32
      %dma_start3A_530 = arith.constant 0 : i32
      %dma_start3A_531 = tpu.memref_slice %arg2[%dma_start3A_529, %dma_start3A_530] : memref<10000x128xf32, #tpu.memory_space<hbm>> -> memref<10000x128xf32, #tpu.memory_space<hbm>>
      tpu.enqueue_indirect_dma source(%dma_start3A_531 : memref<10000x128xf32, #tpu.memory_space<hbm>>) target(%arg12 : memref<100x128xf32, #tpu.memory_space<vmem>>) offsets(%dma_start3A_528 : memref<100xi32, #tpu.memory_space<vmem>>) semaphore(%arg15 : memref<!tpu.dma_semaphore, #tpu.memory_space<semaphore_mem>>)
      %dma_wait3A_532 = arith.constant 2 : i32
      %dma_wait3A_533 = arith.constant 0 : i32
      %dma_wait3A_534 = arith.constant 0 : i32
      %dma_wait3A_535 = tpu.memref_slice %arg8[%dma_wait3A_532, %dma_wait3A_533, %dma_wait3A_534] : memref<3x2x100xi32, #tpu.memory_space<vmem>> -> memref<1x1x100xi32, #tpu.memory_space<vmem>>
      %dma_wait3A_536 = tpu.memref_squeeze %dma_wait3A_535 : memref<1x1x100xi32, #tpu.memory_space<vmem>> -> memref<100xi32, #tpu.memory_space<vmem>>
      %dma_wait3A_537 = arith.constant 0 : i32
      %dma_wait3A_538 = arith.constant 0 : i32
      %dma_wait3A_539 = tpu.memref_slice %arg2[%dma_wait3A_537, %dma_wait3A_538] : memref<10000x128xf32, #tpu.memory_space<hbm>> -> memref<10000x128xf32, #tpu.memory_space<hbm>>
      tpu.wait_indirect_dma semaphore(%arg14 : memref<!tpu.dma_semaphore, #tpu.memory_space<semaphore_mem>>) src(%dma_wait3A_539 : memref<10000x128xf32, #tpu.memory_space<hbm>>) dst(%arg11 : memref<100x128xf32, #tpu.memory_space<vmem>>)
      %dma_start3A_540 = arith.constant 2 : i32
      %dma_start3A_541 = arith.constant 0 : i32
      %dma_start3A_542 = arith.constant 0 : i32
      %dma_start3A_543 = tpu.memref_slice %arg9[%dma_start3A_540, %dma_start3A_541, %dma_start3A_542] : memref<3x2x100xi32, #tpu.memory_space<vmem>> -> memref<1x1x100xi32, #tpu.memory_space<vmem>>
      %dma_start3A_544 = tpu.memref_squeeze %dma_start3A_543 : memref<1x1x100xi32, #tpu.memory_space<vmem>> -> memref<100xi32, #tpu.memory_space<vmem>>
      %dma_start3A_545 = arith.constant 0 : i32
      %dma_start3A_546 = arith.constant 0 : i32
      %dma_start3A_547 = tpu.memref_slice %arg6[%dma_start3A_545, %dma_start3A_546] : memref<10240x128xf32, #tpu.memory_space<vmem_shared>> -> memref<10240x128xf32, #tpu.memory_space<vmem_shared>>
      tpu.enqueue_indirect_dma source(%arg11 : memref<100x128xf32, #tpu.memory_space<vmem>>) target(%dma_start3A_547 : memref<10240x128xf32, #tpu.memory_space<vmem_shared>>) offsets(%dma_start3A_544 : memref<100xi32, #tpu.memory_space<vmem>>) semaphore(%arg17 : memref<!tpu.dma_semaphore, #tpu.memory_space<semaphore_mem>>) {add = true}
      %dma_wait3A_548 = arith.constant 0 : i32
      %dma_wait3A_549 = arith.constant 0 : i32
      %dma_wait3A_550 = arith.constant 0 : i32
      %dma_wait3A_551 = tpu.memref_slice %arg9[%dma_wait3A_548, %dma_wait3A_549, %dma_wait3A_550] : memref<3x2x100xi32, #tpu.memory_space<vmem>> -> memref<1x1x100xi32, #tpu.memory_space<vmem>>
      %dma_wait3A_552 = tpu.memref_squeeze %dma_wait3A_551 : memref<1x1x100xi32, #tpu.memory_space<vmem>> -> memref<100xi32, #tpu.memory_space<vmem>>
      %dma_wait3A_553 = arith.constant 0 : i32
      %dma_wait3A_554 = arith.constant 0 : i32
      %dma_wait3A_555 = tpu.memref_slice %arg6[%dma_wait3A_553, %dma_wait3A_554] : memref<10240x128xf32, #tpu.memory_space<vmem_shared>> -> memref<10240x128xf32, #tpu.memory_space<vmem_shared>>
      tpu.wait_indirect_dma semaphore(%arg16 : memref<!tpu.dma_semaphore, #tpu.memory_space<semaphore_mem>>) src(%arg10 : memref<100x128xf32, #tpu.memory_space<vmem>>) dst(%dma_wait3A_555 : memref<10240x128xf32, #tpu.memory_space<vmem_shared>>)
      %dma_wait3A_556 = arith.constant 0 : i32
      %dma_wait3A_557 = arith.constant 0 : i32
      %dma_wait3A_558 = arith.constant 0 : i32
      %dma_wait3A_559 = tpu.memref_slice %arg8[%dma_wait3A_556, %dma_wait3A_557, %dma_wait3A_558] : memref<3x2x100xi32, #tpu.memory_space<vmem>> -> memref<1x2x100xi32, #tpu.memory_space<vmem>>
      %dma_wait3A_560 = tpu.memref_squeeze %dma_wait3A_559 : memref<1x2x100xi32, #tpu.memory_space<vmem>> -> memref<2x100xi32, #tpu.memory_space<vmem>>
      %dma_wait3A_561 = arith.constant 0 : i32
      %dma_wait3A_562 = tpu.memref_slice %arg3[%arg0, %mul3A_6, %dma_wait3A_561] : memref<2x3200x100xi32, #tpu.memory_space<hbm>> -> memref<1x2x100xi32, #tpu.memory_space<hbm>>
      %dma_wait3A_563 = tpu.memref_squeeze %dma_wait3A_562 : memref<1x2x100xi32, #tpu.memory_space<hbm>> -> memref<2x100xi32, #tpu.memory_space<hbm>>
      %dma_wait3A_564 = arith.constant 0 : i32
      %dma_wait3A_565 = arith.constant 0 : i32
      %dma_wait3A_566 = tpu.memref_slice %arg8[%dma_wait3A_556, %dma_wait3A_564, %dma_wait3A_565] : memref<3x2x100xi32, #tpu.memory_space<vmem>> -> memref<1x2x100xi32, #tpu.memory_space<vmem>>
      %dma_wait3A_567 = tpu.memref_squeeze %dma_wait3A_566 : memref<1x2x100xi32, #tpu.memory_space<vmem>> -> memref<2x100xi32, #tpu.memory_space<vmem>>
      %dma_wait3A_568 = arith.constant 0 : i32
      %dma_wait3A_569 = tpu.memref_slice %arg3[%arg0, %mul3A_6, %dma_wait3A_568] : memref<2x3200x100xi32, #tpu.memory_space<hbm>> -> memref<1x2x100xi32, #tpu.memory_space<hbm>>
      %dma_wait3A_570 = tpu.memref_squeeze %dma_wait3A_569 : memref<1x2x100xi32, #tpu.memory_space<hbm>> -> memref<2x100xi32, #tpu.memory_space<hbm>>
      tpu.wait_dma2 semaphore(%arg19 : memref<!tpu.dma_semaphore, #tpu.memory_space<semaphore_mem>>) src(%dma_wait3A_570 : memref<2x100xi32, #tpu.memory_space<hbm>>) dst(%dma_wait3A_567 : memref<2x100xi32, #tpu.memory_space<vmem>>)
      %dma_wait3A_571 = arith.constant 0 : i32
      %dma_wait3A_572 = arith.constant 0 : i32
      %dma_wait3A_573 = arith.constant 0 : i32
      %dma_wait3A_574 = tpu.memref_slice %arg9[%dma_wait3A_571, %dma_wait3A_572, %dma_wait3A_573] : memref<3x2x100xi32, #tpu.memory_space<vmem>> -> memref<1x2x100xi32, #tpu.memory_space<vmem>>
      %dma_wait3A_575 = tpu.memref_squeeze %dma_wait3A_574 : memref<1x2x100xi32, #tpu.memory_space<vmem>> -> memref<2x100xi32, #tpu.memory_space<vmem>>
      %dma_wait3A_576 = arith.constant 0 : i32
      %dma_wait3A_577 = tpu.memref_slice %arg4[%arg0, %mul3A_6, %dma_wait3A_576] : memref<2x3200x100xi32, #tpu.memory_space<hbm>> -> memref<1x2x100xi32, #tpu.memory_space<hbm>>
      %dma_wait3A_578 = tpu.memref_squeeze %dma_wait3A_577 : memref<1x2x100xi32, #tpu.memory_space<hbm>> -> memref<2x100xi32, #tpu.memory_space<hbm>>
      %dma_wait3A_579 = arith.constant 0 : i32
      %dma_wait3A_580 = arith.constant 0 : i32
      %dma_wait3A_581 = tpu.memref_slice %arg9[%dma_wait3A_571, %dma_wait3A_579, %dma_wait3A_580] : memref<3x2x100xi32, #tpu.memory_space<vmem>> -> memref<1x2x100xi32, #tpu.memory_space<vmem>>
      %dma_wait3A_582 = tpu.memref_squeeze %dma_wait3A_581 : memref<1x2x100xi32, #tpu.memory_space<vmem>> -> memref<2x100xi32, #tpu.memory_space<vmem>>
      %dma_wait3A_583 = arith.constant 0 : i32
      %dma_wait3A_584 = tpu.memref_slice %arg4[%arg0, %mul3A_6, %dma_wait3A_583] : memref<2x3200x100xi32, #tpu.memory_space<hbm>> -> memref<1x2x100xi32, #tpu.memory_space<hbm>>
      %dma_wait3A_585 = tpu.memref_squeeze %dma_wait3A_584 : memref<1x2x100xi32, #tpu.memory_space<hbm>> -> memref<2x100xi32, #tpu.memory_space<hbm>>
      tpu.wait_dma2 semaphore(%arg20 : memref<!tpu.dma_semaphore, #tpu.memory_space<semaphore_mem>>) src(%dma_wait3A_585 : memref<2x100xi32, #tpu.memory_space<hbm>>) dst(%dma_wait3A_582 : memref<2x100xi32, #tpu.memory_space<vmem>>)
      %mul3A_586 = arith.constant 3 : i32
      %mul3A_587 = arith.muli %scan3A_293, %mul3A_586 : i32
      %add3A_588 = arith.constant 2 : i32
      %add3A_589 = arith.addi %mul3A_587, %add3A_588 : i32
      %le3A = arith.constant 31 : i32
      %le3A_590 = arith.cmpi sle, %scan3A_293, %le3A : i32
      %convert_element_type3A_591 = arith.extui %le3A_590 : i1 to i32
      %cond3A_592 = arith.constant 0 : i32
      %cond3A_593 = arith.cmpi ne, %convert_element_type3A_591, %cond3A_592 : i32
      scf.if %cond3A_593 {
        %add3A_635 = arith.constant 2 : i32
        %add3A_636 = arith.addi %add3A_589, %add3A_635 : i32
        %mul3A_637 = arith.constant 2 : i32
        %mul3A_638 = arith.muli %add3A_636, %mul3A_637 : i32
        %add3A_639 = arith.addi %mul3A_6, %mul3A_638 : i32
        %dma_start3A_640 = arith.constant 1 : i32
        %dma_start3A_641 = arith.constant 0 : i32
        %dma_start3A_642 = arith.constant 0 : i32
        %dma_start3A_643 = tpu.memref_slice %arg8[%dma_start3A_640, %dma_start3A_641, %dma_start3A_642] : memref<3x2x100xi32, #tpu.memory_space<vmem>> -> memref<1x2x100xi32, #tpu.memory_space<vmem>>
        %dma_start3A_644 = tpu.memref_squeeze %dma_start3A_643 : memref<1x2x100xi32, #tpu.memory_space<vmem>> -> memref<2x100xi32, #tpu.memory_space<vmem>>
        %dma_start3A_645 = arith.constant 0 : i32
        %dma_start3A_646 = tpu.memref_slice %arg3[%arg0, %add3A_639, %dma_start3A_645] : memref<2x3200x100xi32, #tpu.memory_space<hbm>> -> memref<1x2x100xi32, #tpu.memory_space<hbm>>
        %dma_start3A_647 = tpu.memref_squeeze %dma_start3A_646 : memref<1x2x100xi32, #tpu.memory_space<hbm>> -> memref<2x100xi32, #tpu.memory_space<hbm>>
        %dma_start3A_648 = arith.constant 0 : i32
        %dma_start3A_649 = arith.constant 0 : i32
        %dma_start3A_650 = tpu.memref_slice %arg8[%dma_start3A_640, %dma_start3A_648, %dma_start3A_649] : memref<3x2x100xi32, #tpu.memory_space<vmem>> -> memref<1x2x100xi32, #tpu.memory_space<vmem>>
        %dma_start3A_651 = tpu.memref_squeeze %dma_start3A_650 : memref<1x2x100xi32, #tpu.memory_space<vmem>> -> memref<2x100xi32, #tpu.memory_space<vmem>>
        %dma_start3A_652 = arith.constant 0 : i32
        %dma_start3A_653 = tpu.memref_slice %arg3[%arg0, %add3A_639, %dma_start3A_652] : memref<2x3200x100xi32, #tpu.memory_space<hbm>> -> memref<1x2x100xi32, #tpu.memory_space<hbm>>
        %dma_start3A_654 = tpu.memref_squeeze %dma_start3A_653 : memref<1x2x100xi32, #tpu.memory_space<hbm>> -> memref<2x100xi32, #tpu.memory_space<hbm>>
        tpu.enqueue_dma source(%dma_start3A_654 : memref<2x100xi32, #tpu.memory_space<hbm>>) target(%dma_start3A_651 : memref<2x100xi32, #tpu.memory_space<vmem>>) target_semaphore(%arg19 : memref<!tpu.dma_semaphore, #tpu.memory_space<semaphore_mem>>)
        %dma_start3A_655 = arith.constant 1 : i32
        %dma_start3A_656 = arith.constant 0 : i32
        %dma_start3A_657 = arith.constant 0 : i32
        %dma_start3A_658 = tpu.memref_slice %arg9[%dma_start3A_655, %dma_start3A_656, %dma_start3A_657] : memref<3x2x100xi32, #tpu.memory_space<vmem>> -> memref<1x2x100xi32, #tpu.memory_space<vmem>>
        %dma_start3A_659 = tpu.memref_squeeze %dma_start3A_658 : memref<1x2x100xi32, #tpu.memory_space<vmem>> -> memref<2x100xi32, #tpu.memory_space<vmem>>
        %dma_start3A_660 = arith.constant 0 : i32
        %dma_start3A_661 = tpu.memref_slice %arg4[%arg0, %add3A_639, %dma_start3A_660] : memref<2x3200x100xi32, #tpu.memory_space<hbm>> -> memref<1x2x100xi32, #tpu.memory_space<hbm>>
        %dma_start3A_662 = tpu.memref_squeeze %dma_start3A_661 : memref<1x2x100xi32, #tpu.memory_space<hbm>> -> memref<2x100xi32, #tpu.memory_space<hbm>>
        %dma_start3A_663 = arith.constant 0 : i32
        %dma_start3A_664 = arith.constant 0 : i32
        %dma_start3A_665 = tpu.memref_slice %arg9[%dma_start3A_655, %dma_start3A_663, %dma_start3A_664] : memref<3x2x100xi32, #tpu.memory_space<vmem>> -> memref<1x2x100xi32, #tpu.memory_space<vmem>>
        %dma_start3A_666 = tpu.memref_squeeze %dma_start3A_665 : memref<1x2x100xi32, #tpu.memory_space<vmem>> -> memref<2x100xi32, #tpu.memory_space<vmem>>
        %dma_start3A_667 = arith.constant 0 : i32
        %dma_start3A_668 = tpu.memref_slice %arg4[%arg0, %add3A_639, %dma_start3A_667] : memref<2x3200x100xi32, #tpu.memory_space<hbm>> -> memref<1x2x100xi32, #tpu.memory_space<hbm>>
        %dma_start3A_669 = tpu.memref_squeeze %dma_start3A_668 : memref<1x2x100xi32, #tpu.memory_space<hbm>> -> memref<2x100xi32, #tpu.memory_space<hbm>>
        tpu.enqueue_dma source(%dma_start3A_669 : memref<2x100xi32, #tpu.memory_space<hbm>>) target(%dma_start3A_666 : memref<2x100xi32, #tpu.memory_space<vmem>>) target_semaphore(%arg20 : memref<!tpu.dma_semaphore, #tpu.memory_space<semaphore_mem>>)
      } else {
      }
      %dma_start3A_594 = arith.constant 0 : i32
      %dma_start3A_595 = arith.constant 0 : i32
      %dma_start3A_596 = arith.constant 0 : i32
      %dma_start3A_597 = tpu.memref_slice %arg8[%dma_start3A_594, %dma_start3A_595, %dma_start3A_596] : memref<3x2x100xi32, #tpu.memory_space<vmem>> -> memref<1x1x100xi32, #tpu.memory_space<vmem>>
      %dma_start3A_598 = tpu.memref_squeeze %dma_start3A_597 : memref<1x1x100xi32, #tpu.memory_space<vmem>> -> memref<100xi32, #tpu.memory_space<vmem>>
      %dma_start3A_599 = arith.constant 0 : i32
      %dma_start3A_600 = arith.constant 0 : i32
      %dma_start3A_601 = tpu.memref_slice %arg2[%dma_start3A_599, %dma_start3A_600] : memref<10000x128xf32, #tpu.memory_space<hbm>> -> memref<10000x128xf32, #tpu.memory_space<hbm>>
      tpu.enqueue_indirect_dma source(%dma_start3A_601 : memref<10000x128xf32, #tpu.memory_space<hbm>>) target(%arg10 : memref<100x128xf32, #tpu.memory_space<vmem>>) offsets(%dma_start3A_598 : memref<100xi32, #tpu.memory_space<vmem>>) semaphore(%arg13 : memref<!tpu.dma_semaphore, #tpu.memory_space<semaphore_mem>>)
      %dma_wait3A_602 = arith.constant 2 : i32
      %dma_wait3A_603 = arith.constant 1 : i32
      %dma_wait3A_604 = arith.constant 0 : i32
      %dma_wait3A_605 = tpu.memref_slice %arg8[%dma_wait3A_602, %dma_wait3A_603, %dma_wait3A_604] : memref<3x2x100xi32, #tpu.memory_space<vmem>> -> memref<1x1x100xi32, #tpu.memory_space<vmem>>
      %dma_wait3A_606 = tpu.memref_squeeze %dma_wait3A_605 : memref<1x1x100xi32, #tpu.memory_space<vmem>> -> memref<100xi32, #tpu.memory_space<vmem>>
      %dma_wait3A_607 = arith.constant 0 : i32
      %dma_wait3A_608 = arith.constant 0 : i32
      %dma_wait3A_609 = tpu.memref_slice %arg2[%dma_wait3A_607, %dma_wait3A_608] : memref<10000x128xf32, #tpu.memory_space<hbm>> -> memref<10000x128xf32, #tpu.memory_space<hbm>>
      tpu.wait_indirect_dma semaphore(%arg15 : memref<!tpu.dma_semaphore, #tpu.memory_space<semaphore_mem>>) src(%dma_wait3A_609 : memref<10000x128xf32, #tpu.memory_space<hbm>>) dst(%arg12 : memref<100x128xf32, #tpu.memory_space<vmem>>)
      %dma_start3A_610 = arith.constant 2 : i32
      %dma_start3A_611 = arith.constant 1 : i32
      %dma_start3A_612 = arith.constant 0 : i32
      %dma_start3A_613 = tpu.memref_slice %arg9[%dma_start3A_610, %dma_start3A_611, %dma_start3A_612] : memref<3x2x100xi32, #tpu.memory_space<vmem>> -> memref<1x1x100xi32, #tpu.memory_space<vmem>>
      %dma_start3A_614 = tpu.memref_squeeze %dma_start3A_613 : memref<1x1x100xi32, #tpu.memory_space<vmem>> -> memref<100xi32, #tpu.memory_space<vmem>>
      %dma_start3A_615 = arith.constant 0 : i32
      %dma_start3A_616 = arith.constant 0 : i32
      %dma_start3A_617 = tpu.memref_slice %arg6[%dma_start3A_615, %dma_start3A_616] : memref<10240x128xf32, #tpu.memory_space<vmem_shared>> -> memref<10240x128xf32, #tpu.memory_space<vmem_shared>>
      tpu.enqueue_indirect_dma source(%arg12 : memref<100x128xf32, #tpu.memory_space<vmem>>) target(%dma_start3A_617 : memref<10240x128xf32, #tpu.memory_space<vmem_shared>>) offsets(%dma_start3A_614 : memref<100xi32, #tpu.memory_space<vmem>>) semaphore(%arg18 : memref<!tpu.dma_semaphore, #tpu.memory_space<semaphore_mem>>) {add = true}
      %dma_wait3A_618 = arith.constant 0 : i32
      %dma_wait3A_619 = arith.constant 0 : i32
      %dma_wait3A_620 = arith.constant 0 : i32
      %dma_wait3A_621 = tpu.memref_slice %arg9[%dma_wait3A_618, %dma_wait3A_619, %dma_wait3A_620] : memref<3x2x100xi32, #tpu.memory_space<vmem>> -> memref<1x1x100xi32, #tpu.memory_space<vmem>>
      %dma_wait3A_622 = tpu.memref_squeeze %dma_wait3A_621 : memref<1x1x100xi32, #tpu.memory_space<vmem>> -> memref<100xi32, #tpu.memory_space<vmem>>
      %dma_wait3A_623 = arith.constant 0 : i32
      %dma_wait3A_624 = arith.constant 0 : i32
      %dma_wait3A_625 = tpu.memref_slice %arg6[%dma_wait3A_623, %dma_wait3A_624] : memref<10240x128xf32, #tpu.memory_space<vmem_shared>> -> memref<10240x128xf32, #tpu.memory_space<vmem_shared>>
      tpu.wait_indirect_dma semaphore(%arg17 : memref<!tpu.dma_semaphore, #tpu.memory_space<semaphore_mem>>) src(%arg11 : memref<100x128xf32, #tpu.memory_space<vmem>>) dst(%dma_wait3A_625 : memref<10240x128xf32, #tpu.memory_space<vmem_shared>>)
      %dma_start3A_626 = arith.constant 0 : i32
      %dma_start3A_627 = arith.constant 1 : i32
      %dma_start3A_628 = arith.constant 0 : i32
      %dma_start3A_629 = tpu.memref_slice %arg8[%dma_start3A_626, %dma_start3A_627, %dma_start3A_628] : memref<3x2x100xi32, #tpu.memory_space<vmem>> -> memref<1x1x100xi32, #tpu.memory_space<vmem>>
      %dma_start3A_630 = tpu.memref_squeeze %dma_start3A_629 : memref<1x1x100xi32, #tpu.memory_space<vmem>> -> memref<100xi32, #tpu.memory_space<vmem>>
      %dma_start3A_631 = arith.constant 0 : i32
      %dma_start3A_632 = arith.constant 0 : i32
      %dma_start3A_633 = tpu.memref_slice %arg2[%dma_start3A_631, %dma_start3A_632] : memref<10000x128xf32, #tpu.memory_space<hbm>> -> memref<10000x128xf32, #tpu.memory_space<hbm>>
      tpu.enqueue_indirect_dma source(%dma_start3A_633 : memref<10000x128xf32, #tpu.memory_space<hbm>>) target(%arg11 : memref<100x128xf32, #tpu.memory_space<vmem>>) offsets(%dma_start3A_630 : memref<100xi32, #tpu.memory_space<vmem>>) semaphore(%arg14 : memref<!tpu.dma_semaphore, #tpu.memory_space<semaphore_mem>>)
      %scan3A_634 = arith.constant 0 : i32
      scf.yield %scan3A_634 : i32
    }
    %scan3A_235 = arith.constant 33 : i32
    %dma_wait3A_236 = arith.constant 0 : i32
    %dma_wait3A_237 = arith.constant 0 : i32
    %dma_wait3A_238 = arith.constant 0 : i32
    %dma_wait3A_239 = tpu.memref_slice %arg8[%dma_wait3A_236, %dma_wait3A_237, %dma_wait3A_238] : memref<3x2x100xi32, #tpu.memory_space<vmem>> -> memref<1x1x100xi32, #tpu.memory_space<vmem>>
    %dma_wait3A_240 = tpu.memref_squeeze %dma_wait3A_239 : memref<1x1x100xi32, #tpu.memory_space<vmem>> -> memref<100xi32, #tpu.memory_space<vmem>>
    %dma_wait3A_241 = arith.constant 0 : i32
    %dma_wait3A_242 = arith.constant 0 : i32
    %dma_wait3A_243 = tpu.memref_slice %arg2[%dma_wait3A_241, %dma_wait3A_242] : memref<10000x128xf32, #tpu.memory_space<hbm>> -> memref<10000x128xf32, #tpu.memory_space<hbm>>
    tpu.wait_indirect_dma semaphore(%arg13 : memref<!tpu.dma_semaphore, #tpu.memory_space<semaphore_mem>>) src(%dma_wait3A_243 : memref<10000x128xf32, #tpu.memory_space<hbm>>) dst(%arg10 : memref<100x128xf32, #tpu.memory_space<vmem>>)
    %dma_start3A_244 = arith.constant 0 : i32
    %dma_start3A_245 = arith.constant 0 : i32
    %dma_start3A_246 = arith.constant 0 : i32
    %dma_start3A_247 = tpu.memref_slice %arg9[%dma_start3A_244, %dma_start3A_245, %dma_start3A_246] : memref<3x2x100xi32, #tpu.memory_space<vmem>> -> memref<1x1x100xi32, #tpu.memory_space<vmem>>
    %dma_start3A_248 = tpu.memref_squeeze %dma_start3A_247 : memref<1x1x100xi32, #tpu.memory_space<vmem>> -> memref<100xi32, #tpu.memory_space<vmem>>
    %dma_start3A_249 = arith.constant 0 : i32
    %dma_start3A_250 = arith.constant 0 : i32
    %dma_start3A_251 = tpu.memref_slice %arg6[%dma_start3A_249, %dma_start3A_250] : memref<10240x128xf32, #tpu.memory_space<vmem_shared>> -> memref<10240x128xf32, #tpu.memory_space<vmem_shared>>
    tpu.enqueue_indirect_dma source(%arg10 : memref<100x128xf32, #tpu.memory_space<vmem>>) target(%dma_start3A_251 : memref<10240x128xf32, #tpu.memory_space<vmem_shared>>) offsets(%dma_start3A_248 : memref<100xi32, #tpu.memory_space<vmem>>) semaphore(%arg16 : memref<!tpu.dma_semaphore, #tpu.memory_space<semaphore_mem>>) {add = true}
    %dma_wait3A_252 = arith.constant 0 : i32
    %dma_wait3A_253 = arith.constant 0 : i32
    %dma_wait3A_254 = arith.constant 0 : i32
    %dma_wait3A_255 = tpu.memref_slice %arg9[%dma_wait3A_252, %dma_wait3A_253, %dma_wait3A_254] : memref<3x2x100xi32, #tpu.memory_space<vmem>> -> memref<1x1x100xi32, #tpu.memory_space<vmem>>
    %dma_wait3A_256 = tpu.memref_squeeze %dma_wait3A_255 : memref<1x1x100xi32, #tpu.memory_space<vmem>> -> memref<100xi32, #tpu.memory_space<vmem>>
    %dma_wait3A_257 = arith.constant 0 : i32
    %dma_wait3A_258 = arith.constant 0 : i32
    %dma_wait3A_259 = tpu.memref_slice %arg6[%dma_wait3A_257, %dma_wait3A_258] : memref<10240x128xf32, #tpu.memory_space<vmem_shared>> -> memref<10240x128xf32, #tpu.memory_space<vmem_shared>>
    tpu.wait_indirect_dma semaphore(%arg18 : memref<!tpu.dma_semaphore, #tpu.memory_space<semaphore_mem>>) src(%arg12 : memref<100x128xf32, #tpu.memory_space<vmem>>) dst(%dma_wait3A_259 : memref<10240x128xf32, #tpu.memory_space<vmem_shared>>)
    %dma_wait3A_260 = arith.constant 0 : i32
    %dma_wait3A_261 = arith.constant 1 : i32
    %dma_wait3A_262 = arith.constant 0 : i32
    %dma_wait3A_263 = tpu.memref_slice %arg8[%dma_wait3A_260, %dma_wait3A_261, %dma_wait3A_262] : memref<3x2x100xi32, #tpu.memory_space<vmem>> -> memref<1x1x100xi32, #tpu.memory_space<vmem>>
    %dma_wait3A_264 = tpu.memref_squeeze %dma_wait3A_263 : memref<1x1x100xi32, #tpu.memory_space<vmem>> -> memref<100xi32, #tpu.memory_space<vmem>>
    %dma_wait3A_265 = arith.constant 0 : i32
    %dma_wait3A_266 = arith.constant 0 : i32
    %dma_wait3A_267 = tpu.memref_slice %arg2[%dma_wait3A_265, %dma_wait3A_266] : memref<10000x128xf32, #tpu.memory_space<hbm>> -> memref<10000x128xf32, #tpu.memory_space<hbm>>
    tpu.wait_indirect_dma semaphore(%arg14 : memref<!tpu.dma_semaphore, #tpu.memory_space<semaphore_mem>>) src(%dma_wait3A_267 : memref<10000x128xf32, #tpu.memory_space<hbm>>) dst(%arg11 : memref<100x128xf32, #tpu.memory_space<vmem>>)
    %dma_start3A_268 = arith.constant 0 : i32
    %dma_start3A_269 = arith.constant 1 : i32
    %dma_start3A_270 = arith.constant 0 : i32
    %dma_start3A_271 = tpu.memref_slice %arg9[%dma_start3A_268, %dma_start3A_269, %dma_start3A_270] : memref<3x2x100xi32, #tpu.memory_space<vmem>> -> memref<1x1x100xi32, #tpu.memory_space<vmem>>
    %dma_start3A_272 = tpu.memref_squeeze %dma_start3A_271 : memref<1x1x100xi32, #tpu.memory_space<vmem>> -> memref<100xi32, #tpu.memory_space<vmem>>
    %dma_start3A_273 = arith.constant 0 : i32
    %dma_start3A_274 = arith.constant 0 : i32
    %dma_start3A_275 = tpu.memref_slice %arg6[%dma_start3A_273, %dma_start3A_274] : memref<10240x128xf32, #tpu.memory_space<vmem_shared>> -> memref<10240x128xf32, #tpu.memory_space<vmem_shared>>
    tpu.enqueue_indirect_dma source(%arg11 : memref<100x128xf32, #tpu.memory_space<vmem>>) target(%dma_start3A_275 : memref<10240x128xf32, #tpu.memory_space<vmem_shared>>) offsets(%dma_start3A_272 : memref<100xi32, #tpu.memory_space<vmem>>) semaphore(%arg17 : memref<!tpu.dma_semaphore, #tpu.memory_space<semaphore_mem>>) {add = true}
    %dma_wait3A_276 = arith.constant 0 : i32
    %dma_wait3A_277 = arith.constant 0 : i32
    %dma_wait3A_278 = arith.constant 0 : i32
    %dma_wait3A_279 = tpu.memref_slice %arg9[%dma_wait3A_276, %dma_wait3A_277, %dma_wait3A_278] : memref<3x2x100xi32, #tpu.memory_space<vmem>> -> memref<1x1x100xi32, #tpu.memory_space<vmem>>
    %dma_wait3A_280 = tpu.memref_squeeze %dma_wait3A_279 : memref<1x1x100xi32, #tpu.memory_space<vmem>> -> memref<100xi32, #tpu.memory_space<vmem>>
    %dma_wait3A_281 = arith.constant 0 : i32
    %dma_wait3A_282 = arith.constant 0 : i32
    %dma_wait3A_283 = tpu.memref_slice %arg6[%dma_wait3A_281, %dma_wait3A_282] : memref<10240x128xf32, #tpu.memory_space<vmem_shared>> -> memref<10240x128xf32, #tpu.memory_space<vmem_shared>>
    tpu.wait_indirect_dma semaphore(%arg16 : memref<!tpu.dma_semaphore, #tpu.memory_space<semaphore_mem>>) src(%arg10 : memref<100x128xf32, #tpu.memory_space<vmem>>) dst(%dma_wait3A_283 : memref<10240x128xf32, #tpu.memory_space<vmem_shared>>)
    %dma_wait3A_284 = arith.constant 0 : i32
    %dma_wait3A_285 = arith.constant 0 : i32
    %dma_wait3A_286 = arith.constant 0 : i32
    %dma_wait3A_287 = tpu.memref_slice %arg9[%dma_wait3A_284, %dma_wait3A_285, %dma_wait3A_286] : memref<3x2x100xi32, #tpu.memory_space<vmem>> -> memref<1x1x100xi32, #tpu.memory_space<vmem>>
    %dma_wait3A_288 = tpu.memref_squeeze %dma_wait3A_287 : memref<1x1x100xi32, #tpu.memory_space<vmem>> -> memref<100xi32, #tpu.memory_space<vmem>>
    %dma_wait3A_289 = arith.constant 0 : i32
    %dma_wait3A_290 = arith.constant 0 : i32
    %dma_wait3A_291 = tpu.memref_slice %arg6[%dma_wait3A_289, %dma_wait3A_290] : memref<10240x128xf32, #tpu.memory_space<vmem_shared>> -> memref<10240x128xf32, #tpu.memory_space<vmem_shared>>
    tpu.wait_indirect_dma semaphore(%arg17 : memref<!tpu.dma_semaphore, #tpu.memory_space<semaphore_mem>>) src(%arg11 : memref<100x128xf32, #tpu.memory_space<vmem>>) dst(%dma_wait3A_291 : memref<10240x128xf32, #tpu.memory_space<vmem_shared>>)
    %barrier3A_292 = arith.constant 0 : index
    tpu.barrier barrier_id(%barrier3A_292)
    "tpu.region"() ({
      %run_scoped3A_293 = tpu.sem_alloc : memref<!tpu.dma_semaphore, #tpu.memory_space<semaphore_mem>>
      %dma_start3A_294 = arith.constant 0 : i32
      %dma_start3A_295 = tpu.memref_slice %arg5[%arg0, %mul3A_29, %dma_start3A_294] : memref<2x10240x128xf32, #tpu.memory_space<hbm>> -> memref<1x640x128xf32, #tpu.memory_space<hbm>>
      %dma_start3A_296 = tpu.memref_squeeze %dma_start3A_295 : memref<1x640x128xf32, #tpu.memory_space<hbm>> -> memref<640x128xf32, #tpu.memory_space<hbm>>
      %dma_start3A_297 = arith.constant 0 : i32
      %dma_start3A_298 = tpu.memref_slice %arg6[%mul3A_29, %dma_start3A_297] : memref<10240x128xf32, #tpu.memory_space<vmem_shared>> -> memref<640x128xf32, #tpu.memory_space<vmem_shared>>
      tpu.enqueue_dma source(%dma_start3A_298 : memref<640x128xf32, #tpu.memory_space<vmem_shared>>) target(%dma_start3A_296 : memref<640x128xf32, #tpu.memory_space<hbm>>) target_semaphore(%run_scoped3A_293 : memref<!tpu.dma_semaphore, #tpu.memory_space<semaphore_mem>>)
      %dma_wait3A_299 = arith.constant 0 : i32
      %dma_wait3A_300 = tpu.memref_slice %arg5[%arg0, %mul3A_29, %dma_wait3A_299] : memref<2x10240x128xf32, #tpu.memory_space<hbm>> -> memref<1x640x128xf32, #tpu.memory_space<hbm>>
      %dma_wait3A_301 = tpu.memref_squeeze %dma_wait3A_300 : memref<1x640x128xf32, #tpu.memory_space<hbm>> -> memref<640x128xf32, #tpu.memory_space<hbm>>
      %dma_wait3A_302 = arith.constant 0 : i32
      %dma_wait3A_303 = tpu.memref_slice %arg6[%mul3A_29, %dma_wait3A_302] : memref<10240x128xf32, #tpu.memory_space<vmem_shared>> -> memref<640x128xf32, #tpu.memory_space<vmem_shared>>
      tpu.wait_dma2 semaphore(%run_scoped3A_293 : memref<!tpu.dma_semaphore, #tpu.memory_space<semaphore_mem>>) src(%dma_wait3A_303 : memref<640x128xf32, #tpu.memory_space<vmem_shared>>) dst(%dma_wait3A_301 : memref<640x128xf32, #tpu.memory_space<hbm>>)
      tpu.yield
    }) : () -> ()
    return
  }
}

#map = affine_map<(d0, d1) -> (0, 0)>
#map1 = affine_map<(d0, d1) -> (0, 0, 0)>
module attributes {stable_mosaic.version = 14 : i64} {
  func.func @_seg_body(%arg0: i32, %arg1: i32, %arg2: memref<10000x128xf32, #tpu.memory_space<hbm>>, %arg3: memref<2x3200x100xi32, #tpu.memory_space<hbm>>, %arg4: memref<2x3200x100xi32, #tpu.memory_space<hbm>>, %arg5: memref<2x10240x128xf32, #tpu.memory_space<hbm>>, %arg6: memref<2x10240xf32, #tpu.memory_space<hbm>>, %arg7: memref<10240x128xf32, #tpu.memory_space<vmem_shared>>, %arg8: memref<10240xf32, #tpu.memory_space<vmem_shared>>, %arg9: memref<32x128xf32, #tpu.memory_space<vmem>>, %arg10: memref<640xf32, #tpu.memory_space<vmem>>, %arg11: memref<128xf32, #tpu.memory_space<vmem>>, %arg12: memref<3x2x100xi32, #tpu.memory_space<vmem>>, %arg13: memref<3x2x100xi32, #tpu.memory_space<vmem>>, %arg14: memref<100x128xf32, #tpu.memory_space<vmem>>, %arg15: memref<100x128xf32, #tpu.memory_space<vmem>>, %arg16: memref<100x128xf32, #tpu.memory_space<vmem>>, %arg17: memref<!tpu.dma_semaphore, #tpu.memory_space<semaphore_mem>>, %arg18: memref<!tpu.dma_semaphore, #tpu.memory_space<semaphore_mem>>, %arg19: memref<!tpu.dma_semaphore, #tpu.memory_space<semaphore_mem>>, %arg20: memref<!tpu.dma_semaphore, #tpu.memory_space<semaphore_mem>>, %arg21: memref<!tpu.dma_semaphore, #tpu.memory_space<semaphore_mem>>, %arg22: memref<!tpu.dma_semaphore, #tpu.memory_space<semaphore_mem>>, %arg23: memref<!tpu.dma_semaphore, #tpu.memory_space<semaphore_mem>>, %arg24: memref<!tpu.dma_semaphore, #tpu.memory_space<semaphore_mem>>, %arg25: memref<!tpu.dma_semaphore, #tpu.memory_space<semaphore_mem>>, %arg26: memref<!tpu.dma_semaphore, #tpu.memory_space<semaphore_mem>>, %arg27: memref<!tpu.dma_semaphore, #tpu.memory_space<semaphore_mem>>) attributes {dimension_semantics = [#tpu.dimension_semantics<core_parallel>, #tpu.dimension_semantics<subcore_parallel>], iteration_bounds = array<i64: 2, 16>, scalar_prefetch = 0 : i64, scratch_operands = 21 : i64, tpu.core_type = #tpu.core_type<sc_vector_subcore>, window_params = [{transform_indices = #map}, {transform_indices = #map1}, {transform_indices = #map1}, {transform_indices = #map1}, {transform_indices = #map}]} {
    %scan3A = arith.constant 0 : i32
    %scan3A_0 = arith.constant 0 : i32
    %scan3A_1 = arith.constant 256 : i32
    %scan3A_2 = arith.addi %scan3A_0, %scan3A_1 : i32
    %scan3A_3 = arith.constant 1 : i32
    %scan3A_4 = scf.for %scan3A_356 = %scan3A_0 to %scan3A_2 step %scan3A_3 iter_args(%scan3A_357 = %scan3A) -> (i32)  : i32 {
      %broadcast_in_dim3A = arith.constant 0.000000e+00 : f32
      %broadcast_in_dim3A_358 = vector.broadcast %broadcast_in_dim3A : f32 to vector<16xf32>
      %jit3A = arith.constant 8 : i32
      %div3A = arith.divsi %scan3A_356, %jit3A : i32
      %sign3A = arith.constant 0 : i32
      %sign3A_359 = arith.cmpi sgt, %scan3A_356, %sign3A : i32
      %sign3A_360 = arith.extui %sign3A_359 : i1 to i32
      %sign3A_361 = arith.constant 0 : i32
      %sign3A_362 = arith.cmpi slt, %scan3A_356, %sign3A_361 : i32
      %sign3A_363 = arith.extui %sign3A_362 : i1 to i32
      %sign3A_364 = arith.subi %sign3A_360, %sign3A_363 : i32
      %sign3A_365 = arith.constant 0 : i32
      %sign3A_366 = arith.cmpi sgt, %jit3A, %sign3A_365 : i32
      %sign3A_367 = arith.extui %sign3A_366 : i1 to i32
      %sign3A_368 = arith.constant 0 : i32
      %sign3A_369 = arith.cmpi slt, %jit3A, %sign3A_368 : i32
      %sign3A_370 = arith.extui %sign3A_369 : i1 to i32
      %sign3A_371 = arith.subi %sign3A_367, %sign3A_370 : i32
      %ne3A = arith.cmpi ne, %sign3A_364, %sign3A_371 : i32
      %rem3A = arith.remsi %scan3A_356, %jit3A : i32
      %ne3A_372 = arith.constant 0 : i32
      %ne3A_373 = arith.cmpi ne, %rem3A, %ne3A_372 : i32
      %and3A = arith.andi %ne3A, %ne3A_373 : i1
      %sub3A = arith.constant 1 : i32
      %sub3A_374 = arith.subi %div3A, %sub3A : i32
      %select_n3A = arith.select %and3A, %sub3A_374, %div3A : i32
      %jit3A_375 = arith.constant 8 : i32
      %eq3A = arith.constant 0 : i32
      %eq3A_376 = arith.cmpi eq, %jit3A_375, %eq3A : i32
      %jit3A_377 = arith.constant 1 : i32
      %select_n3A_378 = arith.select %eq3A_376, %jit3A_377, %jit3A_375 : i32
      %rem3A_379 = arith.remsi %scan3A_356, %select_n3A_378 : i32
      %ne3A_380 = arith.constant 0 : i32
      %ne3A_381 = arith.cmpi ne, %rem3A_379, %ne3A_380 : i32
      %lt3A = arith.constant 0 : i32
      %lt3A_382 = arith.cmpi slt, %rem3A_379, %lt3A : i32
      %lt3A_383 = arith.constant 0 : i32
      %lt3A_384 = arith.cmpi slt, %select_n3A_378, %lt3A_383 : i32
      %ne3A_385 = arith.xori %lt3A_382, %lt3A_384 : i1
      %and3A_386 = arith.andi %ne3A_385, %ne3A_381 : i1
      %add3A_387 = arith.addi %rem3A_379, %select_n3A_378 : i32
      %select_n3A_388 = arith.select %and3A_386, %add3A_387, %rem3A_379 : i32
      %mul3A_389 = arith.constant 16 : i32
      %mul3A_390 = arith.muli %select_n3A_388, %mul3A_389 : i32
      %swap3A = arith.index_cast %select_n3A : i32 to index
      %swap3A_391 = arith.index_cast %mul3A_390 : i32 to index
      %swap3A_392 = tpu.vector_load %arg9[%swap3A, %swap3A_391] {strides = array<i32>} : memref<32x128xf32, #tpu.memory_space<vmem>>, vector<1x16xf32>,
      %swap3A_393 = vector.shape_cast %swap3A_392 : vector<1x16xf32> to vector<16xf32>
      %swap3A_394 = vector.shape_cast %broadcast_in_dim3A_358 : vector<16xf32> to vector<1x16xf32>
      tpu.vector_store %arg9[%swap3A, %swap3A_391], %swap3A_394 {strides = array<i32>} : memref<32x128xf32, #tpu.memory_space<vmem>>, vector<1x16xf32>,
      %scan3A_395 = arith.constant 0 : i32
      scf.yield %scan3A_395 : i32
    }
    %scan3A_5 = arith.constant 256 : i32
    %mul3A = arith.constant 200 : i32
    %mul3A_6 = arith.muli %arg1, %mul3A : i32
    %run_scoped3A = arith.constant 0 : i32
    "tpu.region"() ({
      %run_scoped3A_356 = tpu.sem_alloc : memref<!tpu.dma_semaphore, #tpu.memory_space<semaphore_mem>>
      %dma_start3A_357 = arith.constant 0 : i32
      %dma_start3A_358 = arith.constant 0 : i32
      %dma_start3A_359 = tpu.memref_slice %arg12[%run_scoped3A, %dma_start3A_357, %dma_start3A_358] : memref<3x2x100xi32, #tpu.memory_space<vmem>> -> memref<1x2x100xi32, #tpu.memory_space<vmem>>
      %dma_start3A_360 = tpu.memref_squeeze %dma_start3A_359 : memref<1x2x100xi32, #tpu.memory_space<vmem>> -> memref<2x100xi32, #tpu.memory_space<vmem>>
      %dma_start3A_361 = arith.constant 0 : i32
      %dma_start3A_362 = tpu.memref_slice %arg3[%arg0, %mul3A_6, %dma_start3A_361] : memref<2x3200x100xi32, #tpu.memory_space<hbm>> -> memref<1x2x100xi32, #tpu.memory_space<hbm>>
      %dma_start3A_363 = tpu.memref_squeeze %dma_start3A_362 : memref<1x2x100xi32, #tpu.memory_space<hbm>> -> memref<2x100xi32, #tpu.memory_space<hbm>>
      %dma_start3A_364 = arith.constant 0 : i32
      %dma_start3A_365 = arith.constant 0 : i32
      %dma_start3A_366 = tpu.memref_slice %arg12[%run_scoped3A, %dma_start3A_364, %dma_start3A_365] : memref<3x2x100xi32, #tpu.memory_space<vmem>> -> memref<1x2x100xi32, #tpu.memory_space<vmem>>
      %dma_start3A_367 = tpu.memref_squeeze %dma_start3A_366 : memref<1x2x100xi32, #tpu.memory_space<vmem>> -> memref<2x100xi32, #tpu.memory_space<vmem>>
      %dma_start3A_368 = arith.constant 0 : i32
      %dma_start3A_369 = tpu.memref_slice %arg3[%arg0, %mul3A_6, %dma_start3A_368] : memref<2x3200x100xi32, #tpu.memory_space<hbm>> -> memref<1x2x100xi32, #tpu.memory_space<hbm>>
      %dma_start3A_370 = tpu.memref_squeeze %dma_start3A_369 : memref<1x2x100xi32, #tpu.memory_space<hbm>> -> memref<2x100xi32, #tpu.memory_space<hbm>>
      tpu.enqueue_dma source(%dma_start3A_370 : memref<2x100xi32, #tpu.memory_space<hbm>>) target(%dma_start3A_367 : memref<2x100xi32, #tpu.memory_space<vmem>>) target_semaphore(%run_scoped3A_356 : memref<!tpu.dma_semaphore, #tpu.memory_space<semaphore_mem>>)
      %dma_wait3A_371 = arith.constant 0 : i32
      %dma_wait3A_372 = arith.constant 0 : i32
      %dma_wait3A_373 = tpu.memref_slice %arg12[%run_scoped3A, %dma_wait3A_371, %dma_wait3A_372] : memref<3x2x100xi32, #tpu.memory_space<vmem>> -> memref<1x2x100xi32, #tpu.memory_space<vmem>>
      %dma_wait3A_374 = tpu.memref_squeeze %dma_wait3A_373 : memref<1x2x100xi32, #tpu.memory_space<vmem>> -> memref<2x100xi32, #tpu.memory_space<vmem>>
      %dma_wait3A_375 = arith.constant 0 : i32
      %dma_wait3A_376 = tpu.memref_slice %arg3[%arg0, %mul3A_6, %dma_wait3A_375] : memref<2x3200x100xi32, #tpu.memory_space<hbm>> -> memref<1x2x100xi32, #tpu.memory_space<hbm>>
      %dma_wait3A_377 = tpu.memref_squeeze %dma_wait3A_376 : memref<1x2x100xi32, #tpu.memory_space<hbm>> -> memref<2x100xi32, #tpu.memory_space<hbm>>
      %dma_wait3A_378 = arith.constant 0 : i32
      %dma_wait3A_379 = arith.constant 0 : i32
      %dma_wait3A_380 = tpu.memref_slice %arg12[%run_scoped3A, %dma_wait3A_378, %dma_wait3A_379] : memref<3x2x100xi32, #tpu.memory_space<vmem>> -> memref<1x2x100xi32, #tpu.memory_space<vmem>>
      %dma_wait3A_381 = tpu.memref_squeeze %dma_wait3A_380 : memref<1x2x100xi32, #tpu.memory_space<vmem>> -> memref<2x100xi32, #tpu.memory_space<vmem>>
      %dma_wait3A_382 = arith.constant 0 : i32
      %dma_wait3A_383 = tpu.memref_slice %arg3[%arg0, %mul3A_6, %dma_wait3A_382] : memref<2x3200x100xi32, #tpu.memory_space<hbm>> -> memref<1x2x100xi32, #tpu.memory_space<hbm>>
      %dma_wait3A_384 = tpu.memref_squeeze %dma_wait3A_383 : memref<1x2x100xi32, #tpu.memory_space<hbm>> -> memref<2x100xi32, #tpu.memory_space<hbm>>
      tpu.wait_dma2 semaphore(%run_scoped3A_356 : memref<!tpu.dma_semaphore, #tpu.memory_space<semaphore_mem>>) src(%dma_wait3A_384 : memref<2x100xi32, #tpu.memory_space<hbm>>) dst(%dma_wait3A_381 : memref<2x100xi32, #tpu.memory_space<vmem>>)
      tpu.yield
    }) : () -> ()
    %run_scoped3A_7 = arith.constant 0 : i32
    "tpu.region"() ({
      %run_scoped3A_356 = tpu.sem_alloc : memref<!tpu.dma_semaphore, #tpu.memory_space<semaphore_mem>>
      %dma_start3A_357 = arith.constant 0 : i32
      %dma_start3A_358 = arith.constant 0 : i32
      %dma_start3A_359 = tpu.memref_slice %arg13[%run_scoped3A_7, %dma_start3A_357, %dma_start3A_358] : memref<3x2x100xi32, #tpu.memory_space<vmem>> -> memref<1x2x100xi32, #tpu.memory_space<vmem>>
      %dma_start3A_360 = tpu.memref_squeeze %dma_start3A_359 : memref<1x2x100xi32, #tpu.memory_space<vmem>> -> memref<2x100xi32, #tpu.memory_space<vmem>>
      %dma_start3A_361 = arith.constant 0 : i32
      %dma_start3A_362 = tpu.memref_slice %arg4[%arg0, %mul3A_6, %dma_start3A_361] : memref<2x3200x100xi32, #tpu.memory_space<hbm>> -> memref<1x2x100xi32, #tpu.memory_space<hbm>>
      %dma_start3A_363 = tpu.memref_squeeze %dma_start3A_362 : memref<1x2x100xi32, #tpu.memory_space<hbm>> -> memref<2x100xi32, #tpu.memory_space<hbm>>
      %dma_start3A_364 = arith.constant 0 : i32
      %dma_start3A_365 = arith.constant 0 : i32
      %dma_start3A_366 = tpu.memref_slice %arg13[%run_scoped3A_7, %dma_start3A_364, %dma_start3A_365] : memref<3x2x100xi32, #tpu.memory_space<vmem>> -> memref<1x2x100xi32, #tpu.memory_space<vmem>>
      %dma_start3A_367 = tpu.memref_squeeze %dma_start3A_366 : memref<1x2x100xi32, #tpu.memory_space<vmem>> -> memref<2x100xi32, #tpu.memory_space<vmem>>
      %dma_start3A_368 = arith.constant 0 : i32
      %dma_start3A_369 = tpu.memref_slice %arg4[%arg0, %mul3A_6, %dma_start3A_368] : memref<2x3200x100xi32, #tpu.memory_space<hbm>> -> memref<1x2x100xi32, #tpu.memory_space<hbm>>
      %dma_start3A_370 = tpu.memref_squeeze %dma_start3A_369 : memref<1x2x100xi32, #tpu.memory_space<hbm>> -> memref<2x100xi32, #tpu.memory_space<hbm>>
      tpu.enqueue_dma source(%dma_start3A_370 : memref<2x100xi32, #tpu.memory_space<hbm>>) target(%dma_start3A_367 : memref<2x100xi32, #tpu.memory_space<vmem>>) target_semaphore(%run_scoped3A_356 : memref<!tpu.dma_semaphore, #tpu.memory_space<semaphore_mem>>)
      %dma_wait3A_371 = arith.constant 0 : i32
      %dma_wait3A_372 = arith.constant 0 : i32
      %dma_wait3A_373 = tpu.memref_slice %arg13[%run_scoped3A_7, %dma_wait3A_371, %dma_wait3A_372] : memref<3x2x100xi32, #tpu.memory_space<vmem>> -> memref<1x2x100xi32, #tpu.memory_space<vmem>>
      %dma_wait3A_374 = tpu.memref_squeeze %dma_wait3A_373 : memref<1x2x100xi32, #tpu.memory_space<vmem>> -> memref<2x100xi32, #tpu.memory_space<vmem>>
      %dma_wait3A_375 = arith.constant 0 : i32
      %dma_wait3A_376 = tpu.memref_slice %arg4[%arg0, %mul3A_6, %dma_wait3A_375] : memref<2x3200x100xi32, #tpu.memory_space<hbm>> -> memref<1x2x100xi32, #tpu.memory_space<hbm>>
      %dma_wait3A_377 = tpu.memref_squeeze %dma_wait3A_376 : memref<1x2x100xi32, #tpu.memory_space<hbm>> -> memref<2x100xi32, #tpu.memory_space<hbm>>
      %dma_wait3A_378 = arith.constant 0 : i32
      %dma_wait3A_379 = arith.constant 0 : i32
      %dma_wait3A_380 = tpu.memref_slice %arg13[%run_scoped3A_7, %dma_wait3A_378, %dma_wait3A_379] : memref<3x2x100xi32, #tpu.memory_space<vmem>> -> memref<1x2x100xi32, #tpu.memory_space<vmem>>
      %dma_wait3A_381 = tpu.memref_squeeze %dma_wait3A_380 : memref<1x2x100xi32, #tpu.memory_space<vmem>> -> memref<2x100xi32, #tpu.memory_space<vmem>>
      %dma_wait3A_382 = arith.constant 0 : i32
      %dma_wait3A_383 = tpu.memref_slice %arg4[%arg0, %mul3A_6, %dma_wait3A_382] : memref<2x3200x100xi32, #tpu.memory_space<hbm>> -> memref<1x2x100xi32, #tpu.memory_space<hbm>>
      %dma_wait3A_384 = tpu.memref_squeeze %dma_wait3A_383 : memref<1x2x100xi32, #tpu.memory_space<hbm>> -> memref<2x100xi32, #tpu.memory_space<hbm>>
      tpu.wait_dma2 semaphore(%run_scoped3A_356 : memref<!tpu.dma_semaphore, #tpu.memory_space<semaphore_mem>>) src(%dma_wait3A_384 : memref<2x100xi32, #tpu.memory_space<hbm>>) dst(%dma_wait3A_381 : memref<2x100xi32, #tpu.memory_space<vmem>>)
      tpu.yield
    }) : () -> ()
    %dma_start3A = arith.constant 0 : i32
    %dma_start3A_8 = arith.constant 0 : i32
    %dma_start3A_9 = arith.constant 0 : i32
    %dma_start3A_10 = tpu.memref_slice %arg12[%dma_start3A, %dma_start3A_8, %dma_start3A_9] : memref<3x2x100xi32, #tpu.memory_space<vmem>> -> memref<1x1x100xi32, #tpu.memory_space<vmem>>
    %dma_start3A_11 = tpu.memref_squeeze %dma_start3A_10 : memref<1x1x100xi32, #tpu.memory_space<vmem>> -> memref<100xi32, #tpu.memory_space<vmem>>
    %dma_start3A_12 = arith.constant 0 : i32
    %dma_start3A_13 = arith.constant 0 : i32
    %dma_start3A_14 = tpu.memref_slice %arg2[%dma_start3A_12, %dma_start3A_13] : memref<10000x128xf32, #tpu.memory_space<hbm>> -> memref<10000x128xf32, #tpu.memory_space<hbm>>
    tpu.enqueue_indirect_dma source(%dma_start3A_14 : memref<10000x128xf32, #tpu.memory_space<hbm>>) target(%arg14 : memref<100x128xf32, #tpu.memory_space<vmem>>) offsets(%dma_start3A_11 : memref<100xi32, #tpu.memory_space<vmem>>) semaphore(%arg17 : memref<!tpu.dma_semaphore, #tpu.memory_space<semaphore_mem>>)
    %dma_start3A_15 = arith.constant 0 : i32
    %dma_start3A_16 = arith.constant 1 : i32
    %dma_start3A_17 = arith.constant 0 : i32
    %dma_start3A_18 = tpu.memref_slice %arg12[%dma_start3A_15, %dma_start3A_16, %dma_start3A_17] : memref<3x2x100xi32, #tpu.memory_space<vmem>> -> memref<1x1x100xi32, #tpu.memory_space<vmem>>
    %dma_start3A_19 = tpu.memref_squeeze %dma_start3A_18 : memref<1x1x100xi32, #tpu.memory_space<vmem>> -> memref<100xi32, #tpu.memory_space<vmem>>
    %dma_start3A_20 = arith.constant 0 : i32
    %dma_start3A_21 = arith.constant 0 : i32
    %dma_start3A_22 = tpu.memref_slice %arg2[%dma_start3A_20, %dma_start3A_21] : memref<10000x128xf32, #tpu.memory_space<hbm>> -> memref<10000x128xf32, #tpu.memory_space<hbm>>
    tpu.enqueue_indirect_dma source(%dma_start3A_22 : memref<10000x128xf32, #tpu.memory_space<hbm>>) target(%arg15 : memref<100x128xf32, #tpu.memory_space<vmem>>) offsets(%dma_start3A_19 : memref<100xi32, #tpu.memory_space<vmem>>) semaphore(%arg18 : memref<!tpu.dma_semaphore, #tpu.memory_space<semaphore_mem>>)
    %add3A = arith.constant 2 : i32
    %add3A_23 = arith.addi %mul3A_6, %add3A : i32
    %run_scoped3A_24 = arith.constant 1 : i32
    "tpu.region"() ({
      %run_scoped3A_356 = tpu.sem_alloc : memref<!tpu.dma_semaphore, #tpu.memory_space<semaphore_mem>>
      %dma_start3A_357 = arith.constant 0 : i32
      %dma_start3A_358 = arith.constant 0 : i32
      %dma_start3A_359 = tpu.memref_slice %arg12[%run_scoped3A_24, %dma_start3A_357, %dma_start3A_358] : memref<3x2x100xi32, #tpu.memory_space<vmem>> -> memref<1x2x100xi32, #tpu.memory_space<vmem>>
      %dma_start3A_360 = tpu.memref_squeeze %dma_start3A_359 : memref<1x2x100xi32, #tpu.memory_space<vmem>> -> memref<2x100xi32, #tpu.memory_space<vmem>>
      %dma_start3A_361 = arith.constant 0 : i32
      %dma_start3A_362 = tpu.memref_slice %arg3[%arg0, %add3A_23, %dma_start3A_361] : memref<2x3200x100xi32, #tpu.memory_space<hbm>> -> memref<1x2x100xi32, #tpu.memory_space<hbm>>
      %dma_start3A_363 = tpu.memref_squeeze %dma_start3A_362 : memref<1x2x100xi32, #tpu.memory_space<hbm>> -> memref<2x100xi32, #tpu.memory_space<hbm>>
      %dma_start3A_364 = arith.constant 0 : i32
      %dma_start3A_365 = arith.constant 0 : i32
      %dma_start3A_366 = tpu.memref_slice %arg12[%run_scoped3A_24, %dma_start3A_364, %dma_start3A_365] : memref<3x2x100xi32, #tpu.memory_space<vmem>> -> memref<1x2x100xi32, #tpu.memory_space<vmem>>
      %dma_start3A_367 = tpu.memref_squeeze %dma_start3A_366 : memref<1x2x100xi32, #tpu.memory_space<vmem>> -> memref<2x100xi32, #tpu.memory_space<vmem>>
      %dma_start3A_368 = arith.constant 0 : i32
      %dma_start3A_369 = tpu.memref_slice %arg3[%arg0, %add3A_23, %dma_start3A_368] : memref<2x3200x100xi32, #tpu.memory_space<hbm>> -> memref<1x2x100xi32, #tpu.memory_space<hbm>>
      %dma_start3A_370 = tpu.memref_squeeze %dma_start3A_369 : memref<1x2x100xi32, #tpu.memory_space<hbm>> -> memref<2x100xi32, #tpu.memory_space<hbm>>
      tpu.enqueue_dma source(%dma_start3A_370 : memref<2x100xi32, #tpu.memory_space<hbm>>) target(%dma_start3A_367 : memref<2x100xi32, #tpu.memory_space<vmem>>) target_semaphore(%run_scoped3A_356 : memref<!tpu.dma_semaphore, #tpu.memory_space<semaphore_mem>>)
      %dma_wait3A_371 = arith.constant 0 : i32
      %dma_wait3A_372 = arith.constant 0 : i32
      %dma_wait3A_373 = tpu.memref_slice %arg12[%run_scoped3A_24, %dma_wait3A_371, %dma_wait3A_372] : memref<3x2x100xi32, #tpu.memory_space<vmem>> -> memref<1x2x100xi32, #tpu.memory_space<vmem>>
      %dma_wait3A_374 = tpu.memref_squeeze %dma_wait3A_373 : memref<1x2x100xi32, #tpu.memory_space<vmem>> -> memref<2x100xi32, #tpu.memory_space<vmem>>
      %dma_wait3A_375 = arith.constant 0 : i32
      %dma_wait3A_376 = tpu.memref_slice %arg3[%arg0, %add3A_23, %dma_wait3A_375] : memref<2x3200x100xi32, #tpu.memory_space<hbm>> -> memref<1x2x100xi32, #tpu.memory_space<hbm>>
      %dma_wait3A_377 = tpu.memref_squeeze %dma_wait3A_376 : memref<1x2x100xi32, #tpu.memory_space<hbm>> -> memref<2x100xi32, #tpu.memory_space<hbm>>
      %dma_wait3A_378 = arith.constant 0 : i32
      %dma_wait3A_379 = arith.constant 0 : i32
      %dma_wait3A_380 = tpu.memref_slice %arg12[%run_scoped3A_24, %dma_wait3A_378, %dma_wait3A_379] : memref<3x2x100xi32, #tpu.memory_space<vmem>> -> memref<1x2x100xi32, #tpu.memory_space<vmem>>
      %dma_wait3A_381 = tpu.memref_squeeze %dma_wait3A_380 : memref<1x2x100xi32, #tpu.memory_space<vmem>> -> memref<2x100xi32, #tpu.memory_space<vmem>>
      %dma_wait3A_382 = arith.constant 0 : i32
      %dma_wait3A_383 = tpu.memref_slice %arg3[%arg0, %add3A_23, %dma_wait3A_382] : memref<2x3200x100xi32, #tpu.memory_space<hbm>> -> memref<1x2x100xi32, #tpu.memory_space<hbm>>
      %dma_wait3A_384 = tpu.memref_squeeze %dma_wait3A_383 : memref<1x2x100xi32, #tpu.memory_space<hbm>> -> memref<2x100xi32, #tpu.memory_space<hbm>>
      tpu.wait_dma2 semaphore(%run_scoped3A_356 : memref<!tpu.dma_semaphore, #tpu.memory_space<semaphore_mem>>) src(%dma_wait3A_384 : memref<2x100xi32, #tpu.memory_space<hbm>>) dst(%dma_wait3A_381 : memref<2x100xi32, #tpu.memory_space<vmem>>)
      tpu.yield
    }) : () -> ()
    %add3A_25 = arith.constant 2 : i32
    %add3A_26 = arith.addi %mul3A_6, %add3A_25 : i32
    %run_scoped3A_27 = arith.constant 1 : i32
    "tpu.region"() ({
      %run_scoped3A_356 = tpu.sem_alloc : memref<!tpu.dma_semaphore, #tpu.memory_space<semaphore_mem>>
      %dma_start3A_357 = arith.constant 0 : i32
      %dma_start3A_358 = arith.constant 0 : i32
      %dma_start3A_359 = tpu.memref_slice %arg13[%run_scoped3A_27, %dma_start3A_357, %dma_start3A_358] : memref<3x2x100xi32, #tpu.memory_space<vmem>> -> memref<1x2x100xi32, #tpu.memory_space<vmem>>
      %dma_start3A_360 = tpu.memref_squeeze %dma_start3A_359 : memref<1x2x100xi32, #tpu.memory_space<vmem>> -> memref<2x100xi32, #tpu.memory_space<vmem>>
      %dma_start3A_361 = arith.constant 0 : i32
      %dma_start3A_362 = tpu.memref_slice %arg4[%arg0, %add3A_26, %dma_start3A_361] : memref<2x3200x100xi32, #tpu.memory_space<hbm>> -> memref<1x2x100xi32, #tpu.memory_space<hbm>>
      %dma_start3A_363 = tpu.memref_squeeze %dma_start3A_362 : memref<1x2x100xi32, #tpu.memory_space<hbm>> -> memref<2x100xi32, #tpu.memory_space<hbm>>
      %dma_start3A_364 = arith.constant 0 : i32
      %dma_start3A_365 = arith.constant 0 : i32
      %dma_start3A_366 = tpu.memref_slice %arg13[%run_scoped3A_27, %dma_start3A_364, %dma_start3A_365] : memref<3x2x100xi32, #tpu.memory_space<vmem>> -> memref<1x2x100xi32, #tpu.memory_space<vmem>>
      %dma_start3A_367 = tpu.memref_squeeze %dma_start3A_366 : memref<1x2x100xi32, #tpu.memory_space<vmem>> -> memref<2x100xi32, #tpu.memory_space<vmem>>
      %dma_start3A_368 = arith.constant 0 : i32
      %dma_start3A_369 = tpu.memref_slice %arg4[%arg0, %add3A_26, %dma_start3A_368] : memref<2x3200x100xi32, #tpu.memory_space<hbm>> -> memref<1x2x100xi32, #tpu.memory_space<hbm>>
      %dma_start3A_370 = tpu.memref_squeeze %dma_start3A_369 : memref<1x2x100xi32, #tpu.memory_space<hbm>> -> memref<2x100xi32, #tpu.memory_space<hbm>>
      tpu.enqueue_dma source(%dma_start3A_370 : memref<2x100xi32, #tpu.memory_space<hbm>>) target(%dma_start3A_367 : memref<2x100xi32, #tpu.memory_space<vmem>>) target_semaphore(%run_scoped3A_356 : memref<!tpu.dma_semaphore, #tpu.memory_space<semaphore_mem>>)
      %dma_wait3A_371 = arith.constant 0 : i32
      %dma_wait3A_372 = arith.constant 0 : i32
      %dma_wait3A_373 = tpu.memref_slice %arg13[%run_scoped3A_27, %dma_wait3A_371, %dma_wait3A_372] : memref<3x2x100xi32, #tpu.memory_space<vmem>> -> memref<1x2x100xi32, #tpu.memory_space<vmem>>
      %dma_wait3A_374 = tpu.memref_squeeze %dma_wait3A_373 : memref<1x2x100xi32, #tpu.memory_space<vmem>> -> memref<2x100xi32, #tpu.memory_space<vmem>>
      %dma_wait3A_375 = arith.constant 0 : i32
      %dma_wait3A_376 = tpu.memref_slice %arg4[%arg0, %add3A_26, %dma_wait3A_375] : memref<2x3200x100xi32, #tpu.memory_space<hbm>> -> memref<1x2x100xi32, #tpu.memory_space<hbm>>
      %dma_wait3A_377 = tpu.memref_squeeze %dma_wait3A_376 : memref<1x2x100xi32, #tpu.memory_space<hbm>> -> memref<2x100xi32, #tpu.memory_space<hbm>>
      %dma_wait3A_378 = arith.constant 0 : i32
      %dma_wait3A_379 = arith.constant 0 : i32
      %dma_wait3A_380 = tpu.memref_slice %arg13[%run_scoped3A_27, %dma_wait3A_378, %dma_wait3A_379] : memref<3x2x100xi32, #tpu.memory_space<vmem>> -> memref<1x2x100xi32, #tpu.memory_space<vmem>>
      %dma_wait3A_381 = tpu.memref_squeeze %dma_wait3A_380 : memref<1x2x100xi32, #tpu.memory_space<vmem>> -> memref<2x100xi32, #tpu.memory_space<vmem>>
      %dma_wait3A_382 = arith.constant 0 : i32
      %dma_wait3A_383 = tpu.memref_slice %arg4[%arg0, %add3A_26, %dma_wait3A_382] : memref<2x3200x100xi32, #tpu.memory_space<hbm>> -> memref<1x2x100xi32, #tpu.memory_space<hbm>>
      %dma_wait3A_384 = tpu.memref_squeeze %dma_wait3A_383 : memref<1x2x100xi32, #tpu.memory_space<hbm>> -> memref<2x100xi32, #tpu.memory_space<hbm>>
      tpu.wait_dma2 semaphore(%run_scoped3A_356 : memref<!tpu.dma_semaphore, #tpu.memory_space<semaphore_mem>>) src(%dma_wait3A_384 : memref<2x100xi32, #tpu.memory_space<hbm>>) dst(%dma_wait3A_381 : memref<2x100xi32, #tpu.memory_space<vmem>>)
      tpu.yield
    }) : () -> ()
    %mul3A_28 = arith.constant 640 : i32
    %mul3A_29 = arith.muli %arg1, %mul3A_28 : i32
    %add3A_30 = arith.constant 0 : i32
    %add3A_31 = arith.addi %mul3A_29, %add3A_30 : i32
    %dma_start3A_32 = arith.constant 0 : i32
    %dma_start3A_33 = tpu.memref_slice %arg7[%add3A_31, %dma_start3A_32] : memref<10240x128xf32, #tpu.memory_space<vmem_shared>> -> memref<32x128xf32, #tpu.memory_space<vmem_shared>>
    %dma_start3A_34 = arith.constant 0 : i32
    %dma_start3A_35 = tpu.memref_slice %arg7[%add3A_31, %dma_start3A_34] : memref<10240x128xf32, #tpu.memory_space<vmem_shared>> -> memref<32x128xf32, #tpu.memory_space<vmem_shared>>
    tpu.enqueue_dma source(%arg9 : memref<32x128xf32, #tpu.memory_space<vmem>>) target(%dma_start3A_35 : memref<32x128xf32, #tpu.memory_space<vmem_shared>>) target_semaphore(%arg20 : memref<!tpu.dma_semaphore, #tpu.memory_space<semaphore_mem>>)
    %add3A_36 = arith.constant 32 : i32
    %add3A_37 = arith.addi %mul3A_29, %add3A_36 : i32
    %dma_start3A_38 = arith.constant 0 : i32
    %dma_start3A_39 = tpu.memref_slice %arg7[%add3A_37, %dma_start3A_38] : memref<10240x128xf32, #tpu.memory_space<vmem_shared>> -> memref<32x128xf32, #tpu.memory_space<vmem_shared>>
    %dma_start3A_40 = arith.constant 0 : i32
    %dma_start3A_41 = tpu.memref_slice %arg7[%add3A_37, %dma_start3A_40] : memref<10240x128xf32, #tpu.memory_space<vmem_shared>> -> memref<32x128xf32, #tpu.memory_space<vmem_shared>>
    tpu.enqueue_dma source(%arg9 : memref<32x128xf32, #tpu.memory_space<vmem>>) target(%dma_start3A_41 : memref<32x128xf32, #tpu.memory_space<vmem_shared>>) target_semaphore(%arg20 : memref<!tpu.dma_semaphore, #tpu.memory_space<semaphore_mem>>)
    %add3A_42 = arith.constant 64 : i32
    %add3A_43 = arith.addi %mul3A_29, %add3A_42 : i32
    %dma_start3A_44 = arith.constant 0 : i32
    %dma_start3A_45 = tpu.memref_slice %arg7[%add3A_43, %dma_start3A_44] : memref<10240x128xf32, #tpu.memory_space<vmem_shared>> -> memref<32x128xf32, #tpu.memory_space<vmem_shared>>
    %dma_start3A_46 = arith.constant 0 : i32
    %dma_start3A_47 = tpu.memref_slice %arg7[%add3A_43, %dma_start3A_46] : memref<10240x128xf32, #tpu.memory_space<vmem_shared>> -> memref<32x128xf32, #tpu.memory_space<vmem_shared>>
    tpu.enqueue_dma source(%arg9 : memref<32x128xf32, #tpu.memory_space<vmem>>) target(%dma_start3A_47 : memref<32x128xf32, #tpu.memory_space<vmem_shared>>) target_semaphore(%arg20 : memref<!tpu.dma_semaphore, #tpu.memory_space<semaphore_mem>>)
    %add3A_48 = arith.constant 96 : i32
    %add3A_49 = arith.addi %mul3A_29, %add3A_48 : i32
    %dma_start3A_50 = arith.constant 0 : i32
    %dma_start3A_51 = tpu.memref_slice %arg7[%add3A_49, %dma_start3A_50] : memref<10240x128xf32, #tpu.memory_space<vmem_shared>> -> memref<32x128xf32, #tpu.memory_space<vmem_shared>>
    %dma_start3A_52 = arith.constant 0 : i32
    %dma_start3A_53 = tpu.memref_slice %arg7[%add3A_49, %dma_start3A_52] : memref<10240x128xf32, #tpu.memory_space<vmem_shared>> -> memref<32x128xf32, #tpu.memory_space<vmem_shared>>
    tpu.enqueue_dma source(%arg9 : memref<32x128xf32, #tpu.memory_space<vmem>>) target(%dma_start3A_53 : memref<32x128xf32, #tpu.memory_space<vmem_shared>>) target_semaphore(%arg20 : memref<!tpu.dma_semaphore, #tpu.memory_space<semaphore_mem>>)
    %add3A_54 = arith.constant 128 : i32
    %add3A_55 = arith.addi %mul3A_29, %add3A_54 : i32
    %dma_start3A_56 = arith.constant 0 : i32
    %dma_start3A_57 = tpu.memref_slice %arg7[%add3A_55, %dma_start3A_56] : memref<10240x128xf32, #tpu.memory_space<vmem_shared>> -> memref<32x128xf32, #tpu.memory_space<vmem_shared>>
    %dma_start3A_58 = arith.constant 0 : i32
    %dma_start3A_59 = tpu.memref_slice %arg7[%add3A_55, %dma_start3A_58] : memref<10240x128xf32, #tpu.memory_space<vmem_shared>> -> memref<32x128xf32, #tpu.memory_space<vmem_shared>>
    tpu.enqueue_dma source(%arg9 : memref<32x128xf32, #tpu.memory_space<vmem>>) target(%dma_start3A_59 : memref<32x128xf32, #tpu.memory_space<vmem_shared>>) target_semaphore(%arg20 : memref<!tpu.dma_semaphore, #tpu.memory_space<semaphore_mem>>)
    %add3A_60 = arith.constant 160 : i32
    %add3A_61 = arith.addi %mul3A_29, %add3A_60 : i32
    %dma_start3A_62 = arith.constant 0 : i32
    %dma_start3A_63 = tpu.memref_slice %arg7[%add3A_61, %dma_start3A_62] : memref<10240x128xf32, #tpu.memory_space<vmem_shared>> -> memref<32x128xf32, #tpu.memory_space<vmem_shared>>
    %dma_start3A_64 = arith.constant 0 : i32
    %dma_start3A_65 = tpu.memref_slice %arg7[%add3A_61, %dma_start3A_64] : memref<10240x128xf32, #tpu.memory_space<vmem_shared>> -> memref<32x128xf32, #tpu.memory_space<vmem_shared>>
    tpu.enqueue_dma source(%arg9 : memref<32x128xf32, #tpu.memory_space<vmem>>) target(%dma_start3A_65 : memref<32x128xf32, #tpu.memory_space<vmem_shared>>) target_semaphore(%arg20 : memref<!tpu.dma_semaphore, #tpu.memory_space<semaphore_mem>>)
    %add3A_66 = arith.constant 192 : i32
    %add3A_67 = arith.addi %mul3A_29, %add3A_66 : i32
    %dma_start3A_68 = arith.constant 0 : i32
    %dma_start3A_69 = tpu.memref_slice %arg7[%add3A_67, %dma_start3A_68] : memref<10240x128xf32, #tpu.memory_space<vmem_shared>> -> memref<32x128xf32, #tpu.memory_space<vmem_shared>>
    %dma_start3A_70 = arith.constant 0 : i32
    %dma_start3A_71 = tpu.memref_slice %arg7[%add3A_67, %dma_start3A_70] : memref<10240x128xf32, #tpu.memory_space<vmem_shared>> -> memref<32x128xf32, #tpu.memory_space<vmem_shared>>
    tpu.enqueue_dma source(%arg9 : memref<32x128xf32, #tpu.memory_space<vmem>>) target(%dma_start3A_71 : memref<32x128xf32, #tpu.memory_space<vmem_shared>>) target_semaphore(%arg20 : memref<!tpu.dma_semaphore, #tpu.memory_space<semaphore_mem>>)
    %add3A_72 = arith.constant 224 : i32
    %add3A_73 = arith.addi %mul3A_29, %add3A_72 : i32
    %dma_start3A_74 = arith.constant 0 : i32
    %dma_start3A_75 = tpu.memref_slice %arg7[%add3A_73, %dma_start3A_74] : memref<10240x128xf32, #tpu.memory_space<vmem_shared>> -> memref<32x128xf32, #tpu.memory_space<vmem_shared>>
    %dma_start3A_76 = arith.constant 0 : i32
    %dma_start3A_77 = tpu.memref_slice %arg7[%add3A_73, %dma_start3A_76] : memref<10240x128xf32, #tpu.memory_space<vmem_shared>> -> memref<32x128xf32, #tpu.memory_space<vmem_shared>>
    tpu.enqueue_dma source(%arg9 : memref<32x128xf32, #tpu.memory_space<vmem>>) target(%dma_start3A_77 : memref<32x128xf32, #tpu.memory_space<vmem_shared>>) target_semaphore(%arg20 : memref<!tpu.dma_semaphore, #tpu.memory_space<semaphore_mem>>)
    %add3A_78 = arith.constant 256 : i32
    %add3A_79 = arith.addi %mul3A_29, %add3A_78 : i32
    %dma_start3A_80 = arith.constant 0 : i32
    %dma_start3A_81 = tpu.memref_slice %arg7[%add3A_79, %dma_start3A_80] : memref<10240x128xf32, #tpu.memory_space<vmem_shared>> -> memref<32x128xf32, #tpu.memory_space<vmem_shared>>
    %dma_start3A_82 = arith.constant 0 : i32
    %dma_start3A_83 = tpu.memref_slice %arg7[%add3A_79, %dma_start3A_82] : memref<10240x128xf32, #tpu.memory_space<vmem_shared>> -> memref<32x128xf32, #tpu.memory_space<vmem_shared>>
    tpu.enqueue_dma source(%arg9 : memref<32x128xf32, #tpu.memory_space<vmem>>) target(%dma_start3A_83 : memref<32x128xf32, #tpu.memory_space<vmem_shared>>) target_semaphore(%arg20 : memref<!tpu.dma_semaphore, #tpu.memory_space<semaphore_mem>>)
    %add3A_84 = arith.constant 288 : i32
    %add3A_85 = arith.addi %mul3A_29, %add3A_84 : i32
    %dma_start3A_86 = arith.constant 0 : i32
    %dma_start3A_87 = tpu.memref_slice %arg7[%add3A_85, %dma_start3A_86] : memref<10240x128xf32, #tpu.memory_space<vmem_shared>> -> memref<32x128xf32, #tpu.memory_space<vmem_shared>>
    %dma_start3A_88 = arith.constant 0 : i32
    %dma_start3A_89 = tpu.memref_slice %arg7[%add3A_85, %dma_start3A_88] : memref<10240x128xf32, #tpu.memory_space<vmem_shared>> -> memref<32x128xf32, #tpu.memory_space<vmem_shared>>
    tpu.enqueue_dma source(%arg9 : memref<32x128xf32, #tpu.memory_space<vmem>>) target(%dma_start3A_89 : memref<32x128xf32, #tpu.memory_space<vmem_shared>>) target_semaphore(%arg20 : memref<!tpu.dma_semaphore, #tpu.memory_space<semaphore_mem>>)
    %add3A_90 = arith.constant 320 : i32
    %add3A_91 = arith.addi %mul3A_29, %add3A_90 : i32
    %dma_start3A_92 = arith.constant 0 : i32
    %dma_start3A_93 = tpu.memref_slice %arg7[%add3A_91, %dma_start3A_92] : memref<10240x128xf32, #tpu.memory_space<vmem_shared>> -> memref<32x128xf32, #tpu.memory_space<vmem_shared>>
    %dma_start3A_94 = arith.constant 0 : i32
    %dma_start3A_95 = tpu.memref_slice %arg7[%add3A_91, %dma_start3A_94] : memref<10240x128xf32, #tpu.memory_space<vmem_shared>> -> memref<32x128xf32, #tpu.memory_space<vmem_shared>>
    tpu.enqueue_dma source(%arg9 : memref<32x128xf32, #tpu.memory_space<vmem>>) target(%dma_start3A_95 : memref<32x128xf32, #tpu.memory_space<vmem_shared>>) target_semaphore(%arg20 : memref<!tpu.dma_semaphore, #tpu.memory_space<semaphore_mem>>)
    %add3A_96 = arith.constant 352 : i32
    %add3A_97 = arith.addi %mul3A_29, %add3A_96 : i32
    %dma_start3A_98 = arith.constant 0 : i32
    %dma_start3A_99 = tpu.memref_slice %arg7[%add3A_97, %dma_start3A_98] : memref<10240x128xf32, #tpu.memory_space<vmem_shared>> -> memref<32x128xf32, #tpu.memory_space<vmem_shared>>
    %dma_start3A_100 = arith.constant 0 : i32
    %dma_start3A_101 = tpu.memref_slice %arg7[%add3A_97, %dma_start3A_100] : memref<10240x128xf32, #tpu.memory_space<vmem_shared>> -> memref<32x128xf32, #tpu.memory_space<vmem_shared>>
    tpu.enqueue_dma source(%arg9 : memref<32x128xf32, #tpu.memory_space<vmem>>) target(%dma_start3A_101 : memref<32x128xf32, #tpu.memory_space<vmem_shared>>) target_semaphore(%arg20 : memref<!tpu.dma_semaphore, #tpu.memory_space<semaphore_mem>>)
    %add3A_102 = arith.constant 384 : i32
    %add3A_103 = arith.addi %mul3A_29, %add3A_102 : i32
    %dma_start3A_104 = arith.constant 0 : i32
    %dma_start3A_105 = tpu.memref_slice %arg7[%add3A_103, %dma_start3A_104] : memref<10240x128xf32, #tpu.memory_space<vmem_shared>> -> memref<32x128xf32, #tpu.memory_space<vmem_shared>>
    %dma_start3A_106 = arith.constant 0 : i32
    %dma_start3A_107 = tpu.memref_slice %arg7[%add3A_103, %dma_start3A_106] : memref<10240x128xf32, #tpu.memory_space<vmem_shared>> -> memref<32x128xf32, #tpu.memory_space<vmem_shared>>
    tpu.enqueue_dma source(%arg9 : memref<32x128xf32, #tpu.memory_space<vmem>>) target(%dma_start3A_107 : memref<32x128xf32, #tpu.memory_space<vmem_shared>>) target_semaphore(%arg20 : memref<!tpu.dma_semaphore, #tpu.memory_space<semaphore_mem>>)
    %add3A_108 = arith.constant 416 : i32
    %add3A_109 = arith.addi %mul3A_29, %add3A_108 : i32
    %dma_start3A_110 = arith.constant 0 : i32
    %dma_start3A_111 = tpu.memref_slice %arg7[%add3A_109, %dma_start3A_110] : memref<10240x128xf32, #tpu.memory_space<vmem_shared>> -> memref<32x128xf32, #tpu.memory_space<vmem_shared>>
    %dma_start3A_112 = arith.constant 0 : i32
    %dma_start3A_113 = tpu.memref_slice %arg7[%add3A_109, %dma_start3A_112] : memref<10240x128xf32, #tpu.memory_space<vmem_shared>> -> memref<32x128xf32, #tpu.memory_space<vmem_shared>>
    tpu.enqueue_dma source(%arg9 : memref<32x128xf32, #tpu.memory_space<vmem>>) target(%dma_start3A_113 : memref<32x128xf32, #tpu.memory_space<vmem_shared>>) target_semaphore(%arg20 : memref<!tpu.dma_semaphore, #tpu.memory_space<semaphore_mem>>)
    %add3A_114 = arith.constant 448 : i32
    %add3A_115 = arith.addi %mul3A_29, %add3A_114 : i32
    %dma_start3A_116 = arith.constant 0 : i32
    %dma_start3A_117 = tpu.memref_slice %arg7[%add3A_115, %dma_start3A_116] : memref<10240x128xf32, #tpu.memory_space<vmem_shared>> -> memref<32x128xf32, #tpu.memory_space<vmem_shared>>
    %dma_start3A_118 = arith.constant 0 : i32
    %dma_start3A_119 = tpu.memref_slice %arg7[%add3A_115, %dma_start3A_118] : memref<10240x128xf32, #tpu.memory_space<vmem_shared>> -> memref<32x128xf32, #tpu.memory_space<vmem_shared>>
    tpu.enqueue_dma source(%arg9 : memref<32x128xf32, #tpu.memory_space<vmem>>) target(%dma_start3A_119 : memref<32x128xf32, #tpu.memory_space<vmem_shared>>) target_semaphore(%arg20 : memref<!tpu.dma_semaphore, #tpu.memory_space<semaphore_mem>>)
    %add3A_120 = arith.constant 480 : i32
    %add3A_121 = arith.addi %mul3A_29, %add3A_120 : i32
    %dma_start3A_122 = arith.constant 0 : i32
    %dma_start3A_123 = tpu.memref_slice %arg7[%add3A_121, %dma_start3A_122] : memref<10240x128xf32, #tpu.memory_space<vmem_shared>> -> memref<32x128xf32, #tpu.memory_space<vmem_shared>>
    %dma_start3A_124 = arith.constant 0 : i32
    %dma_start3A_125 = tpu.memref_slice %arg7[%add3A_121, %dma_start3A_124] : memref<10240x128xf32, #tpu.memory_space<vmem_shared>> -> memref<32x128xf32, #tpu.memory_space<vmem_shared>>
    tpu.enqueue_dma source(%arg9 : memref<32x128xf32, #tpu.memory_space<vmem>>) target(%dma_start3A_125 : memref<32x128xf32, #tpu.memory_space<vmem_shared>>) target_semaphore(%arg20 : memref<!tpu.dma_semaphore, #tpu.memory_space<semaphore_mem>>)
    %add3A_126 = arith.constant 512 : i32
    %add3A_127 = arith.addi %mul3A_29, %add3A_126 : i32
    %dma_start3A_128 = arith.constant 0 : i32
    %dma_start3A_129 = tpu.memref_slice %arg7[%add3A_127, %dma_start3A_128] : memref<10240x128xf32, #tpu.memory_space<vmem_shared>> -> memref<32x128xf32, #tpu.memory_space<vmem_shared>>
    %dma_start3A_130 = arith.constant 0 : i32
    %dma_start3A_131 = tpu.memref_slice %arg7[%add3A_127, %dma_start3A_130] : memref<10240x128xf32, #tpu.memory_space<vmem_shared>> -> memref<32x128xf32, #tpu.memory_space<vmem_shared>>
    tpu.enqueue_dma source(%arg9 : memref<32x128xf32, #tpu.memory_space<vmem>>) target(%dma_start3A_131 : memref<32x128xf32, #tpu.memory_space<vmem_shared>>) target_semaphore(%arg20 : memref<!tpu.dma_semaphore, #tpu.memory_space<semaphore_mem>>)
    %add3A_132 = arith.constant 544 : i32
    %add3A_133 = arith.addi %mul3A_29, %add3A_132 : i32
    %dma_start3A_134 = arith.constant 0 : i32
    %dma_start3A_135 = tpu.memref_slice %arg7[%add3A_133, %dma_start3A_134] : memref<10240x128xf32, #tpu.memory_space<vmem_shared>> -> memref<32x128xf32, #tpu.memory_space<vmem_shared>>
    %dma_start3A_136 = arith.constant 0 : i32
    %dma_start3A_137 = tpu.memref_slice %arg7[%add3A_133, %dma_start3A_136] : memref<10240x128xf32, #tpu.memory_space<vmem_shared>> -> memref<32x128xf32, #tpu.memory_space<vmem_shared>>
    tpu.enqueue_dma source(%arg9 : memref<32x128xf32, #tpu.memory_space<vmem>>) target(%dma_start3A_137 : memref<32x128xf32, #tpu.memory_space<vmem_shared>>) target_semaphore(%arg20 : memref<!tpu.dma_semaphore, #tpu.memory_space<semaphore_mem>>)
    %add3A_138 = arith.constant 576 : i32
    %add3A_139 = arith.addi %mul3A_29, %add3A_138 : i32
    %dma_start3A_140 = arith.constant 0 : i32
    %dma_start3A_141 = tpu.memref_slice %arg7[%add3A_139, %dma_start3A_140] : memref<10240x128xf32, #tpu.memory_space<vmem_shared>> -> memref<32x128xf32, #tpu.memory_space<vmem_shared>>
    %dma_start3A_142 = arith.constant 0 : i32
    %dma_start3A_143 = tpu.memref_slice %arg7[%add3A_139, %dma_start3A_142] : memref<10240x128xf32, #tpu.memory_space<vmem_shared>> -> memref<32x128xf32, #tpu.memory_space<vmem_shared>>
    tpu.enqueue_dma source(%arg9 : memref<32x128xf32, #tpu.memory_space<vmem>>) target(%dma_start3A_143 : memref<32x128xf32, #tpu.memory_space<vmem_shared>>) target_semaphore(%arg20 : memref<!tpu.dma_semaphore, #tpu.memory_space<semaphore_mem>>)
    %add3A_144 = arith.constant 608 : i32
    %add3A_145 = arith.addi %mul3A_29, %add3A_144 : i32
    %dma_start3A_146 = arith.constant 0 : i32
    %dma_start3A_147 = tpu.memref_slice %arg7[%add3A_145, %dma_start3A_146] : memref<10240x128xf32, #tpu.memory_space<vmem_shared>> -> memref<32x128xf32, #tpu.memory_space<vmem_shared>>
    %dma_start3A_148 = arith.constant 0 : i32
    %dma_start3A_149 = tpu.memref_slice %arg7[%add3A_145, %dma_start3A_148] : memref<10240x128xf32, #tpu.memory_space<vmem_shared>> -> memref<32x128xf32, #tpu.memory_space<vmem_shared>>
    tpu.enqueue_dma source(%arg9 : memref<32x128xf32, #tpu.memory_space<vmem>>) target(%dma_start3A_149 : memref<32x128xf32, #tpu.memory_space<vmem_shared>>) target_semaphore(%arg20 : memref<!tpu.dma_semaphore, #tpu.memory_space<semaphore_mem>>)
    %scan3A_150 = arith.constant 0 : i32
    %scan3A_151 = arith.constant 0 : i32
    %scan3A_152 = arith.constant 40 : i32
    %scan3A_153 = arith.addi %scan3A_151, %scan3A_152 : i32
    %scan3A_154 = arith.constant 1 : i32
    %scan3A_155 = scf.for %scan3A_356 = %scan3A_151 to %scan3A_153 step %scan3A_154 iter_args(%scan3A_357 = %scan3A_150) -> (i32)  : i32 {
      %broadcast_in_dim3A = arith.constant 0.000000e+00 : f32
      %broadcast_in_dim3A_358 = vector.broadcast %broadcast_in_dim3A : f32 to vector<16xf32>
      %mul3A_359 = arith.constant 16 : i32
      %mul3A_360 = arith.muli %scan3A_356, %mul3A_359 : i32
      %swap3A = arith.index_cast %mul3A_360 : i32 to index
      %swap3A_361 = tpu.vector_load %arg10[%swap3A] {strides = array<i32>} : memref<640xf32, #tpu.memory_space<vmem>>, vector<16xf32>,
      %swap3A_362 = vector.shape_cast %swap3A_361 : vector<16xf32> to vector<16xf32>
      %swap3A_363 = vector.shape_cast %broadcast_in_dim3A_358 : vector<16xf32> to vector<16xf32>
      tpu.vector_store %arg10[%swap3A], %swap3A_363 {strides = array<i32>} : memref<640xf32, #tpu.memory_space<vmem>>, vector<16xf32>,
      %scan3A_364 = arith.constant 0 : i32
      scf.yield %scan3A_364 : i32
    }
    %scan3A_156 = arith.constant 40 : i32
    %dma_start3A_157 = tpu.memref_slice %arg8[%mul3A_29] : memref<10240xf32, #tpu.memory_space<vmem_shared>> -> memref<640xf32, #tpu.memory_space<vmem_shared>>
    %dma_start3A_158 = tpu.memref_slice %arg8[%mul3A_29] : memref<10240xf32, #tpu.memory_space<vmem_shared>> -> memref<640xf32, #tpu.memory_space<vmem_shared>>
    tpu.enqueue_dma source(%arg10 : memref<640xf32, #tpu.memory_space<vmem>>) target(%dma_start3A_158 : memref<640xf32, #tpu.memory_space<vmem_shared>>) target_semaphore(%arg21 : memref<!tpu.dma_semaphore, #tpu.memory_space<semaphore_mem>>)
    %scan3A_159 = arith.constant 0 : i32
    %scan3A_160 = arith.constant 0 : i32
    %scan3A_161 = arith.constant 8 : i32
    %scan3A_162 = arith.addi %scan3A_160, %scan3A_161 : i32
    %scan3A_163 = arith.constant 1 : i32
    %scan3A_164 = scf.for %scan3A_356 = %scan3A_160 to %scan3A_162 step %scan3A_163 iter_args(%scan3A_357 = %scan3A_159) -> (i32)  : i32 {
      %broadcast_in_dim3A = arith.constant 1.000000e+00 : f32
      %broadcast_in_dim3A_358 = vector.broadcast %broadcast_in_dim3A : f32 to vector<16xf32>
      %mul3A_359 = arith.constant 16 : i32
      %mul3A_360 = arith.muli %scan3A_356, %mul3A_359 : i32
      %swap3A = arith.index_cast %mul3A_360 : i32 to index
      %swap3A_361 = tpu.vector_load %arg11[%swap3A] {strides = array<i32>} : memref<128xf32, #tpu.memory_space<vmem>>, vector<16xf32>,
      %swap3A_362 = vector.shape_cast %swap3A_361 : vector<16xf32> to vector<16xf32>
      %swap3A_363 = vector.shape_cast %broadcast_in_dim3A_358 : vector<16xf32> to vector<16xf32>
      tpu.vector_store %arg11[%swap3A], %swap3A_363 {strides = array<i32>} : memref<128xf32, #tpu.memory_space<vmem>>, vector<16xf32>,
      %scan3A_364 = arith.constant 0 : i32
      scf.yield %scan3A_364 : i32
    }
    %scan3A_165 = arith.constant 8 : i32
    %dma_wait3A = tpu.memref_slice %arg8[%mul3A_29] : memref<10240xf32, #tpu.memory_space<vmem_shared>> -> memref<640xf32, #tpu.memory_space<vmem_shared>>
    %dma_wait3A_166 = tpu.memref_slice %arg8[%mul3A_29] : memref<10240xf32, #tpu.memory_space<vmem_shared>> -> memref<640xf32, #tpu.memory_space<vmem_shared>>
    tpu.wait_dma2 semaphore(%arg21 : memref<!tpu.dma_semaphore, #tpu.memory_space<semaphore_mem>>) src(%arg10 : memref<640xf32, #tpu.memory_space<vmem>>) dst(%dma_wait3A_166 : memref<640xf32, #tpu.memory_space<vmem_shared>>)
    %dma_wait3A_167 = arith.constant 0 : i32
    %dma_wait3A_168 = tpu.memref_slice %arg7[%mul3A_29, %dma_wait3A_167] : memref<10240x128xf32, #tpu.memory_space<vmem_shared>> -> memref<32x128xf32, #tpu.memory_space<vmem_shared>>
    %dma_wait3A_169 = arith.constant 0 : i32
    %dma_wait3A_170 = tpu.memref_slice %arg7[%mul3A_29, %dma_wait3A_169] : memref<10240x128xf32, #tpu.memory_space<vmem_shared>> -> memref<32x128xf32, #tpu.memory_space<vmem_shared>>
    tpu.wait_dma2 semaphore(%arg20 : memref<!tpu.dma_semaphore, #tpu.memory_space<semaphore_mem>>) src(%arg9 : memref<32x128xf32, #tpu.memory_space<vmem>>) dst(%dma_wait3A_170 : memref<32x128xf32, #tpu.memory_space<vmem_shared>>)
    %dma_wait3A_171 = arith.constant 0 : i32
    %dma_wait3A_172 = tpu.memref_slice %arg7[%mul3A_29, %dma_wait3A_171] : memref<10240x128xf32, #tpu.memory_space<vmem_shared>> -> memref<32x128xf32, #tpu.memory_space<vmem_shared>>
    %dma_wait3A_173 = arith.constant 0 : i32
    %dma_wait3A_174 = tpu.memref_slice %arg7[%mul3A_29, %dma_wait3A_173] : memref<10240x128xf32, #tpu.memory_space<vmem_shared>> -> memref<32x128xf32, #tpu.memory_space<vmem_shared>>
    tpu.wait_dma2 semaphore(%arg20 : memref<!tpu.dma_semaphore, #tpu.memory_space<semaphore_mem>>) src(%arg9 : memref<32x128xf32, #tpu.memory_space<vmem>>) dst(%dma_wait3A_174 : memref<32x128xf32, #tpu.memory_space<vmem_shared>>)
    %dma_wait3A_175 = arith.constant 0 : i32
    %dma_wait3A_176 = tpu.memref_slice %arg7[%mul3A_29, %dma_wait3A_175] : memref<10240x128xf32, #tpu.memory_space<vmem_shared>> -> memref<32x128xf32, #tpu.memory_space<vmem_shared>>
    %dma_wait3A_177 = arith.constant 0 : i32
    %dma_wait3A_178 = tpu.memref_slice %arg7[%mul3A_29, %dma_wait3A_177] : memref<10240x128xf32, #tpu.memory_space<vmem_shared>> -> memref<32x128xf32, #tpu.memory_space<vmem_shared>>
    tpu.wait_dma2 semaphore(%arg20 : memref<!tpu.dma_semaphore, #tpu.memory_space<semaphore_mem>>) src(%arg9 : memref<32x128xf32, #tpu.memory_space<vmem>>) dst(%dma_wait3A_178 : memref<32x128xf32, #tpu.memory_space<vmem_shared>>)
    %dma_wait3A_179 = arith.constant 0 : i32
    %dma_wait3A_180 = tpu.memref_slice %arg7[%mul3A_29, %dma_wait3A_179] : memref<10240x128xf32, #tpu.memory_space<vmem_shared>> -> memref<32x128xf32, #tpu.memory_space<vmem_shared>>
    %dma_wait3A_181 = arith.constant 0 : i32
    %dma_wait3A_182 = tpu.memref_slice %arg7[%mul3A_29, %dma_wait3A_181] : memref<10240x128xf32, #tpu.memory_space<vmem_shared>> -> memref<32x128xf32, #tpu.memory_space<vmem_shared>>
    tpu.wait_dma2 semaphore(%arg20 : memref<!tpu.dma_semaphore, #tpu.memory_space<semaphore_mem>>) src(%arg9 : memref<32x128xf32, #tpu.memory_space<vmem>>) dst(%dma_wait3A_182 : memref<32x128xf32, #tpu.memory_space<vmem_shared>>)
    %dma_wait3A_183 = arith.constant 0 : i32
    %dma_wait3A_184 = tpu.memref_slice %arg7[%mul3A_29, %dma_wait3A_183] : memref<10240x128xf32, #tpu.memory_space<vmem_shared>> -> memref<32x128xf32, #tpu.memory_space<vmem_shared>>
    %dma_wait3A_185 = arith.constant 0 : i32
    %dma_wait3A_186 = tpu.memref_slice %arg7[%mul3A_29, %dma_wait3A_185] : memref<10240x128xf32, #tpu.memory_space<vmem_shared>> -> memref<32x128xf32, #tpu.memory_space<vmem_shared>>
    tpu.wait_dma2 semaphore(%arg20 : memref<!tpu.dma_semaphore, #tpu.memory_space<semaphore_mem>>) src(%arg9 : memref<32x128xf32, #tpu.memory_space<vmem>>) dst(%dma_wait3A_186 : memref<32x128xf32, #tpu.memory_space<vmem_shared>>)
    %dma_wait3A_187 = arith.constant 0 : i32
    %dma_wait3A_188 = tpu.memref_slice %arg7[%mul3A_29, %dma_wait3A_187] : memref<10240x128xf32, #tpu.memory_space<vmem_shared>> -> memref<32x128xf32, #tpu.memory_space<vmem_shared>>
    %dma_wait3A_189 = arith.constant 0 : i32
    %dma_wait3A_190 = tpu.memref_slice %arg7[%mul3A_29, %dma_wait3A_189] : memref<10240x128xf32, #tpu.memory_space<vmem_shared>> -> memref<32x128xf32, #tpu.memory_space<vmem_shared>>
    tpu.wait_dma2 semaphore(%arg20 : memref<!tpu.dma_semaphore, #tpu.memory_space<semaphore_mem>>) src(%arg9 : memref<32x128xf32, #tpu.memory_space<vmem>>) dst(%dma_wait3A_190 : memref<32x128xf32, #tpu.memory_space<vmem_shared>>)
    %dma_wait3A_191 = arith.constant 0 : i32
    %dma_wait3A_192 = tpu.memref_slice %arg7[%mul3A_29, %dma_wait3A_191] : memref<10240x128xf32, #tpu.memory_space<vmem_shared>> -> memref<32x128xf32, #tpu.memory_space<vmem_shared>>
    %dma_wait3A_193 = arith.constant 0 : i32
    %dma_wait3A_194 = tpu.memref_slice %arg7[%mul3A_29, %dma_wait3A_193] : memref<10240x128xf32, #tpu.memory_space<vmem_shared>> -> memref<32x128xf32, #tpu.memory_space<vmem_shared>>
    tpu.wait_dma2 semaphore(%arg20 : memref<!tpu.dma_semaphore, #tpu.memory_space<semaphore_mem>>) src(%arg9 : memref<32x128xf32, #tpu.memory_space<vmem>>) dst(%dma_wait3A_194 : memref<32x128xf32, #tpu.memory_space<vmem_shared>>)
    %dma_wait3A_195 = arith.constant 0 : i32
    %dma_wait3A_196 = tpu.memref_slice %arg7[%mul3A_29, %dma_wait3A_195] : memref<10240x128xf32, #tpu.memory_space<vmem_shared>> -> memref<32x128xf32, #tpu.memory_space<vmem_shared>>
    %dma_wait3A_197 = arith.constant 0 : i32
    %dma_wait3A_198 = tpu.memref_slice %arg7[%mul3A_29, %dma_wait3A_197] : memref<10240x128xf32, #tpu.memory_space<vmem_shared>> -> memref<32x128xf32, #tpu.memory_space<vmem_shared>>
    tpu.wait_dma2 semaphore(%arg20 : memref<!tpu.dma_semaphore, #tpu.memory_space<semaphore_mem>>) src(%arg9 : memref<32x128xf32, #tpu.memory_space<vmem>>) dst(%dma_wait3A_198 : memref<32x128xf32, #tpu.memory_space<vmem_shared>>)
    %dma_wait3A_199 = arith.constant 0 : i32
    %dma_wait3A_200 = tpu.memref_slice %arg7[%mul3A_29, %dma_wait3A_199] : memref<10240x128xf32, #tpu.memory_space<vmem_shared>> -> memref<32x128xf32, #tpu.memory_space<vmem_shared>>
    %dma_wait3A_201 = arith.constant 0 : i32
    %dma_wait3A_202 = tpu.memref_slice %arg7[%mul3A_29, %dma_wait3A_201] : memref<10240x128xf32, #tpu.memory_space<vmem_shared>> -> memref<32x128xf32, #tpu.memory_space<vmem_shared>>
    tpu.wait_dma2 semaphore(%arg20 : memref<!tpu.dma_semaphore, #tpu.memory_space<semaphore_mem>>) src(%arg9 : memref<32x128xf32, #tpu.memory_space<vmem>>) dst(%dma_wait3A_202 : memref<32x128xf32, #tpu.memory_space<vmem_shared>>)
    %dma_wait3A_203 = arith.constant 0 : i32
    %dma_wait3A_204 = tpu.memref_slice %arg7[%mul3A_29, %dma_wait3A_203] : memref<10240x128xf32, #tpu.memory_space<vmem_shared>> -> memref<32x128xf32, #tpu.memory_space<vmem_shared>>
    %dma_wait3A_205 = arith.constant 0 : i32
    %dma_wait3A_206 = tpu.memref_slice %arg7[%mul3A_29, %dma_wait3A_205] : memref<10240x128xf32, #tpu.memory_space<vmem_shared>> -> memref<32x128xf32, #tpu.memory_space<vmem_shared>>
    tpu.wait_dma2 semaphore(%arg20 : memref<!tpu.dma_semaphore, #tpu.memory_space<semaphore_mem>>) src(%arg9 : memref<32x128xf32, #tpu.memory_space<vmem>>) dst(%dma_wait3A_206 : memref<32x128xf32, #tpu.memory_space<vmem_shared>>)
    %dma_wait3A_207 = arith.constant 0 : i32
    %dma_wait3A_208 = tpu.memref_slice %arg7[%mul3A_29, %dma_wait3A_207] : memref<10240x128xf32, #tpu.memory_space<vmem_shared>> -> memref<32x128xf32, #tpu.memory_space<vmem_shared>>
    %dma_wait3A_209 = arith.constant 0 : i32
    %dma_wait3A_210 = tpu.memref_slice %arg7[%mul3A_29, %dma_wait3A_209] : memref<10240x128xf32, #tpu.memory_space<vmem_shared>> -> memref<32x128xf32, #tpu.memory_space<vmem_shared>>
    tpu.wait_dma2 semaphore(%arg20 : memref<!tpu.dma_semaphore, #tpu.memory_space<semaphore_mem>>) src(%arg9 : memref<32x128xf32, #tpu.memory_space<vmem>>) dst(%dma_wait3A_210 : memref<32x128xf32, #tpu.memory_space<vmem_shared>>)
    %dma_wait3A_211 = arith.constant 0 : i32
    %dma_wait3A_212 = tpu.memref_slice %arg7[%mul3A_29, %dma_wait3A_211] : memref<10240x128xf32, #tpu.memory_space<vmem_shared>> -> memref<32x128xf32, #tpu.memory_space<vmem_shared>>
    %dma_wait3A_213 = arith.constant 0 : i32
    %dma_wait3A_214 = tpu.memref_slice %arg7[%mul3A_29, %dma_wait3A_213] : memref<10240x128xf32, #tpu.memory_space<vmem_shared>> -> memref<32x128xf32, #tpu.memory_space<vmem_shared>>
    tpu.wait_dma2 semaphore(%arg20 : memref<!tpu.dma_semaphore, #tpu.memory_space<semaphore_mem>>) src(%arg9 : memref<32x128xf32, #tpu.memory_space<vmem>>) dst(%dma_wait3A_214 : memref<32x128xf32, #tpu.memory_space<vmem_shared>>)
    %dma_wait3A_215 = arith.constant 0 : i32
    %dma_wait3A_216 = tpu.memref_slice %arg7[%mul3A_29, %dma_wait3A_215] : memref<10240x128xf32, #tpu.memory_space<vmem_shared>> -> memref<32x128xf32, #tpu.memory_space<vmem_shared>>
    %dma_wait3A_217 = arith.constant 0 : i32
    %dma_wait3A_218 = tpu.memref_slice %arg7[%mul3A_29, %dma_wait3A_217] : memref<10240x128xf32, #tpu.memory_space<vmem_shared>> -> memref<32x128xf32, #tpu.memory_space<vmem_shared>>
    tpu.wait_dma2 semaphore(%arg20 : memref<!tpu.dma_semaphore, #tpu.memory_space<semaphore_mem>>) src(%arg9 : memref<32x128xf32, #tpu.memory_space<vmem>>) dst(%dma_wait3A_218 : memref<32x128xf32, #tpu.memory_space<vmem_shared>>)
    %dma_wait3A_219 = arith.constant 0 : i32
    %dma_wait3A_220 = tpu.memref_slice %arg7[%mul3A_29, %dma_wait3A_219] : memref<10240x128xf32, #tpu.memory_space<vmem_shared>> -> memref<32x128xf32, #tpu.memory_space<vmem_shared>>
    %dma_wait3A_221 = arith.constant 0 : i32
    %dma_wait3A_222 = tpu.memref_slice %arg7[%mul3A_29, %dma_wait3A_221] : memref<10240x128xf32, #tpu.memory_space<vmem_shared>> -> memref<32x128xf32, #tpu.memory_space<vmem_shared>>
    tpu.wait_dma2 semaphore(%arg20 : memref<!tpu.dma_semaphore, #tpu.memory_space<semaphore_mem>>) src(%arg9 : memref<32x128xf32, #tpu.memory_space<vmem>>) dst(%dma_wait3A_222 : memref<32x128xf32, #tpu.memory_space<vmem_shared>>)
    %dma_wait3A_223 = arith.constant 0 : i32
    %dma_wait3A_224 = tpu.memref_slice %arg7[%mul3A_29, %dma_wait3A_223] : memref<10240x128xf32, #tpu.memory_space<vmem_shared>> -> memref<32x128xf32, #tpu.memory_space<vmem_shared>>
    %dma_wait3A_225 = arith.constant 0 : i32
    %dma_wait3A_226 = tpu.memref_slice %arg7[%mul3A_29, %dma_wait3A_225] : memref<10240x128xf32, #tpu.memory_space<vmem_shared>> -> memref<32x128xf32, #tpu.memory_space<vmem_shared>>
    tpu.wait_dma2 semaphore(%arg20 : memref<!tpu.dma_semaphore, #tpu.memory_space<semaphore_mem>>) src(%arg9 : memref<32x128xf32, #tpu.memory_space<vmem>>) dst(%dma_wait3A_226 : memref<32x128xf32, #tpu.memory_space<vmem_shared>>)
    %dma_wait3A_227 = arith.constant 0 : i32
    %dma_wait3A_228 = tpu.memref_slice %arg7[%mul3A_29, %dma_wait3A_227] : memref<10240x128xf32, #tpu.memory_space<vmem_shared>> -> memref<32x128xf32, #tpu.memory_space<vmem_shared>>
    %dma_wait3A_229 = arith.constant 0 : i32
    %dma_wait3A_230 = tpu.memref_slice %arg7[%mul3A_29, %dma_wait3A_229] : memref<10240x128xf32, #tpu.memory_space<vmem_shared>> -> memref<32x128xf32, #tpu.memory_space<vmem_shared>>
    tpu.wait_dma2 semaphore(%arg20 : memref<!tpu.dma_semaphore, #tpu.memory_space<semaphore_mem>>) src(%arg9 : memref<32x128xf32, #tpu.memory_space<vmem>>) dst(%dma_wait3A_230 : memref<32x128xf32, #tpu.memory_space<vmem_shared>>)
    %dma_wait3A_231 = arith.constant 0 : i32
    %dma_wait3A_232 = tpu.memref_slice %arg7[%mul3A_29, %dma_wait3A_231] : memref<10240x128xf32, #tpu.memory_space<vmem_shared>> -> memref<32x128xf32, #tpu.memory_space<vmem_shared>>
    %dma_wait3A_233 = arith.constant 0 : i32
    %dma_wait3A_234 = tpu.memref_slice %arg7[%mul3A_29, %dma_wait3A_233] : memref<10240x128xf32, #tpu.memory_space<vmem_shared>> -> memref<32x128xf32, #tpu.memory_space<vmem_shared>>
    tpu.wait_dma2 semaphore(%arg20 : memref<!tpu.dma_semaphore, #tpu.memory_space<semaphore_mem>>) src(%arg9 : memref<32x128xf32, #tpu.memory_space<vmem>>) dst(%dma_wait3A_234 : memref<32x128xf32, #tpu.memory_space<vmem_shared>>)
    %dma_wait3A_235 = arith.constant 0 : i32
    %dma_wait3A_236 = tpu.memref_slice %arg7[%mul3A_29, %dma_wait3A_235] : memref<10240x128xf32, #tpu.memory_space<vmem_shared>> -> memref<32x128xf32, #tpu.memory_space<vmem_shared>>
    %dma_wait3A_237 = arith.constant 0 : i32
    %dma_wait3A_238 = tpu.memref_slice %arg7[%mul3A_29, %dma_wait3A_237] : memref<10240x128xf32, #tpu.memory_space<vmem_shared>> -> memref<32x128xf32, #tpu.memory_space<vmem_shared>>
    tpu.wait_dma2 semaphore(%arg20 : memref<!tpu.dma_semaphore, #tpu.memory_space<semaphore_mem>>) src(%arg9 : memref<32x128xf32, #tpu.memory_space<vmem>>) dst(%dma_wait3A_238 : memref<32x128xf32, #tpu.memory_space<vmem_shared>>)
    %dma_wait3A_239 = arith.constant 0 : i32
    %dma_wait3A_240 = tpu.memref_slice %arg7[%mul3A_29, %dma_wait3A_239] : memref<10240x128xf32, #tpu.memory_space<vmem_shared>> -> memref<32x128xf32, #tpu.memory_space<vmem_shared>>
    %dma_wait3A_241 = arith.constant 0 : i32
    %dma_wait3A_242 = tpu.memref_slice %arg7[%mul3A_29, %dma_wait3A_241] : memref<10240x128xf32, #tpu.memory_space<vmem_shared>> -> memref<32x128xf32, #tpu.memory_space<vmem_shared>>
    tpu.wait_dma2 semaphore(%arg20 : memref<!tpu.dma_semaphore, #tpu.memory_space<semaphore_mem>>) src(%arg9 : memref<32x128xf32, #tpu.memory_space<vmem>>) dst(%dma_wait3A_242 : memref<32x128xf32, #tpu.memory_space<vmem_shared>>)
    %dma_wait3A_243 = arith.constant 0 : i32
    %dma_wait3A_244 = tpu.memref_slice %arg7[%mul3A_29, %dma_wait3A_243] : memref<10240x128xf32, #tpu.memory_space<vmem_shared>> -> memref<32x128xf32, #tpu.memory_space<vmem_shared>>
    %dma_wait3A_245 = arith.constant 0 : i32
    %dma_wait3A_246 = tpu.memref_slice %arg7[%mul3A_29, %dma_wait3A_245] : memref<10240x128xf32, #tpu.memory_space<vmem_shared>> -> memref<32x128xf32, #tpu.memory_space<vmem_shared>>
    tpu.wait_dma2 semaphore(%arg20 : memref<!tpu.dma_semaphore, #tpu.memory_space<semaphore_mem>>) src(%arg9 : memref<32x128xf32, #tpu.memory_space<vmem>>) dst(%dma_wait3A_246 : memref<32x128xf32, #tpu.memory_space<vmem_shared>>)
    %barrier3A = arith.constant 0 : index
    tpu.barrier barrier_id(%barrier3A)
    %scan3A_247 = arith.constant 0 : i32
    %scan3A_248 = arith.constant 0 : i32
    %scan3A_249 = arith.constant 33 : i32
    %scan3A_250 = arith.addi %scan3A_248, %scan3A_249 : i32
    %scan3A_251 = arith.constant 1 : i32
    %scan3A_252 = scf.for %scan3A_356 = %scan3A_248 to %scan3A_250 step %scan3A_251 iter_args(%scan3A_357 = %scan3A_247) -> (i32)  : i32 {
      %mul3A_358 = arith.constant 6 : i32
      %mul3A_359 = arith.muli %scan3A_356, %mul3A_358 : i32
      %dma_wait3A_360 = arith.constant 0 : i32
      %dma_wait3A_361 = arith.constant 0 : i32
      %dma_wait3A_362 = arith.constant 0 : i32
      %dma_wait3A_363 = tpu.memref_slice %arg12[%dma_wait3A_360, %dma_wait3A_361, %dma_wait3A_362] : memref<3x2x100xi32, #tpu.memory_space<vmem>> -> memref<1x1x100xi32, #tpu.memory_space<vmem>>
      %dma_wait3A_364 = tpu.memref_squeeze %dma_wait3A_363 : memref<1x1x100xi32, #tpu.memory_space<vmem>> -> memref<100xi32, #tpu.memory_space<vmem>>
      %dma_wait3A_365 = arith.constant 0 : i32
      %dma_wait3A_366 = arith.constant 0 : i32
      %dma_wait3A_367 = tpu.memref_slice %arg2[%dma_wait3A_365, %dma_wait3A_366] : memref<10000x128xf32, #tpu.memory_space<hbm>> -> memref<10000x128xf32, #tpu.memory_space<hbm>>
      tpu.wait_indirect_dma semaphore(%arg17 : memref<!tpu.dma_semaphore, #tpu.memory_space<semaphore_mem>>) src(%dma_wait3A_367 : memref<10000x128xf32, #tpu.memory_space<hbm>>) dst(%arg14 : memref<100x128xf32, #tpu.memory_space<vmem>>)
      %dma_start3A_368 = arith.constant 0 : i32
      %dma_start3A_369 = arith.constant 0 : i32
      %dma_start3A_370 = arith.constant 0 : i32
      %dma_start3A_371 = tpu.memref_slice %arg13[%dma_start3A_368, %dma_start3A_369, %dma_start3A_370] : memref<3x2x100xi32, #tpu.memory_space<vmem>> -> memref<1x1x100xi32, #tpu.memory_space<vmem>>
      %dma_start3A_372 = tpu.memref_squeeze %dma_start3A_371 : memref<1x1x100xi32, #tpu.memory_space<vmem>> -> memref<100xi32, #tpu.memory_space<vmem>>
      %dma_start3A_373 = arith.constant 0 : i32
      %dma_start3A_374 = arith.constant 0 : i32
      %dma_start3A_375 = tpu.memref_slice %arg7[%dma_start3A_373, %dma_start3A_374] : memref<10240x128xf32, #tpu.memory_space<vmem_shared>> -> memref<10240x128xf32, #tpu.memory_space<vmem_shared>>
      tpu.enqueue_indirect_dma source(%arg14 : memref<100x128xf32, #tpu.memory_space<vmem>>) target(%dma_start3A_375 : memref<10240x128xf32, #tpu.memory_space<vmem_shared>>) offsets(%dma_start3A_372 : memref<100xi32, #tpu.memory_space<vmem>>) semaphore(%arg20 : memref<!tpu.dma_semaphore, #tpu.memory_space<semaphore_mem>>) {add = true}
      %dma_start3A_376 = arith.constant 0 : i32
      %dma_start3A_377 = arith.constant 0 : i32
      %dma_start3A_378 = arith.constant 0 : i32
      %dma_start3A_379 = tpu.memref_slice %arg11[%dma_start3A_378] : memref<128xf32, #tpu.memory_space<vmem>> -> memref<100xf32, #tpu.memory_space<vmem>>
      %dma_start3A_380 = arith.constant 0 : i32
      %dma_start3A_381 = tpu.memref_slice %arg13[%dma_start3A_376, %dma_start3A_377, %dma_start3A_380] : memref<3x2x100xi32, #tpu.memory_space<vmem>> -> memref<1x1x100xi32, #tpu.memory_space<vmem>>
      %dma_start3A_382 = tpu.memref_squeeze %dma_start3A_381 : memref<1x1x100xi32, #tpu.memory_space<vmem>> -> memref<100xi32, #tpu.memory_space<vmem>>
      %dma_start3A_383 = arith.constant 0 : i32
      %dma_start3A_384 = tpu.memref_slice %arg8[%dma_start3A_383] : memref<10240xf32, #tpu.memory_space<vmem_shared>> -> memref<10240xf32, #tpu.memory_space<vmem_shared>>
      tpu.enqueue_indirect_dma source(%dma_start3A_379 : memref<100xf32, #tpu.memory_space<vmem>>) target(%dma_start3A_384 : memref<10240xf32, #tpu.memory_space<vmem_shared>>) offsets(%dma_start3A_382 : memref<100xi32, #tpu.memory_space<vmem>>) semaphore(%arg23 : memref<!tpu.dma_semaphore, #tpu.memory_space<semaphore_mem>>) {add = true}
      %ge3A = arith.constant 1 : i32
      %ge3A_385 = arith.cmpi sge, %scan3A_356, %ge3A : i32
      %convert_element_type3A = arith.extui %ge3A_385 : i1 to i32
      %cond3A = arith.constant 0 : i32
      %cond3A_386 = arith.cmpi ne, %convert_element_type3A, %cond3A : i32
      scf.if %cond3A_386 {
        %dma_wait3A_797 = arith.constant 0 : i32
        %dma_wait3A_798 = arith.constant 0 : i32
        %dma_wait3A_799 = arith.constant 0 : i32
        %dma_wait3A_800 = tpu.memref_slice %arg13[%dma_wait3A_797, %dma_wait3A_798, %dma_wait3A_799] : memref<3x2x100xi32, #tpu.memory_space<vmem>> -> memref<1x1x100xi32, #tpu.memory_space<vmem>>
        %dma_wait3A_801 = tpu.memref_squeeze %dma_wait3A_800 : memref<1x1x100xi32, #tpu.memory_space<vmem>> -> memref<100xi32, #tpu.memory_space<vmem>>
        %dma_wait3A_802 = arith.constant 0 : i32
        %dma_wait3A_803 = arith.constant 0 : i32
        %dma_wait3A_804 = tpu.memref_slice %arg7[%dma_wait3A_802, %dma_wait3A_803] : memref<10240x128xf32, #tpu.memory_space<vmem_shared>> -> memref<10240x128xf32, #tpu.memory_space<vmem_shared>>
        tpu.wait_indirect_dma semaphore(%arg22 : memref<!tpu.dma_semaphore, #tpu.memory_space<semaphore_mem>>) src(%arg16 : memref<100x128xf32, #tpu.memory_space<vmem>>) dst(%dma_wait3A_804 : memref<10240x128xf32, #tpu.memory_space<vmem_shared>>)
        %dma_wait3A_805 = arith.constant 0 : i32
        %dma_wait3A_806 = arith.constant 0 : i32
        %dma_wait3A_807 = arith.constant 0 : i32
        %dma_wait3A_808 = tpu.memref_slice %arg11[%dma_wait3A_807] : memref<128xf32, #tpu.memory_space<vmem>> -> memref<100xf32, #tpu.memory_space<vmem>>
        %dma_wait3A_809 = arith.constant 0 : i32
        %dma_wait3A_810 = tpu.memref_slice %arg13[%dma_wait3A_805, %dma_wait3A_806, %dma_wait3A_809] : memref<3x2x100xi32, #tpu.memory_space<vmem>> -> memref<1x1x100xi32, #tpu.memory_space<vmem>>
        %dma_wait3A_811 = tpu.memref_squeeze %dma_wait3A_810 : memref<1x1x100xi32, #tpu.memory_space<vmem>> -> memref<100xi32, #tpu.memory_space<vmem>>
        %dma_wait3A_812 = arith.constant 0 : i32
        %dma_wait3A_813 = tpu.memref_slice %arg8[%dma_wait3A_812] : memref<10240xf32, #tpu.memory_space<vmem_shared>> -> memref<10240xf32, #tpu.memory_space<vmem_shared>>
        tpu.wait_indirect_dma semaphore(%arg25 : memref<!tpu.dma_semaphore, #tpu.memory_space<semaphore_mem>>) src(%dma_wait3A_808 : memref<100xf32, #tpu.memory_space<vmem>>) dst(%dma_wait3A_813 : memref<10240xf32, #tpu.memory_space<vmem_shared>>)
      } else {
      }
      %ge3A_387 = arith.constant 1 : i32
      %ge3A_388 = arith.cmpi sge, %scan3A_356, %ge3A_387 : i32
      %convert_element_type3A_389 = arith.extui %ge3A_388 : i1 to i32
      %cond3A_390 = arith.constant 0 : i32
      %cond3A_391 = arith.cmpi ne, %convert_element_type3A_389, %cond3A_390 : i32
      scf.if %cond3A_391 {
        %dma_wait3A_797 = arith.constant 1 : i32
        %dma_wait3A_798 = arith.constant 0 : i32
        %dma_wait3A_799 = arith.constant 0 : i32
        %dma_wait3A_800 = tpu.memref_slice %arg12[%dma_wait3A_797, %dma_wait3A_798, %dma_wait3A_799] : memref<3x2x100xi32, #tpu.memory_space<vmem>> -> memref<1x2x100xi32, #tpu.memory_space<vmem>>
        %dma_wait3A_801 = tpu.memref_squeeze %dma_wait3A_800 : memref<1x2x100xi32, #tpu.memory_space<vmem>> -> memref<2x100xi32, #tpu.memory_space<vmem>>
        %dma_wait3A_802 = arith.constant 0 : i32
        %dma_wait3A_803 = tpu.memref_slice %arg3[%arg0, %mul3A_6, %dma_wait3A_802] : memref<2x3200x100xi32, #tpu.memory_space<hbm>> -> memref<1x2x100xi32, #tpu.memory_space<hbm>>
        %dma_wait3A_804 = tpu.memref_squeeze %dma_wait3A_803 : memref<1x2x100xi32, #tpu.memory_space<hbm>> -> memref<2x100xi32, #tpu.memory_space<hbm>>
        %dma_wait3A_805 = arith.constant 0 : i32
        %dma_wait3A_806 = arith.constant 0 : i32
        %dma_wait3A_807 = tpu.memref_slice %arg12[%dma_wait3A_797, %dma_wait3A_805, %dma_wait3A_806] : memref<3x2x100xi32, #tpu.memory_space<vmem>> -> memref<1x2x100xi32, #tpu.memory_space<vmem>>
        %dma_wait3A_808 = tpu.memref_squeeze %dma_wait3A_807 : memref<1x2x100xi32, #tpu.memory_space<vmem>> -> memref<2x100xi32, #tpu.memory_space<vmem>>
        %dma_wait3A_809 = arith.constant 0 : i32
        %dma_wait3A_810 = tpu.memref_slice %arg3[%arg0, %mul3A_6, %dma_wait3A_809] : memref<2x3200x100xi32, #tpu.memory_space<hbm>> -> memref<1x2x100xi32, #tpu.memory_space<hbm>>
        %dma_wait3A_811 = tpu.memref_squeeze %dma_wait3A_810 : memref<1x2x100xi32, #tpu.memory_space<hbm>> -> memref<2x100xi32, #tpu.memory_space<hbm>>
        tpu.wait_dma2 semaphore(%arg26 : memref<!tpu.dma_semaphore, #tpu.memory_space<semaphore_mem>>) src(%dma_wait3A_811 : memref<2x100xi32, #tpu.memory_space<hbm>>) dst(%dma_wait3A_808 : memref<2x100xi32, #tpu.memory_space<vmem>>)
        %dma_wait3A_812 = arith.constant 1 : i32
        %dma_wait3A_813 = arith.constant 0 : i32
        %dma_wait3A_814 = arith.constant 0 : i32
        %dma_wait3A_815 = tpu.memref_slice %arg13[%dma_wait3A_812, %dma_wait3A_813, %dma_wait3A_814] : memref<3x2x100xi32, #tpu.memory_space<vmem>> -> memref<1x2x100xi32, #tpu.memory_space<vmem>>
        %dma_wait3A_816 = tpu.memref_squeeze %dma_wait3A_815 : memref<1x2x100xi32, #tpu.memory_space<vmem>> -> memref<2x100xi32, #tpu.memory_space<vmem>>
        %dma_wait3A_817 = arith.constant 0 : i32
        %dma_wait3A_818 = tpu.memref_slice %arg4[%arg0, %mul3A_6, %dma_wait3A_817] : memref<2x3200x100xi32, #tpu.memory_space<hbm>> -> memref<1x2x100xi32, #tpu.memory_space<hbm>>
        %dma_wait3A_819 = tpu.memref_squeeze %dma_wait3A_818 : memref<1x2x100xi32, #tpu.memory_space<hbm>> -> memref<2x100xi32, #tpu.memory_space<hbm>>
        %dma_wait3A_820 = arith.constant 0 : i32
        %dma_wait3A_821 = arith.constant 0 : i32
        %dma_wait3A_822 = tpu.memref_slice %arg13[%dma_wait3A_812, %dma_wait3A_820, %dma_wait3A_821] : memref<3x2x100xi32, #tpu.memory_space<vmem>> -> memref<1x2x100xi32, #tpu.memory_space<vmem>>
        %dma_wait3A_823 = tpu.memref_squeeze %dma_wait3A_822 : memref<1x2x100xi32, #tpu.memory_space<vmem>> -> memref<2x100xi32, #tpu.memory_space<vmem>>
        %dma_wait3A_824 = arith.constant 0 : i32
        %dma_wait3A_825 = tpu.memref_slice %arg4[%arg0, %mul3A_6, %dma_wait3A_824] : memref<2x3200x100xi32, #tpu.memory_space<hbm>> -> memref<1x2x100xi32, #tpu.memory_space<hbm>>
        %dma_wait3A_826 = tpu.memref_squeeze %dma_wait3A_825 : memref<1x2x100xi32, #tpu.memory_space<hbm>> -> memref<2x100xi32, #tpu.memory_space<hbm>>
        tpu.wait_dma2 semaphore(%arg27 : memref<!tpu.dma_semaphore, #tpu.memory_space<semaphore_mem>>) src(%dma_wait3A_826 : memref<2x100xi32, #tpu.memory_space<hbm>>) dst(%dma_wait3A_823 : memref<2x100xi32, #tpu.memory_space<vmem>>)
      } else {
      }
      %mul3A_392 = arith.constant 3 : i32
      %mul3A_393 = arith.muli %scan3A_356, %mul3A_392 : i32
      %add3A_394 = arith.constant 0 : i32
      %add3A_395 = arith.addi %mul3A_393, %add3A_394 : i32
      %add3A_396 = arith.constant 2 : i32
      %add3A_397 = arith.addi %add3A_395, %add3A_396 : i32
      %mul3A_398 = arith.constant 2 : i32
      %mul3A_399 = arith.muli %add3A_397, %mul3A_398 : i32
      %add3A_400 = arith.addi %mul3A_6, %mul3A_399 : i32
      %dma_start3A_401 = arith.constant 2 : i32
      %dma_start3A_402 = arith.constant 0 : i32
      %dma_start3A_403 = arith.constant 0 : i32
      %dma_start3A_404 = tpu.memref_slice %arg12[%dma_start3A_401, %dma_start3A_402, %dma_start3A_403] : memref<3x2x100xi32, #tpu.memory_space<vmem>> -> memref<1x2x100xi32, #tpu.memory_space<vmem>>
      %dma_start3A_405 = tpu.memref_squeeze %dma_start3A_404 : memref<1x2x100xi32, #tpu.memory_space<vmem>> -> memref<2x100xi32, #tpu.memory_space<vmem>>
      %dma_start3A_406 = arith.constant 0 : i32
      %dma_start3A_407 = tpu.memref_slice %arg3[%arg0, %add3A_400, %dma_start3A_406] : memref<2x3200x100xi32, #tpu.memory_space<hbm>> -> memref<1x2x100xi32, #tpu.memory_space<hbm>>
      %dma_start3A_408 = tpu.memref_squeeze %dma_start3A_407 : memref<1x2x100xi32, #tpu.memory_space<hbm>> -> memref<2x100xi32, #tpu.memory_space<hbm>>
      %dma_start3A_409 = arith.constant 0 : i32
      %dma_start3A_410 = arith.constant 0 : i32
      %dma_start3A_411 = tpu.memref_slice %arg12[%dma_start3A_401, %dma_start3A_409, %dma_start3A_410] : memref<3x2x100xi32, #tpu.memory_space<vmem>> -> memref<1x2x100xi32, #tpu.memory_space<vmem>>
      %dma_start3A_412 = tpu.memref_squeeze %dma_start3A_411 : memref<1x2x100xi32, #tpu.memory_space<vmem>> -> memref<2x100xi32, #tpu.memory_space<vmem>>
      %dma_start3A_413 = arith.constant 0 : i32
      %dma_start3A_414 = tpu.memref_slice %arg3[%arg0, %add3A_400, %dma_start3A_413] : memref<2x3200x100xi32, #tpu.memory_space<hbm>> -> memref<1x2x100xi32, #tpu.memory_space<hbm>>
      %dma_start3A_415 = tpu.memref_squeeze %dma_start3A_414 : memref<1x2x100xi32, #tpu.memory_space<hbm>> -> memref<2x100xi32, #tpu.memory_space<hbm>>
      tpu.enqueue_dma source(%dma_start3A_415 : memref<2x100xi32, #tpu.memory_space<hbm>>) target(%dma_start3A_412 : memref<2x100xi32, #tpu.memory_space<vmem>>) target_semaphore(%arg26 : memref<!tpu.dma_semaphore, #tpu.memory_space<semaphore_mem>>)
      %dma_start3A_416 = arith.constant 2 : i32
      %dma_start3A_417 = arith.constant 0 : i32
      %dma_start3A_418 = arith.constant 0 : i32
      %dma_start3A_419 = tpu.memref_slice %arg13[%dma_start3A_416, %dma_start3A_417, %dma_start3A_418] : memref<3x2x100xi32, #tpu.memory_space<vmem>> -> memref<1x2x100xi32, #tpu.memory_space<vmem>>
      %dma_start3A_420 = tpu.memref_squeeze %dma_start3A_419 : memref<1x2x100xi32, #tpu.memory_space<vmem>> -> memref<2x100xi32, #tpu.memory_space<vmem>>
      %dma_start3A_421 = arith.constant 0 : i32
      %dma_start3A_422 = tpu.memref_slice %arg4[%arg0, %add3A_400, %dma_start3A_421] : memref<2x3200x100xi32, #tpu.memory_space<hbm>> -> memref<1x2x100xi32, #tpu.memory_space<hbm>>
      %dma_start3A_423 = tpu.memref_squeeze %dma_start3A_422 : memref<1x2x100xi32, #tpu.memory_space<hbm>> -> memref<2x100xi32, #tpu.memory_space<hbm>>
      %dma_start3A_424 = arith.constant 0 : i32
      %dma_start3A_425 = arith.constant 0 : i32
      %dma_start3A_426 = tpu.memref_slice %arg13[%dma_start3A_416, %dma_start3A_424, %dma_start3A_425] : memref<3x2x100xi32, #tpu.memory_space<vmem>> -> memref<1x2x100xi32, #tpu.memory_space<vmem>>
      %dma_start3A_427 = tpu.memref_squeeze %dma_start3A_426 : memref<1x2x100xi32, #tpu.memory_space<vmem>> -> memref<2x100xi32, #tpu.memory_space<vmem>>
      %dma_start3A_428 = arith.constant 0 : i32
      %dma_start3A_429 = tpu.memref_slice %arg4[%arg0, %add3A_400, %dma_start3A_428] : memref<2x3200x100xi32, #tpu.memory_space<hbm>> -> memref<1x2x100xi32, #tpu.memory_space<hbm>>
      %dma_start3A_430 = tpu.memref_squeeze %dma_start3A_429 : memref<1x2x100xi32, #tpu.memory_space<hbm>> -> memref<2x100xi32, #tpu.memory_space<hbm>>
      tpu.enqueue_dma source(%dma_start3A_430 : memref<2x100xi32, #tpu.memory_space<hbm>>) target(%dma_start3A_427 : memref<2x100xi32, #tpu.memory_space<vmem>>) target_semaphore(%arg27 : memref<!tpu.dma_semaphore, #tpu.memory_space<semaphore_mem>>)
      %dma_start3A_431 = arith.constant 1 : i32
      %dma_start3A_432 = arith.constant 0 : i32
      %dma_start3A_433 = arith.constant 0 : i32
      %dma_start3A_434 = tpu.memref_slice %arg12[%dma_start3A_431, %dma_start3A_432, %dma_start3A_433] : memref<3x2x100xi32, #tpu.memory_space<vmem>> -> memref<1x1x100xi32, #tpu.memory_space<vmem>>
      %dma_start3A_435 = tpu.memref_squeeze %dma_start3A_434 : memref<1x1x100xi32, #tpu.memory_space<vmem>> -> memref<100xi32, #tpu.memory_space<vmem>>
      %dma_start3A_436 = arith.constant 0 : i32
      %dma_start3A_437 = arith.constant 0 : i32
      %dma_start3A_438 = tpu.memref_slice %arg2[%dma_start3A_436, %dma_start3A_437] : memref<10000x128xf32, #tpu.memory_space<hbm>> -> memref<10000x128xf32, #tpu.memory_space<hbm>>
      tpu.enqueue_indirect_dma source(%dma_start3A_438 : memref<10000x128xf32, #tpu.memory_space<hbm>>) target(%arg16 : memref<100x128xf32, #tpu.memory_space<vmem>>) offsets(%dma_start3A_435 : memref<100xi32, #tpu.memory_space<vmem>>) semaphore(%arg19 : memref<!tpu.dma_semaphore, #tpu.memory_space<semaphore_mem>>)
      %dma_wait3A_439 = arith.constant 0 : i32
      %dma_wait3A_440 = arith.constant 1 : i32
      %dma_wait3A_441 = arith.constant 0 : i32
      %dma_wait3A_442 = tpu.memref_slice %arg12[%dma_wait3A_439, %dma_wait3A_440, %dma_wait3A_441] : memref<3x2x100xi32, #tpu.memory_space<vmem>> -> memref<1x1x100xi32, #tpu.memory_space<vmem>>
      %dma_wait3A_443 = tpu.memref_squeeze %dma_wait3A_442 : memref<1x1x100xi32, #tpu.memory_space<vmem>> -> memref<100xi32, #tpu.memory_space<vmem>>
      %dma_wait3A_444 = arith.constant 0 : i32
      %dma_wait3A_445 = arith.constant 0 : i32
      %dma_wait3A_446 = tpu.memref_slice %arg2[%dma_wait3A_444, %dma_wait3A_445] : memref<10000x128xf32, #tpu.memory_space<hbm>> -> memref<10000x128xf32, #tpu.memory_space<hbm>>
      tpu.wait_indirect_dma semaphore(%arg18 : memref<!tpu.dma_semaphore, #tpu.memory_space<semaphore_mem>>) src(%dma_wait3A_446 : memref<10000x128xf32, #tpu.memory_space<hbm>>) dst(%arg15 : memref<100x128xf32, #tpu.memory_space<vmem>>)
      %dma_start3A_447 = arith.constant 0 : i32
      %dma_start3A_448 = arith.constant 1 : i32
      %dma_start3A_449 = arith.constant 0 : i32
      %dma_start3A_450 = tpu.memref_slice %arg13[%dma_start3A_447, %dma_start3A_448, %dma_start3A_449] : memref<3x2x100xi32, #tpu.memory_space<vmem>> -> memref<1x1x100xi32, #tpu.memory_space<vmem>>
      %dma_start3A_451 = tpu.memref_squeeze %dma_start3A_450 : memref<1x1x100xi32, #tpu.memory_space<vmem>> -> memref<100xi32, #tpu.memory_space<vmem>>
      %dma_start3A_452 = arith.constant 0 : i32
      %dma_start3A_453 = arith.constant 0 : i32
      %dma_start3A_454 = tpu.memref_slice %arg7[%dma_start3A_452, %dma_start3A_453] : memref<10240x128xf32, #tpu.memory_space<vmem_shared>> -> memref<10240x128xf32, #tpu.memory_space<vmem_shared>>
      tpu.enqueue_indirect_dma source(%arg15 : memref<100x128xf32, #tpu.memory_space<vmem>>) target(%dma_start3A_454 : memref<10240x128xf32, #tpu.memory_space<vmem_shared>>) offsets(%dma_start3A_451 : memref<100xi32, #tpu.memory_space<vmem>>) semaphore(%arg21 : memref<!tpu.dma_semaphore, #tpu.memory_space<semaphore_mem>>) {add = true}
      %dma_start3A_455 = arith.constant 0 : i32
      %dma_start3A_456 = arith.constant 1 : i32
      %dma_start3A_457 = arith.constant 0 : i32
      %dma_start3A_458 = tpu.memref_slice %arg11[%dma_start3A_457] : memref<128xf32, #tpu.memory_space<vmem>> -> memref<100xf32, #tpu.memory_space<vmem>>
      %dma_start3A_459 = arith.constant 0 : i32
      %dma_start3A_460 = tpu.memref_slice %arg13[%dma_start3A_455, %dma_start3A_456, %dma_start3A_459] : memref<3x2x100xi32, #tpu.memory_space<vmem>> -> memref<1x1x100xi32, #tpu.memory_space<vmem>>
      %dma_start3A_461 = tpu.memref_squeeze %dma_start3A_460 : memref<1x1x100xi32, #tpu.memory_space<vmem>> -> memref<100xi32, #tpu.memory_space<vmem>>
      %dma_start3A_462 = arith.constant 0 : i32
      %dma_start3A_463 = tpu.memref_slice %arg8[%dma_start3A_462] : memref<10240xf32, #tpu.memory_space<vmem_shared>> -> memref<10240xf32, #tpu.memory_space<vmem_shared>>
      tpu.enqueue_indirect_dma source(%dma_start3A_458 : memref<100xf32, #tpu.memory_space<vmem>>) target(%dma_start3A_463 : memref<10240xf32, #tpu.memory_space<vmem_shared>>) offsets(%dma_start3A_461 : memref<100xi32, #tpu.memory_space<vmem>>) semaphore(%arg24 : memref<!tpu.dma_semaphore, #tpu.memory_space<semaphore_mem>>) {add = true}
      %dma_wait3A_464 = arith.constant 0 : i32
      %dma_wait3A_465 = arith.constant 0 : i32
      %dma_wait3A_466 = arith.constant 0 : i32
      %dma_wait3A_467 = tpu.memref_slice %arg13[%dma_wait3A_464, %dma_wait3A_465, %dma_wait3A_466] : memref<3x2x100xi32, #tpu.memory_space<vmem>> -> memref<1x1x100xi32, #tpu.memory_space<vmem>>
      %dma_wait3A_468 = tpu.memref_squeeze %dma_wait3A_467 : memref<1x1x100xi32, #tpu.memory_space<vmem>> -> memref<100xi32, #tpu.memory_space<vmem>>
      %dma_wait3A_469 = arith.constant 0 : i32
      %dma_wait3A_470 = arith.constant 0 : i32
      %dma_wait3A_471 = tpu.memref_slice %arg7[%dma_wait3A_469, %dma_wait3A_470] : memref<10240x128xf32, #tpu.memory_space<vmem_shared>> -> memref<10240x128xf32, #tpu.memory_space<vmem_shared>>
      tpu.wait_indirect_dma semaphore(%arg20 : memref<!tpu.dma_semaphore, #tpu.memory_space<semaphore_mem>>) src(%arg14 : memref<100x128xf32, #tpu.memory_space<vmem>>) dst(%dma_wait3A_471 : memref<10240x128xf32, #tpu.memory_space<vmem_shared>>)
      %dma_wait3A_472 = arith.constant 0 : i32
      %dma_wait3A_473 = arith.constant 0 : i32
      %dma_wait3A_474 = arith.constant 0 : i32
      %dma_wait3A_475 = tpu.memref_slice %arg11[%dma_wait3A_474] : memref<128xf32, #tpu.memory_space<vmem>> -> memref<100xf32, #tpu.memory_space<vmem>>
      %dma_wait3A_476 = arith.constant 0 : i32
      %dma_wait3A_477 = tpu.memref_slice %arg13[%dma_wait3A_472, %dma_wait3A_473, %dma_wait3A_476] : memref<3x2x100xi32, #tpu.memory_space<vmem>> -> memref<1x1x100xi32, #tpu.memory_space<vmem>>
      %dma_wait3A_478 = tpu.memref_squeeze %dma_wait3A_477 : memref<1x1x100xi32, #tpu.memory_space<vmem>> -> memref<100xi32, #tpu.memory_space<vmem>>
      %dma_wait3A_479 = arith.constant 0 : i32
      %dma_wait3A_480 = tpu.memref_slice %arg8[%dma_wait3A_479] : memref<10240xf32, #tpu.memory_space<vmem_shared>> -> memref<10240xf32, #tpu.memory_space<vmem_shared>>
      tpu.wait_indirect_dma semaphore(%arg23 : memref<!tpu.dma_semaphore, #tpu.memory_space<semaphore_mem>>) src(%dma_wait3A_475 : memref<100xf32, #tpu.memory_space<vmem>>) dst(%dma_wait3A_480 : memref<10240xf32, #tpu.memory_space<vmem_shared>>)
      %dma_start3A_481 = arith.constant 1 : i32
      %dma_start3A_482 = arith.constant 1 : i32
      %dma_start3A_483 = arith.constant 0 : i32
      %dma_start3A_484 = tpu.memref_slice %arg12[%dma_start3A_481, %dma_start3A_482, %dma_start3A_483] : memref<3x2x100xi32, #tpu.memory_space<vmem>> -> memref<1x1x100xi32, #tpu.memory_space<vmem>>
      %dma_start3A_485 = tpu.memref_squeeze %dma_start3A_484 : memref<1x1x100xi32, #tpu.memory_space<vmem>> -> memref<100xi32, #tpu.memory_space<vmem>>
      %dma_start3A_486 = arith.constant 0 : i32
      %dma_start3A_487 = arith.constant 0 : i32
      %dma_start3A_488 = tpu.memref_slice %arg2[%dma_start3A_486, %dma_start3A_487] : memref<10000x128xf32, #tpu.memory_space<hbm>> -> memref<10000x128xf32, #tpu.memory_space<hbm>>
      tpu.enqueue_indirect_dma source(%dma_start3A_488 : memref<10000x128xf32, #tpu.memory_space<hbm>>) target(%arg14 : memref<100x128xf32, #tpu.memory_space<vmem>>) offsets(%dma_start3A_485 : memref<100xi32, #tpu.memory_space<vmem>>) semaphore(%arg17 : memref<!tpu.dma_semaphore, #tpu.memory_space<semaphore_mem>>)
      %dma_wait3A_489 = arith.constant 1 : i32
      %dma_wait3A_490 = arith.constant 0 : i32
      %dma_wait3A_491 = arith.constant 0 : i32
      %dma_wait3A_492 = tpu.memref_slice %arg12[%dma_wait3A_489, %dma_wait3A_490, %dma_wait3A_491] : memref<3x2x100xi32, #tpu.memory_space<vmem>> -> memref<1x1x100xi32, #tpu.memory_space<vmem>>
      %dma_wait3A_493 = tpu.memref_squeeze %dma_wait3A_492 : memref<1x1x100xi32, #tpu.memory_space<vmem>> -> memref<100xi32, #tpu.memory_space<vmem>>
      %dma_wait3A_494 = arith.constant 0 : i32
      %dma_wait3A_495 = arith.constant 0 : i32
      %dma_wait3A_496 = tpu.memref_slice %arg2[%dma_wait3A_494, %dma_wait3A_495] : memref<10000x128xf32, #tpu.memory_space<hbm>> -> memref<10000x128xf32, #tpu.memory_space<hbm>>
      tpu.wait_indirect_dma semaphore(%arg19 : memref<!tpu.dma_semaphore, #tpu.memory_space<semaphore_mem>>) src(%dma_wait3A_496 : memref<10000x128xf32, #tpu.memory_space<hbm>>) dst(%arg16 : memref<100x128xf32, #tpu.memory_space<vmem>>)
      %dma_start3A_497 = arith.constant 1 : i32
      %dma_start3A_498 = arith.constant 0 : i32
      %dma_start3A_499 = arith.constant 0 : i32
      %dma_start3A_500 = tpu.memref_slice %arg13[%dma_start3A_497, %dma_start3A_498, %dma_start3A_499] : memref<3x2x100xi32, #tpu.memory_space<vmem>> -> memref<1x1x100xi32, #tpu.memory_space<vmem>>
      %dma_start3A_501 = tpu.memref_squeeze %dma_start3A_500 : memref<1x1x100xi32, #tpu.memory_space<vmem>> -> memref<100xi32, #tpu.memory_space<vmem>>
      %dma_start3A_502 = arith.constant 0 : i32
      %dma_start3A_503 = arith.constant 0 : i32
      %dma_start3A_504 = tpu.memref_slice %arg7[%dma_start3A_502, %dma_start3A_503] : memref<10240x128xf32, #tpu.memory_space<vmem_shared>> -> memref<10240x128xf32, #tpu.memory_space<vmem_shared>>
      tpu.enqueue_indirect_dma source(%arg16 : memref<100x128xf32, #tpu.memory_space<vmem>>) target(%dma_start3A_504 : memref<10240x128xf32, #tpu.memory_space<vmem_shared>>) offsets(%dma_start3A_501 : memref<100xi32, #tpu.memory_space<vmem>>) semaphore(%arg22 : memref<!tpu.dma_semaphore, #tpu.memory_space<semaphore_mem>>) {add = true}
      %dma_start3A_505 = arith.constant 1 : i32
      %dma_start3A_506 = arith.constant 0 : i32
      %dma_start3A_507 = arith.constant 0 : i32
      %dma_start3A_508 = tpu.memref_slice %arg11[%dma_start3A_507] : memref<128xf32, #tpu.memory_space<vmem>> -> memref<100xf32, #tpu.memory_space<vmem>>
      %dma_start3A_509 = arith.constant 0 : i32
      %dma_start3A_510 = tpu.memref_slice %arg13[%dma_start3A_505, %dma_start3A_506, %dma_start3A_509] : memref<3x2x100xi32, #tpu.memory_space<vmem>> -> memref<1x1x100xi32, #tpu.memory_space<vmem>>
      %dma_start3A_511 = tpu.memref_squeeze %dma_start3A_510 : memref<1x1x100xi32, #tpu.memory_space<vmem>> -> memref<100xi32, #tpu.memory_space<vmem>>
      %dma_start3A_512 = arith.constant 0 : i32
      %dma_start3A_513 = tpu.memref_slice %arg8[%dma_start3A_512] : memref<10240xf32, #tpu.memory_space<vmem_shared>> -> memref<10240xf32, #tpu.memory_space<vmem_shared>>
      tpu.enqueue_indirect_dma source(%dma_start3A_508 : memref<100xf32, #tpu.memory_space<vmem>>) target(%dma_start3A_513 : memref<10240xf32, #tpu.memory_space<vmem_shared>>) offsets(%dma_start3A_511 : memref<100xi32, #tpu.memory_space<vmem>>) semaphore(%arg25 : memref<!tpu.dma_semaphore, #tpu.memory_space<semaphore_mem>>) {add = true}
      %dma_wait3A_514 = arith.constant 0 : i32
      %dma_wait3A_515 = arith.constant 0 : i32
      %dma_wait3A_516 = arith.constant 0 : i32
      %dma_wait3A_517 = tpu.memref_slice %arg13[%dma_wait3A_514, %dma_wait3A_515, %dma_wait3A_516] : memref<3x2x100xi32, #tpu.memory_space<vmem>> -> memref<1x1x100xi32, #tpu.memory_space<vmem>>
      %dma_wait3A_518 = tpu.memref_squeeze %dma_wait3A_517 : memref<1x1x100xi32, #tpu.memory_space<vmem>> -> memref<100xi32, #tpu.memory_space<vmem>>
      %dma_wait3A_519 = arith.constant 0 : i32
      %dma_wait3A_520 = arith.constant 0 : i32
      %dma_wait3A_521 = tpu.memref_slice %arg7[%dma_wait3A_519, %dma_wait3A_520] : memref<10240x128xf32, #tpu.memory_space<vmem_shared>> -> memref<10240x128xf32, #tpu.memory_space<vmem_shared>>
      tpu.wait_indirect_dma semaphore(%arg21 : memref<!tpu.dma_semaphore, #tpu.memory_space<semaphore_mem>>) src(%arg15 : memref<100x128xf32, #tpu.memory_space<vmem>>) dst(%dma_wait3A_521 : memref<10240x128xf32, #tpu.memory_space<vmem_shared>>)
      %dma_wait3A_522 = arith.constant 0 : i32
      %dma_wait3A_523 = arith.constant 0 : i32
      %dma_wait3A_524 = arith.constant 0 : i32
      %dma_wait3A_525 = tpu.memref_slice %arg11[%dma_wait3A_524] : memref<128xf32, #tpu.memory_space<vmem>> -> memref<100xf32, #tpu.memory_space<vmem>>
      %dma_wait3A_526 = arith.constant 0 : i32
      %dma_wait3A_527 = tpu.memref_slice %arg13[%dma_wait3A_522, %dma_wait3A_523, %dma_wait3A_526] : memref<3x2x100xi32, #tpu.memory_space<vmem>> -> memref<1x1x100xi32, #tpu.memory_space<vmem>>
      %dma_wait3A_528 = tpu.memref_squeeze %dma_wait3A_527 : memref<1x1x100xi32, #tpu.memory_space<vmem>> -> memref<100xi32, #tpu.memory_space<vmem>>
      %dma_wait3A_529 = arith.constant 0 : i32
      %dma_wait3A_530 = tpu.memref_slice %arg8[%dma_wait3A_529] : memref<10240xf32, #tpu.memory_space<vmem_shared>> -> memref<10240xf32, #tpu.memory_space<vmem_shared>>
      tpu.wait_indirect_dma semaphore(%arg24 : memref<!tpu.dma_semaphore, #tpu.memory_space<semaphore_mem>>) src(%dma_wait3A_525 : memref<100xf32, #tpu.memory_space<vmem>>) dst(%dma_wait3A_530 : memref<10240xf32, #tpu.memory_space<vmem_shared>>)
      %dma_wait3A_531 = arith.constant 2 : i32
      %dma_wait3A_532 = arith.constant 0 : i32
      %dma_wait3A_533 = arith.constant 0 : i32
      %dma_wait3A_534 = tpu.memref_slice %arg12[%dma_wait3A_531, %dma_wait3A_532, %dma_wait3A_533] : memref<3x2x100xi32, #tpu.memory_space<vmem>> -> memref<1x2x100xi32, #tpu.memory_space<vmem>>
      %dma_wait3A_535 = tpu.memref_squeeze %dma_wait3A_534 : memref<1x2x100xi32, #tpu.memory_space<vmem>> -> memref<2x100xi32, #tpu.memory_space<vmem>>
      %dma_wait3A_536 = arith.constant 0 : i32
      %dma_wait3A_537 = tpu.memref_slice %arg3[%arg0, %mul3A_6, %dma_wait3A_536] : memref<2x3200x100xi32, #tpu.memory_space<hbm>> -> memref<1x2x100xi32, #tpu.memory_space<hbm>>
      %dma_wait3A_538 = tpu.memref_squeeze %dma_wait3A_537 : memref<1x2x100xi32, #tpu.memory_space<hbm>> -> memref<2x100xi32, #tpu.memory_space<hbm>>
      %dma_wait3A_539 = arith.constant 0 : i32
      %dma_wait3A_540 = arith.constant 0 : i32
      %dma_wait3A_541 = tpu.memref_slice %arg12[%dma_wait3A_531, %dma_wait3A_539, %dma_wait3A_540] : memref<3x2x100xi32, #tpu.memory_space<vmem>> -> memref<1x2x100xi32, #tpu.memory_space<vmem>>
      %dma_wait3A_542 = tpu.memref_squeeze %dma_wait3A_541 : memref<1x2x100xi32, #tpu.memory_space<vmem>> -> memref<2x100xi32, #tpu.memory_space<vmem>>
      %dma_wait3A_543 = arith.constant 0 : i32
      %dma_wait3A_544 = tpu.memref_slice %arg3[%arg0, %mul3A_6, %dma_wait3A_543] : memref<2x3200x100xi32, #tpu.memory_space<hbm>> -> memref<1x2x100xi32, #tpu.memory_space<hbm>>
      %dma_wait3A_545 = tpu.memref_squeeze %dma_wait3A_544 : memref<1x2x100xi32, #tpu.memory_space<hbm>> -> memref<2x100xi32, #tpu.memory_space<hbm>>
      tpu.wait_dma2 semaphore(%arg26 : memref<!tpu.dma_semaphore, #tpu.memory_space<semaphore_mem>>) src(%dma_wait3A_545 : memref<2x100xi32, #tpu.memory_space<hbm>>) dst(%dma_wait3A_542 : memref<2x100xi32, #tpu.memory_space<vmem>>)
      %dma_wait3A_546 = arith.constant 2 : i32
      %dma_wait3A_547 = arith.constant 0 : i32
      %dma_wait3A_548 = arith.constant 0 : i32
      %dma_wait3A_549 = tpu.memref_slice %arg13[%dma_wait3A_546, %dma_wait3A_547, %dma_wait3A_548] : memref<3x2x100xi32, #tpu.memory_space<vmem>> -> memref<1x2x100xi32, #tpu.memory_space<vmem>>
      %dma_wait3A_550 = tpu.memref_squeeze %dma_wait3A_549 : memref<1x2x100xi32, #tpu.memory_space<vmem>> -> memref<2x100xi32, #tpu.memory_space<vmem>>
      %dma_wait3A_551 = arith.constant 0 : i32
      %dma_wait3A_552 = tpu.memref_slice %arg4[%arg0, %mul3A_6, %dma_wait3A_551] : memref<2x3200x100xi32, #tpu.memory_space<hbm>> -> memref<1x2x100xi32, #tpu.memory_space<hbm>>
      %dma_wait3A_553 = tpu.memref_squeeze %dma_wait3A_552 : memref<1x2x100xi32, #tpu.memory_space<hbm>> -> memref<2x100xi32, #tpu.memory_space<hbm>>
      %dma_wait3A_554 = arith.constant 0 : i32
      %dma_wait3A_555 = arith.constant 0 : i32
      %dma_wait3A_556 = tpu.memref_slice %arg13[%dma_wait3A_546, %dma_wait3A_554, %dma_wait3A_555] : memref<3x2x100xi32, #tpu.memory_space<vmem>> -> memref<1x2x100xi32, #tpu.memory_space<vmem>>
      %dma_wait3A_557 = tpu.memref_squeeze %dma_wait3A_556 : memref<1x2x100xi32, #tpu.memory_space<vmem>> -> memref<2x100xi32, #tpu.memory_space<vmem>>
      %dma_wait3A_558 = arith.constant 0 : i32
      %dma_wait3A_559 = tpu.memref_slice %arg4[%arg0, %mul3A_6, %dma_wait3A_558] : memref<2x3200x100xi32, #tpu.memory_space<hbm>> -> memref<1x2x100xi32, #tpu.memory_space<hbm>>
      %dma_wait3A_560 = tpu.memref_squeeze %dma_wait3A_559 : memref<1x2x100xi32, #tpu.memory_space<hbm>> -> memref<2x100xi32, #tpu.memory_space<hbm>>
      tpu.wait_dma2 semaphore(%arg27 : memref<!tpu.dma_semaphore, #tpu.memory_space<semaphore_mem>>) src(%dma_wait3A_560 : memref<2x100xi32, #tpu.memory_space<hbm>>) dst(%dma_wait3A_557 : memref<2x100xi32, #tpu.memory_space<vmem>>)
      %mul3A_561 = arith.constant 3 : i32
      %mul3A_562 = arith.muli %scan3A_356, %mul3A_561 : i32
      %add3A_563 = arith.constant 1 : i32
      %add3A_564 = arith.addi %mul3A_562, %add3A_563 : i32
      %add3A_565 = arith.constant 2 : i32
      %add3A_566 = arith.addi %add3A_564, %add3A_565 : i32
      %mul3A_567 = arith.constant 2 : i32
      %mul3A_568 = arith.muli %add3A_566, %mul3A_567 : i32
      %add3A_569 = arith.addi %mul3A_6, %mul3A_568 : i32
      %dma_start3A_570 = arith.constant 0 : i32
      %dma_start3A_571 = arith.constant 0 : i32
      %dma_start3A_572 = arith.constant 0 : i32
      %dma_start3A_573 = tpu.memref_slice %arg12[%dma_start3A_570, %dma_start3A_571, %dma_start3A_572] : memref<3x2x100xi32, #tpu.memory_space<vmem>> -> memref<1x2x100xi32, #tpu.memory_space<vmem>>
      %dma_start3A_574 = tpu.memref_squeeze %dma_start3A_573 : memref<1x2x100xi32, #tpu.memory_space<vmem>> -> memref<2x100xi32, #tpu.memory_space<vmem>>
      %dma_start3A_575 = arith.constant 0 : i32
      %dma_start3A_576 = tpu.memref_slice %arg3[%arg0, %add3A_569, %dma_start3A_575] : memref<2x3200x100xi32, #tpu.memory_space<hbm>> -> memref<1x2x100xi32, #tpu.memory_space<hbm>>
      %dma_start3A_577 = tpu.memref_squeeze %dma_start3A_576 : memref<1x2x100xi32, #tpu.memory_space<hbm>> -> memref<2x100xi32, #tpu.memory_space<hbm>>
      %dma_start3A_578 = arith.constant 0 : i32
      %dma_start3A_579 = arith.constant 0 : i32
      %dma_start3A_580 = tpu.memref_slice %arg12[%dma_start3A_570, %dma_start3A_578, %dma_start3A_579] : memref<3x2x100xi32, #tpu.memory_space<vmem>> -> memref<1x2x100xi32, #tpu.memory_space<vmem>>
      %dma_start3A_581 = tpu.memref_squeeze %dma_start3A_580 : memref<1x2x100xi32, #tpu.memory_space<vmem>> -> memref<2x100xi32, #tpu.memory_space<vmem>>
      %dma_start3A_582 = arith.constant 0 : i32
      %dma_start3A_583 = tpu.memref_slice %arg3[%arg0, %add3A_569, %dma_start3A_582] : memref<2x3200x100xi32, #tpu.memory_space<hbm>> -> memref<1x2x100xi32, #tpu.memory_space<hbm>>
      %dma_start3A_584 = tpu.memref_squeeze %dma_start3A_583 : memref<1x2x100xi32, #tpu.memory_space<hbm>> -> memref<2x100xi32, #tpu.memory_space<hbm>>
      tpu.enqueue_dma source(%dma_start3A_584 : memref<2x100xi32, #tpu.memory_space<hbm>>) target(%dma_start3A_581 : memref<2x100xi32, #tpu.memory_space<vmem>>) target_semaphore(%arg26 : memref<!tpu.dma_semaphore, #tpu.memory_space<semaphore_mem>>)
      %dma_start3A_585 = arith.constant 0 : i32
      %dma_start3A_586 = arith.constant 0 : i32
      %dma_start3A_587 = arith.constant 0 : i32
      %dma_start3A_588 = tpu.memref_slice %arg13[%dma_start3A_585, %dma_start3A_586, %dma_start3A_587] : memref<3x2x100xi32, #tpu.memory_space<vmem>> -> memref<1x2x100xi32, #tpu.memory_space<vmem>>
      %dma_start3A_589 = tpu.memref_squeeze %dma_start3A_588 : memref<1x2x100xi32, #tpu.memory_space<vmem>> -> memref<2x100xi32, #tpu.memory_space<vmem>>
      %dma_start3A_590 = arith.constant 0 : i32
      %dma_start3A_591 = tpu.memref_slice %arg4[%arg0, %add3A_569, %dma_start3A_590] : memref<2x3200x100xi32, #tpu.memory_space<hbm>> -> memref<1x2x100xi32, #tpu.memory_space<hbm>>
      %dma_start3A_592 = tpu.memref_squeeze %dma_start3A_591 : memref<1x2x100xi32, #tpu.memory_space<hbm>> -> memref<2x100xi32, #tpu.memory_space<hbm>>
      %dma_start3A_593 = arith.constant 0 : i32
      %dma_start3A_594 = arith.constant 0 : i32
      %dma_start3A_595 = tpu.memref_slice %arg13[%dma_start3A_585, %dma_start3A_593, %dma_start3A_594] : memref<3x2x100xi32, #tpu.memory_space<vmem>> -> memref<1x2x100xi32, #tpu.memory_space<vmem>>
      %dma_start3A_596 = tpu.memref_squeeze %dma_start3A_595 : memref<1x2x100xi32, #tpu.memory_space<vmem>> -> memref<2x100xi32, #tpu.memory_space<vmem>>
      %dma_start3A_597 = arith.constant 0 : i32
      %dma_start3A_598 = tpu.memref_slice %arg4[%arg0, %add3A_569, %dma_start3A_597] : memref<2x3200x100xi32, #tpu.memory_space<hbm>> -> memref<1x2x100xi32, #tpu.memory_space<hbm>>
      %dma_start3A_599 = tpu.memref_squeeze %dma_start3A_598 : memref<1x2x100xi32, #tpu.memory_space<hbm>> -> memref<2x100xi32, #tpu.memory_space<hbm>>
      tpu.enqueue_dma source(%dma_start3A_599 : memref<2x100xi32, #tpu.memory_space<hbm>>) target(%dma_start3A_596 : memref<2x100xi32, #tpu.memory_space<vmem>>) target_semaphore(%arg27 : memref<!tpu.dma_semaphore, #tpu.memory_space<semaphore_mem>>)
      %dma_start3A_600 = arith.constant 2 : i32
      %dma_start3A_601 = arith.constant 0 : i32
      %dma_start3A_602 = arith.constant 0 : i32
      %dma_start3A_603 = tpu.memref_slice %arg12[%dma_start3A_600, %dma_start3A_601, %dma_start3A_602] : memref<3x2x100xi32, #tpu.memory_space<vmem>> -> memref<1x1x100xi32, #tpu.memory_space<vmem>>
      %dma_start3A_604 = tpu.memref_squeeze %dma_start3A_603 : memref<1x1x100xi32, #tpu.memory_space<vmem>> -> memref<100xi32, #tpu.memory_space<vmem>>
      %dma_start3A_605 = arith.constant 0 : i32
      %dma_start3A_606 = arith.constant 0 : i32
      %dma_start3A_607 = tpu.memref_slice %arg2[%dma_start3A_605, %dma_start3A_606] : memref<10000x128xf32, #tpu.memory_space<hbm>> -> memref<10000x128xf32, #tpu.memory_space<hbm>>
      tpu.enqueue_indirect_dma source(%dma_start3A_607 : memref<10000x128xf32, #tpu.memory_space<hbm>>) target(%arg15 : memref<100x128xf32, #tpu.memory_space<vmem>>) offsets(%dma_start3A_604 : memref<100xi32, #tpu.memory_space<vmem>>) semaphore(%arg18 : memref<!tpu.dma_semaphore, #tpu.memory_space<semaphore_mem>>)
      %dma_wait3A_608 = arith.constant 1 : i32
      %dma_wait3A_609 = arith.constant 1 : i32
      %dma_wait3A_610 = arith.constant 0 : i32
      %dma_wait3A_611 = tpu.memref_slice %arg12[%dma_wait3A_608, %dma_wait3A_609, %dma_wait3A_610] : memref<3x2x100xi32, #tpu.memory_space<vmem>> -> memref<1x1x100xi32, #tpu.memory_space<vmem>>
      %dma_wait3A_612 = tpu.memref_squeeze %dma_wait3A_611 : memref<1x1x100xi32, #tpu.memory_space<vmem>> -> memref<100xi32, #tpu.memory_space<vmem>>
      %dma_wait3A_613 = arith.constant 0 : i32
      %dma_wait3A_614 = arith.constant 0 : i32
      %dma_wait3A_615 = tpu.memref_slice %arg2[%dma_wait3A_613, %dma_wait3A_614] : memref<10000x128xf32, #tpu.memory_space<hbm>> -> memref<10000x128xf32, #tpu.memory_space<hbm>>
      tpu.wait_indirect_dma semaphore(%arg17 : memref<!tpu.dma_semaphore, #tpu.memory_space<semaphore_mem>>) src(%dma_wait3A_615 : memref<10000x128xf32, #tpu.memory_space<hbm>>) dst(%arg14 : memref<100x128xf32, #tpu.memory_space<vmem>>)
      %dma_start3A_616 = arith.constant 1 : i32
      %dma_start3A_617 = arith.constant 1 : i32
      %dma_start3A_618 = arith.constant 0 : i32
      %dma_start3A_619 = tpu.memref_slice %arg13[%dma_start3A_616, %dma_start3A_617, %dma_start3A_618] : memref<3x2x100xi32, #tpu.memory_space<vmem>> -> memref<1x1x100xi32, #tpu.memory_space<vmem>>
      %dma_start3A_620 = tpu.memref_squeeze %dma_start3A_619 : memref<1x1x100xi32, #tpu.memory_space<vmem>> -> memref<100xi32, #tpu.memory_space<vmem>>
      %dma_start3A_621 = arith.constant 0 : i32
      %dma_start3A_622 = arith.constant 0 : i32
      %dma_start3A_623 = tpu.memref_slice %arg7[%dma_start3A_621, %dma_start3A_622] : memref<10240x128xf32, #tpu.memory_space<vmem_shared>> -> memref<10240x128xf32, #tpu.memory_space<vmem_shared>>
      tpu.enqueue_indirect_dma source(%arg14 : memref<100x128xf32, #tpu.memory_space<vmem>>) target(%dma_start3A_623 : memref<10240x128xf32, #tpu.memory_space<vmem_shared>>) offsets(%dma_start3A_620 : memref<100xi32, #tpu.memory_space<vmem>>) semaphore(%arg20 : memref<!tpu.dma_semaphore, #tpu.memory_space<semaphore_mem>>) {add = true}
      %dma_start3A_624 = arith.constant 1 : i32
      %dma_start3A_625 = arith.constant 1 : i32
      %dma_start3A_626 = arith.constant 0 : i32
      %dma_start3A_627 = tpu.memref_slice %arg11[%dma_start3A_626] : memref<128xf32, #tpu.memory_space<vmem>> -> memref<100xf32, #tpu.memory_space<vmem>>
      %dma_start3A_628 = arith.constant 0 : i32
      %dma_start3A_629 = tpu.memref_slice %arg13[%dma_start3A_624, %dma_start3A_625, %dma_start3A_628] : memref<3x2x100xi32, #tpu.memory_space<vmem>> -> memref<1x1x100xi32, #tpu.memory_space<vmem>>
      %dma_start3A_630 = tpu.memref_squeeze %dma_start3A_629 : memref<1x1x100xi32, #tpu.memory_space<vmem>> -> memref<100xi32, #tpu.memory_space<vmem>>
      %dma_start3A_631 = arith.constant 0 : i32
      %dma_start3A_632 = tpu.memref_slice %arg8[%dma_start3A_631] : memref<10240xf32, #tpu.memory_space<vmem_shared>> -> memref<10240xf32, #tpu.memory_space<vmem_shared>>
      tpu.enqueue_indirect_dma source(%dma_start3A_627 : memref<100xf32, #tpu.memory_space<vmem>>) target(%dma_start3A_632 : memref<10240xf32, #tpu.memory_space<vmem_shared>>) offsets(%dma_start3A_630 : memref<100xi32, #tpu.memory_space<vmem>>) semaphore(%arg23 : memref<!tpu.dma_semaphore, #tpu.memory_space<semaphore_mem>>) {add = true}
      %dma_wait3A_633 = arith.constant 0 : i32
      %dma_wait3A_634 = arith.constant 0 : i32
      %dma_wait3A_635 = arith.constant 0 : i32
      %dma_wait3A_636 = tpu.memref_slice %arg13[%dma_wait3A_633, %dma_wait3A_634, %dma_wait3A_635] : memref<3x2x100xi32, #tpu.memory_space<vmem>> -> memref<1x1x100xi32, #tpu.memory_space<vmem>>
      %dma_wait3A_637 = tpu.memref_squeeze %dma_wait3A_636 : memref<1x1x100xi32, #tpu.memory_space<vmem>> -> memref<100xi32, #tpu.memory_space<vmem>>
      %dma_wait3A_638 = arith.constant 0 : i32
      %dma_wait3A_639 = arith.constant 0 : i32
      %dma_wait3A_640 = tpu.memref_slice %arg7[%dma_wait3A_638, %dma_wait3A_639] : memref<10240x128xf32, #tpu.memory_space<vmem_shared>> -> memref<10240x128xf32, #tpu.memory_space<vmem_shared>>
      tpu.wait_indirect_dma semaphore(%arg22 : memref<!tpu.dma_semaphore, #tpu.memory_space<semaphore_mem>>) src(%arg16 : memref<100x128xf32, #tpu.memory_space<vmem>>) dst(%dma_wait3A_640 : memref<10240x128xf32, #tpu.memory_space<vmem_shared>>)
      %dma_wait3A_641 = arith.constant 0 : i32
      %dma_wait3A_642 = arith.constant 0 : i32
      %dma_wait3A_643 = arith.constant 0 : i32
      %dma_wait3A_644 = tpu.memref_slice %arg11[%dma_wait3A_643] : memref<128xf32, #tpu.memory_space<vmem>> -> memref<100xf32, #tpu.memory_space<vmem>>
      %dma_wait3A_645 = arith.constant 0 : i32
      %dma_wait3A_646 = tpu.memref_slice %arg13[%dma_wait3A_641, %dma_wait3A_642, %dma_wait3A_645] : memref<3x2x100xi32, #tpu.memory_space<vmem>> -> memref<1x1x100xi32, #tpu.memory_space<vmem>>
      %dma_wait3A_647 = tpu.memref_squeeze %dma_wait3A_646 : memref<1x1x100xi32, #tpu.memory_space<vmem>> -> memref<100xi32, #tpu.memory_space<vmem>>
      %dma_wait3A_648 = arith.constant 0 : i32
      %dma_wait3A_649 = tpu.memref_slice %arg8[%dma_wait3A_648] : memref<10240xf32, #tpu.memory_space<vmem_shared>> -> memref<10240xf32, #tpu.memory_space<vmem_shared>>
      tpu.wait_indirect_dma semaphore(%arg25 : memref<!tpu.dma_semaphore, #tpu.memory_space<semaphore_mem>>) src(%dma_wait3A_644 : memref<100xf32, #tpu.memory_space<vmem>>) dst(%dma_wait3A_649 : memref<10240xf32, #tpu.memory_space<vmem_shared>>)
      %dma_start3A_650 = arith.constant 2 : i32
      %dma_start3A_651 = arith.constant 1 : i32
      %dma_start3A_652 = arith.constant 0 : i32
      %dma_start3A_653 = tpu.memref_slice %arg12[%dma_start3A_650, %dma_start3A_651, %dma_start3A_652] : memref<3x2x100xi32, #tpu.memory_space<vmem>> -> memref<1x1x100xi32, #tpu.memory_space<vmem>>
      %dma_start3A_654 = tpu.memref_squeeze %dma_start3A_653 : memref<1x1x100xi32, #tpu.memory_space<vmem>> -> memref<100xi32, #tpu.memory_space<vmem>>
      %dma_start3A_655 = arith.constant 0 : i32
      %dma_start3A_656 = arith.constant 0 : i32
      %dma_start3A_657 = tpu.memref_slice %arg2[%dma_start3A_655, %dma_start3A_656] : memref<10000x128xf32, #tpu.memory_space<hbm>> -> memref<10000x128xf32, #tpu.memory_space<hbm>>
      tpu.enqueue_indirect_dma source(%dma_start3A_657 : memref<10000x128xf32, #tpu.memory_space<hbm>>) target(%arg16 : memref<100x128xf32, #tpu.memory_space<vmem>>) offsets(%dma_start3A_654 : memref<100xi32, #tpu.memory_space<vmem>>) semaphore(%arg19 : memref<!tpu.dma_semaphore, #tpu.memory_space<semaphore_mem>>)
      %dma_wait3A_658 = arith.constant 2 : i32
      %dma_wait3A_659 = arith.constant 0 : i32
      %dma_wait3A_660 = arith.constant 0 : i32
      %dma_wait3A_661 = tpu.memref_slice %arg12[%dma_wait3A_658, %dma_wait3A_659, %dma_wait3A_660] : memref<3x2x100xi32, #tpu.memory_space<vmem>> -> memref<1x1x100xi32, #tpu.memory_space<vmem>>
      %dma_wait3A_662 = tpu.memref_squeeze %dma_wait3A_661 : memref<1x1x100xi32, #tpu.memory_space<vmem>> -> memref<100xi32, #tpu.memory_space<vmem>>
      %dma_wait3A_663 = arith.constant 0 : i32
      %dma_wait3A_664 = arith.constant 0 : i32
      %dma_wait3A_665 = tpu.memref_slice %arg2[%dma_wait3A_663, %dma_wait3A_664] : memref<10000x128xf32, #tpu.memory_space<hbm>> -> memref<10000x128xf32, #tpu.memory_space<hbm>>
      tpu.wait_indirect_dma semaphore(%arg18 : memref<!tpu.dma_semaphore, #tpu.memory_space<semaphore_mem>>) src(%dma_wait3A_665 : memref<10000x128xf32, #tpu.memory_space<hbm>>) dst(%arg15 : memref<100x128xf32, #tpu.memory_space<vmem>>)
      %dma_start3A_666 = arith.constant 2 : i32
      %dma_start3A_667 = arith.constant 0 : i32
      %dma_start3A_668 = arith.constant 0 : i32
      %dma_start3A_669 = tpu.memref_slice %arg13[%dma_start3A_666, %dma_start3A_667, %dma_start3A_668] : memref<3x2x100xi32, #tpu.memory_space<vmem>> -> memref<1x1x100xi32, #tpu.memory_space<vmem>>
      %dma_start3A_670 = tpu.memref_squeeze %dma_start3A_669 : memref<1x1x100xi32, #tpu.memory_space<vmem>> -> memref<100xi32, #tpu.memory_space<vmem>>
      %dma_start3A_671 = arith.constant 0 : i32
      %dma_start3A_672 = arith.constant 0 : i32
      %dma_start3A_673 = tpu.memref_slice %arg7[%dma_start3A_671, %dma_start3A_672] : memref<10240x128xf32, #tpu.memory_space<vmem_shared>> -> memref<10240x128xf32, #tpu.memory_space<vmem_shared>>
      tpu.enqueue_indirect_dma source(%arg15 : memref<100x128xf32, #tpu.memory_space<vmem>>) target(%dma_start3A_673 : memref<10240x128xf32, #tpu.memory_space<vmem_shared>>) offsets(%dma_start3A_670 : memref<100xi32, #tpu.memory_space<vmem>>) semaphore(%arg21 : memref<!tpu.dma_semaphore, #tpu.memory_space<semaphore_mem>>) {add = true}
      %dma_start3A_674 = arith.constant 2 : i32
      %dma_start3A_675 = arith.constant 0 : i32
      %dma_start3A_676 = arith.constant 0 : i32
      %dma_start3A_677 = tpu.memref_slice %arg11[%dma_start3A_676] : memref<128xf32, #tpu.memory_space<vmem>> -> memref<100xf32, #tpu.memory_space<vmem>>
      %dma_start3A_678 = arith.constant 0 : i32
      %dma_start3A_679 = tpu.memref_slice %arg13[%dma_start3A_674, %dma_start3A_675, %dma_start3A_678] : memref<3x2x100xi32, #tpu.memory_space<vmem>> -> memref<1x1x100xi32, #tpu.memory_space<vmem>>
      %dma_start3A_680 = tpu.memref_squeeze %dma_start3A_679 : memref<1x1x100xi32, #tpu.memory_space<vmem>> -> memref<100xi32, #tpu.memory_space<vmem>>
      %dma_start3A_681 = arith.constant 0 : i32
      %dma_start3A_682 = tpu.memref_slice %arg8[%dma_start3A_681] : memref<10240xf32, #tpu.memory_space<vmem_shared>> -> memref<10240xf32, #tpu.memory_space<vmem_shared>>
      tpu.enqueue_indirect_dma source(%dma_start3A_677 : memref<100xf32, #tpu.memory_space<vmem>>) target(%dma_start3A_682 : memref<10240xf32, #tpu.memory_space<vmem_shared>>) offsets(%dma_start3A_680 : memref<100xi32, #tpu.memory_space<vmem>>) semaphore(%arg24 : memref<!tpu.dma_semaphore, #tpu.memory_space<semaphore_mem>>) {add = true}
      %dma_wait3A_683 = arith.constant 0 : i32
      %dma_wait3A_684 = arith.constant 0 : i32
      %dma_wait3A_685 = arith.constant 0 : i32
      %dma_wait3A_686 = tpu.memref_slice %arg13[%dma_wait3A_683, %dma_wait3A_684, %dma_wait3A_685] : memref<3x2x100xi32, #tpu.memory_space<vmem>> -> memref<1x1x100xi32, #tpu.memory_space<vmem>>
      %dma_wait3A_687 = tpu.memref_squeeze %dma_wait3A_686 : memref<1x1x100xi32, #tpu.memory_space<vmem>> -> memref<100xi32, #tpu.memory_space<vmem>>
      %dma_wait3A_688 = arith.constant 0 : i32
      %dma_wait3A_689 = arith.constant 0 : i32
      %dma_wait3A_690 = tpu.memref_slice %arg7[%dma_wait3A_688, %dma_wait3A_689] : memref<10240x128xf32, #tpu.memory_space<vmem_shared>> -> memref<10240x128xf32, #tpu.memory_space<vmem_shared>>
      tpu.wait_indirect_dma semaphore(%arg20 : memref<!tpu.dma_semaphore, #tpu.memory_space<semaphore_mem>>) src(%arg14 : memref<100x128xf32, #tpu.memory_space<vmem>>) dst(%dma_wait3A_690 : memref<10240x128xf32, #tpu.memory_space<vmem_shared>>)
      %dma_wait3A_691 = arith.constant 0 : i32
      %dma_wait3A_692 = arith.constant 0 : i32
      %dma_wait3A_693 = arith.constant 0 : i32
      %dma_wait3A_694 = tpu.memref_slice %arg11[%dma_wait3A_693] : memref<128xf32, #tpu.memory_space<vmem>> -> memref<100xf32, #tpu.memory_space<vmem>>
      %dma_wait3A_695 = arith.constant 0 : i32
      %dma_wait3A_696 = tpu.memref_slice %arg13[%dma_wait3A_691, %dma_wait3A_692, %dma_wait3A_695] : memref<3x2x100xi32, #tpu.memory_space<vmem>> -> memref<1x1x100xi32, #tpu.memory_space<vmem>>
      %dma_wait3A_697 = tpu.memref_squeeze %dma_wait3A_696 : memref<1x1x100xi32, #tpu.memory_space<vmem>> -> memref<100xi32, #tpu.memory_space<vmem>>
      %dma_wait3A_698 = arith.constant 0 : i32
      %dma_wait3A_699 = tpu.memref_slice %arg8[%dma_wait3A_698] : memref<10240xf32, #tpu.memory_space<vmem_shared>> -> memref<10240xf32, #tpu.memory_space<vmem_shared>>
      tpu.wait_indirect_dma semaphore(%arg23 : memref<!tpu.dma_semaphore, #tpu.memory_space<semaphore_mem>>) src(%dma_wait3A_694 : memref<100xf32, #tpu.memory_space<vmem>>) dst(%dma_wait3A_699 : memref<10240xf32, #tpu.memory_space<vmem_shared>>)
      %dma_wait3A_700 = arith.constant 0 : i32
      %dma_wait3A_701 = arith.constant 0 : i32
      %dma_wait3A_702 = arith.constant 0 : i32
      %dma_wait3A_703 = tpu.memref_slice %arg12[%dma_wait3A_700, %dma_wait3A_701, %dma_wait3A_702] : memref<3x2x100xi32, #tpu.memory_space<vmem>> -> memref<1x2x100xi32, #tpu.memory_space<vmem>>
      %dma_wait3A_704 = tpu.memref_squeeze %dma_wait3A_703 : memref<1x2x100xi32, #tpu.memory_space<vmem>> -> memref<2x100xi32, #tpu.memory_space<vmem>>
      %dma_wait3A_705 = arith.constant 0 : i32
      %dma_wait3A_706 = tpu.memref_slice %arg3[%arg0, %mul3A_6, %dma_wait3A_705] : memref<2x3200x100xi32, #tpu.memory_space<hbm>> -> memref<1x2x100xi32, #tpu.memory_space<hbm>>
      %dma_wait3A_707 = tpu.memref_squeeze %dma_wait3A_706 : memref<1x2x100xi32, #tpu.memory_space<hbm>> -> memref<2x100xi32, #tpu.memory_space<hbm>>
      %dma_wait3A_708 = arith.constant 0 : i32
      %dma_wait3A_709 = arith.constant 0 : i32
      %dma_wait3A_710 = tpu.memref_slice %arg12[%dma_wait3A_700, %dma_wait3A_708, %dma_wait3A_709] : memref<3x2x100xi32, #tpu.memory_space<vmem>> -> memref<1x2x100xi32, #tpu.memory_space<vmem>>
      %dma_wait3A_711 = tpu.memref_squeeze %dma_wait3A_710 : memref<1x2x100xi32, #tpu.memory_space<vmem>> -> memref<2x100xi32, #tpu.memory_space<vmem>>
      %dma_wait3A_712 = arith.constant 0 : i32
      %dma_wait3A_713 = tpu.memref_slice %arg3[%arg0, %mul3A_6, %dma_wait3A_712] : memref<2x3200x100xi32, #tpu.memory_space<hbm>> -> memref<1x2x100xi32, #tpu.memory_space<hbm>>
      %dma_wait3A_714 = tpu.memref_squeeze %dma_wait3A_713 : memref<1x2x100xi32, #tpu.memory_space<hbm>> -> memref<2x100xi32, #tpu.memory_space<hbm>>
      tpu.wait_dma2 semaphore(%arg26 : memref<!tpu.dma_semaphore, #tpu.memory_space<semaphore_mem>>) src(%dma_wait3A_714 : memref<2x100xi32, #tpu.memory_space<hbm>>) dst(%dma_wait3A_711 : memref<2x100xi32, #tpu.memory_space<vmem>>)
      %dma_wait3A_715 = arith.constant 0 : i32
      %dma_wait3A_716 = arith.constant 0 : i32
      %dma_wait3A_717 = arith.constant 0 : i32
      %dma_wait3A_718 = tpu.memref_slice %arg13[%dma_wait3A_715, %dma_wait3A_716, %dma_wait3A_717] : memref<3x2x100xi32, #tpu.memory_space<vmem>> -> memref<1x2x100xi32, #tpu.memory_space<vmem>>
      %dma_wait3A_719 = tpu.memref_squeeze %dma_wait3A_718 : memref<1x2x100xi32, #tpu.memory_space<vmem>> -> memref<2x100xi32, #tpu.memory_space<vmem>>
      %dma_wait3A_720 = arith.constant 0 : i32
      %dma_wait3A_721 = tpu.memref_slice %arg4[%arg0, %mul3A_6, %dma_wait3A_720] : memref<2x3200x100xi32, #tpu.memory_space<hbm>> -> memref<1x2x100xi32, #tpu.memory_space<hbm>>
      %dma_wait3A_722 = tpu.memref_squeeze %dma_wait3A_721 : memref<1x2x100xi32, #tpu.memory_space<hbm>> -> memref<2x100xi32, #tpu.memory_space<hbm>>
      %dma_wait3A_723 = arith.constant 0 : i32
      %dma_wait3A_724 = arith.constant 0 : i32
      %dma_wait3A_725 = tpu.memref_slice %arg13[%dma_wait3A_715, %dma_wait3A_723, %dma_wait3A_724] : memref<3x2x100xi32, #tpu.memory_space<vmem>> -> memref<1x2x100xi32, #tpu.memory_space<vmem>>
      %dma_wait3A_726 = tpu.memref_squeeze %dma_wait3A_725 : memref<1x2x100xi32, #tpu.memory_space<vmem>> -> memref<2x100xi32, #tpu.memory_space<vmem>>
      %dma_wait3A_727 = arith.constant 0 : i32
      %dma_wait3A_728 = tpu.memref_slice %arg4[%arg0, %mul3A_6, %dma_wait3A_727] : memref<2x3200x100xi32, #tpu.memory_space<hbm>> -> memref<1x2x100xi32, #tpu.memory_space<hbm>>
      %dma_wait3A_729 = tpu.memref_squeeze %dma_wait3A_728 : memref<1x2x100xi32, #tpu.memory_space<hbm>> -> memref<2x100xi32, #tpu.memory_space<hbm>>
      tpu.wait_dma2 semaphore(%arg27 : memref<!tpu.dma_semaphore, #tpu.memory_space<semaphore_mem>>) src(%dma_wait3A_729 : memref<2x100xi32, #tpu.memory_space<hbm>>) dst(%dma_wait3A_726 : memref<2x100xi32, #tpu.memory_space<vmem>>)
      %mul3A_730 = arith.constant 3 : i32
      %mul3A_731 = arith.muli %scan3A_356, %mul3A_730 : i32
      %add3A_732 = arith.constant 2 : i32
      %add3A_733 = arith.addi %mul3A_731, %add3A_732 : i32
      %le3A = arith.constant 31 : i32
      %le3A_734 = arith.cmpi sle, %scan3A_356, %le3A : i32
      %convert_element_type3A_735 = arith.extui %le3A_734 : i1 to i32
      %cond3A_736 = arith.constant 0 : i32
      %cond3A_737 = arith.cmpi ne, %convert_element_type3A_735, %cond3A_736 : i32
      scf.if %cond3A_737 {
        %add3A_797 = arith.constant 2 : i32
        %add3A_798 = arith.addi %add3A_733, %add3A_797 : i32
        %mul3A_799 = arith.constant 2 : i32
        %mul3A_800 = arith.muli %add3A_798, %mul3A_799 : i32
        %add3A_801 = arith.addi %mul3A_6, %mul3A_800 : i32
        %dma_start3A_802 = arith.constant 1 : i32
        %dma_start3A_803 = arith.constant 0 : i32
        %dma_start3A_804 = arith.constant 0 : i32
        %dma_start3A_805 = tpu.memref_slice %arg12[%dma_start3A_802, %dma_start3A_803, %dma_start3A_804] : memref<3x2x100xi32, #tpu.memory_space<vmem>> -> memref<1x2x100xi32, #tpu.memory_space<vmem>>
        %dma_start3A_806 = tpu.memref_squeeze %dma_start3A_805 : memref<1x2x100xi32, #tpu.memory_space<vmem>> -> memref<2x100xi32, #tpu.memory_space<vmem>>
        %dma_start3A_807 = arith.constant 0 : i32
        %dma_start3A_808 = tpu.memref_slice %arg3[%arg0, %add3A_801, %dma_start3A_807] : memref<2x3200x100xi32, #tpu.memory_space<hbm>> -> memref<1x2x100xi32, #tpu.memory_space<hbm>>
        %dma_start3A_809 = tpu.memref_squeeze %dma_start3A_808 : memref<1x2x100xi32, #tpu.memory_space<hbm>> -> memref<2x100xi32, #tpu.memory_space<hbm>>
        %dma_start3A_810 = arith.constant 0 : i32
        %dma_start3A_811 = arith.constant 0 : i32
        %dma_start3A_812 = tpu.memref_slice %arg12[%dma_start3A_802, %dma_start3A_810, %dma_start3A_811] : memref<3x2x100xi32, #tpu.memory_space<vmem>> -> memref<1x2x100xi32, #tpu.memory_space<vmem>>
        %dma_start3A_813 = tpu.memref_squeeze %dma_start3A_812 : memref<1x2x100xi32, #tpu.memory_space<vmem>> -> memref<2x100xi32, #tpu.memory_space<vmem>>
        %dma_start3A_814 = arith.constant 0 : i32
        %dma_start3A_815 = tpu.memref_slice %arg3[%arg0, %add3A_801, %dma_start3A_814] : memref<2x3200x100xi32, #tpu.memory_space<hbm>> -> memref<1x2x100xi32, #tpu.memory_space<hbm>>
        %dma_start3A_816 = tpu.memref_squeeze %dma_start3A_815 : memref<1x2x100xi32, #tpu.memory_space<hbm>> -> memref<2x100xi32, #tpu.memory_space<hbm>>
        tpu.enqueue_dma source(%dma_start3A_816 : memref<2x100xi32, #tpu.memory_space<hbm>>) target(%dma_start3A_813 : memref<2x100xi32, #tpu.memory_space<vmem>>) target_semaphore(%arg26 : memref<!tpu.dma_semaphore, #tpu.memory_space<semaphore_mem>>)
        %dma_start3A_817 = arith.constant 1 : i32
        %dma_start3A_818 = arith.constant 0 : i32
        %dma_start3A_819 = arith.constant 0 : i32
        %dma_start3A_820 = tpu.memref_slice %arg13[%dma_start3A_817, %dma_start3A_818, %dma_start3A_819] : memref<3x2x100xi32, #tpu.memory_space<vmem>> -> memref<1x2x100xi32, #tpu.memory_space<vmem>>
        %dma_start3A_821 = tpu.memref_squeeze %dma_start3A_820 : memref<1x2x100xi32, #tpu.memory_space<vmem>> -> memref<2x100xi32, #tpu.memory_space<vmem>>
        %dma_start3A_822 = arith.constant 0 : i32
        %dma_start3A_823 = tpu.memref_slice %arg4[%arg0, %add3A_801, %dma_start3A_822] : memref<2x3200x100xi32, #tpu.memory_space<hbm>> -> memref<1x2x100xi32, #tpu.memory_space<hbm>>
        %dma_start3A_824 = tpu.memref_squeeze %dma_start3A_823 : memref<1x2x100xi32, #tpu.memory_space<hbm>> -> memref<2x100xi32, #tpu.memory_space<hbm>>
        %dma_start3A_825 = arith.constant 0 : i32
        %dma_start3A_826 = arith.constant 0 : i32
        %dma_start3A_827 = tpu.memref_slice %arg13[%dma_start3A_817, %dma_start3A_825, %dma_start3A_826] : memref<3x2x100xi32, #tpu.memory_space<vmem>> -> memref<1x2x100xi32, #tpu.memory_space<vmem>>
        %dma_start3A_828 = tpu.memref_squeeze %dma_start3A_827 : memref<1x2x100xi32, #tpu.memory_space<vmem>> -> memref<2x100xi32, #tpu.memory_space<vmem>>
        %dma_start3A_829 = arith.constant 0 : i32
        %dma_start3A_830 = tpu.memref_slice %arg4[%arg0, %add3A_801, %dma_start3A_829] : memref<2x3200x100xi32, #tpu.memory_space<hbm>> -> memref<1x2x100xi32, #tpu.memory_space<hbm>>
        %dma_start3A_831 = tpu.memref_squeeze %dma_start3A_830 : memref<1x2x100xi32, #tpu.memory_space<hbm>> -> memref<2x100xi32, #tpu.memory_space<hbm>>
        tpu.enqueue_dma source(%dma_start3A_831 : memref<2x100xi32, #tpu.memory_space<hbm>>) target(%dma_start3A_828 : memref<2x100xi32, #tpu.memory_space<vmem>>) target_semaphore(%arg27 : memref<!tpu.dma_semaphore, #tpu.memory_space<semaphore_mem>>)
      } else {
      }
      %dma_start3A_738 = arith.constant 0 : i32
      %dma_start3A_739 = arith.constant 0 : i32
      %dma_start3A_740 = arith.constant 0 : i32
      %dma_start3A_741 = tpu.memref_slice %arg12[%dma_start3A_738, %dma_start3A_739, %dma_start3A_740] : memref<3x2x100xi32, #tpu.memory_space<vmem>> -> memref<1x1x100xi32, #tpu.memory_space<vmem>>
      %dma_start3A_742 = tpu.memref_squeeze %dma_start3A_741 : memref<1x1x100xi32, #tpu.memory_space<vmem>> -> memref<100xi32, #tpu.memory_space<vmem>>
      %dma_start3A_743 = arith.constant 0 : i32
      %dma_start3A_744 = arith.constant 0 : i32
      %dma_start3A_745 = tpu.memref_slice %arg2[%dma_start3A_743, %dma_start3A_744] : memref<10000x128xf32, #tpu.memory_space<hbm>> -> memref<10000x128xf32, #tpu.memory_space<hbm>>
      tpu.enqueue_indirect_dma source(%dma_start3A_745 : memref<10000x128xf32, #tpu.memory_space<hbm>>) target(%arg14 : memref<100x128xf32, #tpu.memory_space<vmem>>) offsets(%dma_start3A_742 : memref<100xi32, #tpu.memory_space<vmem>>) semaphore(%arg17 : memref<!tpu.dma_semaphore, #tpu.memory_space<semaphore_mem>>)
      %dma_wait3A_746 = arith.constant 2 : i32
      %dma_wait3A_747 = arith.constant 1 : i32
      %dma_wait3A_748 = arith.constant 0 : i32
      %dma_wait3A_749 = tpu.memref_slice %arg12[%dma_wait3A_746, %dma_wait3A_747, %dma_wait3A_748] : memref<3x2x100xi32, #tpu.memory_space<vmem>> -> memref<1x1x100xi32, #tpu.memory_space<vmem>>
      %dma_wait3A_750 = tpu.memref_squeeze %dma_wait3A_749 : memref<1x1x100xi32, #tpu.memory_space<vmem>> -> memref<100xi32, #tpu.memory_space<vmem>>
      %dma_wait3A_751 = arith.constant 0 : i32
      %dma_wait3A_752 = arith.constant 0 : i32
      %dma_wait3A_753 = tpu.memref_slice %arg2[%dma_wait3A_751, %dma_wait3A_752] : memref<10000x128xf32, #tpu.memory_space<hbm>> -> memref<10000x128xf32, #tpu.memory_space<hbm>>
      tpu.wait_indirect_dma semaphore(%arg19 : memref<!tpu.dma_semaphore, #tpu.memory_space<semaphore_mem>>) src(%dma_wait3A_753 : memref<10000x128xf32, #tpu.memory_space<hbm>>) dst(%arg16 : memref<100x128xf32, #tpu.memory_space<vmem>>)
      %dma_start3A_754 = arith.constant 2 : i32
      %dma_start3A_755 = arith.constant 1 : i32
      %dma_start3A_756 = arith.constant 0 : i32
      %dma_start3A_757 = tpu.memref_slice %arg13[%dma_start3A_754, %dma_start3A_755, %dma_start3A_756] : memref<3x2x100xi32, #tpu.memory_space<vmem>> -> memref<1x1x100xi32, #tpu.memory_space<vmem>>
      %dma_start3A_758 = tpu.memref_squeeze %dma_start3A_757 : memref<1x1x100xi32, #tpu.memory_space<vmem>> -> memref<100xi32, #tpu.memory_space<vmem>>
      %dma_start3A_759 = arith.constant 0 : i32
      %dma_start3A_760 = arith.constant 0 : i32
      %dma_start3A_761 = tpu.memref_slice %arg7[%dma_start3A_759, %dma_start3A_760] : memref<10240x128xf32, #tpu.memory_space<vmem_shared>> -> memref<10240x128xf32, #tpu.memory_space<vmem_shared>>
      tpu.enqueue_indirect_dma source(%arg16 : memref<100x128xf32, #tpu.memory_space<vmem>>) target(%dma_start3A_761 : memref<10240x128xf32, #tpu.memory_space<vmem_shared>>) offsets(%dma_start3A_758 : memref<100xi32, #tpu.memory_space<vmem>>) semaphore(%arg22 : memref<!tpu.dma_semaphore, #tpu.memory_space<semaphore_mem>>) {add = true}
      %dma_start3A_762 = arith.constant 2 : i32
      %dma_start3A_763 = arith.constant 1 : i32
      %dma_start3A_764 = arith.constant 0 : i32
      %dma_start3A_765 = tpu.memref_slice %arg11[%dma_start3A_764] : memref<128xf32, #tpu.memory_space<vmem>> -> memref<100xf32, #tpu.memory_space<vmem>>
      %dma_start3A_766 = arith.constant 0 : i32
      %dma_start3A_767 = tpu.memref_slice %arg13[%dma_start3A_762, %dma_start3A_763, %dma_start3A_766] : memref<3x2x100xi32, #tpu.memory_space<vmem>> -> memref<1x1x100xi32, #tpu.memory_space<vmem>>
      %dma_start3A_768 = tpu.memref_squeeze %dma_start3A_767 : memref<1x1x100xi32, #tpu.memory_space<vmem>> -> memref<100xi32, #tpu.memory_space<vmem>>
      %dma_start3A_769 = arith.constant 0 : i32
      %dma_start3A_770 = tpu.memref_slice %arg8[%dma_start3A_769] : memref<10240xf32, #tpu.memory_space<vmem_shared>> -> memref<10240xf32, #tpu.memory_space<vmem_shared>>
      tpu.enqueue_indirect_dma source(%dma_start3A_765 : memref<100xf32, #tpu.memory_space<vmem>>) target(%dma_start3A_770 : memref<10240xf32, #tpu.memory_space<vmem_shared>>) offsets(%dma_start3A_768 : memref<100xi32, #tpu.memory_space<vmem>>) semaphore(%arg25 : memref<!tpu.dma_semaphore, #tpu.memory_space<semaphore_mem>>) {add = true}
      %dma_wait3A_771 = arith.constant 0 : i32
      %dma_wait3A_772 = arith.constant 0 : i32
      %dma_wait3A_773 = arith.constant 0 : i32
      %dma_wait3A_774 = tpu.memref_slice %arg13[%dma_wait3A_771, %dma_wait3A_772, %dma_wait3A_773] : memref<3x2x100xi32, #tpu.memory_space<vmem>> -> memref<1x1x100xi32, #tpu.memory_space<vmem>>
      %dma_wait3A_775 = tpu.memref_squeeze %dma_wait3A_774 : memref<1x1x100xi32, #tpu.memory_space<vmem>> -> memref<100xi32, #tpu.memory_space<vmem>>
      %dma_wait3A_776 = arith.constant 0 : i32
      %dma_wait3A_777 = arith.constant 0 : i32
      %dma_wait3A_778 = tpu.memref_slice %arg7[%dma_wait3A_776, %dma_wait3A_777] : memref<10240x128xf32, #tpu.memory_space<vmem_shared>> -> memref<10240x128xf32, #tpu.memory_space<vmem_shared>>
      tpu.wait_indirect_dma semaphore(%arg21 : memref<!tpu.dma_semaphore, #tpu.memory_space<semaphore_mem>>) src(%arg15 : memref<100x128xf32, #tpu.memory_space<vmem>>) dst(%dma_wait3A_778 : memref<10240x128xf32, #tpu.memory_space<vmem_shared>>)
      %dma_wait3A_779 = arith.constant 0 : i32
      %dma_wait3A_780 = arith.constant 0 : i32
      %dma_wait3A_781 = arith.constant 0 : i32
      %dma_wait3A_782 = tpu.memref_slice %arg11[%dma_wait3A_781] : memref<128xf32, #tpu.memory_space<vmem>> -> memref<100xf32, #tpu.memory_space<vmem>>
      %dma_wait3A_783 = arith.constant 0 : i32
      %dma_wait3A_784 = tpu.memref_slice %arg13[%dma_wait3A_779, %dma_wait3A_780, %dma_wait3A_783] : memref<3x2x100xi32, #tpu.memory_space<vmem>> -> memref<1x1x100xi32, #tpu.memory_space<vmem>>
      %dma_wait3A_785 = tpu.memref_squeeze %dma_wait3A_784 : memref<1x1x100xi32, #tpu.memory_space<vmem>> -> memref<100xi32, #tpu.memory_space<vmem>>
      %dma_wait3A_786 = arith.constant 0 : i32
      %dma_wait3A_787 = tpu.memref_slice %arg8[%dma_wait3A_786] : memref<10240xf32, #tpu.memory_space<vmem_shared>> -> memref<10240xf32, #tpu.memory_space<vmem_shared>>
      tpu.wait_indirect_dma semaphore(%arg24 : memref<!tpu.dma_semaphore, #tpu.memory_space<semaphore_mem>>) src(%dma_wait3A_782 : memref<100xf32, #tpu.memory_space<vmem>>) dst(%dma_wait3A_787 : memref<10240xf32, #tpu.memory_space<vmem_shared>>)
      %dma_start3A_788 = arith.constant 0 : i32
      %dma_start3A_789 = arith.constant 1 : i32
      %dma_start3A_790 = arith.constant 0 : i32
      %dma_start3A_791 = tpu.memref_slice %arg12[%dma_start3A_788, %dma_start3A_789, %dma_start3A_790] : memref<3x2x100xi32, #tpu.memory_space<vmem>> -> memref<1x1x100xi32, #tpu.memory_space<vmem>>
      %dma_start3A_792 = tpu.memref_squeeze %dma_start3A_791 : memref<1x1x100xi32, #tpu.memory_space<vmem>> -> memref<100xi32, #tpu.memory_space<vmem>>
      %dma_start3A_793 = arith.constant 0 : i32
      %dma_start3A_794 = arith.constant 0 : i32
      %dma_start3A_795 = tpu.memref_slice %arg2[%dma_start3A_793, %dma_start3A_794] : memref<10000x128xf32, #tpu.memory_space<hbm>> -> memref<10000x128xf32, #tpu.memory_space<hbm>>
      tpu.enqueue_indirect_dma source(%dma_start3A_795 : memref<10000x128xf32, #tpu.memory_space<hbm>>) target(%arg15 : memref<100x128xf32, #tpu.memory_space<vmem>>) offsets(%dma_start3A_792 : memref<100xi32, #tpu.memory_space<vmem>>) semaphore(%arg18 : memref<!tpu.dma_semaphore, #tpu.memory_space<semaphore_mem>>)
      %scan3A_796 = arith.constant 0 : i32
      scf.yield %scan3A_796 : i32
    }
    %scan3A_253 = arith.constant 33 : i32
    %dma_wait3A_254 = arith.constant 0 : i32
    %dma_wait3A_255 = arith.constant 0 : i32
    %dma_wait3A_256 = arith.constant 0 : i32
    %dma_wait3A_257 = tpu.memref_slice %arg12[%dma_wait3A_254, %dma_wait3A_255, %dma_wait3A_256] : memref<3x2x100xi32, #tpu.memory_space<vmem>> -> memref<1x1x100xi32, #tpu.memory_space<vmem>>
    %dma_wait3A_258 = tpu.memref_squeeze %dma_wait3A_257 : memref<1x1x100xi32, #tpu.memory_space<vmem>> -> memref<100xi32, #tpu.memory_space<vmem>>
    %dma_wait3A_259 = arith.constant 0 : i32
    %dma_wait3A_260 = arith.constant 0 : i32
    %dma_wait3A_261 = tpu.memref_slice %arg2[%dma_wait3A_259, %dma_wait3A_260] : memref<10000x128xf32, #tpu.memory_space<hbm>> -> memref<10000x128xf32, #tpu.memory_space<hbm>>
    tpu.wait_indirect_dma semaphore(%arg17 : memref<!tpu.dma_semaphore, #tpu.memory_space<semaphore_mem>>) src(%dma_wait3A_261 : memref<10000x128xf32, #tpu.memory_space<hbm>>) dst(%arg14 : memref<100x128xf32, #tpu.memory_space<vmem>>)
    %dma_start3A_262 = arith.constant 0 : i32
    %dma_start3A_263 = arith.constant 0 : i32
    %dma_start3A_264 = arith.constant 0 : i32
    %dma_start3A_265 = tpu.memref_slice %arg13[%dma_start3A_262, %dma_start3A_263, %dma_start3A_264] : memref<3x2x100xi32, #tpu.memory_space<vmem>> -> memref<1x1x100xi32, #tpu.memory_space<vmem>>
    %dma_start3A_266 = tpu.memref_squeeze %dma_start3A_265 : memref<1x1x100xi32, #tpu.memory_space<vmem>> -> memref<100xi32, #tpu.memory_space<vmem>>
    %dma_start3A_267 = arith.constant 0 : i32
    %dma_start3A_268 = arith.constant 0 : i32
    %dma_start3A_269 = tpu.memref_slice %arg7[%dma_start3A_267, %dma_start3A_268] : memref<10240x128xf32, #tpu.memory_space<vmem_shared>> -> memref<10240x128xf32, #tpu.memory_space<vmem_shared>>
    tpu.enqueue_indirect_dma source(%arg14 : memref<100x128xf32, #tpu.memory_space<vmem>>) target(%dma_start3A_269 : memref<10240x128xf32, #tpu.memory_space<vmem_shared>>) offsets(%dma_start3A_266 : memref<100xi32, #tpu.memory_space<vmem>>) semaphore(%arg20 : memref<!tpu.dma_semaphore, #tpu.memory_space<semaphore_mem>>) {add = true}
    %dma_start3A_270 = arith.constant 0 : i32
    %dma_start3A_271 = arith.constant 0 : i32
    %dma_start3A_272 = arith.constant 0 : i32
    %dma_start3A_273 = tpu.memref_slice %arg11[%dma_start3A_272] : memref<128xf32, #tpu.memory_space<vmem>> -> memref<100xf32, #tpu.memory_space<vmem>>
    %dma_start3A_274 = arith.constant 0 : i32
    %dma_start3A_275 = tpu.memref_slice %arg13[%dma_start3A_270, %dma_start3A_271, %dma_start3A_274] : memref<3x2x100xi32, #tpu.memory_space<vmem>> -> memref<1x1x100xi32, #tpu.memory_space<vmem>>
    %dma_start3A_276 = tpu.memref_squeeze %dma_start3A_275 : memref<1x1x100xi32, #tpu.memory_space<vmem>> -> memref<100xi32, #tpu.memory_space<vmem>>
    %dma_start3A_277 = arith.constant 0 : i32
    %dma_start3A_278 = tpu.memref_slice %arg8[%dma_start3A_277] : memref<10240xf32, #tpu.memory_space<vmem_shared>> -> memref<10240xf32, #tpu.memory_space<vmem_shared>>
    tpu.enqueue_indirect_dma source(%dma_start3A_273 : memref<100xf32, #tpu.memory_space<vmem>>) target(%dma_start3A_278 : memref<10240xf32, #tpu.memory_space<vmem_shared>>) offsets(%dma_start3A_276 : memref<100xi32, #tpu.memory_space<vmem>>) semaphore(%arg23 : memref<!tpu.dma_semaphore, #tpu.memory_space<semaphore_mem>>) {add = true}
    %dma_wait3A_279 = arith.constant 0 : i32
    %dma_wait3A_280 = arith.constant 0 : i32
    %dma_wait3A_281 = arith.constant 0 : i32
    %dma_wait3A_282 = tpu.memref_slice %arg13[%dma_wait3A_279, %dma_wait3A_280, %dma_wait3A_281] : memref<3x2x100xi32, #tpu.memory_space<vmem>> -> memref<1x1x100xi32, #tpu.memory_space<vmem>>
    %dma_wait3A_283 = tpu.memref_squeeze %dma_wait3A_282 : memref<1x1x100xi32, #tpu.memory_space<vmem>> -> memref<100xi32, #tpu.memory_space<vmem>>
    %dma_wait3A_284 = arith.constant 0 : i32
    %dma_wait3A_285 = arith.constant 0 : i32
    %dma_wait3A_286 = tpu.memref_slice %arg7[%dma_wait3A_284, %dma_wait3A_285] : memref<10240x128xf32, #tpu.memory_space<vmem_shared>> -> memref<10240x128xf32, #tpu.memory_space<vmem_shared>>
    tpu.wait_indirect_dma semaphore(%arg22 : memref<!tpu.dma_semaphore, #tpu.memory_space<semaphore_mem>>) src(%arg16 : memref<100x128xf32, #tpu.memory_space<vmem>>) dst(%dma_wait3A_286 : memref<10240x128xf32, #tpu.memory_space<vmem_shared>>)
    %dma_wait3A_287 = arith.constant 0 : i32
    %dma_wait3A_288 = arith.constant 0 : i32
    %dma_wait3A_289 = arith.constant 0 : i32
    %dma_wait3A_290 = tpu.memref_slice %arg11[%dma_wait3A_289] : memref<128xf32, #tpu.memory_space<vmem>> -> memref<100xf32, #tpu.memory_space<vmem>>
    %dma_wait3A_291 = arith.constant 0 : i32
    %dma_wait3A_292 = tpu.memref_slice %arg13[%dma_wait3A_287, %dma_wait3A_288, %dma_wait3A_291] : memref<3x2x100xi32, #tpu.memory_space<vmem>> -> memref<1x1x100xi32, #tpu.memory_space<vmem>>
    %dma_wait3A_293 = tpu.memref_squeeze %dma_wait3A_292 : memref<1x1x100xi32, #tpu.memory_space<vmem>> -> memref<100xi32, #tpu.memory_space<vmem>>
    %dma_wait3A_294 = arith.constant 0 : i32
    %dma_wait3A_295 = tpu.memref_slice %arg8[%dma_wait3A_294] : memref<10240xf32, #tpu.memory_space<vmem_shared>> -> memref<10240xf32, #tpu.memory_space<vmem_shared>>
    tpu.wait_indirect_dma semaphore(%arg25 : memref<!tpu.dma_semaphore, #tpu.memory_space<semaphore_mem>>) src(%dma_wait3A_290 : memref<100xf32, #tpu.memory_space<vmem>>) dst(%dma_wait3A_295 : memref<10240xf32, #tpu.memory_space<vmem_shared>>)
    %dma_wait3A_296 = arith.constant 0 : i32
    %dma_wait3A_297 = arith.constant 1 : i32
    %dma_wait3A_298 = arith.constant 0 : i32
    %dma_wait3A_299 = tpu.memref_slice %arg12[%dma_wait3A_296, %dma_wait3A_297, %dma_wait3A_298] : memref<3x2x100xi32, #tpu.memory_space<vmem>> -> memref<1x1x100xi32, #tpu.memory_space<vmem>>
    %dma_wait3A_300 = tpu.memref_squeeze %dma_wait3A_299 : memref<1x1x100xi32, #tpu.memory_space<vmem>> -> memref<100xi32, #tpu.memory_space<vmem>>
    %dma_wait3A_301 = arith.constant 0 : i32
    %dma_wait3A_302 = arith.constant 0 : i32
    %dma_wait3A_303 = tpu.memref_slice %arg2[%dma_wait3A_301, %dma_wait3A_302] : memref<10000x128xf32, #tpu.memory_space<hbm>> -> memref<10000x128xf32, #tpu.memory_space<hbm>>
    tpu.wait_indirect_dma semaphore(%arg18 : memref<!tpu.dma_semaphore, #tpu.memory_space<semaphore_mem>>) src(%dma_wait3A_303 : memref<10000x128xf32, #tpu.memory_space<hbm>>) dst(%arg15 : memref<100x128xf32, #tpu.memory_space<vmem>>)
    %dma_start3A_304 = arith.constant 0 : i32
    %dma_start3A_305 = arith.constant 1 : i32
    %dma_start3A_306 = arith.constant 0 : i32
    %dma_start3A_307 = tpu.memref_slice %arg13[%dma_start3A_304, %dma_start3A_305, %dma_start3A_306] : memref<3x2x100xi32, #tpu.memory_space<vmem>> -> memref<1x1x100xi32, #tpu.memory_space<vmem>>
    %dma_start3A_308 = tpu.memref_squeeze %dma_start3A_307 : memref<1x1x100xi32, #tpu.memory_space<vmem>> -> memref<100xi32, #tpu.memory_space<vmem>>
    %dma_start3A_309 = arith.constant 0 : i32
    %dma_start3A_310 = arith.constant 0 : i32
    %dma_start3A_311 = tpu.memref_slice %arg7[%dma_start3A_309, %dma_start3A_310] : memref<10240x128xf32, #tpu.memory_space<vmem_shared>> -> memref<10240x128xf32, #tpu.memory_space<vmem_shared>>
    tpu.enqueue_indirect_dma source(%arg15 : memref<100x128xf32, #tpu.memory_space<vmem>>) target(%dma_start3A_311 : memref<10240x128xf32, #tpu.memory_space<vmem_shared>>) offsets(%dma_start3A_308 : memref<100xi32, #tpu.memory_space<vmem>>) semaphore(%arg21 : memref<!tpu.dma_semaphore, #tpu.memory_space<semaphore_mem>>) {add = true}
    %dma_start3A_312 = arith.constant 0 : i32
    %dma_start3A_313 = arith.constant 1 : i32
    %dma_start3A_314 = arith.constant 0 : i32
    %dma_start3A_315 = tpu.memref_slice %arg11[%dma_start3A_314] : memref<128xf32, #tpu.memory_space<vmem>> -> memref<100xf32, #tpu.memory_space<vmem>>
    %dma_start3A_316 = arith.constant 0 : i32
    %dma_start3A_317 = tpu.memref_slice %arg13[%dma_start3A_312, %dma_start3A_313, %dma_start3A_316] : memref<3x2x100xi32, #tpu.memory_space<vmem>> -> memref<1x1x100xi32, #tpu.memory_space<vmem>>
    %dma_start3A_318 = tpu.memref_squeeze %dma_start3A_317 : memref<1x1x100xi32, #tpu.memory_space<vmem>> -> memref<100xi32, #tpu.memory_space<vmem>>
    %dma_start3A_319 = arith.constant 0 : i32
    %dma_start3A_320 = tpu.memref_slice %arg8[%dma_start3A_319] : memref<10240xf32, #tpu.memory_space<vmem_shared>> -> memref<10240xf32, #tpu.memory_space<vmem_shared>>
    tpu.enqueue_indirect_dma source(%dma_start3A_315 : memref<100xf32, #tpu.memory_space<vmem>>) target(%dma_start3A_320 : memref<10240xf32, #tpu.memory_space<vmem_shared>>) offsets(%dma_start3A_318 : memref<100xi32, #tpu.memory_space<vmem>>) semaphore(%arg24 : memref<!tpu.dma_semaphore, #tpu.memory_space<semaphore_mem>>) {add = true}
    %dma_wait3A_321 = arith.constant 0 : i32
    %dma_wait3A_322 = arith.constant 0 : i32
    %dma_wait3A_323 = arith.constant 0 : i32
    %dma_wait3A_324 = tpu.memref_slice %arg13[%dma_wait3A_321, %dma_wait3A_322, %dma_wait3A_323] : memref<3x2x100xi32, #tpu.memory_space<vmem>> -> memref<1x1x100xi32, #tpu.memory_space<vmem>>
    %dma_wait3A_325 = tpu.memref_squeeze %dma_wait3A_324 : memref<1x1x100xi32, #tpu.memory_space<vmem>> -> memref<100xi32, #tpu.memory_space<vmem>>
    %dma_wait3A_326 = arith.constant 0 : i32
    %dma_wait3A_327 = arith.constant 0 : i32
    %dma_wait3A_328 = tpu.memref_slice %arg7[%dma_wait3A_326, %dma_wait3A_327] : memref<10240x128xf32, #tpu.memory_space<vmem_shared>> -> memref<10240x128xf32, #tpu.memory_space<vmem_shared>>
    tpu.wait_indirect_dma semaphore(%arg20 : memref<!tpu.dma_semaphore, #tpu.memory_space<semaphore_mem>>) src(%arg14 : memref<100x128xf32, #tpu.memory_space<vmem>>) dst(%dma_wait3A_328 : memref<10240x128xf32, #tpu.memory_space<vmem_shared>>)
    %dma_wait3A_329 = arith.constant 0 : i32
    %dma_wait3A_330 = arith.constant 0 : i32
    %dma_wait3A_331 = arith.constant 0 : i32
    %dma_wait3A_332 = tpu.memref_slice %arg11[%dma_wait3A_331] : memref<128xf32, #tpu.memory_space<vmem>> -> memref<100xf32, #tpu.memory_space<vmem>>
    %dma_wait3A_333 = arith.constant 0 : i32
    %dma_wait3A_334 = tpu.memref_slice %arg13[%dma_wait3A_329, %dma_wait3A_330, %dma_wait3A_333] : memref<3x2x100xi32, #tpu.memory_space<vmem>> -> memref<1x1x100xi32, #tpu.memory_space<vmem>>
    %dma_wait3A_335 = tpu.memref_squeeze %dma_wait3A_334 : memref<1x1x100xi32, #tpu.memory_space<vmem>> -> memref<100xi32, #tpu.memory_space<vmem>>
    %dma_wait3A_336 = arith.constant 0 : i32
    %dma_wait3A_337 = tpu.memref_slice %arg8[%dma_wait3A_336] : memref<10240xf32, #tpu.memory_space<vmem_shared>> -> memref<10240xf32, #tpu.memory_space<vmem_shared>>
    tpu.wait_indirect_dma semaphore(%arg23 : memref<!tpu.dma_semaphore, #tpu.memory_space<semaphore_mem>>) src(%dma_wait3A_332 : memref<100xf32, #tpu.memory_space<vmem>>) dst(%dma_wait3A_337 : memref<10240xf32, #tpu.memory_space<vmem_shared>>)
    %dma_wait3A_338 = arith.constant 0 : i32
    %dma_wait3A_339 = arith.constant 0 : i32
    %dma_wait3A_340 = arith.constant 0 : i32
    %dma_wait3A_341 = tpu.memref_slice %arg13[%dma_wait3A_338, %dma_wait3A_339, %dma_wait3A_340] : memref<3x2x100xi32, #tpu.memory_space<vmem>> -> memref<1x1x100xi32, #tpu.memory_space<vmem>>
    %dma_wait3A_342 = tpu.memref_squeeze %dma_wait3A_341 : memref<1x1x100xi32, #tpu.memory_space<vmem>> -> memref<100xi32, #tpu.memory_space<vmem>>
    %dma_wait3A_343 = arith.constant 0 : i32
    %dma_wait3A_344 = arith.constant 0 : i32
    %dma_wait3A_345 = tpu.memref_slice %arg7[%dma_wait3A_343, %dma_wait3A_344] : memref<10240x128xf32, #tpu.memory_space<vmem_shared>> -> memref<10240x128xf32, #tpu.memory_space<vmem_shared>>
    tpu.wait_indirect_dma semaphore(%arg21 : memref<!tpu.dma_semaphore, #tpu.memory_space<semaphore_mem>>) src(%arg15 : memref<100x128xf32, #tpu.memory_space<vmem>>) dst(%dma_wait3A_345 : memref<10240x128xf32, #tpu.memory_space<vmem_shared>>)
    %dma_wait3A_346 = arith.constant 0 : i32
    %dma_wait3A_347 = arith.constant 0 : i32
    %dma_wait3A_348 = arith.constant 0 : i32
    %dma_wait3A_349 = tpu.memref_slice %arg11[%dma_wait3A_348] : memref<128xf32, #tpu.memory_space<vmem>> -> memref<100xf32, #tpu.memory_space<vmem>>
    %dma_wait3A_350 = arith.constant 0 : i32
    %dma_wait3A_351 = tpu.memref_slice %arg13[%dma_wait3A_346, %dma_wait3A_347, %dma_wait3A_350] : memref<3x2x100xi32, #tpu.memory_space<vmem>> -> memref<1x1x100xi32, #tpu.memory_space<vmem>>
    %dma_wait3A_352 = tpu.memref_squeeze %dma_wait3A_351 : memref<1x1x100xi32, #tpu.memory_space<vmem>> -> memref<100xi32, #tpu.memory_space<vmem>>
    %dma_wait3A_353 = arith.constant 0 : i32
    %dma_wait3A_354 = tpu.memref_slice %arg8[%dma_wait3A_353] : memref<10240xf32, #tpu.memory_space<vmem_shared>> -> memref<10240xf32, #tpu.memory_space<vmem_shared>>
    tpu.wait_indirect_dma semaphore(%arg24 : memref<!tpu.dma_semaphore, #tpu.memory_space<semaphore_mem>>) src(%dma_wait3A_349 : memref<100xf32, #tpu.memory_space<vmem>>) dst(%dma_wait3A_354 : memref<10240xf32, #tpu.memory_space<vmem_shared>>)
    %barrier3A_355 = arith.constant 0 : index
    tpu.barrier barrier_id(%barrier3A_355)
    "tpu.region"() ({
      %run_scoped3A_356 = tpu.sem_alloc : memref<!tpu.dma_semaphore, #tpu.memory_space<semaphore_mem>>
      %dma_start3A_357 = arith.constant 0 : i32
      %dma_start3A_358 = tpu.memref_slice %arg5[%arg0, %mul3A_29, %dma_start3A_357] : memref<2x10240x128xf32, #tpu.memory_space<hbm>> -> memref<1x640x128xf32, #tpu.memory_space<hbm>>
      %dma_start3A_359 = tpu.memref_squeeze %dma_start3A_358 : memref<1x640x128xf32, #tpu.memory_space<hbm>> -> memref<640x128xf32, #tpu.memory_space<hbm>>
      %dma_start3A_360 = arith.constant 0 : i32
      %dma_start3A_361 = tpu.memref_slice %arg7[%mul3A_29, %dma_start3A_360] : memref<10240x128xf32, #tpu.memory_space<vmem_shared>> -> memref<640x128xf32, #tpu.memory_space<vmem_shared>>
      tpu.enqueue_dma source(%dma_start3A_361 : memref<640x128xf32, #tpu.memory_space<vmem_shared>>) target(%dma_start3A_359 : memref<640x128xf32, #tpu.memory_space<hbm>>) target_semaphore(%run_scoped3A_356 : memref<!tpu.dma_semaphore, #tpu.memory_space<semaphore_mem>>)
      %dma_wait3A_362 = arith.constant 0 : i32
      %dma_wait3A_363 = tpu.memref_slice %arg5[%arg0, %mul3A_29, %dma_wait3A_362] : memref<2x10240x128xf32, #tpu.memory_space<hbm>> -> memref<1x640x128xf32, #tpu.memory_space<hbm>>
      %dma_wait3A_364 = tpu.memref_squeeze %dma_wait3A_363 : memref<1x640x128xf32, #tpu.memory_space<hbm>> -> memref<640x128xf32, #tpu.memory_space<hbm>>
      %dma_wait3A_365 = arith.constant 0 : i32
      %dma_wait3A_366 = tpu.memref_slice %arg7[%mul3A_29, %dma_wait3A_365] : memref<10240x128xf32, #tpu.memory_space<vmem_shared>> -> memref<640x128xf32, #tpu.memory_space<vmem_shared>>
      tpu.wait_dma2 semaphore(%run_scoped3A_356 : memref<!tpu.dma_semaphore, #tpu.memory_space<semaphore_mem>>) src(%dma_wait3A_366 : memref<640x128xf32, #tpu.memory_space<vmem_shared>>) dst(%dma_wait3A_364 : memref<640x128xf32, #tpu.memory_space<hbm>>)
      tpu.yield
    }) : () -> ()
    "tpu.region"() ({
      %run_scoped3A_356 = tpu.sem_alloc : memref<!tpu.dma_semaphore, #tpu.memory_space<semaphore_mem>>
      %dma_start3A_357 = tpu.memref_slice %arg6[%arg0, %mul3A_29] : memref<2x10240xf32, #tpu.memory_space<hbm>> -> memref<1x640xf32, #tpu.memory_space<hbm>>
      %dma_start3A_358 = tpu.memref_squeeze %dma_start3A_357 : memref<1x640xf32, #tpu.memory_space<hbm>> -> memref<640xf32, #tpu.memory_space<hbm>>
      %dma_start3A_359 = tpu.memref_slice %arg8[%mul3A_29] : memref<10240xf32, #tpu.memory_space<vmem_shared>> -> memref<640xf32, #tpu.memory_space<vmem_shared>>
      tpu.enqueue_dma source(%dma_start3A_359 : memref<640xf32, #tpu.memory_space<vmem_shared>>) target(%dma_start3A_358 : memref<640xf32, #tpu.memory_space<hbm>>) target_semaphore(%run_scoped3A_356 : memref<!tpu.dma_semaphore, #tpu.memory_space<semaphore_mem>>)
      %dma_wait3A_360 = tpu.memref_slice %arg6[%arg0, %mul3A_29] : memref<2x10240xf32, #tpu.memory_space<hbm>> -> memref<1x640xf32, #tpu.memory_space<hbm>>
      %dma_wait3A_361 = tpu.memref_squeeze %dma_wait3A_360 : memref<1x640xf32, #tpu.memory_space<hbm>> -> memref<640xf32, #tpu.memory_space<hbm>>
      %dma_wait3A_362 = tpu.memref_slice %arg8[%mul3A_29] : memref<10240xf32, #tpu.memory_space<vmem_shared>> -> memref<640xf32, #tpu.memory_space<vmem_shared>>
      tpu.wait_dma2 semaphore(%run_scoped3A_356 : memref<!tpu.dma_semaphore, #tpu.memory_space<semaphore_mem>>) src(%dma_wait3A_362 : memref<640xf32, #tpu.memory_space<vmem_shared>>) dst(%dma_wait3A_361 : memref<640xf32, #tpu.memory_space<hbm>>)
      tpu.yield
    }) : () -> ()
    return
  }
}

module attributes {stable_mosaic.version = 14 : i64} {
  func.func @_tc_body(%arg0: i32, %arg1: memref<2x1000x128xf32, #tpu.memory_space<vmem>>, %arg2: memref<1x1x1000xf32, #tpu.memory_space<vmem>>, %arg3: memref<1x1x1000xf32, #tpu.memory_space<vmem>>, %arg4: memref<1000x128xf32, #tpu.memory_space<vmem>>, %arg5: memref<128x128xf32, #tpu.memory_space<vmem>>, %arg6: memref<128x128xf32, #tpu.memory_space<vmem>>, %arg7: memref<128x128xf32, #tpu.memory_space<vmem>>, %arg8: memref<128x128xf32, #tpu.memory_space<vmem>>, %arg9: memref<1x128xf32, #tpu.memory_space<vmem>>, %arg10: memref<1x128xf32, #tpu.memory_space<vmem>>, %arg11: memref<1000x128xf32, #tpu.memory_space<vmem>>) attributes {dimension_semantics = [#tpu.dimension_semantics<arbitrary>], iteration_bounds = array<i64: 10>, scalar_prefetch = 0 : i64, scratch_operands = 0 : i64, tpu.core_type = #tpu.core_type<tc>, window_params = [{transform_indices = @transform_0, window_bounds = array<i64: 2, 1000, 128>}, {transform_indices = @transform_1, window_bounds = array<i64: 1, 1, 1000>}, {transform_indices = @transform_2, window_bounds = array<i64: 1, 1, 1000>}, {transform_indices = @transform_3, window_bounds = array<i64: 1000, 128>}, {pipeline_mode = #tpu.pipeline_mode<synchronous>, transform_indices = @transform_4, window_bounds = array<i64: 128, 128>}, {pipeline_mode = #tpu.pipeline_mode<synchronous>, transform_indices = @transform_5, window_bounds = array<i64: 128, 128>}, {pipeline_mode = #tpu.pipeline_mode<synchronous>, transform_indices = @transform_6, window_bounds = array<i64: 128, 128>}, {pipeline_mode = #tpu.pipeline_mode<synchronous>, transform_indices = @transform_7, window_bounds = array<i64: 128, 128>}, {pipeline_mode = #tpu.pipeline_mode<synchronous>, transform_indices = @transform_8, window_bounds = array<i64: 1, 128>}, {pipeline_mode = #tpu.pipeline_mode<synchronous>, transform_indices = @transform_9, window_bounds = array<i64: 1, 128>}, {transform_indices = @transform_10, window_bounds = array<i64: 1000, 128>}]} {
    %get3A = arith.constant 0 : index
    %get3A_0 = arith.constant 0 : index
    %get3A_1 = arith.constant 0 : index
    %get3A_2 = vector.load %arg2[%get3A, %get3A_0, %get3A_1] : memref<1x1x1000xf32, #tpu.memory_space<vmem>>, vector<1x1x1000xf32>
    %get3A_3 = vector.shape_cast %get3A_2 : vector<1x1x1000xf32> to vector<1000xf32>
    %get3A_4 = arith.constant 0 : index
    %get3A_5 = arith.constant 0 : index
    %get3A_6 = arith.constant 0 : index
    %get3A_7 = vector.load %arg3[%get3A_4, %get3A_5, %get3A_6] : memref<1x1x1000xf32, #tpu.memory_space<vmem>>, vector<1x1x1000xf32>
    %get3A_8 = vector.shape_cast %get3A_7 : vector<1x1x1000xf32> to vector<1000xf32>
    %get3A_9 = arith.constant 0 : index
    %get3A_10 = arith.constant 0 : index
    %get3A_11 = arith.constant 0 : index
    %get3A_12 = vector.load %arg1[%get3A_9, %get3A_10, %get3A_11] : memref<2x1000x128xf32, #tpu.memory_space<vmem>>, vector<1x1000x128xf32>
    %get3A_13 = vector.shape_cast %get3A_12 : vector<1x1000x128xf32> to vector<1000x128xf32>
    %max3A = arith.constant 1.000000e+00 : f32
    %max3A_14 = vector.broadcast %max3A : f32 to vector<1000xf32>
    %max3A_15 = arith.maximumf %get3A_3, %max3A_14 : vector<1000xf32>
    %div3A = arith.constant 1.000000e+00 : f32
    %div3A_16 = vector.broadcast %div3A : f32 to vector<1000xf32>
    %div3A_17 = arith.divf %div3A_16, %max3A_15 : vector<1000xf32>
    %broadcast_in_dim3A = vector.shape_cast %div3A_17 : vector<1000xf32> to vector<1000x1xf32>
    %mul3A = vector.broadcast %broadcast_in_dim3A : vector<1000x1xf32> to vector<1000x128xf32>
    %mul3A_18 = arith.mulf %get3A_13, %mul3A : vector<1000x128xf32>
    %get3A_19 = arith.constant 1 : index
    %get3A_20 = arith.constant 0 : index
    %get3A_21 = arith.constant 0 : index
    %get3A_22 = vector.load %arg1[%get3A_19, %get3A_20, %get3A_21] : memref<2x1000x128xf32, #tpu.memory_space<vmem>>, vector<1x1000x128xf32>
    %get3A_23 = vector.shape_cast %get3A_22 : vector<1x1000x128xf32> to vector<1000x128xf32>
    %max3A_24 = arith.constant 1.000000e+00 : f32
    %max3A_25 = vector.broadcast %max3A_24 : f32 to vector<1000xf32>
    %max3A_26 = arith.maximumf %get3A_8, %max3A_25 : vector<1000xf32>
    %div3A_27 = arith.constant 1.000000e+00 : f32
    %div3A_28 = vector.broadcast %div3A_27 : f32 to vector<1000xf32>
    %div3A_29 = arith.divf %div3A_28, %max3A_26 : vector<1000xf32>
    %broadcast_in_dim3A_30 = vector.shape_cast %div3A_29 : vector<1000xf32> to vector<1000x1xf32>
    %mul3A_31 = vector.broadcast %broadcast_in_dim3A_30 : vector<1000x1xf32> to vector<1000x128xf32>
    %mul3A_32 = arith.mulf %get3A_23, %mul3A_31 : vector<1000x128xf32>
    %get3A_33 = arith.constant 0 : index
    %get3A_34 = arith.constant 0 : index
    %get3A_35 = vector.load %arg4[%get3A_33, %get3A_34] : memref<1000x128xf32, #tpu.memory_space<vmem>>, vector<1000x128xf32>
    %get3A_36 = arith.constant 0 : index
    %get3A_37 = arith.constant 0 : index
    %get3A_38 = vector.load %arg5[%get3A_36, %get3A_37] : memref<128x128xf32, #tpu.memory_space<vmem>>, vector<128x128xf32>
    %dot_general3A = arith.constant dense<0.000000e+00> : vector<1000x128xf32>
    %dot_general3A_39 = tpu.matmul %mul3A_18, %get3A_38, %dot_general3A {dimension_numbers = #tpu.dot_dimension_numbers<[1], [0], [0], [1], [0, 0, 1, 1], [], []>, transpose_lhs_hint = false} : vector<1000x128xf32>, vector<128x128xf32>, vector<1000x128xf32> -> vector<1000x128xf32>
    %get3A_40 = arith.constant 0 : index
    %get3A_41 = arith.constant 0 : index
    %get3A_42 = vector.load %arg6[%get3A_40, %get3A_41] : memref<128x128xf32, #tpu.memory_space<vmem>>, vector<128x128xf32>
    %dot_general3A_43 = arith.constant dense<0.000000e+00> : vector<1000x128xf32>
    %dot_general3A_44 = tpu.matmul %mul3A_32, %get3A_42, %dot_general3A_43 {dimension_numbers = #tpu.dot_dimension_numbers<[1], [0], [0], [1], [0, 0, 1, 1], [], []>, transpose_lhs_hint = false} : vector<1000x128xf32>, vector<128x128xf32>, vector<1000x128xf32> -> vector<1000x128xf32>
    %add3A = arith.addf %dot_general3A_39, %dot_general3A_44 : vector<1000x128xf32>
    %get3A_45 = arith.constant 0 : index
    %get3A_46 = arith.constant 0 : index
    %get3A_47 = vector.load %arg7[%get3A_45, %get3A_46] : memref<128x128xf32, #tpu.memory_space<vmem>>, vector<128x128xf32>
    %get3A_48 = arith.constant 0 : index
    %get3A_49 = arith.constant 0 : index
    %get3A_50 = vector.load %arg8[%get3A_48, %get3A_49] : memref<128x128xf32, #tpu.memory_space<vmem>>, vector<128x128xf32>
    %add3A_51 = arith.addf %get3A_47, %get3A_50 : vector<128x128xf32>
    %dot_general3A_52 = arith.constant dense<0.000000e+00> : vector<1000x128xf32>
    %dot_general3A_53 = tpu.matmul %get3A_35, %add3A_51, %dot_general3A_52 {dimension_numbers = #tpu.dot_dimension_numbers<[1], [0], [0], [1], [0, 0, 1, 1], [], []>, transpose_lhs_hint = false} : vector<1000x128xf32>, vector<128x128xf32>, vector<1000x128xf32> -> vector<1000x128xf32>
    %add3A_54 = arith.addf %add3A, %dot_general3A_53 : vector<1000x128xf32>
    %get3A_55 = arith.constant 0 : index
    %get3A_56 = arith.constant 0 : index
    %get3A_57 = vector.load %arg9[%get3A_55, %get3A_56] : memref<1x128xf32, #tpu.memory_space<vmem>>, vector<1x128xf32>
    %add3A_58 = vector.broadcast %get3A_57 : vector<1x128xf32> to vector<1000x128xf32>
    %add3A_59 = arith.addf %add3A_54, %add3A_58 : vector<1000x128xf32>
    %get3A_60 = arith.constant 0 : index
    %get3A_61 = arith.constant 0 : index
    %get3A_62 = vector.load %arg10[%get3A_60, %get3A_61] : memref<1x128xf32, #tpu.memory_space<vmem>>, vector<1x128xf32>
    %add3A_63 = vector.broadcast %get3A_62 : vector<1x128xf32> to vector<1000x128xf32>
    %add3A_64 = arith.addf %add3A_59, %add3A_63 : vector<1000x128xf32>
    %max3A_65 = arith.constant 0.000000e+00 : f32
    %max3A_66 = vector.broadcast %max3A_65 : f32 to vector<1000x128xf32>
    %max3A_67 = arith.maximumf %add3A_64, %max3A_66 : vector<1000x128xf32>
    %swap3A = arith.constant 0 : index
    %swap3A_68 = arith.constant 0 : index
    %swap3A_69 = vector.load %arg11[%swap3A, %swap3A_68] : memref<1000x128xf32, #tpu.memory_space<vmem>>, vector<1000x128xf32>
    tpu.vector_store %arg11[%swap3A, %swap3A_68], %max3A_67 {strides = array<i32>} : memref<1000x128xf32, #tpu.memory_space<vmem>>, vector<1000x128xf32>,
    return
  }
  func.func @transform_0(%arg0: i32) -> (i32, i32, i32) {
    %c0_i32 = arith.constant 0 : i32
    %c0_i32_0 = arith.constant 0 : i32
    %c0_i32_1 = arith.constant 0 : i32
    return %c0_i32, %arg0, %c0_i32_0 : i32, i32, i32
  }
  func.func @transform_1(%arg0: i32) -> (i32, i32, i32) {
    %c0_i32 = arith.constant 0 : i32
    %c0_i32_0 = arith.constant 0 : i32
    %c0_i32_1 = arith.constant 0 : i32
    return %arg0, %c0_i32, %c0_i32_0 : i32, i32, i32
  }
  func.func @transform_2(%arg0: i32) -> (i32, i32, i32) {
    %c0_i32 = arith.constant 0 : i32
    %c0_i32_0 = arith.constant 0 : i32
    %c0_i32_1 = arith.constant 0 : i32
    return %arg0, %c0_i32, %c0_i32_0 : i32, i32, i32
  }
  func.func @transform_3(%arg0: i32) -> (i32, i32) {
    %c0_i32 = arith.constant 0 : i32
    %c0_i32_0 = arith.constant 0 : i32
    return %arg0, %c0_i32 : i32, i32
  }
  func.func @transform_4(%arg0: i32) -> (i32, i32) {
    %c0_i32 = arith.constant 0 : i32
    %c0_i32_0 = arith.constant 0 : i32
    %c0_i32_1 = arith.constant 0 : i32
    return %c0_i32, %c0_i32_0 : i32, i32
  }
  func.func @transform_5(%arg0: i32) -> (i32, i32) {
    %c0_i32 = arith.constant 0 : i32
    %c0_i32_0 = arith.constant 0 : i32
    %c0_i32_1 = arith.constant 0 : i32
    return %c0_i32, %c0_i32_0 : i32, i32
  }
  func.func @transform_6(%arg0: i32) -> (i32, i32) {
    %c0_i32 = arith.constant 0 : i32
    %c0_i32_0 = arith.constant 0 : i32
    %c0_i32_1 = arith.constant 0 : i32
    return %c0_i32, %c0_i32_0 : i32, i32
  }
  func.func @transform_7(%arg0: i32) -> (i32, i32) {
    %c0_i32 = arith.constant 0 : i32
    %c0_i32_0 = arith.constant 0 : i32
    %c0_i32_1 = arith.constant 0 : i32
    return %c0_i32, %c0_i32_0 : i32, i32
  }
  func.func @transform_8(%arg0: i32) -> (i32, i32) {
    %c0_i32 = arith.constant 0 : i32
    %c0_i32_0 = arith.constant 0 : i32
    %c0_i32_1 = arith.constant 0 : i32
    return %c0_i32, %c0_i32_0 : i32, i32
  }
  func.func @transform_9(%arg0: i32) -> (i32, i32) {
    %c0_i32 = arith.constant 0 : i32
    %c0_i32_0 = arith.constant 0 : i32
    %c0_i32_1 = arith.constant 0 : i32
    return %c0_i32, %c0_i32_0 : i32, i32
  }
  func.func @transform_10(%arg0: i32) -> (i32, i32) {
    %c0_i32 = arith.constant 0 : i32
    %c0_i32_0 = arith.constant 0 : i32
    return %arg0, %c0_i32 : i32, i32
  }
}

module attributes {stable_mosaic.version = 14 : i64} {
  func.func @_tc_body(%arg0: i32, %arg1: memref<2x1000x128xf32, #tpu.memory_space<vmem>>, %arg2: memref<1x1x1000xf32, #tpu.memory_space<vmem>>, %arg3: memref<1x1x1000xf32, #tpu.memory_space<vmem>>, %arg4: memref<1000x128xf32, #tpu.memory_space<vmem>>, %arg5: memref<128x128xf32, #tpu.memory_space<vmem>>, %arg6: memref<128x128xf32, #tpu.memory_space<vmem>>, %arg7: memref<128x128xf32, #tpu.memory_space<vmem>>, %arg8: memref<128x128xf32, #tpu.memory_space<vmem>>, %arg9: memref<1x128xf32, #tpu.memory_space<vmem>>, %arg10: memref<1x128xf32, #tpu.memory_space<vmem>>, %arg11: memref<128x64xf32, #tpu.memory_space<vmem>>, %arg12: memref<1x64xf32, #tpu.memory_space<vmem>>, %arg13: memref<1000x64xf32, #tpu.memory_space<vmem>>) attributes {dimension_semantics = [#tpu.dimension_semantics<arbitrary>], iteration_bounds = array<i64: 10>, scalar_prefetch = 0 : i64, scratch_operands = 0 : i64, tpu.core_type = #tpu.core_type<tc>, window_params = [{transform_indices = @transform_0, window_bounds = array<i64: 2, 1000, 128>}, {transform_indices = @transform_1, window_bounds = array<i64: 1, 1, 1000>}, {transform_indices = @transform_2, window_bounds = array<i64: 1, 1, 1000>}, {transform_indices = @transform_3, window_bounds = array<i64: 1000, 128>}, {pipeline_mode = #tpu.pipeline_mode<synchronous>, transform_indices = @transform_4, window_bounds = array<i64: 128, 128>}, {pipeline_mode = #tpu.pipeline_mode<synchronous>, transform_indices = @transform_5, window_bounds = array<i64: 128, 128>}, {pipeline_mode = #tpu.pipeline_mode<synchronous>, transform_indices = @transform_6, window_bounds = array<i64: 128, 128>}, {pipeline_mode = #tpu.pipeline_mode<synchronous>, transform_indices = @transform_7, window_bounds = array<i64: 128, 128>}, {pipeline_mode = #tpu.pipeline_mode<synchronous>, transform_indices = @transform_8, window_bounds = array<i64: 1, 128>}, {pipeline_mode = #tpu.pipeline_mode<synchronous>, transform_indices = @transform_9, window_bounds = array<i64: 1, 128>}, {pipeline_mode = #tpu.pipeline_mode<synchronous>, transform_indices = @transform_10, window_bounds = array<i64: 128, 64>}, {pipeline_mode = #tpu.pipeline_mode<synchronous>, transform_indices = @transform_11, window_bounds = array<i64: 1, 64>}, {transform_indices = @transform_12, window_bounds = array<i64: 1000, 64>}]} {
    %get3A = arith.constant 0 : index
    %get3A_0 = arith.constant 0 : index
    %get3A_1 = arith.constant 0 : index
    %get3A_2 = vector.load %arg2[%get3A, %get3A_0, %get3A_1] : memref<1x1x1000xf32, #tpu.memory_space<vmem>>, vector<1x1x1000xf32>
    %get3A_3 = vector.shape_cast %get3A_2 : vector<1x1x1000xf32> to vector<1000xf32>
    %get3A_4 = arith.constant 0 : index
    %get3A_5 = arith.constant 0 : index
    %get3A_6 = arith.constant 0 : index
    %get3A_7 = vector.load %arg3[%get3A_4, %get3A_5, %get3A_6] : memref<1x1x1000xf32, #tpu.memory_space<vmem>>, vector<1x1x1000xf32>
    %get3A_8 = vector.shape_cast %get3A_7 : vector<1x1x1000xf32> to vector<1000xf32>
    %get3A_9 = arith.constant 0 : index
    %get3A_10 = arith.constant 0 : index
    %get3A_11 = arith.constant 0 : index
    %get3A_12 = vector.load %arg1[%get3A_9, %get3A_10, %get3A_11] : memref<2x1000x128xf32, #tpu.memory_space<vmem>>, vector<1x1000x128xf32>
    %get3A_13 = vector.shape_cast %get3A_12 : vector<1x1000x128xf32> to vector<1000x128xf32>
    %max3A = arith.constant 1.000000e+00 : f32
    %max3A_14 = vector.broadcast %max3A : f32 to vector<1000xf32>
    %max3A_15 = arith.maximumf %get3A_3, %max3A_14 : vector<1000xf32>
    %div3A = arith.constant 1.000000e+00 : f32
    %div3A_16 = vector.broadcast %div3A : f32 to vector<1000xf32>
    %div3A_17 = arith.divf %div3A_16, %max3A_15 : vector<1000xf32>
    %broadcast_in_dim3A = vector.shape_cast %div3A_17 : vector<1000xf32> to vector<1000x1xf32>
    %mul3A = vector.broadcast %broadcast_in_dim3A : vector<1000x1xf32> to vector<1000x128xf32>
    %mul3A_18 = arith.mulf %get3A_13, %mul3A : vector<1000x128xf32>
    %get3A_19 = arith.constant 1 : index
    %get3A_20 = arith.constant 0 : index
    %get3A_21 = arith.constant 0 : index
    %get3A_22 = vector.load %arg1[%get3A_19, %get3A_20, %get3A_21] : memref<2x1000x128xf32, #tpu.memory_space<vmem>>, vector<1x1000x128xf32>
    %get3A_23 = vector.shape_cast %get3A_22 : vector<1x1000x128xf32> to vector<1000x128xf32>
    %max3A_24 = arith.constant 1.000000e+00 : f32
    %max3A_25 = vector.broadcast %max3A_24 : f32 to vector<1000xf32>
    %max3A_26 = arith.maximumf %get3A_8, %max3A_25 : vector<1000xf32>
    %div3A_27 = arith.constant 1.000000e+00 : f32
    %div3A_28 = vector.broadcast %div3A_27 : f32 to vector<1000xf32>
    %div3A_29 = arith.divf %div3A_28, %max3A_26 : vector<1000xf32>
    %broadcast_in_dim3A_30 = vector.shape_cast %div3A_29 : vector<1000xf32> to vector<1000x1xf32>
    %mul3A_31 = vector.broadcast %broadcast_in_dim3A_30 : vector<1000x1xf32> to vector<1000x128xf32>
    %mul3A_32 = arith.mulf %get3A_23, %mul3A_31 : vector<1000x128xf32>
    %get3A_33 = arith.constant 0 : index
    %get3A_34 = arith.constant 0 : index
    %get3A_35 = vector.load %arg4[%get3A_33, %get3A_34] : memref<1000x128xf32, #tpu.memory_space<vmem>>, vector<1000x128xf32>
    %get3A_36 = arith.constant 0 : index
    %get3A_37 = arith.constant 0 : index
    %get3A_38 = vector.load %arg5[%get3A_36, %get3A_37] : memref<128x128xf32, #tpu.memory_space<vmem>>, vector<128x128xf32>
    %dot_general3A = arith.constant dense<0.000000e+00> : vector<1000x128xf32>
    %dot_general3A_39 = tpu.matmul %mul3A_18, %get3A_38, %dot_general3A {dimension_numbers = #tpu.dot_dimension_numbers<[1], [0], [0], [1], [0, 0, 1, 1], [], []>, transpose_lhs_hint = false} : vector<1000x128xf32>, vector<128x128xf32>, vector<1000x128xf32> -> vector<1000x128xf32>
    %get3A_40 = arith.constant 0 : index
    %get3A_41 = arith.constant 0 : index
    %get3A_42 = vector.load %arg6[%get3A_40, %get3A_41] : memref<128x128xf32, #tpu.memory_space<vmem>>, vector<128x128xf32>
    %dot_general3A_43 = arith.constant dense<0.000000e+00> : vector<1000x128xf32>
    %dot_general3A_44 = tpu.matmul %mul3A_32, %get3A_42, %dot_general3A_43 {dimension_numbers = #tpu.dot_dimension_numbers<[1], [0], [0], [1], [0, 0, 1, 1], [], []>, transpose_lhs_hint = false} : vector<1000x128xf32>, vector<128x128xf32>, vector<1000x128xf32> -> vector<1000x128xf32>
    %add3A = arith.addf %dot_general3A_39, %dot_general3A_44 : vector<1000x128xf32>
    %get3A_45 = arith.constant 0 : index
    %get3A_46 = arith.constant 0 : index
    %get3A_47 = vector.load %arg7[%get3A_45, %get3A_46] : memref<128x128xf32, #tpu.memory_space<vmem>>, vector<128x128xf32>
    %get3A_48 = arith.constant 0 : index
    %get3A_49 = arith.constant 0 : index
    %get3A_50 = vector.load %arg8[%get3A_48, %get3A_49] : memref<128x128xf32, #tpu.memory_space<vmem>>, vector<128x128xf32>
    %add3A_51 = arith.addf %get3A_47, %get3A_50 : vector<128x128xf32>
    %dot_general3A_52 = arith.constant dense<0.000000e+00> : vector<1000x128xf32>
    %dot_general3A_53 = tpu.matmul %get3A_35, %add3A_51, %dot_general3A_52 {dimension_numbers = #tpu.dot_dimension_numbers<[1], [0], [0], [1], [0, 0, 1, 1], [], []>, transpose_lhs_hint = false} : vector<1000x128xf32>, vector<128x128xf32>, vector<1000x128xf32> -> vector<1000x128xf32>
    %add3A_54 = arith.addf %add3A, %dot_general3A_53 : vector<1000x128xf32>
    %get3A_55 = arith.constant 0 : index
    %get3A_56 = arith.constant 0 : index
    %get3A_57 = vector.load %arg9[%get3A_55, %get3A_56] : memref<1x128xf32, #tpu.memory_space<vmem>>, vector<1x128xf32>
    %add3A_58 = vector.broadcast %get3A_57 : vector<1x128xf32> to vector<1000x128xf32>
    %add3A_59 = arith.addf %add3A_54, %add3A_58 : vector<1000x128xf32>
    %get3A_60 = arith.constant 0 : index
    %get3A_61 = arith.constant 0 : index
    %get3A_62 = vector.load %arg10[%get3A_60, %get3A_61] : memref<1x128xf32, #tpu.memory_space<vmem>>, vector<1x128xf32>
    %add3A_63 = vector.broadcast %get3A_62 : vector<1x128xf32> to vector<1000x128xf32>
    %add3A_64 = arith.addf %add3A_59, %add3A_63 : vector<1000x128xf32>
    %max3A_65 = arith.constant 0.000000e+00 : f32
    %max3A_66 = vector.broadcast %max3A_65 : f32 to vector<1000x128xf32>
    %max3A_67 = arith.maximumf %add3A_64, %max3A_66 : vector<1000x128xf32>
    %get3A_68 = arith.constant 0 : index
    %get3A_69 = arith.constant 0 : index
    %get3A_70 = vector.load %arg11[%get3A_68, %get3A_69] : memref<128x64xf32, #tpu.memory_space<vmem>>, vector<128x64xf32>
    %dot_general3A_71 = arith.constant dense<0.000000e+00> : vector<1000x64xf32>
    %dot_general3A_72 = tpu.matmul %max3A_67, %get3A_70, %dot_general3A_71 {dimension_numbers = #tpu.dot_dimension_numbers<[1], [0], [0], [1], [0, 0, 1, 1], [], []>, transpose_lhs_hint = false} : vector<1000x128xf32>, vector<128x64xf32>, vector<1000x64xf32> -> vector<1000x64xf32>
    %get3A_73 = arith.constant 0 : index
    %get3A_74 = arith.constant 0 : index
    %get3A_75 = vector.load %arg12[%get3A_73, %get3A_74] : memref<1x64xf32, #tpu.memory_space<vmem>>, vector<1x64xf32>
    %add3A_76 = vector.broadcast %get3A_75 : vector<1x64xf32> to vector<1000x64xf32>
    %add3A_77 = arith.addf %dot_general3A_72, %add3A_76 : vector<1000x64xf32>
    %swap3A = arith.constant 0 : index
    %swap3A_78 = arith.constant 0 : index
    %swap3A_79 = vector.load %arg13[%swap3A, %swap3A_78] : memref<1000x64xf32, #tpu.memory_space<vmem>>, vector<1000x64xf32>
    tpu.vector_store %arg13[%swap3A, %swap3A_78], %add3A_77 {strides = array<i32>} : memref<1000x64xf32, #tpu.memory_space<vmem>>, vector<1000x64xf32>,
    return
  }
  func.func @transform_0(%arg0: i32) -> (i32, i32, i32) {
    %c0_i32 = arith.constant 0 : i32
    %c0_i32_0 = arith.constant 0 : i32
    %c0_i32_1 = arith.constant 0 : i32
    return %c0_i32, %arg0, %c0_i32_0 : i32, i32, i32
  }
  func.func @transform_1(%arg0: i32) -> (i32, i32, i32) {
    %c0_i32 = arith.constant 0 : i32
    %c0_i32_0 = arith.constant 0 : i32
    %c0_i32_1 = arith.constant 0 : i32
    return %arg0, %c0_i32, %c0_i32_0 : i32, i32, i32
  }
  func.func @transform_2(%arg0: i32) -> (i32, i32, i32) {
    %c0_i32 = arith.constant 0 : i32
    %c0_i32_0 = arith.constant 0 : i32
    %c0_i32_1 = arith.constant 0 : i32
    return %arg0, %c0_i32, %c0_i32_0 : i32, i32, i32
  }
  func.func @transform_3(%arg0: i32) -> (i32, i32) {
    %c0_i32 = arith.constant 0 : i32
    %c0_i32_0 = arith.constant 0 : i32
    return %arg0, %c0_i32 : i32, i32
  }
  func.func @transform_4(%arg0: i32) -> (i32, i32) {
    %c0_i32 = arith.constant 0 : i32
    %c0_i32_0 = arith.constant 0 : i32
    %c0_i32_1 = arith.constant 0 : i32
    return %c0_i32, %c0_i32_0 : i32, i32
  }
  func.func @transform_5(%arg0: i32) -> (i32, i32) {
    %c0_i32 = arith.constant 0 : i32
    %c0_i32_0 = arith.constant 0 : i32
    %c0_i32_1 = arith.constant 0 : i32
    return %c0_i32, %c0_i32_0 : i32, i32
  }
  func.func @transform_6(%arg0: i32) -> (i32, i32) {
    %c0_i32 = arith.constant 0 : i32
    %c0_i32_0 = arith.constant 0 : i32
    %c0_i32_1 = arith.constant 0 : i32
    return %c0_i32, %c0_i32_0 : i32, i32
  }
  func.func @transform_7(%arg0: i32) -> (i32, i32) {
    %c0_i32 = arith.constant 0 : i32
    %c0_i32_0 = arith.constant 0 : i32
    %c0_i32_1 = arith.constant 0 : i32
    return %c0_i32, %c0_i32_0 : i32, i32
  }
  func.func @transform_8(%arg0: i32) -> (i32, i32) {
    %c0_i32 = arith.constant 0 : i32
    %c0_i32_0 = arith.constant 0 : i32
    %c0_i32_1 = arith.constant 0 : i32
    return %c0_i32, %c0_i32_0 : i32, i32
  }
  func.func @transform_9(%arg0: i32) -> (i32, i32) {
    %c0_i32 = arith.constant 0 : i32
    %c0_i32_0 = arith.constant 0 : i32
    %c0_i32_1 = arith.constant 0 : i32
    return %c0_i32, %c0_i32_0 : i32, i32
  }
  func.func @transform_10(%arg0: i32) -> (i32, i32) {
    %c0_i32 = arith.constant 0 : i32
    %c0_i32_0 = arith.constant 0 : i32
    %c0_i32_1 = arith.constant 0 : i32
    return %c0_i32, %c0_i32_0 : i32, i32
  }
  func.func @transform_11(%arg0: i32) -> (i32, i32) {
    %c0_i32 = arith.constant 0 : i32
    %c0_i32_0 = arith.constant 0 : i32
    %c0_i32_1 = arith.constant 0 : i32
    return %c0_i32, %c0_i32_0 : i32, i32
  }
  func.func @transform_12(%arg0: i32) -> (i32, i32) {
    %c0_i32 = arith.constant 0 : i32
    %c0_i32_0 = arith.constant 0 : i32
    return %arg0, %c0_i32 : i32, i32
  }
}

</mosaic_0001>

<sc_bundles>
// kernel: kernel.6.cloned.1.call-start
scs
__scs_entry_jumppad:
0x0: {  	(pc) =	sbr.rel $0x88, $3  }
0x1: {  	(tag) =	ssettag $0x0;
	lr =	simm.s32 $0x1  }
0x2: {  	[smem:$0x3F90] =	sst lr;
	_ =	strace $0xD0000000  }
0x3: {  	_ = 	snop  }
0x4: {  	_ = 	snop  }
0x5: {  	_ = 	snop  }
0x6: {  	_ = 	snop  }
0x7: {  	_ = 	snop  }
__scs_overlays_trampoline_lowered:
0x8: {  	[smem:$0x3F9F] =	sst s0  }
0x9: {  	[smem:$0x3FA0] =	sst s1  }
0xa: {  	[smem:$0x3FA1] =	sst s2  }
0xb: {  	[smem:$0x3FA2] =	sst s3  }
0xc: {  	[smem:$0x3FA3] =	sst s4  }
0xd: {  	[smem:$0x3FA4] =	sst s5  }
0xe: {  	[smem:$0x3FA5] =	sst s6  }
0xf: {  	[smem:$0x3FA6] =	sst s7  }
0x10: {  	[smem:$0x3FA7] =	sst s8  }
0x11: {  	[smem:$0x3FA8] =	sst s9;
	s0 =	simm.s32 @!p0 $0x0  }
0x12: {  	s1 =	sld [smem:$0x3F8E];
	s0 =	simm.s32 @p0 $0x1  }
0x13: {  	[smem:$0x3FA9] =	sst s0;
	s0 =	simm.s32 @!p1 $0x0  }
0x14: {  	s2 =	sld [smem:$0x3F8D];
	s0 =	simm.s32 @p1 $0x1  }
0x15: {  	[smem:$0x3FAA] =	sst s0;
	s0 =	simm.s32 @!p2 $0x0  }
0x16: {  	s3 =	sld [smem:$0x3FDB];
	s0 =	simm.s32 @p2 $0x1  }
0x17: {  	s4 =	simm.s32 $0x1BF5;
	[smem:$0x3FAC] =	sst s0  }
0x18: {  	s0 =	sld [smem:$0x3F8F];
	_ =	swait.ge [sflag:s4], $0x0  }
0x19: {  	s7 =	sld [smem:$0x3F90]  }
0x1a: {  	s8 =	sadd.s32 $0xFFFFE003, lr  }
0x1b: {  	s9 =	sadd.s32 $0xFFFFFEF7, lr;
	s5 =	simm.s32 $0xFFFFFFFF;
	p2 =	slt.u32 s8, $0xFFFFF086  }
0x1c: {  	p1 =	slt.u32 s9, $0xF7A;
	s5 =	simm.s32 @!p2 $0x0  }
0x1d: {  	s5 =	simm.s32 @p1 $0x1;
	p0 =	seq.s32 s7, s2  }
0x1e: {  	s7 =	smul.u32 @!p0 $0xF7A, s2;
	p2 =	seq.s32 @!p0 s5, $0x0  }
0x1f: {  	s9 =	smul.u32 $0xF7A, s1;
	s8 =	simm.s32 @!p0 $0x1BF5;
	p2 =	por !p2, p0  }
0x20: {  	[sflag:s8] =	ssyncset.s32 @!p0 $0xFFFFF086;
	s6 =	sadd.s32 @!p0 s3, s7;
	s7 =	simm.s32 @!p0 $0x108  }
0x21: {  	s3 =	sadd.s32 s3, s9;
	s6 =	sadd.s32 @!p0 $0x88, s6;
	s7 =	simm.s32 @p2 $0x1082  }
0x22: {  	[simem:s7], [sflag:s8] =	dma.local @!p0 [hbm:s6], $0xF7A  }
0x23: {  	s9 =	sor.u32 $0xD0000000, s2;
	s6 =	simm.s32 $0x108;
	_ =	swait.ge @!p0 [sflag:s8], $0x0  }
0x24: {  	s3 =	sadd.s32 $0x88, s3;
	s6 =	simm.s32 @!p1 $0x1082;
	[sflag:s4] =	ssyncset.s32 $0xFFFFF086  }
0x25: {  	[simem:s6], [sflag:s4] =	dma.local [hbm:s3], $0xF7A  }
0x26: {  	[smem:$0x3F90] =	sst s1;
	(tag) =	ssettag s2;
	_ =	strace s9  }
0x27: {  	s1 =	sld [smem:$0x3FA0]  }
0x28: {  	s2 =	sld [smem:$0x3FA1]  }
0x29: {  	s4 =	sld [smem:$0x3FA3]  }
0x2a: {  	p0 =	seq.s32 s5, $0x0;
	s5 =	sld [smem:$0x3FA4]  }
0x2b: {  	s6 =	sld [smem:$0x3FA5]  }
0x2c: {  	s7 =	sld [smem:$0x3FA6]  }
0x2d: {  	s3 =	simm.s32 $0x108;
	s8 =	sld [smem:$0x3FA7]  }
0x2e: {  	s3 =	simm.s32 @!p0 $0x1082;
	s9 =	sld [smem:$0x3FA8]  }
0x2f: {  	lr =	sadd.s32 s0, s3;
	s0 =	sld [smem:$0x3F9F]  }
0x30: {  	s3 =	sld [smem:$0x3FA2]  }
0x31: {  	[smem:$0x3FAB] =	sst s10  }
0x32: {  	s10 =	sld [smem:$0x3FA9];
	_ =	sdelay $0x3  }
0x33: {  	p0 =	seq.s32 s10, $0x1;
	s10 =	sld [smem:$0x3FAB];
	_ =	sdelay $0x3  }
0x34: {  	[smem:$0x3FAB] =	sst s10  }
0x35: {  	s10 =	sld [smem:$0x3FAA];
	_ =	sdelay $0x3  }
0x36: {  	p1 =	seq.s32 s10, $0x1;
	s10 =	sld [smem:$0x3FAB];
	_ =	sdelay $0x3  }
0x37: {  	[smem:$0x3FAB] =	sst s10  }
0x38: {  	s10 =	sld [smem:$0x3FAC]  }
0x39: {  	_ = 	snop;
	(pc) =	sbr.ind lr, $3  }
0x3a: {  	_ = 	snop  }
0x3b: {  	_ = 	snop  }
0x3c: {  	p2 =	seq.s32 s10, $0x1;
	s10 =	sld [smem:$0x3FAB]  }
0x3d: {  	_ =	shalt  }
0x3e: {  	_ =	shalt  }
0x3f: {  	_ =	shalt  }
0x40: {  	_ =	shalt  }
0x41: {  	_ =	shalt  }
0x42: {  	_ =	shalt  }
0x43: {  	_ =	shalt  }
0x44: {  	_ =	shalt  }
0x45: {  	_ =	shalt  }
0x46: {  	_ =	shalt  }
0x47: {  	_ =	shalt  }
0x48: {  	_ =	shalt  }
0x49: {  	_ =	shalt  }
0x4a: {  	_ =	shalt  }
0x4b: {  	_ =	shalt  }
0x4c: {  	_ =	shalt  }
0x4d: {  	_ =	shalt  }
0x4e: {  	_ =	shalt  }
0x4f: {  	_ =	shalt  }
0x50: {  	_ =	shalt  }
0x51: {  	_ =	shalt  }
0x52: {  	_ =	shalt  }
0x53: {  	_ =	shalt  }
0x54: {  	_ =	shalt  }
0x55: {  	_ =	shalt  }
0x56: {  	_ =	shalt  }
0x57: {  	_ =	shalt  }
0x58: {  	_ =	shalt  }
0x59: {  	_ =	shalt  }
0x5a: {  	_ =	shalt  }
0x5b: {  	_ =	shalt  }
0x5c: {  	_ =	shalt  }
0x5d: {  	_ =	shalt  }
0x5e: {  	_ =	shalt  }
0x5f: {  	_ =	shalt  }
0x60: {  	_ =	shalt  }
0x61: {  	_ =	shalt  }
0x62: {  	_ =	shalt  }
0x63: {  	_ =	shalt  }
0x64: {  	_ =	shalt  }
0x65: {  	_ =	shalt  }
0x66: {  	_ =	shalt  }
0x67: {  	_ =	shalt  }
0x68: {  	_ =	shalt  }
0x69: {  	_ =	shalt  }
0x6a: {  	_ =	shalt  }
0x6b: {  	_ =	shalt  }
0x6c: {  	_ =	shalt  }
0x6d: {  	_ =	shalt  }
0x6e: {  	_ =	shalt  }
0x6f: {  	_ =	shalt  }
0x70: {  	_ =	shalt  }
0x71: {  	_ =	shalt  }
0x72: {  	_ =	shalt  }
0x73: {  	_ =	shalt  }
0x74: {  	_ =	shalt  }
0x75: {  	_ =	shalt  }
0x76: {  	_ =	shalt  }
0x77: {  	_ =	shalt  }
0x78: {  	_ =	shalt  }
0x79: {  	_ =	shalt  }
0x7a: {  	_ =	shalt  }
0x7b: {  	_ =	shalt  }
0x7c: {  	_ =	shalt  }
0x7d: {  	_ =	shalt  }
0x7e: {  	_ =	shalt  }
0x7f: {  	_ =	shalt  }
0x80: {  	_ =	shalt  }
0x81: {  	_ =	shalt  }
0x82: {  	_ =	shalt  }
0x83: {  	_ =	shalt  }
0x84: {  	_ =	shalt  }
0x85: {  	_ =	shalt  }
0x86: {  	_ =	shalt  }
0x87: {  	_ =	shalt  }
.Lfunc_end0:
.L_simem_size_0:
called_computation_lowered:
.L_overlay_start_0:
0x88: {  	s2 =	sld [smem:$0x3FD9]  }
0x89: {  	s3 =	sld [smem:$0x3FFE];
	_ =	sdelay $0x1  }
0x8a: {  	s1 =	srdreg.scid  }
0x8b: {  	s0 =	sand.u32 $0x1, s1  }
0x8c: {  	s17 =	sshll.u32 s0, $0xA;
	s2 =	sadd.s32 s3, s2  }
0x8d: {  	s2 =	sadd.s32 s2, s17  }
0x8e: {  	[smem:$0x3FB7] =	sst s2  }
0x8f: {  	_ = 	snop  }
0x90: {  	s2 =	sld [smem:$0x3FC9]  }
0x91: {  	s18 =	sld [smem:$0x3FD0];
	(tm) =	ssettm $0x1  }
0x92: {  	s4 =	sld [smem:$0x3FFB];
	_ =	sdelay $0x3  }
0x93: {  	_ =	strace s4  }
0x94: {  	s4 =	sld [smem:$0x3FFC];
	_ =	sdelay $0x3  }
0x95: {  	_ =	strace s4  }
0x96: {  	s4 =	sld [smem:$0x3FFD];
	_ =	sdelay $0x3  }
0x97: {  	_ =	strace s4  }
0x98: {  	_ =	strace $0x8FFFFFFF  }
0x99: {  	s19 =	sld [smem:$0x3FDB];
	_ =	sdelay $0x1  }
0x9a: {  	s5 =	simm.s32 $_scs_section_size  }
0x9b: {  	s6 =	simm.s32 $_size__tile_overlayer_lowered;
	s7 =	simm.s32 $_tile_overlayer_lowered  }
0x9c: {  	s22 =	simm.s32 $0x1BFF;
	s21 =	sshll.u32 s7, $0x1;
	s4 =	sadd.s32 s5, s19  }
0x9d: {  	s8 =	simm.s32 $0x0;
	s20 =	sshll.u32 s6, $0x1;
	s6 =	sadd.s32 s21, s4  }
0x9e: {  	[timem:s8], [sflag:s22] =	dma.local [hbm:s6], s20  }
0x9f: {  	_ =	swait.ge [sflag:s22], s20  }
0xa0: {  	s5 =	ssub.s32 $0x0, s20;
	[sflag:s22] =	ssyncset.done $0x0  }
0xa1: {  	[sflag:s22] =	ssyncadd.s32 s5;
	_ =	sdelay $0x1  }
0xa2: {  	s23 =	simm.s32 $0x1B8B  }
0xa3: {  	_ =	swait.ge [sflag:s23], $0x1  }
0xa4: {  	[sflag:s23] =	ssyncset.done $0x0  }
0xa5: {  	s25 =	simm.s32 $0x1B8E;
	s24 =	sld [smem:$0x3FFE];
	[sflag:s23] =	ssyncadd.s32 $0xFFFFFFFF  }
0xa6: {  	s26 =	simm.s32 $execute0_lowered;
	[smem:$0x3FD2] =	sst s25  }
0xa7: {  	s6 =	sshll.u32 s26, $0x1;
	_ =	strace $0x80000046;
	[dreg:$0x1] =	wrdreg $0xFFFFFFFF  }
0xa8: {  	s28 =	simm.s32 $_size_execute0_lowered;
	s4 =	sadd.s32 s4, s6;
	[dreg:$0x0] =	wrdreg $0x0  }
0xa9: {  	s6 =	sshll.u32 s28, $0x1;
	[dreg:$0x2] =	wrdreg s4  }
0xaa: {  	[dreg:$0x3] =	wrdreg s6  }
0xab: {  	[dreg:$0x4] =	wrdreg $0xC0  }
0xac: {  	_ =	task [dreg:s8], $0x5FFFF  }
0xad: {  	[dreg:$0x1] =	wrdreg $0xFFFFFFFF  }
0xae: {  	[dreg:$0x0] =	wrdreg $0x60  }
0xaf: {  	[dreg:$0x2] =	wrdreg s2  }
0xb0: {  	[dreg:$0x3] =	wrdreg s24  }
0xb1: {  	[dreg:$0x4] =	wrdreg s18  }
0xb2: {  	[dreg:$0x5] =	wrdreg $0x0  }
0xb3: {  	[dreg:$0x6] =	wrdreg $0x140000  }
0xb4: {  	[dreg:$0x7] =	wrdreg $0x9  }
0xb5: {  	_ =	task.clear_ibuf [dreg:s8], $0x8FFFF;
	_ =	strace $0x90000046  }
0xb6: {  	s29 =	simm.s32 $0x9;
	_ =	strace $0x80000048  }
0xb7: {  	_ =	swait.ge [sflag:s29], $0x1  }
0xb8: {  	[sflag:s29] =	ssyncadd.s32 $0xFFFFFFFF  }
0xb9: {  	_ =	strace $0x90000048  }
0xba: {  	_ =	sfence  }
0xbb: {  	s30 =	sld [smem:$0x0];
	_ =	sdelay $0x2  }
0xbc: {  	s31 =	sshll.u32 s1, $0xD;
	s1 =	sshrl.u32 s1, $0x2  }
0xbd: {  	s3 =	sand.u32 $0x4000, s31;
	s1 =	sadd.s32 s1, s30  }
0xbe: {  	s0 =	sor.u32 s3, s0;
	s1 =	sshll.u32 s1, $0x11  }
0xbf: {  	s0 =	sor.u32 s1, s0  }
0xc0: {  	s0 =	sadd.s32 $0x8F2B, s0  }
0xc1: {  	[sflag:s0] =	ssyncadd.remote.s32 $0x1  }
0xc2: {  	_ =	sfence.sel $0xFFFF  }
0xc3: {  	[dreg:$0x0] =	wrdreg $0xFFFFFFFF;
	(pc) =	sbr.abs _section_cstart, $3  }
0xc4: {  	[dreg:$0x1] =	wrdreg $0xFFFFFFFF  }
0xc5: {  	_ =	task.clear_ibuf [dreg:s8], $0x2FFFF;
	_ =	strace $0x9FFFFFFF  }
0xc6: {  	(tm) =	ssettm $0x7FFFFFFF  }
0xc7: {  	_ =	shalt  }
tec
execute0_lowered:
.L_overlay_start_1:
0x0: {  	(tag) =	ssettag $0x1  }
0x1: {  	s1 =	rddreg [dreg:$0x0]  }
0x2: {  	s0 =	rddreg [dreg:$0x1]  }
0x3: {  	s4 =	rddreg [dreg:$0x2];
	s16 =	stileid.u32  }
0x4: {  	s2 =	rddreg [dreg:$0x3];
	s9 =	smul.u32 $0x14000, s16  }
0x5: {  	s3 =	rddreg [dreg:$0x4];
	s20 =	smul.u32 $0x6400, s16  }
0x6: {  	s5 =	srdreg.scid;
	s22 =	simm.s32 $0x0;
	s15 =	smul.u32 $0x50000, s16  }
0x7: {  	s10 =	sand.u32 $0x1, s5;
	[smem:$0x7FF] =	sst s22;
	s17 =	smul.u32 $0x500, s16  }
0x8: {  	s6 =	sadd.s32 $0x2400, s0;
	s23 =	sadd.s32 $0x1B400, s0;
	s8 =	smul.u32 $0x140000, s10  }
0x9: {  	s7 =	smul.u32 $0x64000, s10;
	s12 =	ssub.s32 $0x2, s10;
	s10 =	sshll.u32 s10, $0x7  }
0xa: {  	_ =	strace $0x80000047;
	[smem:$0x7F9] =	sst s23;
	s10 =	sor.u32 s10, s17  }
0xb: {  	s13 =	sshrl.u32 s12, $0x1;
	s11 =	sadd.s32 s9, s8;
	s10 =	sshrl.u32 s10, $0x3  }
0xc: {  	s14 =	sadd.s32 s20, s7;
	s8 =	sshrl.u32 s15, $0x2;
	s4 =	sadd.s32 s4, s10  }
0xd: {  	s18 =	sadd.s32 s8, s2;
	s2 =	simm.s32 $0x15800;
	[dreg:$0x12] =	wrdreg s4  }
0xe: {  	s11 =	sshrl.u32 s11, $0x3;
	s24 =	sshrl.u32 s14, $0x3;
	[dreg:$0x7] =	wrdreg s2  }
0xf: {  	s0 =	sadd.s32 s11, s0;
	s25 =	sadd.s32 s6, s24;
	[dreg:$0xb] =	wrdreg s18  }
0x10: {  	s11 =	ssub.s32 s12, s13;
	s12 =	sadd.s32 s23, s24;
	[dreg:$0x8] =	wrdreg s25  }
0x11: {  	s15 =	sadd.s32 $0x1000, s18;
	[dreg:$0x9] =	wrdreg s12  }
0x12: {  	s19 =	sadd.s32 $0x2000, s18;
	[dreg:$0xd] =	wrdreg s15  }
0x13: {  	s21 =	sadd.s32 $0x3000, s18;
	[dreg:$0xe] =	wrdreg s19  }
0x14: {  	s26 =	sor.u32 $0x20, s24;
	s24 =	sadd.s32 $0x5000, s18;
	[dreg:$0xf] =	wrdreg s21  }
0x15: {  	s5 =	sadd.s32 $0x6000, s18;
	[dreg:$0x11] =	wrdreg s24  }
0x16: {  	s13 =	sadd.s32 $0xA000, s18;
	[dreg:$0x13] =	wrdreg s5  }
0x17: {  	s17 =	sadd.s32 $0xD000, s18;
	[dreg:$0x1a] =	wrdreg s13  }
0x18: {  	s9 =	sadd.s32 s6, s26;
	[dreg:$0x1d] =	wrdreg s17  }
0x19: {  	s14 =	sadd.s32 s23, s26;
	[dreg:$0xa] =	wrdreg s9  }
0x1a: {  	s28 =	simm.s32 $0x5;
	s23 =	sadd.s32 $0x4000, s18;
	[dreg:$0xc] =	wrdreg s14  }
0x1b: {  	s29 =	simm.s32 $0x4;
	s26 =	simm.s32 $0x15700;
	[dreg:$0x10] =	wrdreg s23  }
0x1c: {  	s30 =	simm.s32 $0x1;
	s0 =	sadd.s32 $0x34400, s0;
	[dreg:$0x6] =	wrdreg s26  }
0x1d: {  	s31 =	simm.s32 $0x15500;
	s10 =	smax.u32 s11, $0x1;
	[dreg:$0x16] =	wrdreg s0  }
0x1e: {  	s2 =	simm.s32 $0x0;
	s11 =	sadd.s32 $0x8000, s18;
	[dreg:$0x17] =	wrdreg s10  }
0x1f: {  	s25 =	smul.u32 $0xA00, s16;
	s12 =	sadd.s32 $0x9000, s18;
	[dreg:$0x18] =	wrdreg s11  }
0x20: {  	s15 =	sadd.s32 $0xC000, s18;
	s19 =	sadd.s32 $0xE000, s18;
	[dreg:$0x19] =	wrdreg s12  }
0x21: {  	s21 =	sadd.s32 $0xF000, s18;
	s24 =	sadd.s32 $0x11000, s18;
	[dreg:$0x1c] =	wrdreg s15  }
0x22: {  	s5 =	simm.s32 $0x18F80;
	s13 =	simm.s32 $0xA;
	[dreg:$0x1e] =	wrdreg s19  }
0x23: {  	s17 =	simm.s32 $0xB;
	s9 =	sadd.s32 $0x7000, s18;
	[dreg:$0x1f] =	wrdreg s21  }
0x24: {  	s14 =	sadd.s32 $0xB000, s18;
	s23 =	sadd.s32 $0x10000, s18;
	[smem:$0x7FB] =	sst s24  }
0x25: {  	s26 =	sadd.s32 $0x13000, s18;
	s21 =	simm.s32 $0x15580;
	[dreg:$0x14] =	wrdreg s9  }
0x26: {  	s19 =	simm.s32 $0x64;
	s10 =	simm.s32 $0x1C380;
	[dreg:$0x1b] =	wrdreg s14  }
0x27: {  	s11 =	simm.s32 $0x2;
	s15 =	simm.s32 $0x3;
	[smem:$0x7FA] =	sst s23  }
0x28: {  	s8 =	sshrl.u32 s25, $0x2;
	s25 =	sadd.s32 $0x12000, s18;
	[smem:$0x7FD] =	sst s26  }
0x29: {  	s14 =	simm.s32 $0x7;
	s16 =	sadd.s32 s8, s3;
	[smem:$0x7FC] =	sst s25  }
0x2a: {  	v0 =	vimm.f32 $0.0e+00;
	v1 =	vimm.f32 $1.000000000e+00;
	s23 =	simm.s32 $0x8;
	s8 =	simm.s32 $0x15B80;
	[dreg:$0x15] =	wrdreg s16  }
.LBB2_1:
0x2b: {  	s0 =	sand.u32 $0x3E00, s22  }
0x2c: {  	[smem:$0x7F8] =	sst s2;
	s12 =	sand.u32 $0x70, s22;
	s25 =	sshrl.u32 s0, $0x2  }
0x2d: {  	s0 =	simm.s32 $0x40;
	s25 =	sor.u32 s12, s25;
	s12 =	simm.s32 $0x0  }
.LBB2_2:
0x2e: {  	p0 =	sne.s32 s0, $0x3FC0  }
0x2f: {  	[tilespmem:s25+$0x14280] =	vst v0;
	s12 =	sadd.s32 $0x10, s12;
	s25 =	smov.u32 s0;
	s0 =	sadd.s32 $0x40, s0  }
.Ltmp0:
0x30: {  	(pc) =	sbr.rel @p0 .LBB2_2-.Ltmp0, $4  }
0x31: {  	_ = 	snop  }
0x32: {  	s25 =	sand.u32 $0x3E00, s25  }
0x33: {  	s26 =	sand.u32 $0x70, s12;
	s25 =	sshrl.u32 s25, $0x2  }
0x34: {  	s25 =	sor.u32 s26, s25  }
0x35: {  	[tilespmem:s25+$0x14280] =	vst v0;
	s2 =	simm.s32 $0x0;
	s0 =	rddreg [dreg:$0x8];
	s4 =	simm.s32 $0xC  }
0x36: {  	[tilespmem:s21], [sflag:$0xC] =	stream.linear.gather [hbm4b:s0+s2], $0x100, $0x38;
	[tilespmem:$0x1F780] =	vst v63  }
0x37: {  	_ =	swait.ge [sflag:s4], $0x100  }
0x38: {  	[sflag:s4] =	ssyncset.done $0x0  }
0x39: {  	s12 =	simm.s32 $0x15880;
	s9 =	rddreg [dreg:$0x9];
	[sflag:s4] =	ssyncadd.s32 $0xFFFFFF00  }
0x3a: {  	[tilespmem:s12], [sflag:$0xC] =	stream.linear.gather [hbm4b:s9+s2], $0x100, $0x38;
	[tilespmem:$0x1F780] =	vst v63  }
0x3b: {  	_ =	swait.ge [sflag:s4], $0x100  }
0x3c: {  	[sflag:s4] =	ssyncset.done $0x0  }
0x3d: {  	[sflag:s4] =	ssyncadd.s32 $0xFFFFFF00  }
0x3e: {  	[tilespmem:s8], [sflag:$0x1] =	stream.indirect.gather [hbm4b:s1+s19], $0x80, s21, s19, $0xb8;
	[tilespmem:$0x1F780] =	vst v63  }
0x3f: {  	s12 =	simm.s32 $0x15600  }
0x40: {  	[tilespmem:s5], [sflag:$0x2] =	stream.indirect.gather [hbm4b:s1+s19], $0x80, s12, s19, $0xb8;
	[tilespmem:$0x1F780] =	vst v63  }
0x41: {  	s25 =	simm.s32 $0x15680;
	s24 =	rddreg [dreg:$0xa]  }
0x42: {  	[tilespmem:s25], [sflag:$0xC] =	stream.linear.gather [hbm4b:s24+s2], $0x100, $0x38;
	[tilespmem:$0x1F780] =	vst v63  }
0x43: {  	_ =	swait.ge [sflag:s4], $0x100  }
0x44: {  	[sflag:s4] =	ssyncset.done $0x0  }
0x45: {  	s24 =	simm.s32 $0x15980;
	s26 =	rddreg [dreg:$0xc];
	[sflag:s4] =	ssyncadd.s32 $0xFFFFFF00  }
0x46: {  	[tilespmem:s24], [sflag:$0xC] =	stream.linear.gather [hbm4b:s26+s2], $0x100, $0x38;
	[tilespmem:$0x1F780] =	vst v63  }
0x47: {  	_ =	swait.ge [sflag:s4], $0x100  }
0x48: {  	[sflag:s4] =	ssyncset.done $0x0  }
0x49: {  	s2 =	rddreg [dreg:$0xd];
	[sflag:s4] =	ssyncadd.s32 $0xFFFFFF00;
	s4 =	simm.s32 $0x14280  }
0x4a: {  	[spmem:s18] =	stream.linear.scatter [tilespmem:s4], [sflag:$0x4], $0x1000, $0x38;
	[tilespmem:$0x1F780] =	vst v63  }
0x4b: {  	s5 =	rddreg [dreg:$0xe]  }
0x4c: {  	[spmem:s2] =	stream.linear.scatter [tilespmem:s4], [sflag:$0x4], $0x1000, $0x38;
	[tilespmem:$0x1F780] =	vst v63  }
0x4d: {  	s9 =	rddreg [dreg:$0xf]  }
0x4e: {  	[spmem:s5] =	stream.linear.scatter [tilespmem:s4], [sflag:$0x4], $0x1000, $0x38;
	[tilespmem:$0x1F780] =	vst v63  }
0x4f: {  	s12 =	rddreg [dreg:$0x10]  }
0x50: {  	[spmem:s9] =	stream.linear.scatter [tilespmem:s4], [sflag:$0x4], $0x1000, $0x38;
	[tilespmem:$0x1F780] =	vst v63  }
0x51: {  	s25 =	rddreg [dreg:$0x11]  }
0x52: {  	[spmem:s12] =	stream.linear.scatter [tilespmem:s4], [sflag:$0x4], $0x1000, $0x38;
	[tilespmem:$0x1F780] =	vst v63  }
0x53: {  	s26 =	rddreg [dreg:$0x13]  }
0x54: {  	[spmem:s25] =	stream.linear.scatter [tilespmem:s4], [sflag:$0x4], $0x1000, $0x38;
	[tilespmem:$0x1F780] =	vst v63  }
0x55: {  	s2 =	rddreg [dreg:$0x14]  }
0x56: {  	[spmem:s26] =	stream.linear.scatter [tilespmem:s4], [sflag:$0x4], $0x1000, $0x38;
	[tilespmem:$0x1F780] =	vst v63  }
0x57: {  	s5 =	rddreg [dreg:$0x18]  }
0x58: {  	[spmem:s2] =	stream.linear.scatter [tilespmem:s4], [sflag:$0x4], $0x1000, $0x38;
	[tilespmem:$0x1F780] =	vst v63  }
0x59: {  	s9 =	rddreg [dreg:$0x19]  }
0x5a: {  	[spmem:s5] =	stream.linear.scatter [tilespmem:s4], [sflag:$0x4], $0x1000, $0x38;
	[tilespmem:$0x1F780] =	vst v63  }
0x5b: {  	s12 =	rddreg [dreg:$0x1a]  }
0x5c: {  	[spmem:s9] =	stream.linear.scatter [tilespmem:s4], [sflag:$0x4], $0x1000, $0x38;
	[tilespmem:$0x1F780] =	vst v63  }
0x5d: {  	s25 =	rddreg [dreg:$0x1b]  }
0x5e: {  	[spmem:s12] =	stream.linear.scatter [tilespmem:s4], [sflag:$0x4], $0x1000, $0x38;
	[tilespmem:$0x1F780] =	vst v63  }
0x5f: {  	s26 =	rddreg [dreg:$0x1c]  }
0x60: {  	[spmem:s25] =	stream.linear.scatter [tilespmem:s4], [sflag:$0x4], $0x1000, $0x38;
	[tilespmem:$0x1F780] =	vst v63  }
0x61: {  	s2 =	rddreg [dreg:$0x1d]  }
0x62: {  	[spmem:s26] =	stream.linear.scatter [tilespmem:s4], [sflag:$0x4], $0x1000, $0x38;
	[tilespmem:$0x1F780] =	vst v63  }
0x63: {  	s5 =	rddreg [dreg:$0x1e]  }
0x64: {  	[spmem:s2] =	stream.linear.scatter [tilespmem:s4], [sflag:$0x4], $0x1000, $0x38;
	[tilespmem:$0x1F780] =	vst v63  }
0x65: {  	s9 =	rddreg [dreg:$0x1f]  }
0x66: {  	[spmem:s5] =	stream.linear.scatter [tilespmem:s4], [sflag:$0x4], $0x1000, $0x38;
	[tilespmem:$0x1F780] =	vst v63  }
0x67: {  	s12 =	sld [smem:$0x7FA]  }
0x68: {  	[spmem:s9] =	stream.linear.scatter [tilespmem:s4], [sflag:$0x4], $0x1000, $0x38;
	[tilespmem:$0x1F780] =	vst v63  }
0x69: {  	s25 =	sld [smem:$0x7FB]  }
0x6a: {  	[spmem:s12] =	stream.linear.scatter [tilespmem:s4], [sflag:$0x4], $0x1000, $0x38;
	[tilespmem:$0x1F780] =	vst v63  }
0x6b: {  	s26 =	sld [smem:$0x7FC]  }
0x6c: {  	[spmem:s25] =	stream.linear.scatter [tilespmem:s4], [sflag:$0x4], $0x1000, $0x38;
	[tilespmem:$0x1F780] =	vst v63  }
0x6d: {  	s2 =	sld [smem:$0x7FD]  }
0x6e: {  	[spmem:s26] =	stream.linear.scatter [tilespmem:s4], [sflag:$0x4], $0x1000, $0x38;
	[tilespmem:$0x1F780] =	vst v63  }
0x6f: {  	_ = 	snop  }
0x70: {  	[spmem:s2] =	stream.linear.scatter [tilespmem:s4], [sflag:$0x4], $0x1000, $0x38;
	[tilespmem:$0x1F780] =	vst v63  }
0x71: {  	[tilespmem:$0x15280] =	vst v0  }
0x72: {  	[tilespmem:$0x15290] =	vst v0  }
0x73: {  	[tilespmem:$0x152A0] =	vst v0  }
0x74: {  	[tilespmem:$0x152B0] =	vst v0  }
0x75: {  	[tilespmem:$0x152C0] =	vst v0  }
0x76: {  	[tilespmem:$0x152D0] =	vst v0  }
0x77: {  	[tilespmem:$0x152E0] =	vst v0  }
0x78: {  	[tilespmem:$0x152F0] =	vst v0  }
0x79: {  	[tilespmem:$0x15300] =	vst v0  }
0x7a: {  	[tilespmem:$0x15310] =	vst v0  }
0x7b: {  	[tilespmem:$0x15320] =	vst v0  }
0x7c: {  	[tilespmem:$0x15330] =	vst v0  }
0x7d: {  	[tilespmem:$0x15340] =	vst v0  }
0x7e: {  	[tilespmem:$0x15350] =	vst v0  }
0x7f: {  	[tilespmem:$0x15360] =	vst v0  }
0x80: {  	[tilespmem:$0x15370] =	vst v0  }
0x81: {  	[tilespmem:$0x15380] =	vst v0  }
0x82: {  	[tilespmem:$0x15390] =	vst v0  }
0x83: {  	[tilespmem:$0x153A0] =	vst v0  }
0x84: {  	[tilespmem:$0x153B0] =	vst v0  }
0x85: {  	[tilespmem:$0x153C0] =	vst v0  }
0x86: {  	[tilespmem:$0x153D0] =	vst v0  }
0x87: {  	[tilespmem:$0x153E0] =	vst v0  }
0x88: {  	[tilespmem:$0x153F0] =	vst v0  }
0x89: {  	[tilespmem:$0x15400] =	vst v0  }
0x8a: {  	[tilespmem:$0x15410] =	vst v0  }
0x8b: {  	[tilespmem:$0x15420] =	vst v0  }
0x8c: {  	[tilespmem:$0x15430] =	vst v0  }
0x8d: {  	[tilespmem:$0x15440] =	vst v0  }
0x8e: {  	[tilespmem:$0x15450] =	vst v0  }
0x8f: {  	[tilespmem:$0x15460] =	vst v0  }
0x90: {  	[tilespmem:$0x15470] =	vst v0  }
0x91: {  	[tilespmem:$0x15480] =	vst v0  }
0x92: {  	[tilespmem:$0x15490] =	vst v0  }
0x93: {  	[tilespmem:$0x154A0] =	vst v0  }
0x94: {  	[tilespmem:$0x154B0] =	vst v0  }
0x95: {  	[tilespmem:$0x154C0] =	vst v0  }
0x96: {  	[tilespmem:$0x154D0] =	vst v0  }
0x97: {  	[tilespmem:$0x154E0] =	vst v0  }
0x98: {  	s5 =	simm.s32 $0x15280;
	[tilespmem:$0x154F0] =	vst v0  }
0x99: {  	[spmem:s16] =	stream.linear.scatter [tilespmem:s5], [sflag:$0x5], $0x280, $0x38;
	[tilespmem:$0x1F780] =	vst v63  }
0x9a: {  	[tilespmem:$0x15500] =	vst v1  }
0x9b: {  	[tilespmem:$0x15510] =	vst v1  }
0x9c: {  	[tilespmem:$0x15520] =	vst v1  }
0x9d: {  	[tilespmem:$0x15530] =	vst v1  }
0x9e: {  	[tilespmem:$0x15540] =	vst v1  }
0x9f: {  	[tilespmem:$0x15550] =	vst v1  }
0xa0: {  	[tilespmem:$0x15560] =	vst v1  }
0xa1: {  	[tilespmem:$0x15570] =	vst v1  }
0xa2: {  	_ =	swait.ge [sflag:s28], $0x280  }
0xa3: {  	[sflag:s28] =	ssyncset.done $0x0  }
0xa4: {  	[sflag:s28] =	ssyncadd.s32 $0xFFFFFD80  }
0xa5: {  	_ =	swait.ge [sflag:s29], $0x1000  }
0xa6: {  	[sflag:s29] =	ssyncset.done $0x0  }
0xa7: {  	[sflag:s29] =	ssyncadd.s32 $0xFFFFF000  }
0xa8: {  	_ =	swait.ge [sflag:s29], $0x1000  }
0xa9: {  	[sflag:s29] =	ssyncset.done $0x0  }
0xaa: {  	[sflag:s29] =	ssyncadd.s32 $0xFFFFF000  }
0xab: {  	_ =	swait.ge [sflag:s29], $0x1000  }
0xac: {  	[sflag:s29] =	ssyncset.done $0x0  }
0xad: {  	[sflag:s29] =	ssyncadd.s32 $0xFFFFF000  }
0xae: {  	_ =	swait.ge [sflag:s29], $0x1000  }
0xaf: {  	[sflag:s29] =	ssyncset.done $0x0  }
0xb0: {  	[sflag:s29] =	ssyncadd.s32 $0xFFFFF000  }
0xb1: {  	_ =	swait.ge [sflag:s29], $0x1000  }
0xb2: {  	[sflag:s29] =	ssyncset.done $0x0  }
0xb3: {  	[sflag:s29] =	ssyncadd.s32 $0xFFFFF000  }
0xb4: {  	_ =	swait.ge [sflag:s29], $0x1000  }
0xb5: {  	[sflag:s29] =	ssyncset.done $0x0  }
0xb6: {  	[sflag:s29] =	ssyncadd.s32 $0xFFFFF000  }
0xb7: {  	_ =	swait.ge [sflag:s29], $0x1000  }
0xb8: {  	[sflag:s29] =	ssyncset.done $0x0  }
0xb9: {  	[sflag:s29] =	ssyncadd.s32 $0xFFFFF000  }
0xba: {  	_ =	swait.ge [sflag:s29], $0x1000  }
0xbb: {  	[sflag:s29] =	ssyncset.done $0x0  }
0xbc: {  	[sflag:s29] =	ssyncadd.s32 $0xFFFFF000  }
0xbd: {  	_ =	swait.ge [sflag:s29], $0x1000  }
0xbe: {  	[sflag:s29] =	ssyncset.done $0x0  }
0xbf: {  	[sflag:s29] =	ssyncadd.s32 $0xFFFFF000  }
0xc0: {  	_ =	swait.ge [sflag:s29], $0x1000  }
0xc1: {  	[sflag:s29] =	ssyncset.done $0x0  }
0xc2: {  	[sflag:s29] =	ssyncadd.s32 $0xFFFFF000  }
0xc3: {  	_ =	swait.ge [sflag:s29], $0x1000  }
0xc4: {  	[sflag:s29] =	ssyncset.done $0x0  }
0xc5: {  	[sflag:s29] =	ssyncadd.s32 $0xFFFFF000  }
0xc6: {  	_ =	swait.ge [sflag:s29], $0x1000  }
0xc7: {  	[sflag:s29] =	ssyncset.done $0x0  }
0xc8: {  	[sflag:s29] =	ssyncadd.s32 $0xFFFFF000  }
0xc9: {  	_ =	swait.ge [sflag:s29], $0x1000  }
0xca: {  	[sflag:s29] =	ssyncset.done $0x0  }
0xcb: {  	[sflag:s29] =	ssyncadd.s32 $0xFFFFF000  }
0xcc: {  	_ =	swait.ge [sflag:s29], $0x1000  }
0xcd: {  	[sflag:s29] =	ssyncset.done $0x0  }
0xce: {  	[sflag:s29] =	ssyncadd.s32 $0xFFFFF000  }
0xcf: {  	_ =	swait.ge [sflag:s29], $0x1000  }
0xd0: {  	[sflag:s29] =	ssyncset.done $0x0  }
0xd1: {  	[sflag:s29] =	ssyncadd.s32 $0xFFFFF000  }
0xd2: {  	_ =	swait.ge [sflag:s29], $0x1000  }
0xd3: {  	[sflag:s29] =	ssyncset.done $0x0  }
0xd4: {  	[sflag:s29] =	ssyncadd.s32 $0xFFFFF000  }
0xd5: {  	_ =	swait.ge [sflag:s29], $0x1000  }
0xd6: {  	[sflag:s29] =	ssyncset.done $0x0  }
0xd7: {  	[sflag:s29] =	ssyncadd.s32 $0xFFFFF000  }
0xd8: {  	_ =	swait.ge [sflag:s29], $0x1000  }
0xd9: {  	[sflag:s29] =	ssyncset.done $0x0  }
0xda: {  	[sflag:s29] =	ssyncadd.s32 $0xFFFFF000  }
0xdb: {  	_ =	swait.ge [sflag:s29], $0x1000  }
0xdc: {  	[sflag:s29] =	ssyncset.done $0x0  }
0xdd: {  	[sflag:s29] =	ssyncadd.s32 $0xFFFFF000  }
0xde: {  	_ =	swait.ge [sflag:s29], $0x1000  }
0xdf: {  	[sflag:s29] =	ssyncset.done $0x0  }
0xe0: {  	[sflag:s29] =	ssyncadd.s32 $0xFFFFF000  }
0xe1: {  	[bflag:$0x0] =	sbarrier.arrive $0xFFFF  }
0xe2: {  	_ =	swait.ge [sflag:s30], $0x3200  }
0xe3: {  	[sflag:s30] =	ssyncset.done $0x0  }
0xe4: {  	[sflag:s30] =	ssyncadd.s32 $0xFFFFCE00  }
0xe5: {  	p0 =	por $0x1, $0x1;
	s18 =	simm.s32 $0x15880;
	s4 =	rddreg [dreg:$0x3]  }
0xe6: {  	[spmem:s4] =	stream.indirect.scatter.add.f32 [tilespmem:s8], [sflag:$0x4], $0x80, s18, s19, $0xb8;
	[tilespmem:$0x1F780] =	vst v63  }
0xe7: {  	s0 =	simm.s32 @!p0 $0x6  }
0xe8: {  	[spmem:s3] =	stream.indirect.scatter.add.f32 [tilespmem:s31], [sflag:$0x7], $0x1, s18, s19, $0xb8;
	[tilespmem:$0x1F780] =	vst v63  }
0xe9: {  	_ =	swait.ge @!p0 [sflag:s0], $0x3200  }
0xea: {  	[sflag:s0] =	ssyncset.done @!p0 $0x0  }
0xeb: {  	s12 =	simm.s32 @!p0 $0x9;
	[sflag:s0] =	ssyncadd.s32 @!p0 $0xFFFFCE00  }
0xec: {  	_ =	swait.ge @!p0 [sflag:s12], $0x64  }
0xed: {  	[sflag:s12] =	ssyncset.done @!p0 $0x0  }
0xee: {  	s0 =	simm.s32 @!p0 $0xA;
	[sflag:s12] =	ssyncadd.s32 @!p0 $0xFFFFFF9C  }
0xef: {  	s12 =	sadd.s32 $0x0, s20;
	_ =	swait.ge @!p0 [sflag:s0], $0x100  }
0xf0: {  	s26 =	simm.s32 $0x200;
	s9 =	sadd.s32 $0x200, s12;
	[sflag:s0] =	ssyncset.done @!p0 $0x0  }
0xf1: {  	s25 =	sand.u32 $0xFFC00, s9;
	[sflag:s0] =	ssyncadd.s32 @!p0 $0xFFFFFF00;
	s0 =	simm.s32 @!p0 $0xB  }
0xf2: {  	s26 =	sand.u32 $0x300, s26;
	s25 =	sadd.s32 s7, s25;
	_ =	swait.ge @!p0 [sflag:s0], $0x100  }
0xf3: {  	s9 =	smov.u32 s6;
	s25 =	sor.u32 s26, s25;
	[sflag:s0] =	ssyncset.done @!p0 $0x0  }
0xf4: {  	s25 =	sshrl.u32 s25, $0x3;
	s2 =	sld [smem:$0x7F9];
	[sflag:s0] =	ssyncadd.s32 @!p0 $0xFFFFFF00  }
0xf5: {  	s16 =	sadd.s32 s6, s25;
	s6 =	smov.u32 s3;
	s3 =	simm.s32 $0x15780  }
0xf6: {  	[tilespmem:s3], [sflag:$0xA] =	stream.linear.gather [hbm4b:s16+s22], $0x100, $0x38;
	[tilespmem:$0x1F780] =	vst v63  }
0xf7: {  	s16 =	simm.s32 $0x15A80;
	s26 =	sadd.s32 s2, s25  }
0xf8: {  	[tilespmem:s16], [sflag:$0xB] =	stream.linear.gather [hbm4b:s26+s22], $0x100, $0x38;
	[tilespmem:$0x1F780] =	vst v63  }
0xf9: {  	s25 =	simm.s32 $0x15680  }
0xfa: {  	[tilespmem:s10], [sflag:$0x3] =	stream.indirect.gather [hbm4b:s1+s19], $0x80, s25, s19, $0xb8;
	[tilespmem:$0x1F780] =	vst v63  }
0xfb: {  	_ =	swait.ge [sflag:s11], $0x3200  }
0xfc: {  	[sflag:s11] =	ssyncset.done $0x0  }
0xfd: {  	s5 =	simm.s32 $0x18F80;
	s26 =	simm.s32 $0x15900;
	[sflag:s11] =	ssyncadd.s32 $0xFFFFCE00  }
0xfe: {  	[spmem:s4] =	stream.indirect.scatter.add.f32 [tilespmem:s5], [sflag:$0x5], $0x80, s26, s19, $0xb8;
	[tilespmem:$0x1F780] =	vst v63  }
0xff: {  	_ = 	snop  }
0x100: {  	[spmem:s6] =	stream.indirect.scatter.add.f32 [tilespmem:s31], [sflag:$0x8], $0x1, s26, s19, $0xb8;
	[tilespmem:$0x1F780] =	vst v63  }
0x101: {  	_ =	swait.ge [sflag:s29], $0x3200  }
0x102: {  	[sflag:s29] =	ssyncset.done $0x0  }
0x103: {  	[sflag:s29] =	ssyncadd.s32 $0xFFFFCE00  }
0x104: {  	_ =	swait.ge [sflag:s14], $0x64  }
0x105: {  	[sflag:s14] =	ssyncset.done $0x0  }
0x106: {  	s25 =	rddreg [dreg:$0x6];
	[sflag:s14] =	ssyncadd.s32 $0xFFFFFF9C  }
0x107: {  	[tilespmem:s8], [sflag:$0x1] =	stream.indirect.gather [hbm4b:s1+s19], $0x80, s25, s19, $0xb8;
	[tilespmem:$0x1F780] =	vst v63  }
0x108: {  	_ =	swait.ge [sflag:s15], $0x3200  }
0x109: {  	[sflag:s15] =	ssyncset.done $0x0  }
0x10a: {  	[sflag:s15] =	ssyncadd.s32 $0xFFFFCE00  }
0x10b: {  	[spmem:s4] =	stream.indirect.scatter.add.f32 [tilespmem:s10], [sflag:$0x6], $0x80, s24, s19, $0xb8;
	[tilespmem:$0x1F780] =	vst v63  }
0x10c: {  	_ = 	snop  }
0x10d: {  	[spmem:s6] =	stream.indirect.scatter.add.f32 [tilespmem:s31], [sflag:$0x9], $0x1, s24, s19, $0xb8;
	[tilespmem:$0x1F780] =	vst v63  }
0x10e: {  	_ =	swait.ge [sflag:s28], $0x3200  }
0x10f: {  	[sflag:s28] =	ssyncset.done $0x0  }
0x110: {  	[sflag:s28] =	ssyncadd.s32 $0xFFFFCE00  }
0x111: {  	_ =	swait.ge [sflag:s23], $0x64  }
0x112: {  	[sflag:s23] =	ssyncset.done $0x0  }
0x113: {  	[sflag:s23] =	ssyncadd.s32 $0xFFFFFF9C  }
0x114: {  	s26 =	sadd.s32 $0x300, s12;
	_ =	swait.ge [sflag:s13], $0x100  }
0x115: {  	s0 =	sand.u32 $0xFFC00, s26;
	s25 =	simm.s32 $0x300;
	[sflag:s13] =	ssyncset.done $0x0  }
0x116: {  	s0 =	sadd.s32 s7, s0;
	s8 =	sand.u32 $0x300, s25;
	[sflag:s13] =	ssyncadd.s32 $0xFFFFFF00  }
0x117: {  	s0 =	sor.u32 s8, s0;
	_ =	swait.ge [sflag:s17], $0x100  }
0x118: {  	s0 =	sshrl.u32 s0, $0x3;
	[sflag:s17] =	ssyncset.done $0x0  }
0x119: {  	s10 =	sadd.s32 s9, s0;
	[sflag:s17] =	ssyncadd.s32 $0xFFFFFF00  }
0x11a: {  	[tilespmem:s21], [sflag:$0xA] =	stream.linear.gather [hbm4b:s10+s22], $0x100, $0x38;
	[tilespmem:$0x1F780] =	vst v63  }
0x11b: {  	s0 =	sadd.s32 s2, s0  }
0x11c: {  	[tilespmem:s18], [sflag:$0xB] =	stream.linear.gather [hbm4b:s0+s22], $0x100, $0x38;
	[tilespmem:$0x1F780] =	vst v63  }
0x11d: {  	_ = 	snop  }
0x11e: {  	[tilespmem:s5], [sflag:$0x2] =	stream.indirect.gather [hbm4b:s1+s19], $0x80, s3, s19, $0xb8;
	[tilespmem:$0x1F780] =	vst v63  }
0x11f: {  	_ =	swait.ge [sflag:s30], $0x3200  }
0x120: {  	[sflag:s30] =	ssyncset.done $0x0  }
0x121: {  	s24 =	simm.s32 $0x15A00;
	s22 =	simm.s32 $0x15B80;
	[sflag:s30] =	ssyncadd.s32 $0xFFFFCE00  }
0x122: {  	[spmem:s4] =	stream.indirect.scatter.add.f32 [tilespmem:s22], [sflag:$0x4], $0x80, s24, s19, $0xb8;
	[tilespmem:$0x1F780] =	vst v63  }
0x123: {  	s26 =	simm.s32 $0x6  }
0x124: {  	[spmem:s6] =	stream.indirect.scatter.add.f32 [tilespmem:s31], [sflag:$0x7], $0x1, s24, s19, $0xb8;
	[tilespmem:$0x1F780] =	vst v63  }
0x125: {  	_ =	swait.ge [sflag:s26], $0x3200  }
0x126: {  	[sflag:s26] =	ssyncset.done $0x0  }
0x127: {  	s0 =	simm.s32 $0x9;
	[sflag:s26] =	ssyncadd.s32 $0xFFFFCE00  }
0x128: {  	_ =	swait.ge [sflag:s0], $0x64  }
0x129: {  	[sflag:s0] =	ssyncset.done $0x0  }
0x12a: {  	s24 =	simm.s32 $0x1C380;
	s12 =	rddreg [dreg:$0x7];
	[sflag:s0] =	ssyncadd.s32 $0xFFFFFF9C  }
0x12b: {  	[tilespmem:s24], [sflag:$0x3] =	stream.indirect.gather [hbm4b:s1+s19], $0x80, s12, s19, $0xb8;
	[tilespmem:$0x1F780] =	vst v63  }
0x12c: {  	_ =	swait.ge [sflag:s11], $0x3200  }
0x12d: {  	[sflag:s11] =	ssyncset.done $0x0  }
0x12e: {  	[sflag:s11] =	ssyncadd.s32 $0xFFFFCE00  }
0x12f: {  	[spmem:s4] =	stream.indirect.scatter.add.f32 [tilespmem:s5], [sflag:$0x5], $0x80, s16, s19, $0xb8;
	[tilespmem:$0x1F780] =	vst v63  }
0x130: {  	_ = 	snop  }
0x131: {  	[spmem:s6] =	stream.indirect.scatter.add.f32 [tilespmem:s31], [sflag:$0x8], $0x1, s16, s19, $0xb8;
	[tilespmem:$0x1F780] =	vst v63  }
0x132: {  	_ =	swait.ge [sflag:s29], $0x3200  }
0x133: {  	[sflag:s29] =	ssyncset.done $0x0  }
0x134: {  	[sflag:s29] =	ssyncadd.s32 $0xFFFFCE00  }
0x135: {  	_ =	swait.ge [sflag:s14], $0x64  }
0x136: {  	p0 =	por $0x0, $0x0;
	[sflag:s14] =	ssyncset.done $0x0  }
0x137: {  	s0 =	sadd.s32 @!p0 $0x0, s20;
	[sflag:s14] =	ssyncadd.s32 $0xFFFFFF9C  }
0x138: {  	s0 =	sadd.s32 @!p0 $0x400, s0;
	_ =	swait.ge [sflag:s13], $0x100  }
0x139: {  	s10 =	simm.s32 $0x0;
	s0 =	sand.u32 @!p0 $0xFFC00, s0;
	[sflag:s13] =	ssyncset.done $0x0  }
0x13a: {  	s12 =	sand.u32 @!p0 $0x300, s10;
	s0 =	sadd.s32 @!p0 s7, s0;
	[sflag:s13] =	ssyncadd.s32 $0xFFFFFF00  }
0x13b: {  	s0 =	sor.u32 @!p0 s12, s0;
	_ =	swait.ge [sflag:s17], $0x100  }
0x13c: {  	s26 =	simm.s32 @!p0 $0x0;
	s0 =	sshrl.u32 @!p0 s0, $0x3;
	[sflag:s17] =	ssyncset.done $0x0  }
0x13d: {  	s10 =	simm.s32 @!p0 $0x15680;
	s12 =	sadd.s32 @!p0 s9, s0;
	[sflag:s17] =	ssyncadd.s32 $0xFFFFFF00  }
0x13e: {  	[tilespmem:s10], [sflag:$0xA] =	stream.linear.gather @!p0 [hbm4b:s12+s26], $0x100, $0x38;
	[tilespmem:$0x1F780] =	vst v63  }
0x13f: {  	s0 =	sadd.s32 @!p0 s2, s0;
	s12 =	simm.s32 @!p0 $0x15980  }
0x140: {  	[tilespmem:s12], [sflag:$0xB] =	stream.linear.gather @!p0 [hbm4b:s0+s26], $0x100, $0x38;
	[tilespmem:$0x1F780] =	vst v63  }
0x141: {  	_ = 	snop  }
0x142: {  	[tilespmem:s22], [sflag:$0x1] =	stream.indirect.gather [hbm4b:s1+s19], $0x80, s21, s19, $0xb8;
	[tilespmem:$0x1F780] =	vst v63  }
0x143: {  	_ =	swait.ge [sflag:s15], $0x3200  }
0x144: {  	[sflag:s15] =	ssyncset.done $0x0  }
0x145: {  	s26 =	simm.s32 $0x15B00;
	[sflag:s15] =	ssyncadd.s32 $0xFFFFCE00  }
0x146: {  	[spmem:s4] =	stream.indirect.scatter.add.f32 [tilespmem:s24], [sflag:$0x6], $0x80, s26, s19, $0xb8;
	[tilespmem:$0x1F780] =	vst v63  }
0x147: {  	_ = 	snop  }
0x148: {  	[spmem:s6] =	stream.indirect.scatter.add.f32 [tilespmem:s31], [sflag:$0x9], $0x1, s26, s19, $0xb8;
	[tilespmem:$0x1F780] =	vst v63  }
0x149: {  	_ =	swait.ge [sflag:s28], $0x3200  }
0x14a: {  	[sflag:s28] =	ssyncset.done $0x0  }
0x14b: {  	[sflag:s28] =	ssyncadd.s32 $0xFFFFCE00  }
0x14c: {  	_ =	swait.ge [sflag:s23], $0x64  }
0x14d: {  	s8 =	simm.s32 $0x0;
	s3 =	smov.u32 s6;
	[sflag:s23] =	ssyncset.done $0x0  }
.LBB2_4:
0x14e: {  	[sflag:s23] =	ssyncadd.s32 $0xFFFFFF9C;
	s12 =	simm.s32 $0x15600  }
0x14f: {  	[tilespmem:s5], [sflag:$0x2] =	stream.indirect.gather [hbm4b:s1+s19], $0x80, s12, s19, $0xb8;
	[tilespmem:$0x1F780] =	vst v63  }
0x150: {  	_ =	swait.ge [sflag:s30], $0x3200  }
0x151: {  	s0 =	smov.u32 s25;
	[sflag:s30] =	ssyncset.done $0x0  }
0x152: {  	p1 =	seq.s32 s0, $0x0;
	[sflag:s30] =	ssyncadd.s32 $0xFFFFCE00  }
0x153: {  	[spmem:s4] =	stream.indirect.scatter.add.f32 [tilespmem:s22], [sflag:$0x4], $0x80, s18, s19, $0xb8;
	[tilespmem:$0x1F780] =	vst v63  }
0x154: {  	s12 =	simm.s32 @!p1 $0x6  }
0x155: {  	[spmem:s3] =	stream.indirect.scatter.add.f32 [tilespmem:s31], [sflag:$0x7], $0x1, s18, s19, $0xb8;
	[tilespmem:$0x1F780] =	vst v63  }
0x156: {  	_ =	swait.ge @!p1 [sflag:s12], $0x3200  }
0x157: {  	[sflag:s12] =	ssyncset.done @!p1 $0x0  }
0x158: {  	s26 =	simm.s32 @!p1 $0x9;
	[sflag:s12] =	ssyncadd.s32 @!p1 $0xFFFFCE00  }
0x159: {  	_ =	swait.ge @!p1 [sflag:s26], $0x64  }
0x15a: {  	s25 =	sadd.s32 $0x300, s25;
	s10 =	sadd.s32 $0x200, s0;
	[sflag:s26] =	ssyncset.done @!p1 $0x0  }
0x15b: {  	s16 =	simm.s32 @!p1 $0xA;
	s3 =	sadd.s32 s0, s20;
	[sflag:s26] =	ssyncadd.s32 @!p1 $0xFFFFFF9C  }
0x15c: {  	s21 =	simm.s32 @!p1 $0xB;
	s4 =	sadd.s32 $0x200, s3;
	_ =	swait.ge @!p1 [sflag:s16], $0x100  }
0x15d: {  	s18 =	sadd.s32 $0x300, s3;
	s26 =	sand.u32 $0xFFC00, s4;
	[sflag:s16] =	ssyncset.done @!p1 $0x0  }
0x15e: {  	s4 =	sand.u32 $0x300, s10;
	s26 =	sadd.s32 s7, s26;
	[sflag:s16] =	ssyncadd.s32 @!p1 $0xFFFFFF00  }
0x15f: {  	s3 =	sand.u32 $0xFFC00, s18;
	s4 =	sor.u32 s4, s26;
	_ =	swait.ge @!p1 [sflag:s21], $0x100  }
0x160: {  	s16 =	sadd.s32 s7, s3;
	s4 =	sshrl.u32 s4, $0x3;
	[sflag:s21] =	ssyncset.done @!p1 $0x0  }
0x161: {  	s3 =	simm.s32 $0x15780;
	s10 =	sadd.s32 s9, s4;
	[sflag:s21] =	ssyncadd.s32 @!p1 $0xFFFFFF00  }
0x162: {  	[tilespmem:s3], [sflag:$0xA] =	stream.linear.gather [hbm4b:s10+s8], $0x100, $0x38;
	[tilespmem:$0x1F780] =	vst v63  }
0x163: {  	s12 =	sand.u32 $0x300, s25;
	s4 =	sadd.s32 s2, s4;
	s10 =	simm.s32 $0x15A80  }
0x164: {  	[tilespmem:s10], [sflag:$0xB] =	stream.linear.gather [hbm4b:s4+s8], $0x100, $0x38;
	[tilespmem:$0x1F780] =	vst v63  }
0x165: {  	s12 =	sor.u32 s12, s16;
	s16 =	simm.s32 $0x15680  }
0x166: {  	[tilespmem:s24], [sflag:$0x3] =	stream.indirect.gather [hbm4b:s1+s19], $0x80, s16, s19, $0xb8;
	[tilespmem:$0x1F780] =	vst v63  }
0x167: {  	_ =	swait.ge [sflag:s11], $0x3200  }
0x168: {  	[sflag:s11] =	ssyncset.done $0x0  }
0x169: {  	[sflag:s11] =	ssyncadd.s32 $0xFFFFCE00  }
0x16a: {  	s16 =	simm.s32 $0x15900;
	s4 =	rddreg [dreg:$0x3]  }
0x16b: {  	[spmem:s4] =	stream.indirect.scatter.add.f32 [tilespmem:s5], [sflag:$0x5], $0x80, s16, s19, $0xb8;
	[tilespmem:$0x1F780] =	vst v63  }
0x16c: {  	_ = 	snop  }
0x16d: {  	[spmem:s6] =	stream.indirect.scatter.add.f32 [tilespmem:s31], [sflag:$0x8], $0x1, s16, s19, $0xb8;
	[tilespmem:$0x1F780] =	vst v63  }
0x16e: {  	_ =	swait.ge [sflag:s29], $0x3200  }
0x16f: {  	[sflag:s29] =	ssyncset.done $0x0  }
0x170: {  	[sflag:s29] =	ssyncadd.s32 $0xFFFFCE00  }
0x171: {  	_ =	swait.ge [sflag:s14], $0x64  }
0x172: {  	[sflag:s14] =	ssyncset.done $0x0  }
0x173: {  	s16 =	rddreg [dreg:$0x6];
	[sflag:s14] =	ssyncadd.s32 $0xFFFFFF9C  }
0x174: {  	[tilespmem:s22], [sflag:$0x1] =	stream.indirect.gather [hbm4b:s1+s19], $0x80, s16, s19, $0xb8;
	[tilespmem:$0x1F780] =	vst v63  }
0x175: {  	_ =	swait.ge [sflag:s15], $0x3200  }
0x176: {  	[sflag:s15] =	ssyncset.done $0x0  }
0x177: {  	[sflag:s15] =	ssyncadd.s32 $0xFFFFCE00  }
0x178: {  	s16 =	simm.s32 $0x15980;
	s4 =	rddreg [dreg:$0x3]  }
0x179: {  	[spmem:s4] =	stream.indirect.scatter.add.f32 [tilespmem:s24], [sflag:$0x6], $0x80, s16, s19, $0xb8;
	[tilespmem:$0x1F780] =	vst v63  }
0x17a: {  	_ = 	snop  }
0x17b: {  	[spmem:s6] =	stream.indirect.scatter.add.f32 [tilespmem:s31], [sflag:$0x9], $0x1, s16, s19, $0xb8;
	[tilespmem:$0x1F780] =	vst v63  }
0x17c: {  	_ =	swait.ge [sflag:s28], $0x3200  }
0x17d: {  	[sflag:s28] =	ssyncset.done $0x0  }
0x17e: {  	[sflag:s28] =	ssyncadd.s32 $0xFFFFCE00  }
0x17f: {  	_ =	swait.ge [sflag:s23], $0x64  }
0x180: {  	[sflag:s23] =	ssyncset.done $0x0  }
0x181: {  	[sflag:s23] =	ssyncadd.s32 $0xFFFFFF9C  }
0x182: {  	_ =	swait.ge [sflag:s13], $0x100  }
0x183: {  	[sflag:s13] =	ssyncset.done $0x0  }
0x184: {  	[sflag:s13] =	ssyncadd.s32 $0xFFFFFF00  }
0x185: {  	_ =	swait.ge [sflag:s17], $0x100  }
0x186: {  	s12 =	sshrl.u32 s12, $0x3;
	[sflag:s17] =	ssyncset.done $0x0  }
0x187: {  	s21 =	simm.s32 $0x15580;
	s16 =	sadd.s32 s9, s12;
	[sflag:s17] =	ssyncadd.s32 $0xFFFFFF00  }
0x188: {  	[tilespmem:s21], [sflag:$0xA] =	stream.linear.gather [hbm4b:s16+s8], $0x100, $0x38;
	[tilespmem:$0x1F780] =	vst v63  }
0x189: {  	s18 =	simm.s32 $0x15880;
	s16 =	sadd.s32 s2, s12  }
0x18a: {  	[tilespmem:s18], [sflag:$0xB] =	stream.linear.gather [hbm4b:s16+s8], $0x100, $0x38;
	[tilespmem:$0x1F780] =	vst v63  }
0x18b: {  	_ = 	snop  }
0x18c: {  	[tilespmem:s5], [sflag:$0x2] =	stream.indirect.gather [hbm4b:s1+s19], $0x80, s3, s19, $0xb8;
	[tilespmem:$0x1F780] =	vst v63  }
0x18d: {  	_ =	swait.ge [sflag:s30], $0x3200  }
0x18e: {  	[sflag:s30] =	ssyncset.done $0x0  }
0x18f: {  	[sflag:s30] =	ssyncadd.s32 $0xFFFFCE00  }
0x190: {  	s16 =	simm.s32 $0x15A00;
	s12 =	rddreg [dreg:$0x3]  }
0x191: {  	[spmem:s12] =	stream.indirect.scatter.add.f32 [tilespmem:s22], [sflag:$0x4], $0x80, s16, s19, $0xb8;
	[tilespmem:$0x1F780] =	vst v63  }
0x192: {  	_ = 	snop  }
0x193: {  	[spmem:s6] =	stream.indirect.scatter.add.f32 [tilespmem:s31], [sflag:$0x7], $0x1, s16, s19, $0xb8;
	[tilespmem:$0x1F780] =	vst v63  }
0x194: {  	s16 =	simm.s32 $0x6  }
0x195: {  	_ =	swait.ge [sflag:s16], $0x3200  }
0x196: {  	[sflag:s16] =	ssyncset.done $0x0  }
0x197: {  	s4 =	simm.s32 $0x9;
	[sflag:s16] =	ssyncadd.s32 $0xFFFFCE00  }
0x198: {  	_ =	swait.ge [sflag:s4], $0x64  }
0x199: {  	[sflag:s4] =	ssyncset.done $0x0  }
0x19a: {  	s16 =	rddreg [dreg:$0x7];
	[sflag:s4] =	ssyncadd.s32 $0xFFFFFF9C  }
0x19b: {  	[tilespmem:s24], [sflag:$0x3] =	stream.indirect.gather [hbm4b:s1+s19], $0x80, s16, s19, $0xb8;
	[tilespmem:$0x1F780] =	vst v63  }
0x19c: {  	_ =	swait.ge [sflag:s11], $0x3200  }
0x19d: {  	[sflag:s11] =	ssyncset.done $0x0  }
0x19e: {  	[sflag:s11] =	ssyncadd.s32 $0xFFFFCE00  }
0x19f: {  	s16 =	rddreg [dreg:$0x3]  }
0x1a0: {  	[spmem:s16] =	stream.indirect.scatter.add.f32 [tilespmem:s5], [sflag:$0x5], $0x80, s10, s19, $0xb8;
	[tilespmem:$0x1F780] =	vst v63  }
0x1a1: {  	_ = 	snop  }
0x1a2: {  	[spmem:s6] =	stream.indirect.scatter.add.f32 [tilespmem:s31], [sflag:$0x8], $0x1, s10, s19, $0xb8;
	[tilespmem:$0x1F780] =	vst v63  }
0x1a3: {  	_ =	swait.ge [sflag:s29], $0x3200  }
0x1a4: {  	[sflag:s29] =	ssyncset.done $0x0  }
0x1a5: {  	[sflag:s29] =	ssyncadd.s32 $0xFFFFCE00  }
0x1a6: {  	_ =	swait.ge [sflag:s14], $0x64  }
0x1a7: {  	p1 =	seq.s32 s0, $0x6000;
	[sflag:s14] =	ssyncset.done $0x0  }
0x1a8: {  	s4 =	sadd.s32 @!p1 s0, s20;
	[sflag:s14] =	ssyncadd.s32 $0xFFFFFF9C  }
0x1a9: {  	s4 =	sadd.s32 @!p1 $0x400, s4;
	_ =	swait.ge [sflag:s13], $0x100  }
0x1aa: {  	s4 =	sand.u32 @!p1 $0xFFC00, s4;
	[sflag:s13] =	ssyncset.done $0x0  }
0x1ab: {  	s0 =	sand.u32 @!p1 $0x300, s0;
	s4 =	sadd.s32 @!p1 s7, s4;
	[sflag:s13] =	ssyncadd.s32 $0xFFFFFF00  }
0x1ac: {  	s0 =	sor.u32 @!p1 s0, s4;
	_ =	swait.ge [sflag:s17], $0x100  }
0x1ad: {  	s12 =	simm.s32 @!p1 $0x0;
	s0 =	sshrl.u32 @!p1 s0, $0x3;
	[sflag:s17] =	ssyncset.done $0x0  }
0x1ae: {  	s4 =	simm.s32 @!p1 $0x15680;
	s16 =	sadd.s32 @!p1 s9, s0;
	[sflag:s17] =	ssyncadd.s32 $0xFFFFFF00  }
0x1af: {  	[tilespmem:s4], [sflag:$0xA] =	stream.linear.gather @!p1 [hbm4b:s16+s12], $0x100, $0x38;
	[tilespmem:$0x1F780] =	vst v63  }
0x1b0: {  	s0 =	sadd.s32 @!p1 s2, s0;
	s4 =	simm.s32 @!p1 $0x15980  }
0x1b1: {  	[tilespmem:s4], [sflag:$0xB] =	stream.linear.gather @!p1 [hbm4b:s0+s12], $0x100, $0x38;
	[tilespmem:$0x1F780] =	vst v63  }
0x1b2: {  	_ = 	snop  }
0x1b3: {  	[tilespmem:s22], [sflag:$0x1] =	stream.indirect.gather [hbm4b:s1+s19], $0x80, s21, s19, $0xb8;
	[tilespmem:$0x1F780] =	vst v63  }
0x1b4: {  	s4 =	rddreg [dreg:$0x3];
	_ =	swait.ge [sflag:s15], $0x3200  }
0x1b5: {  	[sflag:s15] =	ssyncset.done $0x0  }
0x1b6: {  	s26 =	simm.s32 $0x15B00;
	[sflag:s15] =	ssyncadd.s32 $0xFFFFCE00  }
0x1b7: {  	[spmem:s4] =	stream.indirect.scatter.add.f32 [tilespmem:s24], [sflag:$0x6], $0x80, s26, s19, $0xb8;
	[tilespmem:$0x1F780] =	vst v63  }
0x1b8: {  	p0 =	sne.s32 s25, $0x6300  }
0x1b9: {  	[spmem:s6] =	stream.indirect.scatter.add.f32 [tilespmem:s31], [sflag:$0x9], $0x1, s26, s19, $0xb8;
	[tilespmem:$0x1F780] =	vst v63  }
.Ltmp1:
0x1ba: {  	_ =	swait.ge [sflag:s28], $0x3200;
	(pc) =	sbr.rel @p0 .LBB2_4-.Ltmp1, $4  }
0x1bb: {  	[sflag:s28] =	ssyncset.done $0x0  }
0x1bc: {  	[sflag:s28] =	ssyncadd.s32 $0xFFFFCE00  }
0x1bd: {  	_ =	swait.ge [sflag:s23], $0x64  }
0x1be: {  	s3 =	smov.u32 s6;
	[sflag:s23] =	ssyncset.done $0x0  }
0x1bf: {  	[sflag:s23] =	ssyncadd.s32 $0xFFFFFF9C;
	s0 =	simm.s32 $0x15600  }
0x1c0: {  	[tilespmem:s5], [sflag:$0x2] =	stream.indirect.gather [hbm4b:s1+s19], $0x80, s0, s19, $0xb8;
	[tilespmem:$0x1F780] =	vst v63  }
0x1c1: {  	_ =	swait.ge [sflag:s30], $0x3200  }
0x1c2: {  	[sflag:s30] =	ssyncset.done $0x0  }
0x1c3: {  	[sflag:s30] =	ssyncadd.s32 $0xFFFFCE00  }
0x1c4: {  	[spmem:s4] =	stream.indirect.scatter.add.f32 [tilespmem:s22], [sflag:$0x4], $0x80, s18, s19, $0xb8;
	[tilespmem:$0x1F780] =	vst v63  }
0x1c5: {  	s25 =	simm.s32 $0x6  }
0x1c6: {  	[spmem:s3] =	stream.indirect.scatter.add.f32 [tilespmem:s31], [sflag:$0x7], $0x1, s18, s19, $0xb8;
	[tilespmem:$0x1F780] =	vst v63  }
0x1c7: {  	_ =	swait.ge [sflag:s25], $0x3200  }
0x1c8: {  	[sflag:s25] =	ssyncset.done $0x0  }
0x1c9: {  	s26 =	simm.s32 $0x9;
	[sflag:s25] =	ssyncadd.s32 $0xFFFFCE00  }
0x1ca: {  	_ =	swait.ge [sflag:s26], $0x64  }
0x1cb: {  	[sflag:s26] =	ssyncset.done $0x0  }
0x1cc: {  	[sflag:s26] =	ssyncadd.s32 $0xFFFFFF9C  }
0x1cd: {  	_ =	swait.ge [sflag:s11], $0x3200  }
0x1ce: {  	[sflag:s11] =	ssyncset.done $0x0  }
0x1cf: {  	s2 =	simm.s32 $0x15900;
	[sflag:s11] =	ssyncadd.s32 $0xFFFFCE00  }
0x1d0: {  	[spmem:s4] =	stream.indirect.scatter.add.f32 [tilespmem:s5], [sflag:$0x5], $0x80, s2, s19, $0xb8;
	[tilespmem:$0x1F780] =	vst v63  }
0x1d1: {  	_ = 	snop  }
0x1d2: {  	[spmem:s3] =	stream.indirect.scatter.add.f32 [tilespmem:s31], [sflag:$0x8], $0x1, s2, s19, $0xb8;
	[tilespmem:$0x1F780] =	vst v63  }
0x1d3: {  	_ =	swait.ge [sflag:s29], $0x3200  }
0x1d4: {  	[sflag:s29] =	ssyncset.done $0x0  }
0x1d5: {  	[sflag:s29] =	ssyncadd.s32 $0xFFFFCE00  }
0x1d6: {  	_ =	swait.ge [sflag:s14], $0x64  }
0x1d7: {  	[sflag:s14] =	ssyncset.done $0x0  }
0x1d8: {  	[sflag:s14] =	ssyncadd.s32 $0xFFFFFF9C  }
0x1d9: {  	_ =	swait.ge [sflag:s28], $0x3200  }
0x1da: {  	[sflag:s28] =	ssyncset.done $0x0  }
0x1db: {  	[sflag:s28] =	ssyncadd.s32 $0xFFFFCE00  }
0x1dc: {  	_ =	swait.ge [sflag:s23], $0x64  }
0x1dd: {  	[sflag:s23] =	ssyncset.done $0x0  }
0x1de: {  	[sflag:s23] =	ssyncadd.s32 $0xFFFFFF9C  }
0x1df: {  	s5 =	stileid.u32;
	[bflag:$0x0] =	sbarrier.arrive $0xFFFF  }
0x1e0: {  	s25 =	simm.s32 $0xC;
	s0 =	sshll.u32 s5, $0x6;
	s18 =	rddreg [dreg:$0xb]  }
0x1e1: {  	s0 =	sor.u32 $0x1C0C, s0;
	s12 =	rddreg [dreg:$0x16];
	s6 =	sshrl.u32 s18, $0x3  }
0x1e2: {  	[hbm:s12], [sflag:s0] =	dma.local [spmem:s6], $0x2800  }
0x1e3: {  	s22 =	simm.s32 $0x10;
	_ =	swait.ge [sflag:s25], $0x2800  }
0x1e4: {  	s2 =	simm.s32 $0x20;
	[sflag:s25] =	ssyncset.done $0x0;
	s16 =	rddreg [dreg:$0x15]  }
0x1e5: {  	s10 =	rddreg [dreg:$0x12];
	[sflag:s25] =	ssyncadd.s32 $0xFFFFD800;
	s8 =	sshrl.u32 s16, $0x3  }
0x1e6: {  	[hbm:s10@s2], [sflag:s0] =	dma.strided [spmem:s8@s22], $0x50, s30, $0x10   }
0x1e7: {  	_ =	swait.ge [sflag:s25], $0x50  }
0x1e8: {  	s24 =	sld [smem:$0x7F8];
	_ =	sdelay $0x2  }
0x1e9: {  	s26 =	rddreg [dreg:$0x17];
	s2 =	sadd.s32 $0x1, s24  }
0x1ea: {  	p0 =	sne.s32 s2, s26  }
.Ltmp2:
0x1eb: {  	_ = 	snop;
	(pc) =	sbr.rel @p0 .LBB2_1-.Ltmp2, $4  }
0x1ec: {  	_ = 	snop  }
0x1ed: {  	s5 =	simm.s32 $0x18F80  }
0x1ee: {  	s6 =	smov.u32 s9;
	s22 =	simm.s32 $0x0;
	[sflag:s25] =	ssyncset.done $0x0  }
0x1ef: {  	s8 =	simm.s32 $0x15B80;
	s10 =	simm.s32 $0x1C380;
	[sflag:s25] =	ssyncadd.s32 $0xFFFFFFB0  }
0x1f0: {  	_ =	sfence.sel $0x180000  }
0x1f1: {  	[bflag:$0x0] =	sbarrier.arrive $0xFFFF  }
0x1f2: {  	_ =	strace $0x90000047  }
0x1f3: {  	s0 =	stileid.u32;
	[bflag:$0x2] =	sbarrier.arrive $0xFFFF  }
0x1f4: {  	p0 =	sne.s32 s0, $0x0;
	s0 =	rddreg [dreg:$0x5]  }
0x1f5: {  	s0 =	sadd.s32 @!p0 $0x100000, s0  }
0x1f6: {  	[sflag:s0] =	ssyncadd.tile.s32 @!p0 $0x1;
	_ =	shalt  }
.Lfunc_end2:
_tile_overlayer_lowered:
.L_overlay_start_2:
0x1f7: {  	(tag) =	ssettag $0x2  }
0x1f8: {  	s0 =	rddreg [dreg:$0x0];
	s2 =	stileid.u32  }
0x1f9: {  	s1 =	rddreg [dreg:$0x1];
	p0 =	sne.s32 s2, $0x0  }
0x1fa: {  	s3 =	rddreg [dreg:$0x2];
	[bflag:$0x3] =	sbarrier.arrive $0xFFFF;
	s2 =	simm.s32 @!p0 $0x1C0C  }
0x1fb: {  	[timem:s3], [sflag:s2] =	dma.local @!p0 [hbm:s0], s1  }
0x1fc: {  	s0 =	simm.s32 @!p0 $0xC  }
0x1fd: {  	_ =	swait.ge @!p0 [sflag:s0], s1  }
0x1fe: {  	s1 =	ssub.s32 @!p0 $0x0, s1;
	[sflag:s0] =	ssyncset.done @!p0 $0x0  }
0x1ff: {  	[sflag:s0] =	ssyncadd.s32 @!p0 s1  }
0x200: {  	[bflag:$0x3] =	sbarrier.arrive $0xFFFF  }
0x201: {  	_ =	shalt  }

// kernel: kernel.9.cloned.1.call-start
scs
__scs_entry_jumppad:
0x0: {  	(pc) =	sbr.rel $0x88, $3  }
0x1: {  	(tag) =	ssettag $0x0;
	lr =	simm.s32 $0x1  }
0x2: {  	[smem:$0x3F90] =	sst lr;
	_ =	strace $0xD0000000  }
0x3: {  	_ = 	snop  }
0x4: {  	_ = 	snop  }
0x5: {  	_ = 	snop  }
0x6: {  	_ = 	snop  }
0x7: {  	_ = 	snop  }
__scs_overlays_trampoline_lowered:
0x8: {  	[smem:$0x3F9F] =	sst s0  }
0x9: {  	[smem:$0x3FA0] =	sst s1  }
0xa: {  	[smem:$0x3FA1] =	sst s2  }
0xb: {  	[smem:$0x3FA2] =	sst s3  }
0xc: {  	[smem:$0x3FA3] =	sst s4  }
0xd: {  	[smem:$0x3FA4] =	sst s5  }
0xe: {  	[smem:$0x3FA5] =	sst s6  }
0xf: {  	[smem:$0x3FA6] =	sst s7  }
0x10: {  	[smem:$0x3FA7] =	sst s8  }
0x11: {  	[smem:$0x3FA8] =	sst s9;
	s0 =	simm.s32 @!p0 $0x0  }
0x12: {  	s1 =	sld [smem:$0x3F8E];
	s0 =	simm.s32 @p0 $0x1  }
0x13: {  	[smem:$0x3FA9] =	sst s0;
	s0 =	simm.s32 @!p1 $0x0  }
0x14: {  	s2 =	sld [smem:$0x3F8D];
	s0 =	simm.s32 @p1 $0x1  }
0x15: {  	[smem:$0x3FAA] =	sst s0;
	s0 =	simm.s32 @!p2 $0x0  }
0x16: {  	s3 =	sld [smem:$0x3FDB];
	s0 =	simm.s32 @p2 $0x1  }
0x17: {  	s4 =	simm.s32 $0x1BF5;
	[smem:$0x3FAC] =	sst s0  }
0x18: {  	s0 =	sld [smem:$0x3F8F];
	_ =	swait.ge [sflag:s4], $0x0  }
0x19: {  	s7 =	sld [smem:$0x3F90]  }
0x1a: {  	s8 =	sadd.s32 $0xFFFFE003, lr  }
0x1b: {  	s9 =	sadd.s32 $0xFFFFFEF7, lr;
	s5 =	simm.s32 $0xFFFFFFFF;
	p2 =	slt.u32 s8, $0xFFFFF086  }
0x1c: {  	p1 =	slt.u32 s9, $0xF7A;
	s5 =	simm.s32 @!p2 $0x0  }
0x1d: {  	s5 =	simm.s32 @p1 $0x1;
	p0 =	seq.s32 s7, s2  }
0x1e: {  	s7 =	smul.u32 @!p0 $0xF7A, s2;
	p2 =	seq.s32 @!p0 s5, $0x0  }
0x1f: {  	s9 =	smul.u32 $0xF7A, s1;
	s8 =	simm.s32 @!p0 $0x1BF5;
	p2 =	por !p2, p0  }
0x20: {  	[sflag:s8] =	ssyncset.s32 @!p0 $0xFFFFF086;
	s6 =	sadd.s32 @!p0 s3, s7;
	s7 =	simm.s32 @!p0 $0x108  }
0x21: {  	s3 =	sadd.s32 s3, s9;
	s6 =	sadd.s32 @!p0 $0x88, s6;
	s7 =	simm.s32 @p2 $0x1082  }
0x22: {  	[simem:s7], [sflag:s8] =	dma.local @!p0 [hbm:s6], $0xF7A  }
0x23: {  	s9 =	sor.u32 $0xD0000000, s2;
	s6 =	simm.s32 $0x108;
	_ =	swait.ge @!p0 [sflag:s8], $0x0  }
0x24: {  	s3 =	sadd.s32 $0x88, s3;
	s6 =	simm.s32 @!p1 $0x1082;
	[sflag:s4] =	ssyncset.s32 $0xFFFFF086  }
0x25: {  	[simem:s6], [sflag:s4] =	dma.local [hbm:s3], $0xF7A  }
0x26: {  	[smem:$0x3F90] =	sst s1;
	(tag) =	ssettag s2;
	_ =	strace s9  }
0x27: {  	s1 =	sld [smem:$0x3FA0]  }
0x28: {  	s2 =	sld [smem:$0x3FA1]  }
0x29: {  	s4 =	sld [smem:$0x3FA3]  }
0x2a: {  	p0 =	seq.s32 s5, $0x0;
	s5 =	sld [smem:$0x3FA4]  }
0x2b: {  	s6 =	sld [smem:$0x3FA5]  }
0x2c: {  	s7 =	sld [smem:$0x3FA6]  }
0x2d: {  	s3 =	simm.s32 $0x108;
	s8 =	sld [smem:$0x3FA7]  }
0x2e: {  	s3 =	simm.s32 @!p0 $0x1082;
	s9 =	sld [smem:$0x3FA8]  }
0x2f: {  	lr =	sadd.s32 s0, s3;
	s0 =	sld [smem:$0x3F9F]  }
0x30: {  	s3 =	sld [smem:$0x3FA2]  }
0x31: {  	[smem:$0x3FAB] =	sst s10  }
0x32: {  	s10 =	sld [smem:$0x3FA9];
	_ =	sdelay $0x3  }
0x33: {  	p0 =	seq.s32 s10, $0x1;
	s10 =	sld [smem:$0x3FAB];
	_ =	sdelay $0x3  }
0x34: {  	[smem:$0x3FAB] =	sst s10  }
0x35: {  	s10 =	sld [smem:$0x3FAA];
	_ =	sdelay $0x3  }
0x36: {  	p1 =	seq.s32 s10, $0x1;
	s10 =	sld [smem:$0x3FAB];
	_ =	sdelay $0x3  }
0x37: {  	[smem:$0x3FAB] =	sst s10  }
0x38: {  	s10 =	sld [smem:$0x3FAC]  }
0x39: {  	_ = 	snop;
	(pc) =	sbr.ind lr, $3  }
0x3a: {  	_ = 	snop  }
0x3b: {  	_ = 	snop  }
0x3c: {  	p2 =	seq.s32 s10, $0x1;
	s10 =	sld [smem:$0x3FAB]  }
0x3d: {  	_ =	shalt  }
0x3e: {  	_ =	shalt  }
0x3f: {  	_ =	shalt  }
0x40: {  	_ =	shalt  }
0x41: {  	_ =	shalt  }
0x42: {  	_ =	shalt  }
0x43: {  	_ =	shalt  }
0x44: {  	_ =	shalt  }
0x45: {  	_ =	shalt  }
0x46: {  	_ =	shalt  }
0x47: {  	_ =	shalt  }
0x48: {  	_ =	shalt  }
0x49: {  	_ =	shalt  }
0x4a: {  	_ =	shalt  }
0x4b: {  	_ =	shalt  }
0x4c: {  	_ =	shalt  }
0x4d: {  	_ =	shalt  }
0x4e: {  	_ =	shalt  }
0x4f: {  	_ =	shalt  }
0x50: {  	_ =	shalt  }
0x51: {  	_ =	shalt  }
0x52: {  	_ =	shalt  }
0x53: {  	_ =	shalt  }
0x54: {  	_ =	shalt  }
0x55: {  	_ =	shalt  }
0x56: {  	_ =	shalt  }
0x57: {  	_ =	shalt  }
0x58: {  	_ =	shalt  }
0x59: {  	_ =	shalt  }
0x5a: {  	_ =	shalt  }
0x5b: {  	_ =	shalt  }
0x5c: {  	_ =	shalt  }
0x5d: {  	_ =	shalt  }
0x5e: {  	_ =	shalt  }
0x5f: {  	_ =	shalt  }
0x60: {  	_ =	shalt  }
0x61: {  	_ =	shalt  }
0x62: {  	_ =	shalt  }
0x63: {  	_ =	shalt  }
0x64: {  	_ =	shalt  }
0x65: {  	_ =	shalt  }
0x66: {  	_ =	shalt  }
0x67: {  	_ =	shalt  }
0x68: {  	_ =	shalt  }
0x69: {  	_ =	shalt  }
0x6a: {  	_ =	shalt  }
0x6b: {  	_ =	shalt  }
0x6c: {  	_ =	shalt  }
0x6d: {  	_ =	shalt  }
0x6e: {  	_ =	shalt  }
0x6f: {  	_ =	shalt  }
0x70: {  	_ =	shalt  }
0x71: {  	_ =	shalt  }
0x72: {  	_ =	shalt  }
0x73: {  	_ =	shalt  }
0x74: {  	_ =	shalt  }
0x75: {  	_ =	shalt  }
0x76: {  	_ =	shalt  }
0x77: {  	_ =	shalt  }
0x78: {  	_ =	shalt  }
0x79: {  	_ =	shalt  }
0x7a: {  	_ =	shalt  }
0x7b: {  	_ =	shalt  }
0x7c: {  	_ =	shalt  }
0x7d: {  	_ =	shalt  }
0x7e: {  	_ =	shalt  }
0x7f: {  	_ =	shalt  }
0x80: {  	_ =	shalt  }
0x81: {  	_ =	shalt  }
0x82: {  	_ =	shalt  }
0x83: {  	_ =	shalt  }
0x84: {  	_ =	shalt  }
0x85: {  	_ =	shalt  }
0x86: {  	_ =	shalt  }
0x87: {  	_ =	shalt  }
.Lfunc_end0:
.L_simem_size_0:
called_computation.1_lowered:
.L_overlay_start_0:
0x88: {  	s2 =	sld [smem:$0x3FD9]  }
0x89: {  	s3 =	sld [smem:$0x3FFE];
	_ =	sdelay $0x1  }
0x8a: {  	s1 =	srdreg.scid  }
0x8b: {  	s0 =	sand.u32 $0x1, s1  }
0x8c: {  	s16 =	sshll.u32 s0, $0xA;
	s2 =	sadd.s32 s3, s2  }
0x8d: {  	s2 =	sadd.s32 s2, s16  }
0x8e: {  	[smem:$0x3FB7] =	sst s2  }
0x8f: {  	_ = 	snop  }
0x90: {  	(tm) =	ssettm $0x1  }
0x91: {  	s17 =	sld [smem:$0x3FFB];
	_ =	sdelay $0x3  }
0x92: {  	_ =	strace s17  }
0x93: {  	s2 =	sld [smem:$0x3FFC];
	_ =	sdelay $0x3  }
0x94: {  	_ =	strace s2  }
0x95: {  	s2 =	sld [smem:$0x3FFD];
	_ =	sdelay $0x3  }
0x96: {  	_ =	strace s2  }
0x97: {  	_ =	strace $0x8FFFFFFF  }
0x98: {  	s18 =	sld [smem:$0x3FDB];
	_ =	sdelay $0x1  }
0x99: {  	s19 =	simm.s32 $_scs_section_size  }
0x9a: {  	s4 =	simm.s32 $_size__tile_overlayer_lowered;
	s5 =	simm.s32 $_tile_overlayer_lowered  }
0x9b: {  	s22 =	simm.s32 $0x1BFF;
	s21 =	sshll.u32 s5, $0x1;
	s2 =	sadd.s32 s19, s18  }
0x9c: {  	s6 =	simm.s32 $0x0;
	s20 =	sshll.u32 s4, $0x1;
	s4 =	sadd.s32 s21, s2  }
0x9d: {  	[timem:s6], [sflag:s22] =	dma.local [hbm:s4], s20  }
0x9e: {  	_ =	swait.ge [sflag:s22], s20  }
0x9f: {  	s3 =	ssub.s32 $0x0, s20;
	[sflag:s22] =	ssyncset.done $0x0  }
0xa0: {  	[sflag:s22] =	ssyncadd.s32 s3;
	_ =	sdelay $0x1  }
0xa1: {  	s23 =	simm.s32 $0x1B8B  }
0xa2: {  	_ =	swait.ge [sflag:s23], $0x1  }
0xa3: {  	[sflag:s23] =	ssyncset.done $0x0  }
0xa4: {  	s25 =	simm.s32 $0x1B8E;
	s24 =	sld [smem:$0x3FFE];
	[sflag:s23] =	ssyncadd.s32 $0xFFFFFFFF  }
0xa5: {  	s26 =	simm.s32 $execute0_lowered;
	[smem:$0x3FD2] =	sst s25  }
0xa6: {  	s4 =	sshll.u32 s26, $0x1;
	_ =	strace $0x80000049;
	[dreg:$0x1] =	wrdreg $0xFFFFFFFF  }
0xa7: {  	s28 =	simm.s32 $_size_execute0_lowered;
	s2 =	sadd.s32 s2, s4;
	[dreg:$0x0] =	wrdreg $0x0  }
0xa8: {  	s4 =	sshll.u32 s28, $0x1;
	[dreg:$0x2] =	wrdreg s2  }
0xa9: {  	[dreg:$0x3] =	wrdreg s4  }
0xaa: {  	[dreg:$0x4] =	wrdreg $0xC0  }
0xab: {  	_ =	task [dreg:s6], $0x5FFFF  }
0xac: {  	[dreg:$0x1] =	wrdreg $0xFFFFFFFF  }
0xad: {  	[dreg:$0x0] =	wrdreg $0x60  }
0xae: {  	[dreg:$0x2] =	wrdreg s24  }
0xaf: {  	[dreg:$0x3] =	wrdreg $0x0  }
0xb0: {  	[dreg:$0x4] =	wrdreg $0x9  }
0xb1: {  	_ =	task.clear_ibuf [dreg:s6], $0x5FFFF;
	_ =	strace $0x90000049  }
0xb2: {  	s29 =	simm.s32 $0x9;
	_ =	strace $0x8000004B  }
0xb3: {  	_ =	swait.ge [sflag:s29], $0x1  }
0xb4: {  	[sflag:s29] =	ssyncadd.s32 $0xFFFFFFFF  }
0xb5: {  	_ =	strace $0x9000004B  }
0xb6: {  	_ =	sfence  }
0xb7: {  	s30 =	sld [smem:$0x0];
	_ =	sdelay $0x2  }
0xb8: {  	s31 =	sshll.u32 s1, $0xD;
	s1 =	sshrl.u32 s1, $0x2  }
0xb9: {  	s3 =	sand.u32 $0x4000, s31;
	s1 =	sadd.s32 s1, s30  }
0xba: {  	s0 =	sor.u32 s3, s0;
	s1 =	sshll.u32 s1, $0x11  }
0xbb: {  	s0 =	sor.u32 s1, s0  }
0xbc: {  	s0 =	sadd.s32 $0x8F2B, s0  }
0xbd: {  	[sflag:s0] =	ssyncadd.remote.s32 $0x1  }
0xbe: {  	_ =	sfence.sel $0xFFFF  }
0xbf: {  	[dreg:$0x0] =	wrdreg $0xFFFFFFFF;
	(pc) =	sbr.abs _section_cstart, $3  }
0xc0: {  	[dreg:$0x1] =	wrdreg $0xFFFFFFFF  }
0xc1: {  	_ =	task.clear_ibuf [dreg:s6], $0x2FFFF;
	_ =	strace $0x9FFFFFFF  }
0xc2: {  	(tm) =	ssettm $0x7FFFFFFF  }
0xc3: {  	_ =	shalt  }
tec
execute0_lowered:
.L_overlay_start_1:
0x0: {  	(tag) =	ssettag $0x1  }
0x1: {  	s0 =	rddreg [dreg:$0x0]  }
0x2: {  	s1 =	rddreg [dreg:$0x1]  }
0x3: {  	s2 =	srdreg.scid;
	s3 =	simm.s32 $0x0;
	s11 =	stileid.u32  }
0x4: {  	s24 =	simm.s32 $0x15180;
	s2 =	sand.u32 $0x1, s2;
	s7 =	smul.u32 $0x14000, s11  }
0x5: {  	[smem:$0x7FF] =	sst s3;
	s5 =	sadd.s32 $0x34400, s0;
	s6 =	smul.u32 $0x140000, s2  }
0x6: {  	s8 =	sadd.s32 $0x1B400, s0;
	_ =	strace $0x8000004A;
	s4 =	smul.u32 $0x64000, s2  }
0x7: {  	s2 =	ssub.s32 $0x2, s2;
	s9 =	sadd.s32 s7, s6;
	s6 =	smul.u32 $0x6400, s11  }
0x8: {  	[dreg:$0x3] =	wrdreg s24;
	s26 =	sshrl.u32 s2, $0x1;
	s11 =	smul.u32 $0x50000, s11  }
0x9: {  	s2 =	ssub.s32 s2, s26;
	s26 =	simm.s32 $0x15480;
	s9 =	sshrl.u32 s9, $0x3  }
0xa: {  	s7 =	sadd.s32 $0x2400, s0;
	[dreg:$0x4] =	wrdreg s26;
	s0 =	sadd.s32 s9, s0  }
0xb: {  	s10 =	sadd.s32 s6, s4;
	s13 =	sshrl.u32 s11, $0x2;
	s0 =	sadd.s32 $0x5B600, s0  }
0xc: {  	s10 =	sshrl.u32 s10, $0x3;
	s17 =	sadd.s32 s13, s1;
	[dreg:$0x16] =	wrdreg s0  }
0xd: {  	s12 =	sadd.s32 s7, s10;
	[dreg:$0x9] =	wrdreg s17  }
0xe: {  	s14 =	sadd.s32 s8, s10;
	[dreg:$0x7] =	wrdreg s12  }
0xf: {  	s18 =	sadd.s32 $0x1000, s17;
	[dreg:$0x8] =	wrdreg s14  }
0x10: {  	s19 =	sadd.s32 $0x2000, s17;
	[dreg:$0xc] =	wrdreg s18  }
0x11: {  	s20 =	sadd.s32 $0x3000, s17;
	[dreg:$0xd] =	wrdreg s19  }
0x12: {  	s21 =	sadd.s32 $0x4000, s17;
	[dreg:$0xe] =	wrdreg s20  }
0x13: {  	s22 =	sadd.s32 $0x5000, s17;
	[dreg:$0xf] =	wrdreg s21  }
0x14: {  	s23 =	sadd.s32 $0x6000, s17;
	[dreg:$0x10] =	wrdreg s22  }
0x15: {  	s25 =	sadd.s32 $0x7000, s17;
	[dreg:$0x11] =	wrdreg s23  }
0x16: {  	s11 =	sadd.s32 $0x8000, s17;
	[dreg:$0x12] =	wrdreg s25  }
0x17: {  	s13 =	sadd.s32 $0x9000, s17;
	[dreg:$0x13] =	wrdreg s11  }
0x18: {  	s24 =	sadd.s32 $0x11000, s17;
	[dreg:$0x14] =	wrdreg s13  }
0x19: {  	s10 =	sor.u32 $0x20, s10;
	s26 =	sadd.s32 $0x13000, s17;
	[dreg:$0x1e] =	wrdreg s24  }
0x1a: {  	s15 =	sadd.s32 s7, s10;
	[smem:$0x7FD] =	sst s26  }
0x1b: {  	s29 =	simm.s32 $0x15100;
	s16 =	sadd.s32 s8, s10;
	[dreg:$0xa] =	wrdreg s15  }
0x1c: {  	s28 =	simm.s32 $0x2;
	s12 =	simm.s32 $0x15280;
	[dreg:$0xb] =	wrdreg s16  }
0x1d: {  	s30 =	simm.s32 $0x3;
	s14 =	simm.s32 $0x15580;
	[dreg:$0x5] =	wrdreg s12  }
0x1e: {  	s31 =	simm.s32 $0x5;
	s18 =	sadd.s32 $0xB000, s17;
	[dreg:$0x6] =	wrdreg s14  }
0x1f: {  	s9 =	simm.s32 $0x6;
	s19 =	sadd.s32 $0xC000, s17;
	[dreg:$0x18] =	wrdreg s18  }
0x20: {  	s0 =	simm.s32 $0x7;
	s20 =	sadd.s32 $0xD000, s17;
	[dreg:$0x19] =	wrdreg s19  }
0x21: {  	s21 =	sadd.s32 $0xE000, s17;
	s22 =	sadd.s32 $0xF000, s17;
	[dreg:$0x1a] =	wrdreg s20  }
0x22: {  	s23 =	sadd.s32 $0x10000, s17;
	s25 =	sadd.s32 $0x12000, s17;
	[dreg:$0x1b] =	wrdreg s21  }
0x23: {  	s24 =	simm.s32 $0x15200;
	s26 =	simm.s32 $0x1BE00;
	[dreg:$0x1c] =	wrdreg s22  }
0x24: {  	s11 =	simm.s32 $0x0;
	s15 =	sadd.s32 $0xA000, s17;
	[dreg:$0x1d] =	wrdreg s23  }
0x25: {  	s16 =	smax.u32 s2, $0x1;
	[dreg:$0x1f] =	wrdreg s25;
	s12 =	simm.s32 $0x15000  }
0x26: {  	s19 =	simm.s32 $0x9;
	s14 =	simm.s32 $0x15300;
	s20 =	simm.s32 $0x15080  }
0x27: {  	s18 =	simm.s32 $0x18A00;
	s22 =	simm.s32 $0x4;
	s23 =	simm.s32 $0x1  }
0x28: {  	s25 =	simm.s32 $0x15500;
	s2 =	simm.s32 $0x8;
	[dreg:$0x15] =	wrdreg s15  }
0x29: {  	v0 =	vimm.f32 $0.0e+00;
	[dreg:$0x17] =	wrdreg s16;
	s15 =	simm.s32 $0x64;
	s16 =	simm.s32 $0x15600  }
.LBB2_1:
0x2a: {  	s10 =	sand.u32 $0x3E00, s3  }
0x2b: {  	[smem:$0x7FC] =	sst s11;
	s21 =	sand.u32 $0x70, s3;
	s13 =	sshrl.u32 s10, $0x2  }
0x2c: {  	s11 =	simm.s32 $0x0;
	s10 =	simm.s32 $0x40;
	s13 =	sor.u32 s21, s13  }
.LBB2_2:
0x2d: {  	p0 =	sne.s32 s10, $0x3FC0  }
0x2e: {  	[tilespmem:s13+$0x14000] =	vst v0;
	s11 =	sadd.s32 $0x10, s11;
	s13 =	smov.u32 s10;
	s10 =	sadd.s32 $0x40, s10  }
.Ltmp0:
0x2f: {  	(pc) =	sbr.rel @p0 .LBB2_2-.Ltmp0, $4  }
0x30: {  	_ = 	snop  }
0x31: {  	s13 =	sand.u32 $0x3E00, s13  }
0x32: {  	s21 =	sand.u32 $0x70, s11;
	s13 =	sshrl.u32 s13, $0x2  }
0x33: {  	s13 =	sor.u32 s21, s13  }
0x34: {  	[tilespmem:s13+$0x14000] =	vst v0;
	s11 =	simm.s32 $0x0;
	s10 =	rddreg [dreg:$0x7]  }
0x35: {  	[tilespmem:s12], [sflag:$0x9] =	stream.linear.gather [hbm4b:s10+s11], $0x100, $0x38;
	[tilespmem:$0x1F200] =	vst v63  }
0x36: {  	_ =	swait.ge [sflag:s19], $0x100  }
0x37: {  	[sflag:s19] =	ssyncset.done $0x0  }
0x38: {  	s13 =	rddreg [dreg:$0x8];
	[sflag:s19] =	ssyncadd.s32 $0xFFFFFF00  }
0x39: {  	[tilespmem:s14], [sflag:$0x9] =	stream.linear.gather [hbm4b:s13+s11], $0x100, $0x38;
	[tilespmem:$0x1F200] =	vst v63  }
0x3a: {  	_ =	swait.ge [sflag:s19], $0x100  }
0x3b: {  	[sflag:s19] =	ssyncset.done $0x0  }
0x3c: {  	[sflag:s19] =	ssyncadd.s32 $0xFFFFFF00  }
0x3d: {  	[tilespmem:s16], [sflag:$0x1] =	stream.indirect.gather [hbm4b:s5+s15], $0x80, s12, s15, $0xb8;
	[tilespmem:$0x1F200] =	vst v63  }
0x3e: {  	_ = 	snop  }
0x3f: {  	[tilespmem:s18], [sflag:$0x2] =	stream.indirect.gather [hbm4b:s5+s15], $0x80, s20, s15, $0xb8;
	[tilespmem:$0x1F200] =	vst v63  }
0x40: {  	s21 =	rddreg [dreg:$0xa]  }
0x41: {  	[tilespmem:s29], [sflag:$0x9] =	stream.linear.gather [hbm4b:s21+s11], $0x100, $0x38;
	[tilespmem:$0x1F200] =	vst v63  }
0x42: {  	_ =	swait.ge [sflag:s19], $0x100  }
0x43: {  	[sflag:s19] =	ssyncset.done $0x0  }
0x44: {  	s21 =	simm.s32 $0x15400;
	s13 =	rddreg [dreg:$0xb];
	[sflag:s19] =	ssyncadd.s32 $0xFFFFFF00  }
0x45: {  	[tilespmem:s21], [sflag:$0x9] =	stream.linear.gather [hbm4b:s13+s11], $0x100, $0x38;
	[tilespmem:$0x1F200] =	vst v63  }
0x46: {  	_ =	swait.ge [sflag:s19], $0x100  }
0x47: {  	[sflag:s19] =	ssyncset.done $0x0  }
0x48: {  	s11 =	simm.s32 $0x14000;
	s21 =	rddreg [dreg:$0xc];
	[sflag:s19] =	ssyncadd.s32 $0xFFFFFF00  }
0x49: {  	[spmem:s17] =	stream.linear.scatter [tilespmem:s11], [sflag:$0x4], $0x1000, $0x38;
	[tilespmem:$0x1F200] =	vst v63  }
0x4a: {  	s13 =	rddreg [dreg:$0xd]  }
0x4b: {  	[spmem:s21] =	stream.linear.scatter [tilespmem:s11], [sflag:$0x4], $0x1000, $0x38;
	[tilespmem:$0x1F200] =	vst v63  }
0x4c: {  	s19 =	rddreg [dreg:$0xf]  }
0x4d: {  	[spmem:s13] =	stream.linear.scatter [tilespmem:s11], [sflag:$0x4], $0x1000, $0x38;
	[tilespmem:$0x1F200] =	vst v63  }
0x4e: {  	s17 =	rddreg [dreg:$0xe]  }
0x4f: {  	[spmem:s17] =	stream.linear.scatter [tilespmem:s11], [sflag:$0x4], $0x1000, $0x38;
	[tilespmem:$0x1F200] =	vst v63  }
0x50: {  	s21 =	rddreg [dreg:$0x10]  }
0x51: {  	[spmem:s19] =	stream.linear.scatter [tilespmem:s11], [sflag:$0x4], $0x1000, $0x38;
	[tilespmem:$0x1F200] =	vst v63  }
0x52: {  	s13 =	rddreg [dreg:$0x11]  }
0x53: {  	[spmem:s21] =	stream.linear.scatter [tilespmem:s11], [sflag:$0x4], $0x1000, $0x38;
	[tilespmem:$0x1F200] =	vst v63  }
0x54: {  	s17 =	rddreg [dreg:$0x12]  }
0x55: {  	[spmem:s13] =	stream.linear.scatter [tilespmem:s11], [sflag:$0x4], $0x1000, $0x38;
	[tilespmem:$0x1F200] =	vst v63  }
0x56: {  	s19 =	rddreg [dreg:$0x13]  }
0x57: {  	[spmem:s17] =	stream.linear.scatter [tilespmem:s11], [sflag:$0x4], $0x1000, $0x38;
	[tilespmem:$0x1F200] =	vst v63  }
0x58: {  	s21 =	rddreg [dreg:$0x14]  }
0x59: {  	[spmem:s19] =	stream.linear.scatter [tilespmem:s11], [sflag:$0x4], $0x1000, $0x38;
	[tilespmem:$0x1F200] =	vst v63  }
0x5a: {  	s13 =	rddreg [dreg:$0x15]  }
0x5b: {  	[spmem:s21] =	stream.linear.scatter [tilespmem:s11], [sflag:$0x4], $0x1000, $0x38;
	[tilespmem:$0x1F200] =	vst v63  }
0x5c: {  	s17 =	rddreg [dreg:$0x18]  }
0x5d: {  	[spmem:s13] =	stream.linear.scatter [tilespmem:s11], [sflag:$0x4], $0x1000, $0x38;
	[tilespmem:$0x1F200] =	vst v63  }
0x5e: {  	s19 =	rddreg [dreg:$0x19]  }
0x5f: {  	[spmem:s17] =	stream.linear.scatter [tilespmem:s11], [sflag:$0x4], $0x1000, $0x38;
	[tilespmem:$0x1F200] =	vst v63  }
0x60: {  	s21 =	rddreg [dreg:$0x1a]  }
0x61: {  	[spmem:s19] =	stream.linear.scatter [tilespmem:s11], [sflag:$0x4], $0x1000, $0x38;
	[tilespmem:$0x1F200] =	vst v63  }
0x62: {  	s13 =	rddreg [dreg:$0x1b]  }
0x63: {  	[spmem:s21] =	stream.linear.scatter [tilespmem:s11], [sflag:$0x4], $0x1000, $0x38;
	[tilespmem:$0x1F200] =	vst v63  }
0x64: {  	s17 =	rddreg [dreg:$0x1c]  }
0x65: {  	[spmem:s13] =	stream.linear.scatter [tilespmem:s11], [sflag:$0x4], $0x1000, $0x38;
	[tilespmem:$0x1F200] =	vst v63  }
0x66: {  	s19 =	rddreg [dreg:$0x1d]  }
0x67: {  	[spmem:s17] =	stream.linear.scatter [tilespmem:s11], [sflag:$0x4], $0x1000, $0x38;
	[tilespmem:$0x1F200] =	vst v63  }
0x68: {  	s21 =	rddreg [dreg:$0x1e]  }
0x69: {  	[spmem:s19] =	stream.linear.scatter [tilespmem:s11], [sflag:$0x4], $0x1000, $0x38;
	[tilespmem:$0x1F200] =	vst v63  }
0x6a: {  	s13 =	rddreg [dreg:$0x1f]  }
0x6b: {  	[spmem:s21] =	stream.linear.scatter [tilespmem:s11], [sflag:$0x4], $0x1000, $0x38;
	[tilespmem:$0x1F200] =	vst v63  }
0x6c: {  	s17 =	sld [smem:$0x7FD]  }
0x6d: {  	[spmem:s13] =	stream.linear.scatter [tilespmem:s11], [sflag:$0x4], $0x1000, $0x38;
	[tilespmem:$0x1F200] =	vst v63  }
0x6e: {  	_ = 	snop  }
0x6f: {  	[spmem:s17] =	stream.linear.scatter [tilespmem:s11], [sflag:$0x4], $0x1000, $0x38;
	[tilespmem:$0x1F200] =	vst v63  }
0x70: {  	_ =	swait.ge [sflag:s22], $0x1000  }
0x71: {  	[sflag:s22] =	ssyncset.done $0x0  }
0x72: {  	[sflag:s22] =	ssyncadd.s32 $0xFFFFF000  }
0x73: {  	_ =	swait.ge [sflag:s22], $0x1000  }
0x74: {  	[sflag:s22] =	ssyncset.done $0x0  }
0x75: {  	[sflag:s22] =	ssyncadd.s32 $0xFFFFF000  }
0x76: {  	_ =	swait.ge [sflag:s22], $0x1000  }
0x77: {  	[sflag:s22] =	ssyncset.done $0x0  }
0x78: {  	[sflag:s22] =	ssyncadd.s32 $0xFFFFF000  }
0x79: {  	_ =	swait.ge [sflag:s22], $0x1000  }
0x7a: {  	[sflag:s22] =	ssyncset.done $0x0  }
0x7b: {  	[sflag:s22] =	ssyncadd.s32 $0xFFFFF000  }
0x7c: {  	_ =	swait.ge [sflag:s22], $0x1000  }
0x7d: {  	[sflag:s22] =	ssyncset.done $0x0  }
0x7e: {  	[sflag:s22] =	ssyncadd.s32 $0xFFFFF000  }
0x7f: {  	_ =	swait.ge [sflag:s22], $0x1000  }
0x80: {  	[sflag:s22] =	ssyncset.done $0x0  }
0x81: {  	[sflag:s22] =	ssyncadd.s32 $0xFFFFF000  }
0x82: {  	_ =	swait.ge [sflag:s22], $0x1000  }
0x83: {  	[sflag:s22] =	ssyncset.done $0x0  }
0x84: {  	[sflag:s22] =	ssyncadd.s32 $0xFFFFF000  }
0x85: {  	_ =	swait.ge [sflag:s22], $0x1000  }
0x86: {  	[sflag:s22] =	ssyncset.done $0x0  }
0x87: {  	[sflag:s22] =	ssyncadd.s32 $0xFFFFF000  }
0x88: {  	_ =	swait.ge [sflag:s22], $0x1000  }
0x89: {  	[sflag:s22] =	ssyncset.done $0x0  }
0x8a: {  	[sflag:s22] =	ssyncadd.s32 $0xFFFFF000  }
0x8b: {  	_ =	swait.ge [sflag:s22], $0x1000  }
0x8c: {  	[sflag:s22] =	ssyncset.done $0x0  }
0x8d: {  	[sflag:s22] =	ssyncadd.s32 $0xFFFFF000  }
0x8e: {  	_ =	swait.ge [sflag:s22], $0x1000  }
0x8f: {  	[sflag:s22] =	ssyncset.done $0x0  }
0x90: {  	[sflag:s22] =	ssyncadd.s32 $0xFFFFF000  }
0x91: {  	_ =	swait.ge [sflag:s22], $0x1000  }
0x92: {  	[sflag:s22] =	ssyncset.done $0x0  }
0x93: {  	[sflag:s22] =	ssyncadd.s32 $0xFFFFF000  }
0x94: {  	_ =	swait.ge [sflag:s22], $0x1000  }
0x95: {  	[sflag:s22] =	ssyncset.done $0x0  }
0x96: {  	[sflag:s22] =	ssyncadd.s32 $0xFFFFF000  }
0x97: {  	_ =	swait.ge [sflag:s22], $0x1000  }
0x98: {  	[sflag:s22] =	ssyncset.done $0x0  }
0x99: {  	[sflag:s22] =	ssyncadd.s32 $0xFFFFF000  }
0x9a: {  	_ =	swait.ge [sflag:s22], $0x1000  }
0x9b: {  	[sflag:s22] =	ssyncset.done $0x0  }
0x9c: {  	[sflag:s22] =	ssyncadd.s32 $0xFFFFF000  }
0x9d: {  	_ =	swait.ge [sflag:s22], $0x1000  }
0x9e: {  	[sflag:s22] =	ssyncset.done $0x0  }
0x9f: {  	[sflag:s22] =	ssyncadd.s32 $0xFFFFF000  }
0xa0: {  	_ =	swait.ge [sflag:s22], $0x1000  }
0xa1: {  	[sflag:s22] =	ssyncset.done $0x0  }
0xa2: {  	[sflag:s22] =	ssyncadd.s32 $0xFFFFF000  }
0xa3: {  	_ =	swait.ge [sflag:s22], $0x1000  }
0xa4: {  	[sflag:s22] =	ssyncset.done $0x0  }
0xa5: {  	[sflag:s22] =	ssyncadd.s32 $0xFFFFF000  }
0xa6: {  	_ =	swait.ge [sflag:s22], $0x1000  }
0xa7: {  	[sflag:s22] =	ssyncset.done $0x0  }
0xa8: {  	[sflag:s22] =	ssyncadd.s32 $0xFFFFF000  }
0xa9: {  	_ =	swait.ge [sflag:s22], $0x1000  }
0xaa: {  	[sflag:s22] =	ssyncset.done $0x0  }
0xab: {  	[sflag:s22] =	ssyncadd.s32 $0xFFFFF000  }
0xac: {  	[bflag:$0x0] =	sbarrier.arrive $0xFFFF  }
0xad: {  	_ =	swait.ge [sflag:s23], $0x3200  }
0xae: {  	p0 =	por $0x1, $0x1;
	[sflag:s23] =	ssyncset.done $0x0  }
0xaf: {  	s10 =	simm.s32 @!p0 $0x6;
	[sflag:s23] =	ssyncadd.s32 $0xFFFFCE00  }
0xb0: {  	[spmem:s1] =	stream.indirect.scatter.add.f32 [tilespmem:s16], [sflag:$0x4], $0x80, s14, s15, $0xb8;
	[tilespmem:$0x1F200] =	vst v63  }
0xb1: {  	_ =	swait.ge @!p0 [sflag:s10], $0x3200  }
0xb2: {  	[sflag:s10] =	ssyncset.done @!p0 $0x0  }
0xb3: {  	s11 =	simm.s32 @!p0 $0x7;
	[sflag:s10] =	ssyncadd.s32 @!p0 $0xFFFFCE00;
	s10 =	sadd.s32 $0x0, s6  }
0xb4: {  	s21 =	simm.s32 $0x200;
	_ =	swait.ge @!p0 [sflag:s11], $0x100;
	s19 =	sadd.s32 $0x200, s10  }
0xb5: {  	s21 =	sand.u32 $0x300, s21;
	[sflag:s11] =	ssyncset.done @!p0 $0x0;
	s13 =	sand.u32 $0xFFC00, s19  }
0xb6: {  	[sflag:s11] =	ssyncadd.s32 @!p0 $0xFFFFFF00;
	s11 =	simm.s32 @!p0 $0x8;
	s13 =	sadd.s32 s4, s13  }
0xb7: {  	_ =	swait.ge @!p0 [sflag:s11], $0x100;
	s13 =	sor.u32 s21, s13  }
0xb8: {  	[sflag:s11] =	ssyncset.done @!p0 $0x0;
	s13 =	sshrl.u32 s13, $0x3  }
0xb9: {  	[sflag:s11] =	ssyncadd.s32 @!p0 $0xFFFFFF00;
	s21 =	sadd.s32 s7, s13  }
0xba: {  	[tilespmem:s24], [sflag:$0x7] =	stream.linear.gather [hbm4b:s21+s3], $0x100, $0x38;
	[tilespmem:$0x1F200] =	vst v63  }
0xbb: {  	s13 =	sadd.s32 s8, s13  }
0xbc: {  	[tilespmem:s25], [sflag:$0x8] =	stream.linear.gather [hbm4b:s13+s3], $0x100, $0x38;
	[tilespmem:$0x1F200] =	vst v63  }
0xbd: {  	_ = 	snop  }
0xbe: {  	[tilespmem:s26], [sflag:$0x3] =	stream.indirect.gather [hbm4b:s5+s15], $0x80, s29, s15, $0xb8;
	[tilespmem:$0x1F200] =	vst v63  }
0xbf: {  	_ =	swait.ge [sflag:s28], $0x3200  }
0xc0: {  	[sflag:s28] =	ssyncset.done $0x0  }
0xc1: {  	s17 =	simm.s32 $0x15380;
	[sflag:s28] =	ssyncadd.s32 $0xFFFFCE00  }
0xc2: {  	[spmem:s1] =	stream.indirect.scatter.add.f32 [tilespmem:s18], [sflag:$0x5], $0x80, s17, s15, $0xb8;
	[tilespmem:$0x1F200] =	vst v63  }
0xc3: {  	_ =	swait.ge [sflag:s22], $0x3200  }
0xc4: {  	[sflag:s22] =	ssyncset.done $0x0  }
0xc5: {  	s19 =	rddreg [dreg:$0x3];
	[sflag:s22] =	ssyncadd.s32 $0xFFFFCE00  }
0xc6: {  	[tilespmem:s16], [sflag:$0x1] =	stream.indirect.gather [hbm4b:s5+s15], $0x80, s19, s15, $0xb8;
	[tilespmem:$0x1F200] =	vst v63  }
0xc7: {  	_ =	swait.ge [sflag:s30], $0x3200  }
0xc8: {  	[sflag:s30] =	ssyncset.done $0x0  }
0xc9: {  	s21 =	simm.s32 $0x15400;
	[sflag:s30] =	ssyncadd.s32 $0xFFFFCE00  }
0xca: {  	[spmem:s1] =	stream.indirect.scatter.add.f32 [tilespmem:s26], [sflag:$0x6], $0x80, s21, s15, $0xb8;
	[tilespmem:$0x1F200] =	vst v63  }
0xcb: {  	_ =	swait.ge [sflag:s31], $0x3200  }
0xcc: {  	[sflag:s31] =	ssyncset.done $0x0  }
0xcd: {  	[sflag:s31] =	ssyncadd.s32 $0xFFFFCE00  }
0xce: {  	s10 =	sadd.s32 $0x300, s10;
	_ =	swait.ge [sflag:s0], $0x100  }
0xcf: {  	s10 =	sand.u32 $0xFFC00, s10;
	s11 =	simm.s32 $0x300;
	[sflag:s0] =	ssyncset.done $0x0  }
0xd0: {  	s10 =	sadd.s32 s4, s10;
	s29 =	sand.u32 $0x300, s11;
	[sflag:s0] =	ssyncadd.s32 $0xFFFFFF00  }
0xd1: {  	s10 =	sor.u32 s29, s10;
	_ =	swait.ge [sflag:s2], $0x100  }
0xd2: {  	s10 =	sshrl.u32 s10, $0x3;
	[sflag:s2] =	ssyncset.done $0x0  }
0xd3: {  	s17 =	sadd.s32 s7, s10;
	[sflag:s2] =	ssyncadd.s32 $0xFFFFFF00  }
0xd4: {  	[tilespmem:s12], [sflag:$0x7] =	stream.linear.gather [hbm4b:s17+s3], $0x100, $0x38;
	[tilespmem:$0x1F200] =	vst v63  }
0xd5: {  	s10 =	sadd.s32 s8, s10  }
0xd6: {  	[tilespmem:s14], [sflag:$0x8] =	stream.linear.gather [hbm4b:s10+s3], $0x100, $0x38;
	[tilespmem:$0x1F200] =	vst v63  }
0xd7: {  	_ = 	snop  }
0xd8: {  	[tilespmem:s18], [sflag:$0x2] =	stream.indirect.gather [hbm4b:s5+s15], $0x80, s24, s15, $0xb8;
	[tilespmem:$0x1F200] =	vst v63  }
0xd9: {  	_ =	swait.ge [sflag:s23], $0x3200  }
0xda: {  	[sflag:s23] =	ssyncset.done $0x0  }
0xdb: {  	s19 =	rddreg [dreg:$0x4];
	[sflag:s23] =	ssyncadd.s32 $0xFFFFCE00  }
0xdc: {  	[spmem:s1] =	stream.indirect.scatter.add.f32 [tilespmem:s16], [sflag:$0x4], $0x80, s19, s15, $0xb8;
	[tilespmem:$0x1F200] =	vst v63  }
0xdd: {  	_ =	swait.ge [sflag:s9], $0x3200  }
0xde: {  	[sflag:s9] =	ssyncset.done $0x0  }
0xdf: {  	s21 =	rddreg [dreg:$0x5];
	[sflag:s9] =	ssyncadd.s32 $0xFFFFCE00  }
0xe0: {  	[tilespmem:s26], [sflag:$0x3] =	stream.indirect.gather [hbm4b:s5+s15], $0x80, s21, s15, $0xb8;
	[tilespmem:$0x1F200] =	vst v63  }
0xe1: {  	_ =	swait.ge [sflag:s28], $0x3200  }
0xe2: {  	[sflag:s28] =	ssyncset.done $0x0  }
0xe3: {  	[sflag:s28] =	ssyncadd.s32 $0xFFFFCE00  }
0xe4: {  	[spmem:s1] =	stream.indirect.scatter.add.f32 [tilespmem:s18], [sflag:$0x5], $0x80, s25, s15, $0xb8;
	[tilespmem:$0x1F200] =	vst v63  }
0xe5: {  	_ =	swait.ge [sflag:s22], $0x3200  }
0xe6: {  	p0 =	por $0x0, $0x0;
	[sflag:s22] =	ssyncset.done $0x0  }
0xe7: {  	s10 =	sadd.s32 @!p0 $0x0, s6;
	[sflag:s22] =	ssyncadd.s32 $0xFFFFCE00  }
0xe8: {  	s10 =	sadd.s32 @!p0 $0x400, s10;
	_ =	swait.ge [sflag:s0], $0x100  }
0xe9: {  	s13 =	simm.s32 $0x0;
	s10 =	sand.u32 @!p0 $0xFFC00, s10;
	[sflag:s0] =	ssyncset.done $0x0  }
0xea: {  	s13 =	sand.u32 @!p0 $0x300, s13;
	s10 =	sadd.s32 @!p0 s4, s10;
	[sflag:s0] =	ssyncadd.s32 $0xFFFFFF00  }
0xeb: {  	s10 =	sor.u32 @!p0 s13, s10;
	_ =	swait.ge [sflag:s2], $0x100  }
0xec: {  	s17 =	simm.s32 @!p0 $0x15100;
	s10 =	sshrl.u32 @!p0 s10, $0x3;
	[sflag:s2] =	ssyncset.done $0x0  }
0xed: {  	s13 =	sadd.s32 @!p0 s7, s10;
	s21 =	simm.s32 @!p0 $0x0;
	[sflag:s2] =	ssyncadd.s32 $0xFFFFFF00  }
0xee: {  	[tilespmem:s17], [sflag:$0x7] =	stream.linear.gather @!p0 [hbm4b:s13+s21], $0x100, $0x38;
	[tilespmem:$0x1F200] =	vst v63  }
0xef: {  	s10 =	sadd.s32 @!p0 s8, s10;
	s13 =	simm.s32 @!p0 $0x15400  }
0xf0: {  	[tilespmem:s13], [sflag:$0x8] =	stream.linear.gather @!p0 [hbm4b:s10+s21], $0x100, $0x38;
	[tilespmem:$0x1F200] =	vst v63  }
0xf1: {  	_ = 	snop  }
0xf2: {  	[tilespmem:s16], [sflag:$0x1] =	stream.indirect.gather [hbm4b:s5+s15], $0x80, s12, s15, $0xb8;
	[tilespmem:$0x1F200] =	vst v63  }
0xf3: {  	_ =	swait.ge [sflag:s30], $0x3200  }
0xf4: {  	[sflag:s30] =	ssyncset.done $0x0  }
0xf5: {  	s29 =	rddreg [dreg:$0x6];
	[sflag:s30] =	ssyncadd.s32 $0xFFFFCE00  }
0xf6: {  	[spmem:s1] =	stream.indirect.scatter.add.f32 [tilespmem:s26], [sflag:$0x6], $0x80, s29, s15, $0xb8;
	[tilespmem:$0x1F200] =	vst v63  }
0xf7: {  	_ =	swait.ge [sflag:s31], $0x3200  }
0xf8: {  	[sflag:s31] =	ssyncset.done $0x0  }
.LBB2_4:
0xf9: {  	[sflag:s31] =	ssyncadd.s32 $0xFFFFCE00  }
0xfa: {  	[tilespmem:s18], [sflag:$0x2] =	stream.indirect.gather [hbm4b:s5+s15], $0x80, s20, s15, $0xb8;
	[tilespmem:$0x1F200] =	vst v63  }
0xfb: {  	s10 =	smov.u32 s11;
	_ =	swait.ge [sflag:s23], $0x3200  }
0xfc: {  	p1 =	seq.s32 s10, $0x0;
	[sflag:s23] =	ssyncset.done $0x0  }
0xfd: {  	s13 =	simm.s32 @!p1 $0x6;
	[sflag:s23] =	ssyncadd.s32 $0xFFFFCE00  }
0xfe: {  	[spmem:s1] =	stream.indirect.scatter.add.f32 [tilespmem:s16], [sflag:$0x4], $0x80, s14, s15, $0xb8;
	[tilespmem:$0x1F200] =	vst v63  }
0xff: {  	s11 =	sadd.s32 $0x300, s11;
	_ =	swait.ge @!p1 [sflag:s13], $0x3200  }
0x100: {  	s21 =	sand.u32 $0x300, s11;
	s19 =	sadd.s32 s10, s6;
	[sflag:s13] =	ssyncset.done @!p1 $0x0  }
0x101: {  	s17 =	simm.s32 @!p1 $0x7;
	s20 =	sadd.s32 $0x200, s19;
	[sflag:s13] =	ssyncadd.s32 @!p1 $0xFFFFCE00  }
0x102: {  	s19 =	sadd.s32 $0x300, s19;
	s29 =	simm.s32 @!p1 $0x8;
	_ =	swait.ge @!p1 [sflag:s17], $0x100  }
0x103: {  	s13 =	sand.u32 $0xFFC00, s20;
	s20 =	sadd.s32 $0x200, s10;
	[sflag:s17] =	ssyncset.done @!p1 $0x0  }
0x104: {  	s13 =	sadd.s32 s4, s13;
	[sflag:s17] =	ssyncadd.s32 @!p1 $0xFFFFFF00;
	s17 =	sand.u32 $0x300, s20  }
0x105: {  	s19 =	sand.u32 $0xFFC00, s19;
	_ =	swait.ge @!p1 [sflag:s29], $0x100;
	s13 =	sor.u32 s17, s13  }
0x106: {  	s19 =	sadd.s32 s4, s19;
	[sflag:s29] =	ssyncset.done @!p1 $0x0;
	s13 =	sshrl.u32 s13, $0x3  }
0x107: {  	s17 =	sor.u32 s21, s19;
	[sflag:s29] =	ssyncadd.s32 @!p1 $0xFFFFFF00;
	s21 =	sadd.s32 s7, s13  }
0x108: {  	[tilespmem:s24], [sflag:$0x7] =	stream.linear.gather [hbm4b:s21+s3], $0x100, $0x38;
	[tilespmem:$0x1F200] =	vst v63  }
0x109: {  	s13 =	sadd.s32 s8, s13  }
0x10a: {  	[tilespmem:s25], [sflag:$0x8] =	stream.linear.gather [hbm4b:s13+s3], $0x100, $0x38;
	[tilespmem:$0x1F200] =	vst v63  }
0x10b: {  	s29 =	simm.s32 $0x15100  }
0x10c: {  	[tilespmem:s26], [sflag:$0x3] =	stream.indirect.gather [hbm4b:s5+s15], $0x80, s29, s15, $0xb8;
	[tilespmem:$0x1F200] =	vst v63  }
0x10d: {  	_ =	swait.ge [sflag:s28], $0x3200  }
0x10e: {  	[sflag:s28] =	ssyncset.done $0x0  }
0x10f: {  	s21 =	simm.s32 $0x15380;
	[sflag:s28] =	ssyncadd.s32 $0xFFFFCE00  }
0x110: {  	[spmem:s1] =	stream.indirect.scatter.add.f32 [tilespmem:s18], [sflag:$0x5], $0x80, s21, s15, $0xb8;
	[tilespmem:$0x1F200] =	vst v63  }
0x111: {  	_ =	swait.ge [sflag:s22], $0x3200  }
0x112: {  	[sflag:s22] =	ssyncset.done $0x0  }
0x113: {  	s19 =	rddreg [dreg:$0x3];
	[sflag:s22] =	ssyncadd.s32 $0xFFFFCE00  }
0x114: {  	[tilespmem:s16], [sflag:$0x1] =	stream.indirect.gather [hbm4b:s5+s15], $0x80, s19, s15, $0xb8;
	[tilespmem:$0x1F200] =	vst v63  }
0x115: {  	_ =	swait.ge [sflag:s30], $0x3200  }
0x116: {  	[sflag:s30] =	ssyncset.done $0x0  }
0x117: {  	s21 =	simm.s32 $0x15400;
	[sflag:s30] =	ssyncadd.s32 $0xFFFFCE00  }
0x118: {  	[spmem:s1] =	stream.indirect.scatter.add.f32 [tilespmem:s26], [sflag:$0x6], $0x80, s21, s15, $0xb8;
	[tilespmem:$0x1F200] =	vst v63  }
0x119: {  	_ =	swait.ge [sflag:s31], $0x3200  }
0x11a: {  	[sflag:s31] =	ssyncset.done $0x0  }
0x11b: {  	[sflag:s31] =	ssyncadd.s32 $0xFFFFCE00  }
0x11c: {  	_ =	swait.ge [sflag:s0], $0x100  }
0x11d: {  	[sflag:s0] =	ssyncset.done $0x0  }
0x11e: {  	[sflag:s0] =	ssyncadd.s32 $0xFFFFFF00  }
0x11f: {  	_ =	swait.ge [sflag:s2], $0x100  }
0x120: {  	s17 =	sshrl.u32 s17, $0x3;
	[sflag:s2] =	ssyncset.done $0x0  }
0x121: {  	s19 =	sadd.s32 s7, s17;
	[sflag:s2] =	ssyncadd.s32 $0xFFFFFF00  }
0x122: {  	[tilespmem:s12], [sflag:$0x7] =	stream.linear.gather [hbm4b:s19+s3], $0x100, $0x38;
	[tilespmem:$0x1F200] =	vst v63  }
0x123: {  	s21 =	sadd.s32 s8, s17  }
0x124: {  	[tilespmem:s14], [sflag:$0x8] =	stream.linear.gather [hbm4b:s21+s3], $0x100, $0x38;
	[tilespmem:$0x1F200] =	vst v63  }
0x125: {  	_ = 	snop  }
0x126: {  	[tilespmem:s18], [sflag:$0x2] =	stream.indirect.gather [hbm4b:s5+s15], $0x80, s24, s15, $0xb8;
	[tilespmem:$0x1F200] =	vst v63  }
0x127: {  	_ =	swait.ge [sflag:s23], $0x3200  }
0x128: {  	[sflag:s23] =	ssyncset.done $0x0  }
0x129: {  	s17 =	rddreg [dreg:$0x4];
	[sflag:s23] =	ssyncadd.s32 $0xFFFFCE00  }
0x12a: {  	[spmem:s1] =	stream.indirect.scatter.add.f32 [tilespmem:s16], [sflag:$0x4], $0x80, s17, s15, $0xb8;
	[tilespmem:$0x1F200] =	vst v63  }
0x12b: {  	_ =	swait.ge [sflag:s9], $0x3200  }
0x12c: {  	[sflag:s9] =	ssyncset.done $0x0  }
0x12d: {  	s19 =	rddreg [dreg:$0x5];
	[sflag:s9] =	ssyncadd.s32 $0xFFFFCE00  }
0x12e: {  	[tilespmem:s26], [sflag:$0x3] =	stream.indirect.gather [hbm4b:s5+s15], $0x80, s19, s15, $0xb8;
	[tilespmem:$0x1F200] =	vst v63  }
0x12f: {  	_ =	swait.ge [sflag:s28], $0x3200  }
0x130: {  	[sflag:s28] =	ssyncset.done $0x0  }
0x131: {  	[sflag:s28] =	ssyncadd.s32 $0xFFFFCE00  }
0x132: {  	[spmem:s1] =	stream.indirect.scatter.add.f32 [tilespmem:s18], [sflag:$0x5], $0x80, s25, s15, $0xb8;
	[tilespmem:$0x1F200] =	vst v63  }
0x133: {  	_ =	swait.ge [sflag:s22], $0x3200  }
0x134: {  	p1 =	seq.s32 s10, $0x6000;
	[sflag:s22] =	ssyncset.done $0x0  }
0x135: {  	s13 =	sadd.s32 @!p1 s10, s6;
	[sflag:s22] =	ssyncadd.s32 $0xFFFFCE00  }
0x136: {  	s13 =	sadd.s32 @!p1 $0x400, s13;
	_ =	swait.ge [sflag:s0], $0x100  }
0x137: {  	s13 =	sand.u32 @!p1 $0xFFC00, s13;
	[sflag:s0] =	ssyncset.done $0x0  }
0x138: {  	s10 =	sand.u32 @!p1 $0x300, s10;
	s13 =	sadd.s32 @!p1 s4, s13;
	[sflag:s0] =	ssyncadd.s32 $0xFFFFFF00  }
0x139: {  	s10 =	sor.u32 @!p1 s10, s13;
	_ =	swait.ge [sflag:s2], $0x100  }
0x13a: {  	s13 =	simm.s32 @!p1 $0x15100;
	s10 =	sshrl.u32 @!p1 s10, $0x3;
	[sflag:s2] =	ssyncset.done $0x0  }
0x13b: {  	s17 =	simm.s32 @!p1 $0x0;
	s19 =	sadd.s32 @!p1 s7, s10;
	[sflag:s2] =	ssyncadd.s32 $0xFFFFFF00  }
0x13c: {  	[tilespmem:s13], [sflag:$0x7] =	stream.linear.gather @!p1 [hbm4b:s19+s17], $0x100, $0x38;
	[tilespmem:$0x1F200] =	vst v63  }
0x13d: {  	s10 =	sadd.s32 @!p1 s8, s10;
	s13 =	simm.s32 @!p1 $0x15400  }
0x13e: {  	[tilespmem:s13], [sflag:$0x8] =	stream.linear.gather @!p1 [hbm4b:s10+s17], $0x100, $0x38;
	[tilespmem:$0x1F200] =	vst v63  }
0x13f: {  	_ = 	snop  }
0x140: {  	[tilespmem:s16], [sflag:$0x1] =	stream.indirect.gather [hbm4b:s5+s15], $0x80, s12, s15, $0xb8;
	[tilespmem:$0x1F200] =	vst v63  }
0x141: {  	p0 =	sne.s32 s11, $0x6300;
	_ =	swait.ge [sflag:s30], $0x3200  }
.Ltmp1:
0x142: {  	[sflag:s30] =	ssyncset.done $0x0;
	(pc) =	sbr.rel @p0 .LBB2_4-.Ltmp1, $4  }
0x143: {  	s21 =	rddreg [dreg:$0x6];
	[sflag:s30] =	ssyncadd.s32 $0xFFFFCE00  }
0x144: {  	[spmem:s1] =	stream.indirect.scatter.add.f32 [tilespmem:s26], [sflag:$0x6], $0x80, s21, s15, $0xb8;
	[tilespmem:$0x1F200] =	vst v63  }
0x145: {  	_ =	swait.ge [sflag:s31], $0x3200  }
0x146: {  	s20 =	simm.s32 $0x15080;
	[sflag:s31] =	ssyncset.done $0x0  }
0x147: {  	[sflag:s31] =	ssyncadd.s32 $0xFFFFCE00  }
0x148: {  	[tilespmem:s18], [sflag:$0x2] =	stream.indirect.gather [hbm4b:s5+s15], $0x80, s20, s15, $0xb8;
	[tilespmem:$0x1F200] =	vst v63  }
0x149: {  	_ =	swait.ge [sflag:s23], $0x3200  }
0x14a: {  	[sflag:s23] =	ssyncset.done $0x0  }
0x14b: {  	[sflag:s23] =	ssyncadd.s32 $0xFFFFCE00  }
0x14c: {  	[spmem:s1] =	stream.indirect.scatter.add.f32 [tilespmem:s16], [sflag:$0x4], $0x80, s14, s15, $0xb8;
	[tilespmem:$0x1F200] =	vst v63  }
0x14d: {  	_ =	swait.ge [sflag:s9], $0x3200  }
0x14e: {  	[sflag:s9] =	ssyncset.done $0x0  }
0x14f: {  	[sflag:s9] =	ssyncadd.s32 $0xFFFFCE00  }
0x150: {  	_ =	swait.ge [sflag:s28], $0x3200  }
0x151: {  	[sflag:s28] =	ssyncset.done $0x0  }
0x152: {  	s10 =	simm.s32 $0x15380;
	[sflag:s28] =	ssyncadd.s32 $0xFFFFCE00  }
0x153: {  	[spmem:s1] =	stream.indirect.scatter.add.f32 [tilespmem:s18], [sflag:$0x5], $0x80, s10, s15, $0xb8;
	[tilespmem:$0x1F200] =	vst v63  }
0x154: {  	_ =	swait.ge [sflag:s22], $0x3200  }
0x155: {  	[sflag:s22] =	ssyncset.done $0x0  }
0x156: {  	[sflag:s22] =	ssyncadd.s32 $0xFFFFCE00  }
0x157: {  	_ =	swait.ge [sflag:s31], $0x3200  }
0x158: {  	[sflag:s31] =	ssyncset.done $0x0  }
0x159: {  	[sflag:s31] =	ssyncadd.s32 $0xFFFFCE00  }
0x15a: {  	s11 =	stileid.u32;
	[bflag:$0x0] =	sbarrier.arrive $0xFFFF  }
0x15b: {  	s19 =	simm.s32 $0x9;
	s10 =	sshll.u32 s11, $0x6;
	s17 =	rddreg [dreg:$0x9]  }
0x15c: {  	s10 =	sor.u32 $0x1C09, s10;
	s13 =	rddreg [dreg:$0x16];
	s11 =	sshrl.u32 s17, $0x3  }
0x15d: {  	[hbm:s13], [sflag:s10] =	dma.local [spmem:s11], $0x2800  }
0x15e: {  	_ =	swait.ge [sflag:s19], $0x2800  }
0x15f: {  	s13 =	sld [smem:$0x7FC];
	_ =	sdelay $0x2  }
0x160: {  	s21 =	rddreg [dreg:$0x17];
	s11 =	sadd.s32 $0x1, s13  }
0x161: {  	p0 =	sne.s32 s11, s21  }
.Ltmp2:
0x162: {  	_ = 	snop;
	(pc) =	sbr.rel @p0 .LBB2_1-.Ltmp2, $3  }
0x163: {  	_ =	sdelay $0x1  }
0x164: {  	[sflag:s19] =	ssyncset.done $0x0  }
0x165: {  	[sflag:s19] =	ssyncadd.s32 $0xFFFFD800  }
0x166: {  	_ =	sfence.sel $0x180000  }
0x167: {  	[bflag:$0x0] =	sbarrier.arrive $0xFFFF  }
0x168: {  	_ =	strace $0x9000004A  }
0x169: {  	s0 =	stileid.u32;
	[bflag:$0x2] =	sbarrier.arrive $0xFFFF  }
0x16a: {  	p0 =	sne.s32 s0, $0x0;
	s0 =	rddreg [dreg:$0x2]  }
0x16b: {  	s0 =	sadd.s32 @!p0 $0x100000, s0  }
0x16c: {  	[sflag:s0] =	ssyncadd.tile.s32 @!p0 $0x1;
	_ =	shalt  }
.Lfunc_end2:
_tile_overlayer_lowered:
.L_overlay_start_2:
0x16d: {  	(tag) =	ssettag $0x2  }
0x16e: {  	s0 =	rddreg [dreg:$0x0];
	s2 =	stileid.u32  }
0x16f: {  	s1 =	rddreg [dreg:$0x1];
	p0 =	sne.s32 s2, $0x0  }
0x170: {  	s3 =	rddreg [dreg:$0x2];
	[bflag:$0x3] =	sbarrier.arrive $0xFFFF;
	s2 =	simm.s32 @!p0 $0x1C09  }
0x171: {  	[timem:s3], [sflag:s2] =	dma.local @!p0 [hbm:s0], s1  }
0x172: {  	s0 =	simm.s32 @!p0 $0x9  }
0x173: {  	_ =	swait.ge @!p0 [sflag:s0], s1  }
0x174: {  	s1 =	ssub.s32 @!p0 $0x0, s1;
	[sflag:s0] =	ssyncset.done @!p0 $0x0  }
0x175: {  	[sflag:s0] =	ssyncadd.s32 @!p0 s1  }
0x176: {  	[bflag:$0x3] =	sbarrier.arrive $0xFFFF  }
0x177: {  	_ =	shalt  }

</sc_bundles>
